<compile_context>
chip_gen: v7x
topology: tpu7x:2x2x1
jax: 0.10.2.dev20260603
libtpu: 0.0.44.dev20260713+nightly
codegen_flags: <defaults>
</compile_context>

<pallas_src>
import dataclasses
import functools

import jax
import jax.numpy as jnp
from jax import lax
from jax.experimental import pallas as pl
from jax.experimental.pallas import tpu as pltpu
from jax.experimental.pallas import tpu_sc as plsc

MAX_NODES = 28
EPS = 1e-5
G = 512
N_NODES = 4096
E_EDGES = 32768
D_FEAT = 256
A_ROW = 1024
A_WORDS = G * A_ROW
X_ROWS = G * MAX_NODES
N_PAD_ROWS = 256

NC, NS = 2, 16
NW = NC * NS
X_CHUNK = 112
XR_SC0 = 448
XR_SC1 = 448
E_PER_TILE = E_EDGES // NS


def _densify_body(x_hbm, ei_hbm, batch_hbm, a_hbm, xs_hbm,
                  batch_v, counts_v, starts_v, rows2, xidx2,
                  src_v, dst_v, eidx2d, ones_v, zbuf, a_sh,
                  gsem, osem, esem):
    cid = lax.axis_index("c")
    sid = lax.axis_index("s")
    wid = cid * NS + sid

    bcopy = pltpu.async_copy(batch_hbm, batch_v, esem)

    @pl.when(cid == 0)
    def _init_bufs():
        @pl.loop(0, 8192 // 16)
        def _zero_zbuf(j):
            zbuf[pl.ds(j * 16, 16)] = jnp.zeros((16,), jnp.float32)

        @pl.loop(0, 128 // 16)
        def _init_ones(j):
            ones_v[pl.ds(j * 16, 16)] = jnp.ones((16,), jnp.float32)

    @pl.loop(0, G // 16)
    def _zero_counts(j):
        counts_v[pl.ds(j * 16, 16)] = jnp.zeros((16,), jnp.int32)

    bcopy.wait()

    ones16 = jnp.ones((16,), jnp.int32)

    @pl.loop(0, N_NODES // 16)
    def _hist(j):
        b = batch_v[pl.ds(j * 16, 16)]
        plsc.addupdate_scatter(counts_v, [b], ones16)

    def _scan_body(j, carry):
        c = counts_v[pl.ds(j * 16, 16)]
        incl = plsc.cumsum(c)
        starts_v[pl.ds(j * 16, 16)] = incl - c + carry
        return carry + jnp.sum(c)

    lax.fori_loop(0, G // 16, _scan_body, jnp.int32(0))

    @pl.when(cid == 0)
    def _zero_spmem():
        zh = [pltpu.async_copy(
                  zbuf, a_sh.at[pl.ds(sid * 32768 + q * 8192, 8192)], esem)
              for q in range(4)]
        for h in zh:
            h.wait()

    plsc.subcore_barrier()

    @pl.when(cid == 0)
    def _edges():
        h1 = pltpu.async_copy(
            ei_hbm.at[0, pl.ds(sid * E_PER_TILE, E_PER_TILE)], src_v, esem)
        h2 = pltpu.async_copy(
            ei_hbm.at[1, pl.ds(sid * E_PER_TILE, E_PER_TILE)], dst_v, esem)
        h1.wait()
        h2.wait()

        hs = []
        for r in range(16):
            @pl.loop(0, 8)
            def _chunk(cc, r=r):
                j = r * 8 + cc
                s = src_v[pl.ds(j * 16, 16)]
                d = dst_v[pl.ds(j * 16, 16)]
                g = plsc.load_gather(batch_v, [s])
                st = plsc.load_gather(starts_v, [g])
                ls = s - st
                ld = d - st
                valid = (ls < MAX_NODES) & (ld >= 0) & (ld < MAX_NODES)
                flat = g * A_ROW + ls * MAX_NODES + ld
                dump = (s & 511) * A_ROW + 784 + (d & 127)
                eidx2d[r, pl.ds(cc * 16, 16)] = jnp.where(valid, flat, dump)

            hs.append(pltpu.async_copy(
                ones_v, a_sh.at[eidx2d.at[r]], esem, add=True))
        for h in hs:
            h.wait()

    plsc.subcore_barrier()

    @pl.when(cid == 0)
    def _copy_a():
        pltpu.async_copy(a_sh.at[pl.ds(sid * 32768, 32768)],
                         a_hbm.at[pl.ds(sid * 32768, 32768)], esem)

    def _x_phase(base, nch):
        def _mk_idx(c):
            cbase = base + c * X_CHUNK
            slot = c % 2

            @pl.loop(0, X_CHUNK // 16)
            def _mkidx(i):
                r = cbase + i * 16 + lax.iota(jnp.int32, 16)
                gg = r // MAX_NODES
                ll = r - gg * MAX_NODES
                st = plsc.load_gather(starts_v, [gg])
                cnt = plsc.load_gather(counts_v, [gg])
                srcp = st + ll
                sentinel = N_NODES + (r & (N_PAD_ROWS - 1))
                xidx2[slot, pl.ds(i * 16, 16)] = jnp.where(ll < cnt, srcp,
                                                           sentinel)

        def _start_gather(c):
            slot = c % 2
            return pltpu.async_copy(x_hbm.at[xidx2.at[slot]], rows2.at[slot],
                                    gsem.at[slot])

        def _start_out(c):
            slot = c % 2
            return pltpu.async_copy(
                rows2.at[slot], xs_hbm.at[pl.ds(base + c * X_CHUNK, X_CHUNK)],
                osem.at[slot])

        _mk_idx(0)
        gh = {0: _start_gather(0)}
        oh = {}
        for c in range(nch):
            if c + 1 < nch:
                _mk_idx(c + 1)
                if c - 1 >= 0:
                    oh[c - 1].wait()
                gh[c + 1] = _start_gather(c + 1)
            gh[c].wait()
            oh[c] = _start_out(c)
        oh[nch - 2].wait()
        oh[nch - 1].wait()

    @pl.when(cid == 0)
    def _x_sc0():
        _x_phase(sid * XR_SC0, XR_SC0 // X_CHUNK)

    @pl.when(cid == 1)
    def _x_sc1():
        _x_phase(NS * XR_SC0 + sid * XR_SC1, XR_SC1 // X_CHUNK)

    @pl.when(cid == 0)
    def _drain_a():
        pltpu.make_async_copy(a_sh.at[pl.ds(sid * 32768, 32768)],
                              a_hbm.at[pl.ds(sid * 32768, 32768)],
                              esem).wait()


def _sc_compiler_params():
    cp = pltpu.CompilerParams()
    if "needs_layout_passes" in pltpu.CompilerParams.__dataclass_fields__:
        cp = dataclasses.replace(cp, needs_layout_passes=False)
    return cp


def _densify(x_aug, edge_index, batch):
    mesh = plsc.VectorSubcoreMesh(core_axis_name="c", subcore_axis_name="s")
    kern = pl.kernel(
        _densify_body,
        out_type=(
            jax.ShapeDtypeStruct((A_WORDS,), jnp.float32),
            jax.ShapeDtypeStruct((X_ROWS, D_FEAT), jnp.float32),
        ),
        mesh=mesh,
        scratch_types=[
            pltpu.VMEM((N_NODES,), jnp.int32),
            pltpu.VMEM((G,), jnp.int32),
            pltpu.VMEM((G,), jnp.int32),
            pltpu.VMEM((2, X_CHUNK, D_FEAT), jnp.float32),
            pltpu.VMEM((2, X_CHUNK), jnp.int32),
            pltpu.VMEM((E_PER_TILE,), jnp.int32),
            pltpu.VMEM((E_PER_TILE,), jnp.int32),
            pltpu.VMEM((16, 128), jnp.int32),
            pltpu.VMEM((128,), jnp.float32),
            pltpu.VMEM((8192,), jnp.float32),
            pltpu.VMEM_SHARED((A_WORDS,), jnp.float32),
            pltpu.SemaphoreType.DMA((2,)),
            pltpu.SemaphoreType.DMA((2,)),
            pltpu.SemaphoreType.DMA,
        ],
        compiler_params=_sc_compiler_params(),
    )
    return kern(x_aug, edge_index, batch)


def _bn_relu_epilogue(acc, b_ref, g_ref, be_ref):
    h = acc + b_ref[...]
    mu = jnp.mean(h, axis=0, keepdims=True)
    hc = h - mu
    var = jnp.mean(hc * hc, axis=0, keepdims=True)
    return jnp.maximum(hc * lax.rsqrt(var + EPS) * g_ref[...] + be_ref[...],
                       0.0)


def _l1_body(a_ref, x_ref, w_ref, b_ref, g_ref, be_ref, o_ref):
    acc = jnp.dot(a_ref[...], w_ref[:784, :],
                  preferred_element_type=jnp.float32)
    acc += jnp.dot(x_ref[...], w_ref[784:, :],
                   preferred_element_type=jnp.float32)
    o_ref[...] = _bn_relu_epilogue(acc, b_ref, g_ref, be_ref
                                   ).astype(o_ref.dtype)


def _layer1(a, xs, w1, b1, g1, be1):
    M, NB = 512, 256
    nn = 4096 // NB
    return pl.pallas_call(
        _l1_body,
        grid=(nn,),
        in_specs=[
            pl.BlockSpec((M, 784), lambda n: (0, 0)),
            pl.BlockSpec((M, 7168), lambda n: (0, 0)),
            pl.BlockSpec((7952, NB), lambda n: (0, n)),
            pl.BlockSpec((1, NB), lambda n: (0, n)),
            pl.BlockSpec((1, NB), lambda n: (0, n)),
            pl.BlockSpec((1, NB), lambda n: (0, n)),
        ],
        out_specs=pl.BlockSpec((M, NB), lambda n: (0, n)),
        out_shape=jax.ShapeDtypeStruct((M, 4096), jnp.bfloat16),
        compiler_params=pltpu.CompilerParams(
            dimension_semantics=("arbitrary",)),
    )(a, xs, w1, b1, g1, be1)


def _l23_body(x_ref, w_ref, b_ref, g_ref, be_ref, o_ref, *, bn):
    acc = jnp.dot(x_ref[...], w_ref[...], preferred_element_type=jnp.float32)
    if bn:
        o_ref[...] = _bn_relu_epilogue(acc, b_ref, g_ref, be_ref
                                       ).astype(o_ref.dtype)
    else:
        o_ref[...] = acc + b_ref[...]


def _layer23(h, w, b, g, be, bn, out_dtype=jnp.float32):
    M, NB = 512, 256
    K, NO = w.shape
    nn = NO // NB
    specs = [
        pl.BlockSpec((M, K), lambda n: (0, 0)),
        pl.BlockSpec((K, NB), lambda n: (0, n)),
        pl.BlockSpec((1, NB), lambda n: (0, n)),
        pl.BlockSpec((1, NB), lambda n: (0, n)),
        pl.BlockSpec((1, NB), lambda n: (0, n)),
    ]
    return pl.pallas_call(
        functools.partial(_l23_body, bn=bn),
        grid=(nn,),
        in_specs=specs,
        out_specs=pl.BlockSpec((M, NB), lambda n: (0, n)),
        out_shape=jax.ShapeDtypeStruct((M, NO), out_dtype),
        compiler_params=pltpu.CompilerParams(
            dimension_semantics=("arbitrary",)),
    )(h, w, b, g, be)


def kernel(x, edge_index, batch, W1, b1, g1, be1, W2, b2, g2, be2, W3, b3):
    x_aug = jnp.concatenate(
        [x, jnp.zeros((N_PAD_ROWS, D_FEAT), x.dtype)], axis=0)
    a_flat, xs = _densify(x_aug, edge_index, batch)
    a = a_flat.reshape(G, A_ROW)[:, :784]
    xrows = xs.reshape(G, MAX_NODES * D_FEAT)

    h1 = _layer1(a, xrows, W1,
                 b1.reshape(1, -1), g1.reshape(1, -1), be1.reshape(1, -1))
    h2 = _layer23(h1, W2, b2.reshape(1, -1), g2.reshape(1, -1),
                  be2.reshape(1, -1), bn=True, out_dtype=jnp.bfloat16)
    return _layer23(h2, W3, b3.reshape(1, -1), b3.reshape(1, -1),
                    b3.reshape(1, -1), bn=False)

# --- scband reference (transcript-rebuilt; emitter-appended) ---
"""Pipeline reference for scband-graph-mlp-85031762526248 (READ-ONLY COPY).

The authoritative reference and input builder live on the scoring server;
editing this copy changes nothing except your own understanding.
"""

import jax, jax.numpy as jnp
import numpy as np

MAX_NODES = 28
EPS = 1e-5

def batch_to_fixed_vectors(x, edge_index, batch):
    d = x.shape[1]
    num_graphs = 512
    counts = jnp.bincount(batch, length=num_graphs)
    bounds = jnp.concatenate([jnp.zeros((1,), counts.dtype), jnp.cumsum(counts)])
    src = edge_index[0]
    dst = edge_index[1]
    g_e = batch[src]
    start_e = bounds[g_e]
    ls = src - start_e
    ld = dst - start_e
    valid = (ls >= 0) & (ls < MAX_NODES) & (ld >= 0) & (ld < MAX_NODES)
    ls = jnp.where(valid, ls, MAX_NODES)
    ld = jnp.where(valid, ld, MAX_NODES)
    A = jnp.zeros((num_graphs, MAX_NODES, MAX_NODES), x.dtype).at[g_e, ls, ld].add(1.0)
    k = jnp.arange(MAX_NODES)
    idx = bounds[:-1, None] + k[None, :]
    node_valid = k[None, :] < counts[:, None]
    rows = x[jnp.clip(idx, 0, x.shape[0] - 1)]
    x_pad = jnp.where(node_valid[:, :, None], rows, jnp.zeros((), x.dtype))
    return jnp.concatenate([A.reshape(num_graphs, -1), x_pad.reshape(num_graphs, -1)], axis=1)

def _bn(h, gamma, beta):
    # BatchNorm1d in training mode: biased batch statistics
    mu = h.mean(axis=0)
    var = ((h - mu) ** 2).mean(axis=0)
    return (h - mu) / jnp.sqrt(var + EPS) * gamma + beta

def mlp(v, W1, b1, g1, be1, W2, b2, g2, be2, W3, b3):
    h = jnp.maximum(_bn(v @ W1 + b1, g1, be1), 0.0)
    h = jnp.maximum(_bn(h @ W2 + b2, g2, be2), 0.0)
    return h @ W3 + b3

def setup_inputs(seed: int = 0):
    key = jax.random.key(seed)
    ks = jax.random.split(key, 12)
    N, d, G, E = 4096, 256, 512, 32768
    D0 = MAX_NODES * MAX_NODES + MAX_NODES * d  # 784 + 7168 = 7952
    H1, H2, DO = 4096, 4096, 2048
    x = jax.random.normal(ks[0], (N, d), jnp.float32)
    edge_index = jax.random.randint(ks[1], (2, E), 0, N, dtype=jnp.int32)
    batch = jnp.sort(jax.random.randint(ks[2], (N,), 0, G, dtype=jnp.int32))
    batch = batch.at[0].set(0).at[-1].set(G - 1)  # ensure num_graphs == G
    def lin(k, i, o):
        return jax.random.normal(k, (i, o), jnp.float32) * (1.0 / np.sqrt(i))
    W1 = lin(ks[3], D0, H1); b1 = jnp.zeros((H1,), jnp.float32)
    g1 = jnp.ones((H1,), jnp.float32); be1 = jnp.zeros((H1,), jnp.float32)
    W2 = lin(ks[4], H1, H2); b2 = jnp.zeros((H2,), jnp.float32)
    g2 = jnp.ones((H2,), jnp.float32); be2 = jnp.zeros((H2,), jnp.float32)
    W3 = lin(ks[5], H2, DO); b3 = jnp.zeros((DO,), jnp.float32)
    return {"x": x, "edge_index": edge_index, "batch": batch,
            "W1": W1, "b1": b1, "g1": g1, "be1": be1,
            "W2": W2, "b2": b2, "g2": g2, "be2": be2,
            "W3": W3, "b3": b3}

def reference(x, edge_index, batch, W1, b1, g1, be1, W2, b2, g2, be2, W3, b3):
    v = batch_to_fixed_vectors(x, edge_index, batch)
    return mlp(v, W1, b1, g1, be1, W2, b2, g2, be2, W3, b3)

if __name__ == "__main__":
    import jax
    _d = setup_inputs()
    print(jax.jit(kernel)(*tuple(_d.values())))

</pallas_src>

<mosaic_0001>
#map = affine_map<(d0, d1) -> (0, 0)>
#map1 = affine_map<(d0, d1) -> (0)>
module attributes {stable_mosaic.version = 14 : i64} {
  func.func @_densify_body(%arg0: i32, %arg1: i32, %arg2: memref<4352x256xf32, #tpu.memory_space<hbm>>, %arg3: memref<2x32768xi32, #tpu.memory_space<hbm>>, %arg4: memref<4096xi32, #tpu.memory_space<hbm>>, %arg5: memref<524288xf32, #tpu.memory_space<hbm>>, %arg6: memref<14336x256xf32, #tpu.memory_space<hbm>>, %arg7: memref<4096xi32, #tpu.memory_space<vmem>>, %arg8: memref<512xi32, #tpu.memory_space<vmem>>, %arg9: memref<512xi32, #tpu.memory_space<vmem>>, %arg10: memref<2x112x256xf32, #tpu.memory_space<vmem>>, %arg11: memref<2x112xi32, #tpu.memory_space<vmem>>, %arg12: memref<2048xi32, #tpu.memory_space<vmem>>, %arg13: memref<2048xi32, #tpu.memory_space<vmem>>, %arg14: memref<16x128xi32, #tpu.memory_space<vmem>>, %arg15: memref<128xf32, #tpu.memory_space<vmem>>, %arg16: memref<8192xf32, #tpu.memory_space<vmem>>, %arg17: memref<524288xf32, #tpu.memory_space<vmem_shared>>, %arg18: memref<2x!tpu.dma_semaphore, #tpu.memory_space<semaphore_mem>>, %arg19: memref<2x!tpu.dma_semaphore, #tpu.memory_space<semaphore_mem>>, %arg20: memref<!tpu.dma_semaphore, #tpu.memory_space<semaphore_mem>>) attributes {dimension_semantics = [#tpu.dimension_semantics<core_parallel>, #tpu.dimension_semantics<subcore_parallel>], iteration_bounds = array<i64: 2, 16>, scalar_prefetch = 0 : i64, scratch_operands = 14 : i64, tpu.core_type = #tpu.core_type<sc_vector_subcore>, window_params = [{transform_indices = #map}, {transform_indices = #map}, {transform_indices = #map1}, {transform_indices = #map1}, {transform_indices = #map}]} {
    %mul3A = arith.constant 16 : i32
    %mul3A_0 = arith.muli %arg0, %mul3A : i32
    %add3A = arith.addi %mul3A_0, %arg1 : i32
    tpu.enqueue_dma source(%arg4 : memref<4096xi32, #tpu.memory_space<hbm>>) target(%arg7 : memref<4096xi32, #tpu.memory_space<vmem>>) target_semaphore(%arg20 : memref<!tpu.dma_semaphore, #tpu.memory_space<semaphore_mem>>)
    %eq3A = arith.constant 0 : i32
    %eq3A_1 = arith.cmpi eq, %arg0, %eq3A : i32
    %convert_element_type3A = arith.extui %eq3A_1 : i1 to i32
    %cond3A = arith.constant 0 : i32
    %cond3A_2 = arith.cmpi ne, %convert_element_type3A, %cond3A : i32
    scf.if %cond3A_2 {
      %scan3A_51 = arith.constant 0 : i32
      %scan3A_52 = arith.constant 512 : i32
      %scan3A_53 = arith.addi %scan3A_51, %scan3A_52 : i32
      %scan3A_54 = arith.constant 1 : i32
      scf.for %scan3A_61 = %scan3A_51 to %scan3A_53 step %scan3A_54  : i32 {
        %mul3A_62 = arith.constant 1 : i32
        %mul3A_63 = arith.muli %scan3A_61, %mul3A_62 : i32
        %add3A_64 = arith.constant 0 : i32
        %add3A_65 = arith.addi %add3A_64, %mul3A_63 : i32
        %broadcast_in_dim3A_66 = arith.constant 0.000000e+00 : f32
        %broadcast_in_dim3A_67 = vector.broadcast %broadcast_in_dim3A_66 : f32 to vector<16xf32>
        %mul3A_68 = arith.constant 16 : i32
        %mul3A_69 = arith.muli %add3A_65, %mul3A_68 : i32
        %swap3A = arith.index_cast %mul3A_69 : i32 to index
        %swap3A_70 = tpu.vector_load %arg16[%swap3A] {strides = array<i32>} : memref<8192xf32, #tpu.memory_space<vmem>>, vector<16xf32>,
        tpu.vector_store %arg16[%swap3A], %broadcast_in_dim3A_67 {strides = array<i32>} : memref<8192xf32, #tpu.memory_space<vmem>>, vector<16xf32>,
      }
      %scan3A_55 = arith.constant 512 : i32
      %scan3A_56 = arith.constant 0 : i32
      %scan3A_57 = arith.constant 8 : i32
      %scan3A_58 = arith.addi %scan3A_56, %scan3A_57 : i32
      %scan3A_59 = arith.constant 1 : i32
      scf.for %scan3A_61 = %scan3A_56 to %scan3A_58 step %scan3A_59  : i32 {
        %mul3A_62 = arith.constant 1 : i32
        %mul3A_63 = arith.muli %scan3A_61, %mul3A_62 : i32
        %add3A_64 = arith.constant 0 : i32
        %add3A_65 = arith.addi %add3A_64, %mul3A_63 : i32
        %broadcast_in_dim3A_66 = arith.constant 1.000000e+00 : f32
        %broadcast_in_dim3A_67 = vector.broadcast %broadcast_in_dim3A_66 : f32 to vector<16xf32>
        %mul3A_68 = arith.constant 16 : i32
        %mul3A_69 = arith.muli %add3A_65, %mul3A_68 : i32
        %swap3A = arith.index_cast %mul3A_69 : i32 to index
        %swap3A_70 = tpu.vector_load %arg15[%swap3A] {strides = array<i32>} : memref<128xf32, #tpu.memory_space<vmem>>, vector<16xf32>,
        tpu.vector_store %arg15[%swap3A], %broadcast_in_dim3A_67 {strides = array<i32>} : memref<128xf32, #tpu.memory_space<vmem>>, vector<16xf32>,
      }
      %scan3A_60 = arith.constant 8 : i32
    } else {
    }
    %scan3A = arith.constant 0 : i32
    %scan3A_3 = arith.constant 32 : i32
    %scan3A_4 = arith.addi %scan3A, %scan3A_3 : i32
    %scan3A_5 = arith.constant 1 : i32
    scf.for %scan3A_51 = %scan3A to %scan3A_4 step %scan3A_5  : i32 {
      %mul3A_52 = arith.constant 1 : i32
      %mul3A_53 = arith.muli %scan3A_51, %mul3A_52 : i32
      %add3A_54 = arith.constant 0 : i32
      %add3A_55 = arith.addi %add3A_54, %mul3A_53 : i32
      %broadcast_in_dim3A_56 = arith.constant 0 : i32
      %broadcast_in_dim3A_57 = vector.broadcast %broadcast_in_dim3A_56 : i32 to vector<16xi32>
      %mul3A_58 = arith.constant 16 : i32
      %mul3A_59 = arith.muli %add3A_55, %mul3A_58 : i32
      %swap3A = arith.index_cast %mul3A_59 : i32 to index
      %swap3A_60 = tpu.vector_load %arg8[%swap3A] {strides = array<i32>} : memref<512xi32, #tpu.memory_space<vmem>>, vector<16xi32>,
      tpu.vector_store %arg8[%swap3A], %broadcast_in_dim3A_57 {strides = array<i32>} : memref<512xi32, #tpu.memory_space<vmem>>, vector<16xi32>,
    }
    %scan3A_6 = arith.constant 32 : i32
    tpu.wait_dma2 semaphore(%arg20 : memref<!tpu.dma_semaphore, #tpu.memory_space<semaphore_mem>>) src(%arg4 : memref<4096xi32, #tpu.memory_space<hbm>>) dst(%arg7 : memref<4096xi32, #tpu.memory_space<vmem>>)
    %broadcast_in_dim3A = arith.constant 1 : i32
    %broadcast_in_dim3A_7 = vector.broadcast %broadcast_in_dim3A : i32 to vector<16xi32>
    %scan3A_8 = arith.constant 0 : i32
    %scan3A_9 = arith.constant 256 : i32
    %scan3A_10 = arith.addi %scan3A_8, %scan3A_9 : i32
    %scan3A_11 = arith.constant 1 : i32
    scf.for %scan3A_51 = %scan3A_8 to %scan3A_10 step %scan3A_11  : i32 {
      %mul3A_52 = arith.constant 1 : i32
      %mul3A_53 = arith.muli %scan3A_51, %mul3A_52 : i32
      %add3A_54 = arith.constant 0 : i32
      %add3A_55 = arith.addi %add3A_54, %mul3A_53 : i32
      %mul3A_56 = arith.constant 16 : i32
      %mul3A_57 = arith.muli %add3A_55, %mul3A_56 : i32
      %get3A = arith.index_cast %mul3A_57 : i32 to index
      %get3A_58 = tpu.vector_load %arg7[%get3A] {strides = array<i32>} : memref<4096xi32, #tpu.memory_space<vmem>>, vector<16xi32>,
      tpu.vector_store_idx %arg8[%get3A_58], %broadcast_in_dim3A_7 {add = true} : memref<512xi32, #tpu.memory_space<vmem>>[vector<16xi32>], vector<16xi32>,
    }
    %scan3A_12 = arith.constant 256 : i32
    %scan3A_13 = arith.constant 0 : i32
    %scan3A_14 = arith.constant 0 : i32
    %scan3A_15 = arith.constant 32 : i32
    %scan3A_16 = arith.addi %scan3A_14, %scan3A_15 : i32
    %scan3A_17 = arith.constant 1 : i32
    %scan3A_18 = scf.for %scan3A_51 = %scan3A_14 to %scan3A_16 step %scan3A_17 iter_args(%scan3A_52 = %scan3A_13) -> (i32)  : i32 {
      %mul3A_53 = arith.constant 16 : i32
      %mul3A_54 = arith.muli %scan3A_51, %mul3A_53 : i32
      %get3A = arith.index_cast %mul3A_54 : i32 to index
      %get3A_55 = tpu.vector_load %arg8[%get3A] {strides = array<i32>} : memref<512xi32, #tpu.memory_space<vmem>>, vector<16xi32>,
      %broadcast_in_dim3A_56 = arith.constant true
      %broadcast_in_dim3A_57 = vector.broadcast %broadcast_in_dim3A_56 : i1 to vector<16xi1>
      %masked_cumsum3A = tpu.scan <sum>, %get3A_55 masked %broadcast_in_dim3A_57 : vector<16xi32>, vector<16xi1> -> vector<16xi32>
      %sub3A = arith.subi %masked_cumsum3A, %get3A_55 : vector<16xi32>
      %add3A_58 = vector.broadcast %scan3A_52 : i32 to vector<16xi32>
      %add3A_59 = arith.addi %sub3A, %add3A_58 : vector<16xi32>
      %mul3A_60 = arith.constant 16 : i32
      %mul3A_61 = arith.muli %scan3A_51, %mul3A_60 : i32
      %swap3A = arith.index_cast %mul3A_61 : i32 to index
      %swap3A_62 = tpu.vector_load %arg9[%swap3A] {strides = array<i32>} : memref<512xi32, #tpu.memory_space<vmem>>, vector<16xi32>,
      tpu.vector_store %arg9[%swap3A], %add3A_59 {strides = array<i32>} : memref<512xi32, #tpu.memory_space<vmem>>, vector<16xi32>,
      %reduce_sum3A = arith.constant true
      %reduce_sum3A_63 = vector.broadcast %reduce_sum3A : i1 to vector<16xi1>
      %reduce_sum3A_64 = tpu.scan <sum>, %get3A_55 masked %reduce_sum3A_63 : vector<16xi32>, vector<16xi1> -> vector<16xi32>
      %reduce_sum3A_65 = vector.extract %reduce_sum3A_64[15] : i32 from vector<16xi32>
      %add3A_66 = arith.addi %scan3A_52, %reduce_sum3A_65 : i32
      scf.yield %add3A_66 : i32
    }
    %scan3A_19 = arith.constant 32 : i32
    %eq3A_20 = arith.constant 0 : i32
    %eq3A_21 = arith.cmpi eq, %arg0, %eq3A_20 : i32
    %convert_element_type3A_22 = arith.extui %eq3A_21 : i1 to i32
    %cond3A_23 = arith.constant 0 : i32
    %cond3A_24 = arith.cmpi ne, %convert_element_type3A_22, %cond3A_23 : i32
    scf.if %cond3A_24 {
      %mul3A_51 = arith.constant 32768 : i32
      %mul3A_52 = arith.muli %arg1, %mul3A_51 : i32
      %add3A_53 = arith.constant 0 : i32
      %add3A_54 = arith.addi %mul3A_52, %add3A_53 : i32
      %dma_start3A = tpu.memref_slice %arg17[%add3A_54] : memref<524288xf32, #tpu.memory_space<vmem_shared>> -> memref<8192xf32, #tpu.memory_space<vmem_shared>>
      %dma_start3A_55 = tpu.memref_slice %arg17[%add3A_54] : memref<524288xf32, #tpu.memory_space<vmem_shared>> -> memref<8192xf32, #tpu.memory_space<vmem_shared>>
      tpu.enqueue_dma source(%arg16 : memref<8192xf32, #tpu.memory_space<vmem>>) target(%dma_start3A_55 : memref<8192xf32, #tpu.memory_space<vmem_shared>>) target_semaphore(%arg20 : memref<!tpu.dma_semaphore, #tpu.memory_space<semaphore_mem>>)
      %mul3A_56 = arith.constant 32768 : i32
      %mul3A_57 = arith.muli %arg1, %mul3A_56 : i32
      %add3A_58 = arith.constant 8192 : i32
      %add3A_59 = arith.addi %mul3A_57, %add3A_58 : i32
      %dma_start3A_60 = tpu.memref_slice %arg17[%add3A_59] : memref<524288xf32, #tpu.memory_space<vmem_shared>> -> memref<8192xf32, #tpu.memory_space<vmem_shared>>
      %dma_start3A_61 = tpu.memref_slice %arg17[%add3A_59] : memref<524288xf32, #tpu.memory_space<vmem_shared>> -> memref<8192xf32, #tpu.memory_space<vmem_shared>>
      tpu.enqueue_dma source(%arg16 : memref<8192xf32, #tpu.memory_space<vmem>>) target(%dma_start3A_61 : memref<8192xf32, #tpu.memory_space<vmem_shared>>) target_semaphore(%arg20 : memref<!tpu.dma_semaphore, #tpu.memory_space<semaphore_mem>>)
      %mul3A_62 = arith.constant 32768 : i32
      %mul3A_63 = arith.muli %arg1, %mul3A_62 : i32
      %add3A_64 = arith.constant 16384 : i32
      %add3A_65 = arith.addi %mul3A_63, %add3A_64 : i32
      %dma_start3A_66 = tpu.memref_slice %arg17[%add3A_65] : memref<524288xf32, #tpu.memory_space<vmem_shared>> -> memref<8192xf32, #tpu.memory_space<vmem_shared>>
      %dma_start3A_67 = tpu.memref_slice %arg17[%add3A_65] : memref<524288xf32, #tpu.memory_space<vmem_shared>> -> memref<8192xf32, #tpu.memory_space<vmem_shared>>
      tpu.enqueue_dma source(%arg16 : memref<8192xf32, #tpu.memory_space<vmem>>) target(%dma_start3A_67 : memref<8192xf32, #tpu.memory_space<vmem_shared>>) target_semaphore(%arg20 : memref<!tpu.dma_semaphore, #tpu.memory_space<semaphore_mem>>)
      %mul3A_68 = arith.constant 32768 : i32
      %mul3A_69 = arith.muli %arg1, %mul3A_68 : i32
      %add3A_70 = arith.constant 24576 : i32
      %add3A_71 = arith.addi %mul3A_69, %add3A_70 : i32
      %dma_start3A_72 = tpu.memref_slice %arg17[%add3A_71] : memref<524288xf32, #tpu.memory_space<vmem_shared>> -> memref<8192xf32, #tpu.memory_space<vmem_shared>>
      %dma_start3A_73 = tpu.memref_slice %arg17[%add3A_71] : memref<524288xf32, #tpu.memory_space<vmem_shared>> -> memref<8192xf32, #tpu.memory_space<vmem_shared>>
      tpu.enqueue_dma source(%arg16 : memref<8192xf32, #tpu.memory_space<vmem>>) target(%dma_start3A_73 : memref<8192xf32, #tpu.memory_space<vmem_shared>>) target_semaphore(%arg20 : memref<!tpu.dma_semaphore, #tpu.memory_space<semaphore_mem>>)
      %dma_wait3A = tpu.memref_slice %arg17[%add3A_54] : memref<524288xf32, #tpu.memory_space<vmem_shared>> -> memref<8192xf32, #tpu.memory_space<vmem_shared>>
      %dma_wait3A_74 = tpu.memref_slice %arg17[%add3A_54] : memref<524288xf32, #tpu.memory_space<vmem_shared>> -> memref<8192xf32, #tpu.memory_space<vmem_shared>>
      tpu.wait_dma2 semaphore(%arg20 : memref<!tpu.dma_semaphore, #tpu.memory_space<semaphore_mem>>) src(%arg16 : memref<8192xf32, #tpu.memory_space<vmem>>) dst(%dma_wait3A_74 : memref<8192xf32, #tpu.memory_space<vmem_shared>>)
      %dma_wait3A_75 = tpu.memref_slice %arg17[%add3A_59] : memref<524288xf32, #tpu.memory_space<vmem_shared>> -> memref<8192xf32, #tpu.memory_space<vmem_shared>>
      %dma_wait3A_76 = tpu.memref_slice %arg17[%add3A_59] : memref<524288xf32, #tpu.memory_space<vmem_shared>> -> memref<8192xf32, #tpu.memory_space<vmem_shared>>
      tpu.wait_dma2 semaphore(%arg20 : memref<!tpu.dma_semaphore, #tpu.memory_space<semaphore_mem>>) src(%arg16 : memref<8192xf32, #tpu.memory_space<vmem>>) dst(%dma_wait3A_76 : memref<8192xf32, #tpu.memory_space<vmem_shared>>)
      %dma_wait3A_77 = tpu.memref_slice %arg17[%add3A_65] : memref<524288xf32, #tpu.memory_space<vmem_shared>> -> memref<8192xf32, #tpu.memory_space<vmem_shared>>
      %dma_wait3A_78 = tpu.memref_slice %arg17[%add3A_65] : memref<524288xf32, #tpu.memory_space<vmem_shared>> -> memref<8192xf32, #tpu.memory_space<vmem_shared>>
      tpu.wait_dma2 semaphore(%arg20 : memref<!tpu.dma_semaphore, #tpu.memory_space<semaphore_mem>>) src(%arg16 : memref<8192xf32, #tpu.memory_space<vmem>>) dst(%dma_wait3A_78 : memref<8192xf32, #tpu.memory_space<vmem_shared>>)
      %dma_wait3A_79 = tpu.memref_slice %arg17[%add3A_71] : memref<524288xf32, #tpu.memory_space<vmem_shared>> -> memref<8192xf32, #tpu.memory_space<vmem_shared>>
      %dma_wait3A_80 = tpu.memref_slice %arg17[%add3A_71] : memref<524288xf32, #tpu.memory_space<vmem_shared>> -> memref<8192xf32, #tpu.memory_space<vmem_shared>>
      tpu.wait_dma2 semaphore(%arg20 : memref<!tpu.dma_semaphore, #tpu.memory_space<semaphore_mem>>) src(%arg16 : memref<8192xf32, #tpu.memory_space<vmem>>) dst(%dma_wait3A_80 : memref<8192xf32, #tpu.memory_space<vmem_shared>>)
    } else {
    }
    %barrier3A = arith.constant 0 : index
    tpu.barrier barrier_id(%barrier3A)
    %eq3A_25 = arith.constant 0 : i32
    %eq3A_26 = arith.cmpi eq, %arg0, %eq3A_25 : i32
    %convert_element_type3A_27 = arith.extui %eq3A_26 : i1 to i32
    %cond3A_28 = arith.constant 0 : i32
    %cond3A_29 = arith.cmpi ne, %convert_element_type3A_27, %cond3A_28 : i32
    scf.if %cond3A_29 {
      %mul3A_51 = arith.constant 2048 : i32
      %mul3A_52 = arith.muli %arg1, %mul3A_51 : i32
      %dma_start3A = arith.constant 0 : i32
      %dma_start3A_53 = tpu.memref_slice %arg3[%dma_start3A, %mul3A_52] : memref<2x32768xi32, #tpu.memory_space<hbm>> -> memref<1x2048xi32, #tpu.memory_space<hbm>>
      %dma_start3A_54 = tpu.memref_squeeze %dma_start3A_53 : memref<1x2048xi32, #tpu.memory_space<hbm>> -> memref<2048xi32, #tpu.memory_space<hbm>>
      %dma_start3A_55 = tpu.memref_slice %arg3[%dma_start3A, %mul3A_52] : memref<2x32768xi32, #tpu.memory_space<hbm>> -> memref<1x2048xi32, #tpu.memory_space<hbm>>
      %dma_start3A_56 = tpu.memref_squeeze %dma_start3A_55 : memref<1x2048xi32, #tpu.memory_space<hbm>> -> memref<2048xi32, #tpu.memory_space<hbm>>
      tpu.enqueue_dma source(%dma_start3A_56 : memref<2048xi32, #tpu.memory_space<hbm>>) target(%arg12 : memref<2048xi32, #tpu.memory_space<vmem>>) target_semaphore(%arg20 : memref<!tpu.dma_semaphore, #tpu.memory_space<semaphore_mem>>)
      %mul3A_57 = arith.constant 2048 : i32
      %mul3A_58 = arith.muli %arg1, %mul3A_57 : i32
      %dma_start3A_59 = arith.constant 1 : i32
      %dma_start3A_60 = tpu.memref_slice %arg3[%dma_start3A_59, %mul3A_58] : memref<2x32768xi32, #tpu.memory_space<hbm>> -> memref<1x2048xi32, #tpu.memory_space<hbm>>
      %dma_start3A_61 = tpu.memref_squeeze %dma_start3A_60 : memref<1x2048xi32, #tpu.memory_space<hbm>> -> memref<2048xi32, #tpu.memory_space<hbm>>
      %dma_start3A_62 = tpu.memref_slice %arg3[%dma_start3A_59, %mul3A_58] : memref<2x32768xi32, #tpu.memory_space<hbm>> -> memref<1x2048xi32, #tpu.memory_space<hbm>>
      %dma_start3A_63 = tpu.memref_squeeze %dma_start3A_62 : memref<1x2048xi32, #tpu.memory_space<hbm>> -> memref<2048xi32, #tpu.memory_space<hbm>>
      tpu.enqueue_dma source(%dma_start3A_63 : memref<2048xi32, #tpu.memory_space<hbm>>) target(%arg13 : memref<2048xi32, #tpu.memory_space<vmem>>) target_semaphore(%arg20 : memref<!tpu.dma_semaphore, #tpu.memory_space<semaphore_mem>>)
      %dma_wait3A = arith.constant 0 : i32
      %dma_wait3A_64 = tpu.memref_slice %arg3[%dma_wait3A, %mul3A_52] : memref<2x32768xi32, #tpu.memory_space<hbm>> -> memref<1x2048xi32, #tpu.memory_space<hbm>>
      %dma_wait3A_65 = tpu.memref_squeeze %dma_wait3A_64 : memref<1x2048xi32, #tpu.memory_space<hbm>> -> memref<2048xi32, #tpu.memory_space<hbm>>
      %dma_wait3A_66 = tpu.memref_slice %arg3[%dma_wait3A, %mul3A_52] : memref<2x32768xi32, #tpu.memory_space<hbm>> -> memref<1x2048xi32, #tpu.memory_space<hbm>>
      %dma_wait3A_67 = tpu.memref_squeeze %dma_wait3A_66 : memref<1x2048xi32, #tpu.memory_space<hbm>> -> memref<2048xi32, #tpu.memory_space<hbm>>
      tpu.wait_dma2 semaphore(%arg20 : memref<!tpu.dma_semaphore, #tpu.memory_space<semaphore_mem>>) src(%dma_wait3A_67 : memref<2048xi32, #tpu.memory_space<hbm>>) dst(%arg12 : memref<2048xi32, #tpu.memory_space<vmem>>)
      %dma_wait3A_68 = arith.constant 1 : i32
      %dma_wait3A_69 = tpu.memref_slice %arg3[%dma_wait3A_68, %mul3A_58] : memref<2x32768xi32, #tpu.memory_space<hbm>> -> memref<1x2048xi32, #tpu.memory_space<hbm>>
      %dma_wait3A_70 = tpu.memref_squeeze %dma_wait3A_69 : memref<1x2048xi32, #tpu.memory_space<hbm>> -> memref<2048xi32, #tpu.memory_space<hbm>>
      %dma_wait3A_71 = tpu.memref_slice %arg3[%dma_wait3A_68, %mul3A_58] : memref<2x32768xi32, #tpu.memory_space<hbm>> -> memref<1x2048xi32, #tpu.memory_space<hbm>>
      %dma_wait3A_72 = tpu.memref_squeeze %dma_wait3A_71 : memref<1x2048xi32, #tpu.memory_space<hbm>> -> memref<2048xi32, #tpu.memory_space<hbm>>
      tpu.wait_dma2 semaphore(%arg20 : memref<!tpu.dma_semaphore, #tpu.memory_space<semaphore_mem>>) src(%dma_wait3A_72 : memref<2048xi32, #tpu.memory_space<hbm>>) dst(%arg13 : memref<2048xi32, #tpu.memory_space<vmem>>)
      %scan3A_73 = arith.constant 0 : i32
      %scan3A_74 = arith.constant 8 : i32
      %scan3A_75 = arith.addi %scan3A_73, %scan3A_74 : i32
      %scan3A_76 = arith.constant 1 : i32
      scf.for %scan3A_345 = %scan3A_73 to %scan3A_75 step %scan3A_76  : i32 {
        %mul3A_346 = arith.constant 1 : i32
        %mul3A_347 = arith.muli %scan3A_345, %mul3A_346 : i32
        %add3A_348 = arith.constant 0 : i32
        %add3A_349 = arith.addi %add3A_348, %mul3A_347 : i32
        %add3A_350 = arith.constant 0 : i32
        %add3A_351 = arith.addi %add3A_350, %add3A_349 : i32
        %mul3A_352 = arith.constant 16 : i32
        %mul3A_353 = arith.muli %add3A_351, %mul3A_352 : i32
        %get3A = arith.index_cast %mul3A_353 : i32 to index
        %get3A_354 = tpu.vector_load %arg12[%get3A] {strides = array<i32>} : memref<2048xi32, #tpu.memory_space<vmem>>, vector<16xi32>,
        %mul3A_355 = arith.constant 16 : i32
        %mul3A_356 = arith.muli %add3A_351, %mul3A_355 : i32
        %get3A_357 = arith.index_cast %mul3A_356 : i32 to index
        %get3A_358 = tpu.vector_load %arg13[%get3A_357] {strides = array<i32>} : memref<2048xi32, #tpu.memory_space<vmem>>, vector<16xi32>,
        %gather3A = tpu.vector_load_idx %arg7[%get3A_354] : memref<4096xi32, #tpu.memory_space<vmem>>[vector<16xi32>], vector<16xi32>,
        %gather3A_359 = tpu.vector_load_idx %arg9[%gather3A] : memref<512xi32, #tpu.memory_space<vmem>>[vector<16xi32>], vector<16xi32>,
        %sub3A = arith.subi %get3A_354, %gather3A_359 : vector<16xi32>
        %sub3A_360 = arith.subi %get3A_358, %gather3A_359 : vector<16xi32>
        %lt3A = arith.constant 28 : i32
        %lt3A_361 = vector.broadcast %lt3A : i32 to vector<16xi32>
        %lt3A_362 = arith.cmpi slt, %sub3A, %lt3A_361 : vector<16xi32>
        %ge3A = arith.constant 0 : i32
        %ge3A_363 = vector.broadcast %ge3A : i32 to vector<16xi32>
        %ge3A_364 = arith.cmpi sge, %sub3A_360, %ge3A_363 : vector<16xi32>
        %and3A = arith.andi %lt3A_362, %ge3A_364 : vector<16xi1>
        %lt3A_365 = arith.constant 28 : i32
        %lt3A_366 = vector.broadcast %lt3A_365 : i32 to vector<16xi32>
        %lt3A_367 = arith.cmpi slt, %sub3A_360, %lt3A_366 : vector<16xi32>
        %and3A_368 = arith.andi %and3A, %lt3A_367 : vector<16xi1>
        %mul3A_369 = arith.constant 1024 : i32
        %mul3A_370 = vector.broadcast %mul3A_369 : i32 to vector<16xi32>
        %mul3A_371 = arith.muli %gather3A, %mul3A_370 : vector<16xi32>
        %mul3A_372 = arith.constant 28 : i32
        %mul3A_373 = vector.broadcast %mul3A_372 : i32 to vector<16xi32>
        %mul3A_374 = arith.muli %sub3A, %mul3A_373 : vector<16xi32>
        %add3A_375 = arith.addi %mul3A_371, %mul3A_374 : vector<16xi32>
        %add3A_376 = arith.addi %add3A_375, %sub3A_360 : vector<16xi32>
        %and3A_377 = arith.constant 511 : i32
        %and3A_378 = vector.broadcast %and3A_377 : i32 to vector<16xi32>
        %and3A_379 = arith.andi %get3A_354, %and3A_378 : vector<16xi32>
        %mul3A_380 = arith.constant 1024 : i32
        %mul3A_381 = vector.broadcast %mul3A_380 : i32 to vector<16xi32>
        %mul3A_382 = arith.muli %and3A_379, %mul3A_381 : vector<16xi32>
        %add3A_383 = arith.constant 784 : i32
        %add3A_384 = vector.broadcast %add3A_383 : i32 to vector<16xi32>
        %add3A_385 = arith.addi %mul3A_382, %add3A_384 : vector<16xi32>
        %and3A_386 = arith.constant 127 : i32
        %and3A_387 = vector.broadcast %and3A_386 : i32 to vector<16xi32>
        %and3A_388 = arith.andi %get3A_358, %and3A_387 : vector<16xi32>
        %add3A_389 = arith.addi %add3A_385, %and3A_388 : vector<16xi32>
        %select_n3A = arith.select %and3A_368, %add3A_376, %add3A_389 : vector<16xi1>, vector<16xi32>
        %mul3A_390 = arith.constant 16 : i32
        %mul3A_391 = arith.muli %add3A_349, %mul3A_390 : i32
        %swap3A = arith.constant 0 : i32
        %swap3A_392 = arith.index_cast %swap3A : i32 to index
        %swap3A_393 = arith.index_cast %mul3A_391 : i32 to index
        %swap3A_394 = tpu.vector_load %arg14[%swap3A_392, %swap3A_393] {strides = array<i32>} : memref<16x128xi32, #tpu.memory_space<vmem>>, vector<16xi32>,
        tpu.vector_store %arg14[%swap3A_392, %swap3A_393], %select_n3A {strides = array<i32>} : memref<16x128xi32, #tpu.memory_space<vmem>>, vector<16xi32>,
      }
      %scan3A_77 = arith.constant 8 : i32
      %dma_start3A_78 = arith.constant 0 : i32
      %dma_start3A_79 = arith.constant 0 : i32
      %dma_start3A_80 = tpu.memref_slice %arg14[%dma_start3A_78, %dma_start3A_79] : memref<16x128xi32, #tpu.memory_space<vmem>> -> memref<1x128xi32, #tpu.memory_space<vmem>>
      %dma_start3A_81 = tpu.memref_squeeze %dma_start3A_80 : memref<1x128xi32, #tpu.memory_space<vmem>> -> memref<128xi32, #tpu.memory_space<vmem>>
      %dma_start3A_82 = arith.constant 0 : i32
      %dma_start3A_83 = tpu.memref_slice %arg17[%dma_start3A_82] : memref<524288xf32, #tpu.memory_space<vmem_shared>> -> memref<524288xf32, #tpu.memory_space<vmem_shared>>
      tpu.enqueue_indirect_dma source(%arg15 : memref<128xf32, #tpu.memory_space<vmem>>) target(%dma_start3A_83 : memref<524288xf32, #tpu.memory_space<vmem_shared>>) offsets(%dma_start3A_81 : memref<128xi32, #tpu.memory_space<vmem>>) semaphore(%arg20 : memref<!tpu.dma_semaphore, #tpu.memory_space<semaphore_mem>>) {add = true}
      %scan3A_84 = arith.constant 0 : i32
      %scan3A_85 = arith.constant 8 : i32
      %scan3A_86 = arith.addi %scan3A_84, %scan3A_85 : i32
      %scan3A_87 = arith.constant 1 : i32
      scf.for %scan3A_345 = %scan3A_84 to %scan3A_86 step %scan3A_87  : i32 {
        %mul3A_346 = arith.constant 1 : i32
        %mul3A_347 = arith.muli %scan3A_345, %mul3A_346 : i32
        %add3A_348 = arith.constant 0 : i32
        %add3A_349 = arith.addi %add3A_348, %mul3A_347 : i32
        %add3A_350 = arith.constant 8 : i32
        %add3A_351 = arith.addi %add3A_350, %add3A_349 : i32
        %mul3A_352 = arith.constant 16 : i32
        %mul3A_353 = arith.muli %add3A_351, %mul3A_352 : i32
        %get3A = arith.index_cast %mul3A_353 : i32 to index
        %get3A_354 = tpu.vector_load %arg12[%get3A] {strides = array<i32>} : memref<2048xi32, #tpu.memory_space<vmem>>, vector<16xi32>,
        %mul3A_355 = arith.constant 16 : i32
        %mul3A_356 = arith.muli %add3A_351, %mul3A_355 : i32
        %get3A_357 = arith.index_cast %mul3A_356 : i32 to index
        %get3A_358 = tpu.vector_load %arg13[%get3A_357] {strides = array<i32>} : memref<2048xi32, #tpu.memory_space<vmem>>, vector<16xi32>,
        %gather3A = tpu.vector_load_idx %arg7[%get3A_354] : memref<4096xi32, #tpu.memory_space<vmem>>[vector<16xi32>], vector<16xi32>,
        %gather3A_359 = tpu.vector_load_idx %arg9[%gather3A] : memref<512xi32, #tpu.memory_space<vmem>>[vector<16xi32>], vector<16xi32>,
        %sub3A = arith.subi %get3A_354, %gather3A_359 : vector<16xi32>
        %sub3A_360 = arith.subi %get3A_358, %gather3A_359 : vector<16xi32>
        %lt3A = arith.constant 28 : i32
        %lt3A_361 = vector.broadcast %lt3A : i32 to vector<16xi32>
        %lt3A_362 = arith.cmpi slt, %sub3A, %lt3A_361 : vector<16xi32>
        %ge3A = arith.constant 0 : i32
        %ge3A_363 = vector.broadcast %ge3A : i32 to vector<16xi32>
        %ge3A_364 = arith.cmpi sge, %sub3A_360, %ge3A_363 : vector<16xi32>
        %and3A = arith.andi %lt3A_362, %ge3A_364 : vector<16xi1>
        %lt3A_365 = arith.constant 28 : i32
        %lt3A_366 = vector.broadcast %lt3A_365 : i32 to vector<16xi32>
        %lt3A_367 = arith.cmpi slt, %sub3A_360, %lt3A_366 : vector<16xi32>
        %and3A_368 = arith.andi %and3A, %lt3A_367 : vector<16xi1>
        %mul3A_369 = arith.constant 1024 : i32
        %mul3A_370 = vector.broadcast %mul3A_369 : i32 to vector<16xi32>
        %mul3A_371 = arith.muli %gather3A, %mul3A_370 : vector<16xi32>
        %mul3A_372 = arith.constant 28 : i32
        %mul3A_373 = vector.broadcast %mul3A_372 : i32 to vector<16xi32>
        %mul3A_374 = arith.muli %sub3A, %mul3A_373 : vector<16xi32>
        %add3A_375 = arith.addi %mul3A_371, %mul3A_374 : vector<16xi32>
        %add3A_376 = arith.addi %add3A_375, %sub3A_360 : vector<16xi32>
        %and3A_377 = arith.constant 511 : i32
        %and3A_378 = vector.broadcast %and3A_377 : i32 to vector<16xi32>
        %and3A_379 = arith.andi %get3A_354, %and3A_378 : vector<16xi32>
        %mul3A_380 = arith.constant 1024 : i32
        %mul3A_381 = vector.broadcast %mul3A_380 : i32 to vector<16xi32>
        %mul3A_382 = arith.muli %and3A_379, %mul3A_381 : vector<16xi32>
        %add3A_383 = arith.constant 784 : i32
        %add3A_384 = vector.broadcast %add3A_383 : i32 to vector<16xi32>
        %add3A_385 = arith.addi %mul3A_382, %add3A_384 : vector<16xi32>
        %and3A_386 = arith.constant 127 : i32
        %and3A_387 = vector.broadcast %and3A_386 : i32 to vector<16xi32>
        %and3A_388 = arith.andi %get3A_358, %and3A_387 : vector<16xi32>
        %add3A_389 = arith.addi %add3A_385, %and3A_388 : vector<16xi32>
        %select_n3A = arith.select %and3A_368, %add3A_376, %add3A_389 : vector<16xi1>, vector<16xi32>
        %mul3A_390 = arith.constant 16 : i32
        %mul3A_391 = arith.muli %add3A_349, %mul3A_390 : i32
        %swap3A = arith.constant 1 : i32
        %swap3A_392 = arith.index_cast %swap3A : i32 to index
        %swap3A_393 = arith.index_cast %mul3A_391 : i32 to index
        %swap3A_394 = tpu.vector_load %arg14[%swap3A_392, %swap3A_393] {strides = array<i32>} : memref<16x128xi32, #tpu.memory_space<vmem>>, vector<16xi32>,
        tpu.vector_store %arg14[%swap3A_392, %swap3A_393], %select_n3A {strides = array<i32>} : memref<16x128xi32, #tpu.memory_space<vmem>>, vector<16xi32>,
      }
      %scan3A_88 = arith.constant 8 : i32
      %dma_start3A_89 = arith.constant 1 : i32
      %dma_start3A_90 = arith.constant 0 : i32
      %dma_start3A_91 = tpu.memref_slice %arg14[%dma_start3A_89, %dma_start3A_90] : memref<16x128xi32, #tpu.memory_space<vmem>> -> memref<1x128xi32, #tpu.memory_space<vmem>>
      %dma_start3A_92 = tpu.memref_squeeze %dma_start3A_91 : memref<1x128xi32, #tpu.memory_space<vmem>> -> memref<128xi32, #tpu.memory_space<vmem>>
      %dma_start3A_93 = arith.constant 0 : i32
      %dma_start3A_94 = tpu.memref_slice %arg17[%dma_start3A_93] : memref<524288xf32, #tpu.memory_space<vmem_shared>> -> memref<524288xf32, #tpu.memory_space<vmem_shared>>
      tpu.enqueue_indirect_dma source(%arg15 : memref<128xf32, #tpu.memory_space<vmem>>) target(%dma_start3A_94 : memref<524288xf32, #tpu.memory_space<vmem_shared>>) offsets(%dma_start3A_92 : memref<128xi32, #tpu.memory_space<vmem>>) semaphore(%arg20 : memref<!tpu.dma_semaphore, #tpu.memory_space<semaphore_mem>>) {add = true}
      %scan3A_95 = arith.constant 0 : i32
      %scan3A_96 = arith.constant 8 : i32
      %scan3A_97 = arith.addi %scan3A_95, %scan3A_96 : i32
      %scan3A_98 = arith.constant 1 : i32
      scf.for %scan3A_345 = %scan3A_95 to %scan3A_97 step %scan3A_98  : i32 {
        %mul3A_346 = arith.constant 1 : i32
        %mul3A_347 = arith.muli %scan3A_345, %mul3A_346 : i32
        %add3A_348 = arith.constant 0 : i32
        %add3A_349 = arith.addi %add3A_348, %mul3A_347 : i32
        %add3A_350 = arith.constant 16 : i32
        %add3A_351 = arith.addi %add3A_350, %add3A_349 : i32
        %mul3A_352 = arith.constant 16 : i32
        %mul3A_353 = arith.muli %add3A_351, %mul3A_352 : i32
        %get3A = arith.index_cast %mul3A_353 : i32 to index
        %get3A_354 = tpu.vector_load %arg12[%get3A] {strides = array<i32>} : memref<2048xi32, #tpu.memory_space<vmem>>, vector<16xi32>,
        %mul3A_355 = arith.constant 16 : i32
        %mul3A_356 = arith.muli %add3A_351, %mul3A_355 : i32
        %get3A_357 = arith.index_cast %mul3A_356 : i32 to index
        %get3A_358 = tpu.vector_load %arg13[%get3A_357] {strides = array<i32>} : memref<2048xi32, #tpu.memory_space<vmem>>, vector<16xi32>,
        %gather3A = tpu.vector_load_idx %arg7[%get3A_354] : memref<4096xi32, #tpu.memory_space<vmem>>[vector<16xi32>], vector<16xi32>,
        %gather3A_359 = tpu.vector_load_idx %arg9[%gather3A] : memref<512xi32, #tpu.memory_space<vmem>>[vector<16xi32>], vector<16xi32>,
        %sub3A = arith.subi %get3A_354, %gather3A_359 : vector<16xi32>
        %sub3A_360 = arith.subi %get3A_358, %gather3A_359 : vector<16xi32>
        %lt3A = arith.constant 28 : i32
        %lt3A_361 = vector.broadcast %lt3A : i32 to vector<16xi32>
        %lt3A_362 = arith.cmpi slt, %sub3A, %lt3A_361 : vector<16xi32>
        %ge3A = arith.constant 0 : i32
        %ge3A_363 = vector.broadcast %ge3A : i32 to vector<16xi32>
        %ge3A_364 = arith.cmpi sge, %sub3A_360, %ge3A_363 : vector<16xi32>
        %and3A = arith.andi %lt3A_362, %ge3A_364 : vector<16xi1>
        %lt3A_365 = arith.constant 28 : i32
        %lt3A_366 = vector.broadcast %lt3A_365 : i32 to vector<16xi32>
        %lt3A_367 = arith.cmpi slt, %sub3A_360, %lt3A_366 : vector<16xi32>
        %and3A_368 = arith.andi %and3A, %lt3A_367 : vector<16xi1>
        %mul3A_369 = arith.constant 1024 : i32
        %mul3A_370 = vector.broadcast %mul3A_369 : i32 to vector<16xi32>
        %mul3A_371 = arith.muli %gather3A, %mul3A_370 : vector<16xi32>
        %mul3A_372 = arith.constant 28 : i32
        %mul3A_373 = vector.broadcast %mul3A_372 : i32 to vector<16xi32>
        %mul3A_374 = arith.muli %sub3A, %mul3A_373 : vector<16xi32>
        %add3A_375 = arith.addi %mul3A_371, %mul3A_374 : vector<16xi32>
        %add3A_376 = arith.addi %add3A_375, %sub3A_360 : vector<16xi32>
        %and3A_377 = arith.constant 511 : i32
        %and3A_378 = vector.broadcast %and3A_377 : i32 to vector<16xi32>
        %and3A_379 = arith.andi %get3A_354, %and3A_378 : vector<16xi32>
        %mul3A_380 = arith.constant 1024 : i32
        %mul3A_381 = vector.broadcast %mul3A_380 : i32 to vector<16xi32>
        %mul3A_382 = arith.muli %and3A_379, %mul3A_381 : vector<16xi32>
        %add3A_383 = arith.constant 784 : i32
        %add3A_384 = vector.broadcast %add3A_383 : i32 to vector<16xi32>
        %add3A_385 = arith.addi %mul3A_382, %add3A_384 : vector<16xi32>
        %and3A_386 = arith.constant 127 : i32
        %and3A_387 = vector.broadcast %and3A_386 : i32 to vector<16xi32>
        %and3A_388 = arith.andi %get3A_358, %and3A_387 : vector<16xi32>
        %add3A_389 = arith.addi %add3A_385, %and3A_388 : vector<16xi32>
        %select_n3A = arith.select %and3A_368, %add3A_376, %add3A_389 : vector<16xi1>, vector<16xi32>
        %mul3A_390 = arith.constant 16 : i32
        %mul3A_391 = arith.muli %add3A_349, %mul3A_390 : i32
        %swap3A = arith.constant 2 : i32
        %swap3A_392 = arith.index_cast %swap3A : i32 to index
        %swap3A_393 = arith.index_cast %mul3A_391 : i32 to index
        %swap3A_394 = tpu.vector_load %arg14[%swap3A_392, %swap3A_393] {strides = array<i32>} : memref<16x128xi32, #tpu.memory_space<vmem>>, vector<16xi32>,
        tpu.vector_store %arg14[%swap3A_392, %swap3A_393], %select_n3A {strides = array<i32>} : memref<16x128xi32, #tpu.memory_space<vmem>>, vector<16xi32>,
      }
      %scan3A_99 = arith.constant 8 : i32
      %dma_start3A_100 = arith.constant 2 : i32
      %dma_start3A_101 = arith.constant 0 : i32
      %dma_start3A_102 = tpu.memref_slice %arg14[%dma_start3A_100, %dma_start3A_101] : memref<16x128xi32, #tpu.memory_space<vmem>> -> memref<1x128xi32, #tpu.memory_space<vmem>>
      %dma_start3A_103 = tpu.memref_squeeze %dma_start3A_102 : memref<1x128xi32, #tpu.memory_space<vmem>> -> memref<128xi32, #tpu.memory_space<vmem>>
      %dma_start3A_104 = arith.constant 0 : i32
      %dma_start3A_105 = tpu.memref_slice %arg17[%dma_start3A_104] : memref<524288xf32, #tpu.memory_space<vmem_shared>> -> memref<524288xf32, #tpu.memory_space<vmem_shared>>
      tpu.enqueue_indirect_dma source(%arg15 : memref<128xf32, #tpu.memory_space<vmem>>) target(%dma_start3A_105 : memref<524288xf32, #tpu.memory_space<vmem_shared>>) offsets(%dma_start3A_103 : memref<128xi32, #tpu.memory_space<vmem>>) semaphore(%arg20 : memref<!tpu.dma_semaphore, #tpu.memory_space<semaphore_mem>>) {add = true}
      %scan3A_106 = arith.constant 0 : i32
      %scan3A_107 = arith.constant 8 : i32
      %scan3A_108 = arith.addi %scan3A_106, %scan3A_107 : i32
      %scan3A_109 = arith.constant 1 : i32
      scf.for %scan3A_345 = %scan3A_106 to %scan3A_108 step %scan3A_109  : i32 {
        %mul3A_346 = arith.constant 1 : i32
        %mul3A_347 = arith.muli %scan3A_345, %mul3A_346 : i32
        %add3A_348 = arith.constant 0 : i32
        %add3A_349 = arith.addi %add3A_348, %mul3A_347 : i32
        %add3A_350 = arith.constant 24 : i32
        %add3A_351 = arith.addi %add3A_350, %add3A_349 : i32
        %mul3A_352 = arith.constant 16 : i32
        %mul3A_353 = arith.muli %add3A_351, %mul3A_352 : i32
        %get3A = arith.index_cast %mul3A_353 : i32 to index
        %get3A_354 = tpu.vector_load %arg12[%get3A] {strides = array<i32>} : memref<2048xi32, #tpu.memory_space<vmem>>, vector<16xi32>,
        %mul3A_355 = arith.constant 16 : i32
        %mul3A_356 = arith.muli %add3A_351, %mul3A_355 : i32
        %get3A_357 = arith.index_cast %mul3A_356 : i32 to index
        %get3A_358 = tpu.vector_load %arg13[%get3A_357] {strides = array<i32>} : memref<2048xi32, #tpu.memory_space<vmem>>, vector<16xi32>,
        %gather3A = tpu.vector_load_idx %arg7[%get3A_354] : memref<4096xi32, #tpu.memory_space<vmem>>[vector<16xi32>], vector<16xi32>,
        %gather3A_359 = tpu.vector_load_idx %arg9[%gather3A] : memref<512xi32, #tpu.memory_space<vmem>>[vector<16xi32>], vector<16xi32>,
        %sub3A = arith.subi %get3A_354, %gather3A_359 : vector<16xi32>
        %sub3A_360 = arith.subi %get3A_358, %gather3A_359 : vector<16xi32>
        %lt3A = arith.constant 28 : i32
        %lt3A_361 = vector.broadcast %lt3A : i32 to vector<16xi32>
        %lt3A_362 = arith.cmpi slt, %sub3A, %lt3A_361 : vector<16xi32>
        %ge3A = arith.constant 0 : i32
        %ge3A_363 = vector.broadcast %ge3A : i32 to vector<16xi32>
        %ge3A_364 = arith.cmpi sge, %sub3A_360, %ge3A_363 : vector<16xi32>
        %and3A = arith.andi %lt3A_362, %ge3A_364 : vector<16xi1>
        %lt3A_365 = arith.constant 28 : i32
        %lt3A_366 = vector.broadcast %lt3A_365 : i32 to vector<16xi32>
        %lt3A_367 = arith.cmpi slt, %sub3A_360, %lt3A_366 : vector<16xi32>
        %and3A_368 = arith.andi %and3A, %lt3A_367 : vector<16xi1>
        %mul3A_369 = arith.constant 1024 : i32
        %mul3A_370 = vector.broadcast %mul3A_369 : i32 to vector<16xi32>
        %mul3A_371 = arith.muli %gather3A, %mul3A_370 : vector<16xi32>
        %mul3A_372 = arith.constant 28 : i32
        %mul3A_373 = vector.broadcast %mul3A_372 : i32 to vector<16xi32>
        %mul3A_374 = arith.muli %sub3A, %mul3A_373 : vector<16xi32>
        %add3A_375 = arith.addi %mul3A_371, %mul3A_374 : vector<16xi32>
        %add3A_376 = arith.addi %add3A_375, %sub3A_360 : vector<16xi32>
        %and3A_377 = arith.constant 511 : i32
        %and3A_378 = vector.broadcast %and3A_377 : i32 to vector<16xi32>
        %and3A_379 = arith.andi %get3A_354, %and3A_378 : vector<16xi32>
        %mul3A_380 = arith.constant 1024 : i32
        %mul3A_381 = vector.broadcast %mul3A_380 : i32 to vector<16xi32>
        %mul3A_382 = arith.muli %and3A_379, %mul3A_381 : vector<16xi32>
        %add3A_383 = arith.constant 784 : i32
        %add3A_384 = vector.broadcast %add3A_383 : i32 to vector<16xi32>
        %add3A_385 = arith.addi %mul3A_382, %add3A_384 : vector<16xi32>
        %and3A_386 = arith.constant 127 : i32
        %and3A_387 = vector.broadcast %and3A_386 : i32 to vector<16xi32>
        %and3A_388 = arith.andi %get3A_358, %and3A_387 : vector<16xi32>
        %add3A_389 = arith.addi %add3A_385, %and3A_388 : vector<16xi32>
        %select_n3A = arith.select %and3A_368, %add3A_376, %add3A_389 : vector<16xi1>, vector<16xi32>
        %mul3A_390 = arith.constant 16 : i32
        %mul3A_391 = arith.muli %add3A_349, %mul3A_390 : i32
        %swap3A = arith.constant 3 : i32
        %swap3A_392 = arith.index_cast %swap3A : i32 to index
        %swap3A_393 = arith.index_cast %mul3A_391 : i32 to index
        %swap3A_394 = tpu.vector_load %arg14[%swap3A_392, %swap3A_393] {strides = array<i32>} : memref<16x128xi32, #tpu.memory_space<vmem>>, vector<16xi32>,
        tpu.vector_store %arg14[%swap3A_392, %swap3A_393], %select_n3A {strides = array<i32>} : memref<16x128xi32, #tpu.memory_space<vmem>>, vector<16xi32>,
      }
      %scan3A_110 = arith.constant 8 : i32
      %dma_start3A_111 = arith.constant 3 : i32
      %dma_start3A_112 = arith.constant 0 : i32
      %dma_start3A_113 = tpu.memref_slice %arg14[%dma_start3A_111, %dma_start3A_112] : memref<16x128xi32, #tpu.memory_space<vmem>> -> memref<1x128xi32, #tpu.memory_space<vmem>>
      %dma_start3A_114 = tpu.memref_squeeze %dma_start3A_113 : memref<1x128xi32, #tpu.memory_space<vmem>> -> memref<128xi32, #tpu.memory_space<vmem>>
      %dma_start3A_115 = arith.constant 0 : i32
      %dma_start3A_116 = tpu.memref_slice %arg17[%dma_start3A_115] : memref<524288xf32, #tpu.memory_space<vmem_shared>> -> memref<524288xf32, #tpu.memory_space<vmem_shared>>
      tpu.enqueue_indirect_dma source(%arg15 : memref<128xf32, #tpu.memory_space<vmem>>) target(%dma_start3A_116 : memref<524288xf32, #tpu.memory_space<vmem_shared>>) offsets(%dma_start3A_114 : memref<128xi32, #tpu.memory_space<vmem>>) semaphore(%arg20 : memref<!tpu.dma_semaphore, #tpu.memory_space<semaphore_mem>>) {add = true}
      %scan3A_117 = arith.constant 0 : i32
      %scan3A_118 = arith.constant 8 : i32
      %scan3A_119 = arith.addi %scan3A_117, %scan3A_118 : i32
      %scan3A_120 = arith.constant 1 : i32
      scf.for %scan3A_345 = %scan3A_117 to %scan3A_119 step %scan3A_120  : i32 {
        %mul3A_346 = arith.constant 1 : i32
        %mul3A_347 = arith.muli %scan3A_345, %mul3A_346 : i32
        %add3A_348 = arith.constant 0 : i32
        %add3A_349 = arith.addi %add3A_348, %mul3A_347 : i32
        %add3A_350 = arith.constant 32 : i32
        %add3A_351 = arith.addi %add3A_350, %add3A_349 : i32
        %mul3A_352 = arith.constant 16 : i32
        %mul3A_353 = arith.muli %add3A_351, %mul3A_352 : i32
        %get3A = arith.index_cast %mul3A_353 : i32 to index
        %get3A_354 = tpu.vector_load %arg12[%get3A] {strides = array<i32>} : memref<2048xi32, #tpu.memory_space<vmem>>, vector<16xi32>,
        %mul3A_355 = arith.constant 16 : i32
        %mul3A_356 = arith.muli %add3A_351, %mul3A_355 : i32
        %get3A_357 = arith.index_cast %mul3A_356 : i32 to index
        %get3A_358 = tpu.vector_load %arg13[%get3A_357] {strides = array<i32>} : memref<2048xi32, #tpu.memory_space<vmem>>, vector<16xi32>,
        %gather3A = tpu.vector_load_idx %arg7[%get3A_354] : memref<4096xi32, #tpu.memory_space<vmem>>[vector<16xi32>], vector<16xi32>,
        %gather3A_359 = tpu.vector_load_idx %arg9[%gather3A] : memref<512xi32, #tpu.memory_space<vmem>>[vector<16xi32>], vector<16xi32>,
        %sub3A = arith.subi %get3A_354, %gather3A_359 : vector<16xi32>
        %sub3A_360 = arith.subi %get3A_358, %gather3A_359 : vector<16xi32>
        %lt3A = arith.constant 28 : i32
        %lt3A_361 = vector.broadcast %lt3A : i32 to vector<16xi32>
        %lt3A_362 = arith.cmpi slt, %sub3A, %lt3A_361 : vector<16xi32>
        %ge3A = arith.constant 0 : i32
        %ge3A_363 = vector.broadcast %ge3A : i32 to vector<16xi32>
        %ge3A_364 = arith.cmpi sge, %sub3A_360, %ge3A_363 : vector<16xi32>
        %and3A = arith.andi %lt3A_362, %ge3A_364 : vector<16xi1>
        %lt3A_365 = arith.constant 28 : i32
        %lt3A_366 = vector.broadcast %lt3A_365 : i32 to vector<16xi32>
        %lt3A_367 = arith.cmpi slt, %sub3A_360, %lt3A_366 : vector<16xi32>
        %and3A_368 = arith.andi %and3A, %lt3A_367 : vector<16xi1>
        %mul3A_369 = arith.constant 1024 : i32
        %mul3A_370 = vector.broadcast %mul3A_369 : i32 to vector<16xi32>
        %mul3A_371 = arith.muli %gather3A, %mul3A_370 : vector<16xi32>
        %mul3A_372 = arith.constant 28 : i32
        %mul3A_373 = vector.broadcast %mul3A_372 : i32 to vector<16xi32>
        %mul3A_374 = arith.muli %sub3A, %mul3A_373 : vector<16xi32>
        %add3A_375 = arith.addi %mul3A_371, %mul3A_374 : vector<16xi32>
        %add3A_376 = arith.addi %add3A_375, %sub3A_360 : vector<16xi32>
        %and3A_377 = arith.constant 511 : i32
        %and3A_378 = vector.broadcast %and3A_377 : i32 to vector<16xi32>
        %and3A_379 = arith.andi %get3A_354, %and3A_378 : vector<16xi32>
        %mul3A_380 = arith.constant 1024 : i32
        %mul3A_381 = vector.broadcast %mul3A_380 : i32 to vector<16xi32>
        %mul3A_382 = arith.muli %and3A_379, %mul3A_381 : vector<16xi32>
        %add3A_383 = arith.constant 784 : i32
        %add3A_384 = vector.broadcast %add3A_383 : i32 to vector<16xi32>
        %add3A_385 = arith.addi %mul3A_382, %add3A_384 : vector<16xi32>
        %and3A_386 = arith.constant 127 : i32
        %and3A_387 = vector.broadcast %and3A_386 : i32 to vector<16xi32>
        %and3A_388 = arith.andi %get3A_358, %and3A_387 : vector<16xi32>
        %add3A_389 = arith.addi %add3A_385, %and3A_388 : vector<16xi32>
        %select_n3A = arith.select %and3A_368, %add3A_376, %add3A_389 : vector<16xi1>, vector<16xi32>
        %mul3A_390 = arith.constant 16 : i32
        %mul3A_391 = arith.muli %add3A_349, %mul3A_390 : i32
        %swap3A = arith.constant 4 : i32
        %swap3A_392 = arith.index_cast %swap3A : i32 to index
        %swap3A_393 = arith.index_cast %mul3A_391 : i32 to index
        %swap3A_394 = tpu.vector_load %arg14[%swap3A_392, %swap3A_393] {strides = array<i32>} : memref<16x128xi32, #tpu.memory_space<vmem>>, vector<16xi32>,
        tpu.vector_store %arg14[%swap3A_392, %swap3A_393], %select_n3A {strides = array<i32>} : memref<16x128xi32, #tpu.memory_space<vmem>>, vector<16xi32>,
      }
      %scan3A_121 = arith.constant 8 : i32
      %dma_start3A_122 = arith.constant 4 : i32
      %dma_start3A_123 = arith.constant 0 : i32
      %dma_start3A_124 = tpu.memref_slice %arg14[%dma_start3A_122, %dma_start3A_123] : memref<16x128xi32, #tpu.memory_space<vmem>> -> memref<1x128xi32, #tpu.memory_space<vmem>>
      %dma_start3A_125 = tpu.memref_squeeze %dma_start3A_124 : memref<1x128xi32, #tpu.memory_space<vmem>> -> memref<128xi32, #tpu.memory_space<vmem>>
      %dma_start3A_126 = arith.constant 0 : i32
      %dma_start3A_127 = tpu.memref_slice %arg17[%dma_start3A_126] : memref<524288xf32, #tpu.memory_space<vmem_shared>> -> memref<524288xf32, #tpu.memory_space<vmem_shared>>
      tpu.enqueue_indirect_dma source(%arg15 : memref<128xf32, #tpu.memory_space<vmem>>) target(%dma_start3A_127 : memref<524288xf32, #tpu.memory_space<vmem_shared>>) offsets(%dma_start3A_125 : memref<128xi32, #tpu.memory_space<vmem>>) semaphore(%arg20 : memref<!tpu.dma_semaphore, #tpu.memory_space<semaphore_mem>>) {add = true}
      %scan3A_128 = arith.constant 0 : i32
      %scan3A_129 = arith.constant 8 : i32
      %scan3A_130 = arith.addi %scan3A_128, %scan3A_129 : i32
      %scan3A_131 = arith.constant 1 : i32
      scf.for %scan3A_345 = %scan3A_128 to %scan3A_130 step %scan3A_131  : i32 {
        %mul3A_346 = arith.constant 1 : i32
        %mul3A_347 = arith.muli %scan3A_345, %mul3A_346 : i32
        %add3A_348 = arith.constant 0 : i32
        %add3A_349 = arith.addi %add3A_348, %mul3A_347 : i32
        %add3A_350 = arith.constant 40 : i32
        %add3A_351 = arith.addi %add3A_350, %add3A_349 : i32
        %mul3A_352 = arith.constant 16 : i32
        %mul3A_353 = arith.muli %add3A_351, %mul3A_352 : i32
        %get3A = arith.index_cast %mul3A_353 : i32 to index
        %get3A_354 = tpu.vector_load %arg12[%get3A] {strides = array<i32>} : memref<2048xi32, #tpu.memory_space<vmem>>, vector<16xi32>,
        %mul3A_355 = arith.constant 16 : i32
        %mul3A_356 = arith.muli %add3A_351, %mul3A_355 : i32
        %get3A_357 = arith.index_cast %mul3A_356 : i32 to index
        %get3A_358 = tpu.vector_load %arg13[%get3A_357] {strides = array<i32>} : memref<2048xi32, #tpu.memory_space<vmem>>, vector<16xi32>,
        %gather3A = tpu.vector_load_idx %arg7[%get3A_354] : memref<4096xi32, #tpu.memory_space<vmem>>[vector<16xi32>], vector<16xi32>,
        %gather3A_359 = tpu.vector_load_idx %arg9[%gather3A] : memref<512xi32, #tpu.memory_space<vmem>>[vector<16xi32>], vector<16xi32>,
        %sub3A = arith.subi %get3A_354, %gather3A_359 : vector<16xi32>
        %sub3A_360 = arith.subi %get3A_358, %gather3A_359 : vector<16xi32>
        %lt3A = arith.constant 28 : i32
        %lt3A_361 = vector.broadcast %lt3A : i32 to vector<16xi32>
        %lt3A_362 = arith.cmpi slt, %sub3A, %lt3A_361 : vector<16xi32>
        %ge3A = arith.constant 0 : i32
        %ge3A_363 = vector.broadcast %ge3A : i32 to vector<16xi32>
        %ge3A_364 = arith.cmpi sge, %sub3A_360, %ge3A_363 : vector<16xi32>
        %and3A = arith.andi %lt3A_362, %ge3A_364 : vector<16xi1>
        %lt3A_365 = arith.constant 28 : i32
        %lt3A_366 = vector.broadcast %lt3A_365 : i32 to vector<16xi32>
        %lt3A_367 = arith.cmpi slt, %sub3A_360, %lt3A_366 : vector<16xi32>
        %and3A_368 = arith.andi %and3A, %lt3A_367 : vector<16xi1>
        %mul3A_369 = arith.constant 1024 : i32
        %mul3A_370 = vector.broadcast %mul3A_369 : i32 to vector<16xi32>
        %mul3A_371 = arith.muli %gather3A, %mul3A_370 : vector<16xi32>
        %mul3A_372 = arith.constant 28 : i32
        %mul3A_373 = vector.broadcast %mul3A_372 : i32 to vector<16xi32>
        %mul3A_374 = arith.muli %sub3A, %mul3A_373 : vector<16xi32>
        %add3A_375 = arith.addi %mul3A_371, %mul3A_374 : vector<16xi32>
        %add3A_376 = arith.addi %add3A_375, %sub3A_360 : vector<16xi32>
        %and3A_377 = arith.constant 511 : i32
        %and3A_378 = vector.broadcast %and3A_377 : i32 to vector<16xi32>
        %and3A_379 = arith.andi %get3A_354, %and3A_378 : vector<16xi32>
        %mul3A_380 = arith.constant 1024 : i32
        %mul3A_381 = vector.broadcast %mul3A_380 : i32 to vector<16xi32>
        %mul3A_382 = arith.muli %and3A_379, %mul3A_381 : vector<16xi32>
        %add3A_383 = arith.constant 784 : i32
        %add3A_384 = vector.broadcast %add3A_383 : i32 to vector<16xi32>
        %add3A_385 = arith.addi %mul3A_382, %add3A_384 : vector<16xi32>
        %and3A_386 = arith.constant 127 : i32
        %and3A_387 = vector.broadcast %and3A_386 : i32 to vector<16xi32>
        %and3A_388 = arith.andi %get3A_358, %and3A_387 : vector<16xi32>
        %add3A_389 = arith.addi %add3A_385, %and3A_388 : vector<16xi32>
        %select_n3A = arith.select %and3A_368, %add3A_376, %add3A_389 : vector<16xi1>, vector<16xi32>
        %mul3A_390 = arith.constant 16 : i32
        %mul3A_391 = arith.muli %add3A_349, %mul3A_390 : i32
        %swap3A = arith.constant 5 : i32
        %swap3A_392 = arith.index_cast %swap3A : i32 to index
        %swap3A_393 = arith.index_cast %mul3A_391 : i32 to index
        %swap3A_394 = tpu.vector_load %arg14[%swap3A_392, %swap3A_393] {strides = array<i32>} : memref<16x128xi32, #tpu.memory_space<vmem>>, vector<16xi32>,
        tpu.vector_store %arg14[%swap3A_392, %swap3A_393], %select_n3A {strides = array<i32>} : memref<16x128xi32, #tpu.memory_space<vmem>>, vector<16xi32>,
      }
      %scan3A_132 = arith.constant 8 : i32
      %dma_start3A_133 = arith.constant 5 : i32
      %dma_start3A_134 = arith.constant 0 : i32
      %dma_start3A_135 = tpu.memref_slice %arg14[%dma_start3A_133, %dma_start3A_134] : memref<16x128xi32, #tpu.memory_space<vmem>> -> memref<1x128xi32, #tpu.memory_space<vmem>>
      %dma_start3A_136 = tpu.memref_squeeze %dma_start3A_135 : memref<1x128xi32, #tpu.memory_space<vmem>> -> memref<128xi32, #tpu.memory_space<vmem>>
      %dma_start3A_137 = arith.constant 0 : i32
      %dma_start3A_138 = tpu.memref_slice %arg17[%dma_start3A_137] : memref<524288xf32, #tpu.memory_space<vmem_shared>> -> memref<524288xf32, #tpu.memory_space<vmem_shared>>
      tpu.enqueue_indirect_dma source(%arg15 : memref<128xf32, #tpu.memory_space<vmem>>) target(%dma_start3A_138 : memref<524288xf32, #tpu.memory_space<vmem_shared>>) offsets(%dma_start3A_136 : memref<128xi32, #tpu.memory_space<vmem>>) semaphore(%arg20 : memref<!tpu.dma_semaphore, #tpu.memory_space<semaphore_mem>>) {add = true}
      %scan3A_139 = arith.constant 0 : i32
      %scan3A_140 = arith.constant 8 : i32
      %scan3A_141 = arith.addi %scan3A_139, %scan3A_140 : i32
      %scan3A_142 = arith.constant 1 : i32
      scf.for %scan3A_345 = %scan3A_139 to %scan3A_141 step %scan3A_142  : i32 {
        %mul3A_346 = arith.constant 1 : i32
        %mul3A_347 = arith.muli %scan3A_345, %mul3A_346 : i32
        %add3A_348 = arith.constant 0 : i32
        %add3A_349 = arith.addi %add3A_348, %mul3A_347 : i32
        %add3A_350 = arith.constant 48 : i32
        %add3A_351 = arith.addi %add3A_350, %add3A_349 : i32
        %mul3A_352 = arith.constant 16 : i32
        %mul3A_353 = arith.muli %add3A_351, %mul3A_352 : i32
        %get3A = arith.index_cast %mul3A_353 : i32 to index
        %get3A_354 = tpu.vector_load %arg12[%get3A] {strides = array<i32>} : memref<2048xi32, #tpu.memory_space<vmem>>, vector<16xi32>,
        %mul3A_355 = arith.constant 16 : i32
        %mul3A_356 = arith.muli %add3A_351, %mul3A_355 : i32
        %get3A_357 = arith.index_cast %mul3A_356 : i32 to index
        %get3A_358 = tpu.vector_load %arg13[%get3A_357] {strides = array<i32>} : memref<2048xi32, #tpu.memory_space<vmem>>, vector<16xi32>,
        %gather3A = tpu.vector_load_idx %arg7[%get3A_354] : memref<4096xi32, #tpu.memory_space<vmem>>[vector<16xi32>], vector<16xi32>,
        %gather3A_359 = tpu.vector_load_idx %arg9[%gather3A] : memref<512xi32, #tpu.memory_space<vmem>>[vector<16xi32>], vector<16xi32>,
        %sub3A = arith.subi %get3A_354, %gather3A_359 : vector<16xi32>
        %sub3A_360 = arith.subi %get3A_358, %gather3A_359 : vector<16xi32>
        %lt3A = arith.constant 28 : i32
        %lt3A_361 = vector.broadcast %lt3A : i32 to vector<16xi32>
        %lt3A_362 = arith.cmpi slt, %sub3A, %lt3A_361 : vector<16xi32>
        %ge3A = arith.constant 0 : i32
        %ge3A_363 = vector.broadcast %ge3A : i32 to vector<16xi32>
        %ge3A_364 = arith.cmpi sge, %sub3A_360, %ge3A_363 : vector<16xi32>
        %and3A = arith.andi %lt3A_362, %ge3A_364 : vector<16xi1>
        %lt3A_365 = arith.constant 28 : i32
        %lt3A_366 = vector.broadcast %lt3A_365 : i32 to vector<16xi32>
        %lt3A_367 = arith.cmpi slt, %sub3A_360, %lt3A_366 : vector<16xi32>
        %and3A_368 = arith.andi %and3A, %lt3A_367 : vector<16xi1>
        %mul3A_369 = arith.constant 1024 : i32
        %mul3A_370 = vector.broadcast %mul3A_369 : i32 to vector<16xi32>
        %mul3A_371 = arith.muli %gather3A, %mul3A_370 : vector<16xi32>
        %mul3A_372 = arith.constant 28 : i32
        %mul3A_373 = vector.broadcast %mul3A_372 : i32 to vector<16xi32>
        %mul3A_374 = arith.muli %sub3A, %mul3A_373 : vector<16xi32>
        %add3A_375 = arith.addi %mul3A_371, %mul3A_374 : vector<16xi32>
        %add3A_376 = arith.addi %add3A_375, %sub3A_360 : vector<16xi32>
        %and3A_377 = arith.constant 511 : i32
        %and3A_378 = vector.broadcast %and3A_377 : i32 to vector<16xi32>
        %and3A_379 = arith.andi %get3A_354, %and3A_378 : vector<16xi32>
        %mul3A_380 = arith.constant 1024 : i32
        %mul3A_381 = vector.broadcast %mul3A_380 : i32 to vector<16xi32>
        %mul3A_382 = arith.muli %and3A_379, %mul3A_381 : vector<16xi32>
        %add3A_383 = arith.constant 784 : i32
        %add3A_384 = vector.broadcast %add3A_383 : i32 to vector<16xi32>
        %add3A_385 = arith.addi %mul3A_382, %add3A_384 : vector<16xi32>
        %and3A_386 = arith.constant 127 : i32
        %and3A_387 = vector.broadcast %and3A_386 : i32 to vector<16xi32>
        %and3A_388 = arith.andi %get3A_358, %and3A_387 : vector<16xi32>
        %add3A_389 = arith.addi %add3A_385, %and3A_388 : vector<16xi32>
        %select_n3A = arith.select %and3A_368, %add3A_376, %add3A_389 : vector<16xi1>, vector<16xi32>
        %mul3A_390 = arith.constant 16 : i32
        %mul3A_391 = arith.muli %add3A_349, %mul3A_390 : i32
        %swap3A = arith.constant 6 : i32
        %swap3A_392 = arith.index_cast %swap3A : i32 to index
        %swap3A_393 = arith.index_cast %mul3A_391 : i32 to index
        %swap3A_394 = tpu.vector_load %arg14[%swap3A_392, %swap3A_393] {strides = array<i32>} : memref<16x128xi32, #tpu.memory_space<vmem>>, vector<16xi32>,
        tpu.vector_store %arg14[%swap3A_392, %swap3A_393], %select_n3A {strides = array<i32>} : memref<16x128xi32, #tpu.memory_space<vmem>>, vector<16xi32>,
      }
      %scan3A_143 = arith.constant 8 : i32
      %dma_start3A_144 = arith.constant 6 : i32
      %dma_start3A_145 = arith.constant 0 : i32
      %dma_start3A_146 = tpu.memref_slice %arg14[%dma_start3A_144, %dma_start3A_145] : memref<16x128xi32, #tpu.memory_space<vmem>> -> memref<1x128xi32, #tpu.memory_space<vmem>>
      %dma_start3A_147 = tpu.memref_squeeze %dma_start3A_146 : memref<1x128xi32, #tpu.memory_space<vmem>> -> memref<128xi32, #tpu.memory_space<vmem>>
      %dma_start3A_148 = arith.constant 0 : i32
      %dma_start3A_149 = tpu.memref_slice %arg17[%dma_start3A_148] : memref<524288xf32, #tpu.memory_space<vmem_shared>> -> memref<524288xf32, #tpu.memory_space<vmem_shared>>
      tpu.enqueue_indirect_dma source(%arg15 : memref<128xf32, #tpu.memory_space<vmem>>) target(%dma_start3A_149 : memref<524288xf32, #tpu.memory_space<vmem_shared>>) offsets(%dma_start3A_147 : memref<128xi32, #tpu.memory_space<vmem>>) semaphore(%arg20 : memref<!tpu.dma_semaphore, #tpu.memory_space<semaphore_mem>>) {add = true}
      %scan3A_150 = arith.constant 0 : i32
      %scan3A_151 = arith.constant 8 : i32
      %scan3A_152 = arith.addi %scan3A_150, %scan3A_151 : i32
      %scan3A_153 = arith.constant 1 : i32
      scf.for %scan3A_345 = %scan3A_150 to %scan3A_152 step %scan3A_153  : i32 {
        %mul3A_346 = arith.constant 1 : i32
        %mul3A_347 = arith.muli %scan3A_345, %mul3A_346 : i32
        %add3A_348 = arith.constant 0 : i32
        %add3A_349 = arith.addi %add3A_348, %mul3A_347 : i32
        %add3A_350 = arith.constant 56 : i32
        %add3A_351 = arith.addi %add3A_350, %add3A_349 : i32
        %mul3A_352 = arith.constant 16 : i32
        %mul3A_353 = arith.muli %add3A_351, %mul3A_352 : i32
        %get3A = arith.index_cast %mul3A_353 : i32 to index
        %get3A_354 = tpu.vector_load %arg12[%get3A] {strides = array<i32>} : memref<2048xi32, #tpu.memory_space<vmem>>, vector<16xi32>,
        %mul3A_355 = arith.constant 16 : i32
        %mul3A_356 = arith.muli %add3A_351, %mul3A_355 : i32
        %get3A_357 = arith.index_cast %mul3A_356 : i32 to index
        %get3A_358 = tpu.vector_load %arg13[%get3A_357] {strides = array<i32>} : memref<2048xi32, #tpu.memory_space<vmem>>, vector<16xi32>,
        %gather3A = tpu.vector_load_idx %arg7[%get3A_354] : memref<4096xi32, #tpu.memory_space<vmem>>[vector<16xi32>], vector<16xi32>,
        %gather3A_359 = tpu.vector_load_idx %arg9[%gather3A] : memref<512xi32, #tpu.memory_space<vmem>>[vector<16xi32>], vector<16xi32>,
        %sub3A = arith.subi %get3A_354, %gather3A_359 : vector<16xi32>
        %sub3A_360 = arith.subi %get3A_358, %gather3A_359 : vector<16xi32>
        %lt3A = arith.constant 28 : i32
        %lt3A_361 = vector.broadcast %lt3A : i32 to vector<16xi32>
        %lt3A_362 = arith.cmpi slt, %sub3A, %lt3A_361 : vector<16xi32>
        %ge3A = arith.constant 0 : i32
        %ge3A_363 = vector.broadcast %ge3A : i32 to vector<16xi32>
        %ge3A_364 = arith.cmpi sge, %sub3A_360, %ge3A_363 : vector<16xi32>
        %and3A = arith.andi %lt3A_362, %ge3A_364 : vector<16xi1>
        %lt3A_365 = arith.constant 28 : i32
        %lt3A_366 = vector.broadcast %lt3A_365 : i32 to vector<16xi32>
        %lt3A_367 = arith.cmpi slt, %sub3A_360, %lt3A_366 : vector<16xi32>
        %and3A_368 = arith.andi %and3A, %lt3A_367 : vector<16xi1>
        %mul3A_369 = arith.constant 1024 : i32
        %mul3A_370 = vector.broadcast %mul3A_369 : i32 to vector<16xi32>
        %mul3A_371 = arith.muli %gather3A, %mul3A_370 : vector<16xi32>
        %mul3A_372 = arith.constant 28 : i32
        %mul3A_373 = vector.broadcast %mul3A_372 : i32 to vector<16xi32>
        %mul3A_374 = arith.muli %sub3A, %mul3A_373 : vector<16xi32>
        %add3A_375 = arith.addi %mul3A_371, %mul3A_374 : vector<16xi32>
        %add3A_376 = arith.addi %add3A_375, %sub3A_360 : vector<16xi32>
        %and3A_377 = arith.constant 511 : i32
        %and3A_378 = vector.broadcast %and3A_377 : i32 to vector<16xi32>
        %and3A_379 = arith.andi %get3A_354, %and3A_378 : vector<16xi32>
        %mul3A_380 = arith.constant 1024 : i32
        %mul3A_381 = vector.broadcast %mul3A_380 : i32 to vector<16xi32>
        %mul3A_382 = arith.muli %and3A_379, %mul3A_381 : vector<16xi32>
        %add3A_383 = arith.constant 784 : i32
        %add3A_384 = vector.broadcast %add3A_383 : i32 to vector<16xi32>
        %add3A_385 = arith.addi %mul3A_382, %add3A_384 : vector<16xi32>
        %and3A_386 = arith.constant 127 : i32
        %and3A_387 = vector.broadcast %and3A_386 : i32 to vector<16xi32>
        %and3A_388 = arith.andi %get3A_358, %and3A_387 : vector<16xi32>
        %add3A_389 = arith.addi %add3A_385, %and3A_388 : vector<16xi32>
        %select_n3A = arith.select %and3A_368, %add3A_376, %add3A_389 : vector<16xi1>, vector<16xi32>
        %mul3A_390 = arith.constant 16 : i32
        %mul3A_391 = arith.muli %add3A_349, %mul3A_390 : i32
        %swap3A = arith.constant 7 : i32
        %swap3A_392 = arith.index_cast %swap3A : i32 to index
        %swap3A_393 = arith.index_cast %mul3A_391 : i32 to index
        %swap3A_394 = tpu.vector_load %arg14[%swap3A_392, %swap3A_393] {strides = array<i32>} : memref<16x128xi32, #tpu.memory_space<vmem>>, vector<16xi32>,
        tpu.vector_store %arg14[%swap3A_392, %swap3A_393], %select_n3A {strides = array<i32>} : memref<16x128xi32, #tpu.memory_space<vmem>>, vector<16xi32>,
      }
      %scan3A_154 = arith.constant 8 : i32
      %dma_start3A_155 = arith.constant 7 : i32
      %dma_start3A_156 = arith.constant 0 : i32
      %dma_start3A_157 = tpu.memref_slice %arg14[%dma_start3A_155, %dma_start3A_156] : memref<16x128xi32, #tpu.memory_space<vmem>> -> memref<1x128xi32, #tpu.memory_space<vmem>>
      %dma_start3A_158 = tpu.memref_squeeze %dma_start3A_157 : memref<1x128xi32, #tpu.memory_space<vmem>> -> memref<128xi32, #tpu.memory_space<vmem>>
      %dma_start3A_159 = arith.constant 0 : i32
      %dma_start3A_160 = tpu.memref_slice %arg17[%dma_start3A_159] : memref<524288xf32, #tpu.memory_space<vmem_shared>> -> memref<524288xf32, #tpu.memory_space<vmem_shared>>
      tpu.enqueue_indirect_dma source(%arg15 : memref<128xf32, #tpu.memory_space<vmem>>) target(%dma_start3A_160 : memref<524288xf32, #tpu.memory_space<vmem_shared>>) offsets(%dma_start3A_158 : memref<128xi32, #tpu.memory_space<vmem>>) semaphore(%arg20 : memref<!tpu.dma_semaphore, #tpu.memory_space<semaphore_mem>>) {add = true}
      %scan3A_161 = arith.constant 0 : i32
      %scan3A_162 = arith.constant 8 : i32
      %scan3A_163 = arith.addi %scan3A_161, %scan3A_162 : i32
      %scan3A_164 = arith.constant 1 : i32
      scf.for %scan3A_345 = %scan3A_161 to %scan3A_163 step %scan3A_164  : i32 {
        %mul3A_346 = arith.constant 1 : i32
        %mul3A_347 = arith.muli %scan3A_345, %mul3A_346 : i32
        %add3A_348 = arith.constant 0 : i32
        %add3A_349 = arith.addi %add3A_348, %mul3A_347 : i32
        %add3A_350 = arith.constant 64 : i32
        %add3A_351 = arith.addi %add3A_350, %add3A_349 : i32
        %mul3A_352 = arith.constant 16 : i32
        %mul3A_353 = arith.muli %add3A_351, %mul3A_352 : i32
        %get3A = arith.index_cast %mul3A_353 : i32 to index
        %get3A_354 = tpu.vector_load %arg12[%get3A] {strides = array<i32>} : memref<2048xi32, #tpu.memory_space<vmem>>, vector<16xi32>,
        %mul3A_355 = arith.constant 16 : i32
        %mul3A_356 = arith.muli %add3A_351, %mul3A_355 : i32
        %get3A_357 = arith.index_cast %mul3A_356 : i32 to index
        %get3A_358 = tpu.vector_load %arg13[%get3A_357] {strides = array<i32>} : memref<2048xi32, #tpu.memory_space<vmem>>, vector<16xi32>,
        %gather3A = tpu.vector_load_idx %arg7[%get3A_354] : memref<4096xi32, #tpu.memory_space<vmem>>[vector<16xi32>], vector<16xi32>,
        %gather3A_359 = tpu.vector_load_idx %arg9[%gather3A] : memref<512xi32, #tpu.memory_space<vmem>>[vector<16xi32>], vector<16xi32>,
        %sub3A = arith.subi %get3A_354, %gather3A_359 : vector<16xi32>
        %sub3A_360 = arith.subi %get3A_358, %gather3A_359 : vector<16xi32>
        %lt3A = arith.constant 28 : i32
        %lt3A_361 = vector.broadcast %lt3A : i32 to vector<16xi32>
        %lt3A_362 = arith.cmpi slt, %sub3A, %lt3A_361 : vector<16xi32>
        %ge3A = arith.constant 0 : i32
        %ge3A_363 = vector.broadcast %ge3A : i32 to vector<16xi32>
        %ge3A_364 = arith.cmpi sge, %sub3A_360, %ge3A_363 : vector<16xi32>
        %and3A = arith.andi %lt3A_362, %ge3A_364 : vector<16xi1>
        %lt3A_365 = arith.constant 28 : i32
        %lt3A_366 = vector.broadcast %lt3A_365 : i32 to vector<16xi32>
        %lt3A_367 = arith.cmpi slt, %sub3A_360, %lt3A_366 : vector<16xi32>
        %and3A_368 = arith.andi %and3A, %lt3A_367 : vector<16xi1>
        %mul3A_369 = arith.constant 1024 : i32
        %mul3A_370 = vector.broadcast %mul3A_369 : i32 to vector<16xi32>
        %mul3A_371 = arith.muli %gather3A, %mul3A_370 : vector<16xi32>
        %mul3A_372 = arith.constant 28 : i32
        %mul3A_373 = vector.broadcast %mul3A_372 : i32 to vector<16xi32>
        %mul3A_374 = arith.muli %sub3A, %mul3A_373 : vector<16xi32>
        %add3A_375 = arith.addi %mul3A_371, %mul3A_374 : vector<16xi32>
        %add3A_376 = arith.addi %add3A_375, %sub3A_360 : vector<16xi32>
        %and3A_377 = arith.constant 511 : i32
        %and3A_378 = vector.broadcast %and3A_377 : i32 to vector<16xi32>
        %and3A_379 = arith.andi %get3A_354, %and3A_378 : vector<16xi32>
        %mul3A_380 = arith.constant 1024 : i32
        %mul3A_381 = vector.broadcast %mul3A_380 : i32 to vector<16xi32>
        %mul3A_382 = arith.muli %and3A_379, %mul3A_381 : vector<16xi32>
        %add3A_383 = arith.constant 784 : i32
        %add3A_384 = vector.broadcast %add3A_383 : i32 to vector<16xi32>
        %add3A_385 = arith.addi %mul3A_382, %add3A_384 : vector<16xi32>
        %and3A_386 = arith.constant 127 : i32
        %and3A_387 = vector.broadcast %and3A_386 : i32 to vector<16xi32>
        %and3A_388 = arith.andi %get3A_358, %and3A_387 : vector<16xi32>
        %add3A_389 = arith.addi %add3A_385, %and3A_388 : vector<16xi32>
        %select_n3A = arith.select %and3A_368, %add3A_376, %add3A_389 : vector<16xi1>, vector<16xi32>
        %mul3A_390 = arith.constant 16 : i32
        %mul3A_391 = arith.muli %add3A_349, %mul3A_390 : i32
        %swap3A = arith.constant 8 : i32
        %swap3A_392 = arith.index_cast %swap3A : i32 to index
        %swap3A_393 = arith.index_cast %mul3A_391 : i32 to index
        %swap3A_394 = tpu.vector_load %arg14[%swap3A_392, %swap3A_393] {strides = array<i32>} : memref<16x128xi32, #tpu.memory_space<vmem>>, vector<16xi32>,
        tpu.vector_store %arg14[%swap3A_392, %swap3A_393], %select_n3A {strides = array<i32>} : memref<16x128xi32, #tpu.memory_space<vmem>>, vector<16xi32>,
      }
      %scan3A_165 = arith.constant 8 : i32
      %dma_start3A_166 = arith.constant 8 : i32
      %dma_start3A_167 = arith.constant 0 : i32
      %dma_start3A_168 = tpu.memref_slice %arg14[%dma_start3A_166, %dma_start3A_167] : memref<16x128xi32, #tpu.memory_space<vmem>> -> memref<1x128xi32, #tpu.memory_space<vmem>>
      %dma_start3A_169 = tpu.memref_squeeze %dma_start3A_168 : memref<1x128xi32, #tpu.memory_space<vmem>> -> memref<128xi32, #tpu.memory_space<vmem>>
      %dma_start3A_170 = arith.constant 0 : i32
      %dma_start3A_171 = tpu.memref_slice %arg17[%dma_start3A_170] : memref<524288xf32, #tpu.memory_space<vmem_shared>> -> memref<524288xf32, #tpu.memory_space<vmem_shared>>
      tpu.enqueue_indirect_dma source(%arg15 : memref<128xf32, #tpu.memory_space<vmem>>) target(%dma_start3A_171 : memref<524288xf32, #tpu.memory_space<vmem_shared>>) offsets(%dma_start3A_169 : memref<128xi32, #tpu.memory_space<vmem>>) semaphore(%arg20 : memref<!tpu.dma_semaphore, #tpu.memory_space<semaphore_mem>>) {add = true}
      %scan3A_172 = arith.constant 0 : i32
      %scan3A_173 = arith.constant 8 : i32
      %scan3A_174 = arith.addi %scan3A_172, %scan3A_173 : i32
      %scan3A_175 = arith.constant 1 : i32
      scf.for %scan3A_345 = %scan3A_172 to %scan3A_174 step %scan3A_175  : i32 {
        %mul3A_346 = arith.constant 1 : i32
        %mul3A_347 = arith.muli %scan3A_345, %mul3A_346 : i32
        %add3A_348 = arith.constant 0 : i32
        %add3A_349 = arith.addi %add3A_348, %mul3A_347 : i32
        %add3A_350 = arith.constant 72 : i32
        %add3A_351 = arith.addi %add3A_350, %add3A_349 : i32
        %mul3A_352 = arith.constant 16 : i32
        %mul3A_353 = arith.muli %add3A_351, %mul3A_352 : i32
        %get3A = arith.index_cast %mul3A_353 : i32 to index
        %get3A_354 = tpu.vector_load %arg12[%get3A] {strides = array<i32>} : memref<2048xi32, #tpu.memory_space<vmem>>, vector<16xi32>,
        %mul3A_355 = arith.constant 16 : i32
        %mul3A_356 = arith.muli %add3A_351, %mul3A_355 : i32
        %get3A_357 = arith.index_cast %mul3A_356 : i32 to index
        %get3A_358 = tpu.vector_load %arg13[%get3A_357] {strides = array<i32>} : memref<2048xi32, #tpu.memory_space<vmem>>, vector<16xi32>,
        %gather3A = tpu.vector_load_idx %arg7[%get3A_354] : memref<4096xi32, #tpu.memory_space<vmem>>[vector<16xi32>], vector<16xi32>,
        %gather3A_359 = tpu.vector_load_idx %arg9[%gather3A] : memref<512xi32, #tpu.memory_space<vmem>>[vector<16xi32>], vector<16xi32>,
        %sub3A = arith.subi %get3A_354, %gather3A_359 : vector<16xi32>
        %sub3A_360 = arith.subi %get3A_358, %gather3A_359 : vector<16xi32>
        %lt3A = arith.constant 28 : i32
        %lt3A_361 = vector.broadcast %lt3A : i32 to vector<16xi32>
        %lt3A_362 = arith.cmpi slt, %sub3A, %lt3A_361 : vector<16xi32>
        %ge3A = arith.constant 0 : i32
        %ge3A_363 = vector.broadcast %ge3A : i32 to vector<16xi32>
        %ge3A_364 = arith.cmpi sge, %sub3A_360, %ge3A_363 : vector<16xi32>
        %and3A = arith.andi %lt3A_362, %ge3A_364 : vector<16xi1>
        %lt3A_365 = arith.constant 28 : i32
        %lt3A_366 = vector.broadcast %lt3A_365 : i32 to vector<16xi32>
        %lt3A_367 = arith.cmpi slt, %sub3A_360, %lt3A_366 : vector<16xi32>
        %and3A_368 = arith.andi %and3A, %lt3A_367 : vector<16xi1>
        %mul3A_369 = arith.constant 1024 : i32
        %mul3A_370 = vector.broadcast %mul3A_369 : i32 to vector<16xi32>
        %mul3A_371 = arith.muli %gather3A, %mul3A_370 : vector<16xi32>
        %mul3A_372 = arith.constant 28 : i32
        %mul3A_373 = vector.broadcast %mul3A_372 : i32 to vector<16xi32>
        %mul3A_374 = arith.muli %sub3A, %mul3A_373 : vector<16xi32>
        %add3A_375 = arith.addi %mul3A_371, %mul3A_374 : vector<16xi32>
        %add3A_376 = arith.addi %add3A_375, %sub3A_360 : vector<16xi32>
        %and3A_377 = arith.constant 511 : i32
        %and3A_378 = vector.broadcast %and3A_377 : i32 to vector<16xi32>
        %and3A_379 = arith.andi %get3A_354, %and3A_378 : vector<16xi32>
        %mul3A_380 = arith.constant 1024 : i32
        %mul3A_381 = vector.broadcast %mul3A_380 : i32 to vector<16xi32>
        %mul3A_382 = arith.muli %and3A_379, %mul3A_381 : vector<16xi32>
        %add3A_383 = arith.constant 784 : i32
        %add3A_384 = vector.broadcast %add3A_383 : i32 to vector<16xi32>
        %add3A_385 = arith.addi %mul3A_382, %add3A_384 : vector<16xi32>
        %and3A_386 = arith.constant 127 : i32
        %and3A_387 = vector.broadcast %and3A_386 : i32 to vector<16xi32>
        %and3A_388 = arith.andi %get3A_358, %and3A_387 : vector<16xi32>
        %add3A_389 = arith.addi %add3A_385, %and3A_388 : vector<16xi32>
        %select_n3A = arith.select %and3A_368, %add3A_376, %add3A_389 : vector<16xi1>, vector<16xi32>
        %mul3A_390 = arith.constant 16 : i32
        %mul3A_391 = arith.muli %add3A_349, %mul3A_390 : i32
        %swap3A = arith.constant 9 : i32
        %swap3A_392 = arith.index_cast %swap3A : i32 to index
        %swap3A_393 = arith.index_cast %mul3A_391 : i32 to index
        %swap3A_394 = tpu.vector_load %arg14[%swap3A_392, %swap3A_393] {strides = array<i32>} : memref<16x128xi32, #tpu.memory_space<vmem>>, vector<16xi32>,
        tpu.vector_store %arg14[%swap3A_392, %swap3A_393], %select_n3A {strides = array<i32>} : memref<16x128xi32, #tpu.memory_space<vmem>>, vector<16xi32>,
      }
      %scan3A_176 = arith.constant 8 : i32
      %dma_start3A_177 = arith.constant 9 : i32
      %dma_start3A_178 = arith.constant 0 : i32
      %dma_start3A_179 = tpu.memref_slice %arg14[%dma_start3A_177, %dma_start3A_178] : memref<16x128xi32, #tpu.memory_space<vmem>> -> memref<1x128xi32, #tpu.memory_space<vmem>>
      %dma_start3A_180 = tpu.memref_squeeze %dma_start3A_179 : memref<1x128xi32, #tpu.memory_space<vmem>> -> memref<128xi32, #tpu.memory_space<vmem>>
      %dma_start3A_181 = arith.constant 0 : i32
      %dma_start3A_182 = tpu.memref_slice %arg17[%dma_start3A_181] : memref<524288xf32, #tpu.memory_space<vmem_shared>> -> memref<524288xf32, #tpu.memory_space<vmem_shared>>
      tpu.enqueue_indirect_dma source(%arg15 : memref<128xf32, #tpu.memory_space<vmem>>) target(%dma_start3A_182 : memref<524288xf32, #tpu.memory_space<vmem_shared>>) offsets(%dma_start3A_180 : memref<128xi32, #tpu.memory_space<vmem>>) semaphore(%arg20 : memref<!tpu.dma_semaphore, #tpu.memory_space<semaphore_mem>>) {add = true}
      %scan3A_183 = arith.constant 0 : i32
      %scan3A_184 = arith.constant 8 : i32
      %scan3A_185 = arith.addi %scan3A_183, %scan3A_184 : i32
      %scan3A_186 = arith.constant 1 : i32
      scf.for %scan3A_345 = %scan3A_183 to %scan3A_185 step %scan3A_186  : i32 {
        %mul3A_346 = arith.constant 1 : i32
        %mul3A_347 = arith.muli %scan3A_345, %mul3A_346 : i32
        %add3A_348 = arith.constant 0 : i32
        %add3A_349 = arith.addi %add3A_348, %mul3A_347 : i32
        %add3A_350 = arith.constant 80 : i32
        %add3A_351 = arith.addi %add3A_350, %add3A_349 : i32
        %mul3A_352 = arith.constant 16 : i32
        %mul3A_353 = arith.muli %add3A_351, %mul3A_352 : i32
        %get3A = arith.index_cast %mul3A_353 : i32 to index
        %get3A_354 = tpu.vector_load %arg12[%get3A] {strides = array<i32>} : memref<2048xi32, #tpu.memory_space<vmem>>, vector<16xi32>,
        %mul3A_355 = arith.constant 16 : i32
        %mul3A_356 = arith.muli %add3A_351, %mul3A_355 : i32
        %get3A_357 = arith.index_cast %mul3A_356 : i32 to index
        %get3A_358 = tpu.vector_load %arg13[%get3A_357] {strides = array<i32>} : memref<2048xi32, #tpu.memory_space<vmem>>, vector<16xi32>,
        %gather3A = tpu.vector_load_idx %arg7[%get3A_354] : memref<4096xi32, #tpu.memory_space<vmem>>[vector<16xi32>], vector<16xi32>,
        %gather3A_359 = tpu.vector_load_idx %arg9[%gather3A] : memref<512xi32, #tpu.memory_space<vmem>>[vector<16xi32>], vector<16xi32>,
        %sub3A = arith.subi %get3A_354, %gather3A_359 : vector<16xi32>
        %sub3A_360 = arith.subi %get3A_358, %gather3A_359 : vector<16xi32>
        %lt3A = arith.constant 28 : i32
        %lt3A_361 = vector.broadcast %lt3A : i32 to vector<16xi32>
        %lt3A_362 = arith.cmpi slt, %sub3A, %lt3A_361 : vector<16xi32>
        %ge3A = arith.constant 0 : i32
        %ge3A_363 = vector.broadcast %ge3A : i32 to vector<16xi32>
        %ge3A_364 = arith.cmpi sge, %sub3A_360, %ge3A_363 : vector<16xi32>
        %and3A = arith.andi %lt3A_362, %ge3A_364 : vector<16xi1>
        %lt3A_365 = arith.constant 28 : i32
        %lt3A_366 = vector.broadcast %lt3A_365 : i32 to vector<16xi32>
        %lt3A_367 = arith.cmpi slt, %sub3A_360, %lt3A_366 : vector<16xi32>
        %and3A_368 = arith.andi %and3A, %lt3A_367 : vector<16xi1>
        %mul3A_369 = arith.constant 1024 : i32
        %mul3A_370 = vector.broadcast %mul3A_369 : i32 to vector<16xi32>
        %mul3A_371 = arith.muli %gather3A, %mul3A_370 : vector<16xi32>
        %mul3A_372 = arith.constant 28 : i32
        %mul3A_373 = vector.broadcast %mul3A_372 : i32 to vector<16xi32>
        %mul3A_374 = arith.muli %sub3A, %mul3A_373 : vector<16xi32>
        %add3A_375 = arith.addi %mul3A_371, %mul3A_374 : vector<16xi32>
        %add3A_376 = arith.addi %add3A_375, %sub3A_360 : vector<16xi32>
        %and3A_377 = arith.constant 511 : i32
        %and3A_378 = vector.broadcast %and3A_377 : i32 to vector<16xi32>
        %and3A_379 = arith.andi %get3A_354, %and3A_378 : vector<16xi32>
        %mul3A_380 = arith.constant 1024 : i32
        %mul3A_381 = vector.broadcast %mul3A_380 : i32 to vector<16xi32>
        %mul3A_382 = arith.muli %and3A_379, %mul3A_381 : vector<16xi32>
        %add3A_383 = arith.constant 784 : i32
        %add3A_384 = vector.broadcast %add3A_383 : i32 to vector<16xi32>
        %add3A_385 = arith.addi %mul3A_382, %add3A_384 : vector<16xi32>
        %and3A_386 = arith.constant 127 : i32
        %and3A_387 = vector.broadcast %and3A_386 : i32 to vector<16xi32>
        %and3A_388 = arith.andi %get3A_358, %and3A_387 : vector<16xi32>
        %add3A_389 = arith.addi %add3A_385, %and3A_388 : vector<16xi32>
        %select_n3A = arith.select %and3A_368, %add3A_376, %add3A_389 : vector<16xi1>, vector<16xi32>
        %mul3A_390 = arith.constant 16 : i32
        %mul3A_391 = arith.muli %add3A_349, %mul3A_390 : i32
        %swap3A = arith.constant 10 : i32
        %swap3A_392 = arith.index_cast %swap3A : i32 to index
        %swap3A_393 = arith.index_cast %mul3A_391 : i32 to index
        %swap3A_394 = tpu.vector_load %arg14[%swap3A_392, %swap3A_393] {strides = array<i32>} : memref<16x128xi32, #tpu.memory_space<vmem>>, vector<16xi32>,
        tpu.vector_store %arg14[%swap3A_392, %swap3A_393], %select_n3A {strides = array<i32>} : memref<16x128xi32, #tpu.memory_space<vmem>>, vector<16xi32>,
      }
      %scan3A_187 = arith.constant 8 : i32
      %dma_start3A_188 = arith.constant 10 : i32
      %dma_start3A_189 = arith.constant 0 : i32
      %dma_start3A_190 = tpu.memref_slice %arg14[%dma_start3A_188, %dma_start3A_189] : memref<16x128xi32, #tpu.memory_space<vmem>> -> memref<1x128xi32, #tpu.memory_space<vmem>>
      %dma_start3A_191 = tpu.memref_squeeze %dma_start3A_190 : memref<1x128xi32, #tpu.memory_space<vmem>> -> memref<128xi32, #tpu.memory_space<vmem>>
      %dma_start3A_192 = arith.constant 0 : i32
      %dma_start3A_193 = tpu.memref_slice %arg17[%dma_start3A_192] : memref<524288xf32, #tpu.memory_space<vmem_shared>> -> memref<524288xf32, #tpu.memory_space<vmem_shared>>
      tpu.enqueue_indirect_dma source(%arg15 : memref<128xf32, #tpu.memory_space<vmem>>) target(%dma_start3A_193 : memref<524288xf32, #tpu.memory_space<vmem_shared>>) offsets(%dma_start3A_191 : memref<128xi32, #tpu.memory_space<vmem>>) semaphore(%arg20 : memref<!tpu.dma_semaphore, #tpu.memory_space<semaphore_mem>>) {add = true}
      %scan3A_194 = arith.constant 0 : i32
      %scan3A_195 = arith.constant 8 : i32
      %scan3A_196 = arith.addi %scan3A_194, %scan3A_195 : i32
      %scan3A_197 = arith.constant 1 : i32
      scf.for %scan3A_345 = %scan3A_194 to %scan3A_196 step %scan3A_197  : i32 {
        %mul3A_346 = arith.constant 1 : i32
        %mul3A_347 = arith.muli %scan3A_345, %mul3A_346 : i32
        %add3A_348 = arith.constant 0 : i32
        %add3A_349 = arith.addi %add3A_348, %mul3A_347 : i32
        %add3A_350 = arith.constant 88 : i32
        %add3A_351 = arith.addi %add3A_350, %add3A_349 : i32
        %mul3A_352 = arith.constant 16 : i32
        %mul3A_353 = arith.muli %add3A_351, %mul3A_352 : i32
        %get3A = arith.index_cast %mul3A_353 : i32 to index
        %get3A_354 = tpu.vector_load %arg12[%get3A] {strides = array<i32>} : memref<2048xi32, #tpu.memory_space<vmem>>, vector<16xi32>,
        %mul3A_355 = arith.constant 16 : i32
        %mul3A_356 = arith.muli %add3A_351, %mul3A_355 : i32
        %get3A_357 = arith.index_cast %mul3A_356 : i32 to index
        %get3A_358 = tpu.vector_load %arg13[%get3A_357] {strides = array<i32>} : memref<2048xi32, #tpu.memory_space<vmem>>, vector<16xi32>,
        %gather3A = tpu.vector_load_idx %arg7[%get3A_354] : memref<4096xi32, #tpu.memory_space<vmem>>[vector<16xi32>], vector<16xi32>,
        %gather3A_359 = tpu.vector_load_idx %arg9[%gather3A] : memref<512xi32, #tpu.memory_space<vmem>>[vector<16xi32>], vector<16xi32>,
        %sub3A = arith.subi %get3A_354, %gather3A_359 : vector<16xi32>
        %sub3A_360 = arith.subi %get3A_358, %gather3A_359 : vector<16xi32>
        %lt3A = arith.constant 28 : i32
        %lt3A_361 = vector.broadcast %lt3A : i32 to vector<16xi32>
        %lt3A_362 = arith.cmpi slt, %sub3A, %lt3A_361 : vector<16xi32>
        %ge3A = arith.constant 0 : i32
        %ge3A_363 = vector.broadcast %ge3A : i32 to vector<16xi32>
        %ge3A_364 = arith.cmpi sge, %sub3A_360, %ge3A_363 : vector<16xi32>
        %and3A = arith.andi %lt3A_362, %ge3A_364 : vector<16xi1>
        %lt3A_365 = arith.constant 28 : i32
        %lt3A_366 = vector.broadcast %lt3A_365 : i32 to vector<16xi32>
        %lt3A_367 = arith.cmpi slt, %sub3A_360, %lt3A_366 : vector<16xi32>
        %and3A_368 = arith.andi %and3A, %lt3A_367 : vector<16xi1>
        %mul3A_369 = arith.constant 1024 : i32
        %mul3A_370 = vector.broadcast %mul3A_369 : i32 to vector<16xi32>
        %mul3A_371 = arith.muli %gather3A, %mul3A_370 : vector<16xi32>
        %mul3A_372 = arith.constant 28 : i32
        %mul3A_373 = vector.broadcast %mul3A_372 : i32 to vector<16xi32>
        %mul3A_374 = arith.muli %sub3A, %mul3A_373 : vector<16xi32>
        %add3A_375 = arith.addi %mul3A_371, %mul3A_374 : vector<16xi32>
        %add3A_376 = arith.addi %add3A_375, %sub3A_360 : vector<16xi32>
        %and3A_377 = arith.constant 511 : i32
        %and3A_378 = vector.broadcast %and3A_377 : i32 to vector<16xi32>
        %and3A_379 = arith.andi %get3A_354, %and3A_378 : vector<16xi32>
        %mul3A_380 = arith.constant 1024 : i32
        %mul3A_381 = vector.broadcast %mul3A_380 : i32 to vector<16xi32>
        %mul3A_382 = arith.muli %and3A_379, %mul3A_381 : vector<16xi32>
        %add3A_383 = arith.constant 784 : i32
        %add3A_384 = vector.broadcast %add3A_383 : i32 to vector<16xi32>
        %add3A_385 = arith.addi %mul3A_382, %add3A_384 : vector<16xi32>
        %and3A_386 = arith.constant 127 : i32
        %and3A_387 = vector.broadcast %and3A_386 : i32 to vector<16xi32>
        %and3A_388 = arith.andi %get3A_358, %and3A_387 : vector<16xi32>
        %add3A_389 = arith.addi %add3A_385, %and3A_388 : vector<16xi32>
        %select_n3A = arith.select %and3A_368, %add3A_376, %add3A_389 : vector<16xi1>, vector<16xi32>
        %mul3A_390 = arith.constant 16 : i32
        %mul3A_391 = arith.muli %add3A_349, %mul3A_390 : i32
        %swap3A = arith.constant 11 : i32
        %swap3A_392 = arith.index_cast %swap3A : i32 to index
        %swap3A_393 = arith.index_cast %mul3A_391 : i32 to index
        %swap3A_394 = tpu.vector_load %arg14[%swap3A_392, %swap3A_393] {strides = array<i32>} : memref<16x128xi32, #tpu.memory_space<vmem>>, vector<16xi32>,
        tpu.vector_store %arg14[%swap3A_392, %swap3A_393], %select_n3A {strides = array<i32>} : memref<16x128xi32, #tpu.memory_space<vmem>>, vector<16xi32>,
      }
      %scan3A_198 = arith.constant 8 : i32
      %dma_start3A_199 = arith.constant 11 : i32
      %dma_start3A_200 = arith.constant 0 : i32
      %dma_start3A_201 = tpu.memref_slice %arg14[%dma_start3A_199, %dma_start3A_200] : memref<16x128xi32, #tpu.memory_space<vmem>> -> memref<1x128xi32, #tpu.memory_space<vmem>>
      %dma_start3A_202 = tpu.memref_squeeze %dma_start3A_201 : memref<1x128xi32, #tpu.memory_space<vmem>> -> memref<128xi32, #tpu.memory_space<vmem>>
      %dma_start3A_203 = arith.constant 0 : i32
      %dma_start3A_204 = tpu.memref_slice %arg17[%dma_start3A_203] : memref<524288xf32, #tpu.memory_space<vmem_shared>> -> memref<524288xf32, #tpu.memory_space<vmem_shared>>
      tpu.enqueue_indirect_dma source(%arg15 : memref<128xf32, #tpu.memory_space<vmem>>) target(%dma_start3A_204 : memref<524288xf32, #tpu.memory_space<vmem_shared>>) offsets(%dma_start3A_202 : memref<128xi32, #tpu.memory_space<vmem>>) semaphore(%arg20 : memref<!tpu.dma_semaphore, #tpu.memory_space<semaphore_mem>>) {add = true}
      %scan3A_205 = arith.constant 0 : i32
      %scan3A_206 = arith.constant 8 : i32
      %scan3A_207 = arith.addi %scan3A_205, %scan3A_206 : i32
      %scan3A_208 = arith.constant 1 : i32
      scf.for %scan3A_345 = %scan3A_205 to %scan3A_207 step %scan3A_208  : i32 {
        %mul3A_346 = arith.constant 1 : i32
        %mul3A_347 = arith.muli %scan3A_345, %mul3A_346 : i32
        %add3A_348 = arith.constant 0 : i32
        %add3A_349 = arith.addi %add3A_348, %mul3A_347 : i32
        %add3A_350 = arith.constant 96 : i32
        %add3A_351 = arith.addi %add3A_350, %add3A_349 : i32
        %mul3A_352 = arith.constant 16 : i32
        %mul3A_353 = arith.muli %add3A_351, %mul3A_352 : i32
        %get3A = arith.index_cast %mul3A_353 : i32 to index
        %get3A_354 = tpu.vector_load %arg12[%get3A] {strides = array<i32>} : memref<2048xi32, #tpu.memory_space<vmem>>, vector<16xi32>,
        %mul3A_355 = arith.constant 16 : i32
        %mul3A_356 = arith.muli %add3A_351, %mul3A_355 : i32
        %get3A_357 = arith.index_cast %mul3A_356 : i32 to index
        %get3A_358 = tpu.vector_load %arg13[%get3A_357] {strides = array<i32>} : memref<2048xi32, #tpu.memory_space<vmem>>, vector<16xi32>,
        %gather3A = tpu.vector_load_idx %arg7[%get3A_354] : memref<4096xi32, #tpu.memory_space<vmem>>[vector<16xi32>], vector<16xi32>,
        %gather3A_359 = tpu.vector_load_idx %arg9[%gather3A] : memref<512xi32, #tpu.memory_space<vmem>>[vector<16xi32>], vector<16xi32>,
        %sub3A = arith.subi %get3A_354, %gather3A_359 : vector<16xi32>
        %sub3A_360 = arith.subi %get3A_358, %gather3A_359 : vector<16xi32>
        %lt3A = arith.constant 28 : i32
        %lt3A_361 = vector.broadcast %lt3A : i32 to vector<16xi32>
        %lt3A_362 = arith.cmpi slt, %sub3A, %lt3A_361 : vector<16xi32>
        %ge3A = arith.constant 0 : i32
        %ge3A_363 = vector.broadcast %ge3A : i32 to vector<16xi32>
        %ge3A_364 = arith.cmpi sge, %sub3A_360, %ge3A_363 : vector<16xi32>
        %and3A = arith.andi %lt3A_362, %ge3A_364 : vector<16xi1>
        %lt3A_365 = arith.constant 28 : i32
        %lt3A_366 = vector.broadcast %lt3A_365 : i32 to vector<16xi32>
        %lt3A_367 = arith.cmpi slt, %sub3A_360, %lt3A_366 : vector<16xi32>
        %and3A_368 = arith.andi %and3A, %lt3A_367 : vector<16xi1>
        %mul3A_369 = arith.constant 1024 : i32
        %mul3A_370 = vector.broadcast %mul3A_369 : i32 to vector<16xi32>
        %mul3A_371 = arith.muli %gather3A, %mul3A_370 : vector<16xi32>
        %mul3A_372 = arith.constant 28 : i32
        %mul3A_373 = vector.broadcast %mul3A_372 : i32 to vector<16xi32>
        %mul3A_374 = arith.muli %sub3A, %mul3A_373 : vector<16xi32>
        %add3A_375 = arith.addi %mul3A_371, %mul3A_374 : vector<16xi32>
        %add3A_376 = arith.addi %add3A_375, %sub3A_360 : vector<16xi32>
        %and3A_377 = arith.constant 511 : i32
        %and3A_378 = vector.broadcast %and3A_377 : i32 to vector<16xi32>
        %and3A_379 = arith.andi %get3A_354, %and3A_378 : vector<16xi32>
        %mul3A_380 = arith.constant 1024 : i32
        %mul3A_381 = vector.broadcast %mul3A_380 : i32 to vector<16xi32>
        %mul3A_382 = arith.muli %and3A_379, %mul3A_381 : vector<16xi32>
        %add3A_383 = arith.constant 784 : i32
        %add3A_384 = vector.broadcast %add3A_383 : i32 to vector<16xi32>
        %add3A_385 = arith.addi %mul3A_382, %add3A_384 : vector<16xi32>
        %and3A_386 = arith.constant 127 : i32
        %and3A_387 = vector.broadcast %and3A_386 : i32 to vector<16xi32>
        %and3A_388 = arith.andi %get3A_358, %and3A_387 : vector<16xi32>
        %add3A_389 = arith.addi %add3A_385, %and3A_388 : vector<16xi32>
        %select_n3A = arith.select %and3A_368, %add3A_376, %add3A_389 : vector<16xi1>, vector<16xi32>
        %mul3A_390 = arith.constant 16 : i32
        %mul3A_391 = arith.muli %add3A_349, %mul3A_390 : i32
        %swap3A = arith.constant 12 : i32
        %swap3A_392 = arith.index_cast %swap3A : i32 to index
        %swap3A_393 = arith.index_cast %mul3A_391 : i32 to index
        %swap3A_394 = tpu.vector_load %arg14[%swap3A_392, %swap3A_393] {strides = array<i32>} : memref<16x128xi32, #tpu.memory_space<vmem>>, vector<16xi32>,
        tpu.vector_store %arg14[%swap3A_392, %swap3A_393], %select_n3A {strides = array<i32>} : memref<16x128xi32, #tpu.memory_space<vmem>>, vector<16xi32>,
      }
      %scan3A_209 = arith.constant 8 : i32
      %dma_start3A_210 = arith.constant 12 : i32
      %dma_start3A_211 = arith.constant 0 : i32
      %dma_start3A_212 = tpu.memref_slice %arg14[%dma_start3A_210, %dma_start3A_211] : memref<16x128xi32, #tpu.memory_space<vmem>> -> memref<1x128xi32, #tpu.memory_space<vmem>>
      %dma_start3A_213 = tpu.memref_squeeze %dma_start3A_212 : memref<1x128xi32, #tpu.memory_space<vmem>> -> memref<128xi32, #tpu.memory_space<vmem>>
      %dma_start3A_214 = arith.constant 0 : i32
      %dma_start3A_215 = tpu.memref_slice %arg17[%dma_start3A_214] : memref<524288xf32, #tpu.memory_space<vmem_shared>> -> memref<524288xf32, #tpu.memory_space<vmem_shared>>
      tpu.enqueue_indirect_dma source(%arg15 : memref<128xf32, #tpu.memory_space<vmem>>) target(%dma_start3A_215 : memref<524288xf32, #tpu.memory_space<vmem_shared>>) offsets(%dma_start3A_213 : memref<128xi32, #tpu.memory_space<vmem>>) semaphore(%arg20 : memref<!tpu.dma_semaphore, #tpu.memory_space<semaphore_mem>>) {add = true}
      %scan3A_216 = arith.constant 0 : i32
      %scan3A_217 = arith.constant 8 : i32
      %scan3A_218 = arith.addi %scan3A_216, %scan3A_217 : i32
      %scan3A_219 = arith.constant 1 : i32
      scf.for %scan3A_345 = %scan3A_216 to %scan3A_218 step %scan3A_219  : i32 {
        %mul3A_346 = arith.constant 1 : i32
        %mul3A_347 = arith.muli %scan3A_345, %mul3A_346 : i32
        %add3A_348 = arith.constant 0 : i32
        %add3A_349 = arith.addi %add3A_348, %mul3A_347 : i32
        %add3A_350 = arith.constant 104 : i32
        %add3A_351 = arith.addi %add3A_350, %add3A_349 : i32
        %mul3A_352 = arith.constant 16 : i32
        %mul3A_353 = arith.muli %add3A_351, %mul3A_352 : i32
        %get3A = arith.index_cast %mul3A_353 : i32 to index
        %get3A_354 = tpu.vector_load %arg12[%get3A] {strides = array<i32>} : memref<2048xi32, #tpu.memory_space<vmem>>, vector<16xi32>,
        %mul3A_355 = arith.constant 16 : i32
        %mul3A_356 = arith.muli %add3A_351, %mul3A_355 : i32
        %get3A_357 = arith.index_cast %mul3A_356 : i32 to index
        %get3A_358 = tpu.vector_load %arg13[%get3A_357] {strides = array<i32>} : memref<2048xi32, #tpu.memory_space<vmem>>, vector<16xi32>,
        %gather3A = tpu.vector_load_idx %arg7[%get3A_354] : memref<4096xi32, #tpu.memory_space<vmem>>[vector<16xi32>], vector<16xi32>,
        %gather3A_359 = tpu.vector_load_idx %arg9[%gather3A] : memref<512xi32, #tpu.memory_space<vmem>>[vector<16xi32>], vector<16xi32>,
        %sub3A = arith.subi %get3A_354, %gather3A_359 : vector<16xi32>
        %sub3A_360 = arith.subi %get3A_358, %gather3A_359 : vector<16xi32>
        %lt3A = arith.constant 28 : i32
        %lt3A_361 = vector.broadcast %lt3A : i32 to vector<16xi32>
        %lt3A_362 = arith.cmpi slt, %sub3A, %lt3A_361 : vector<16xi32>
        %ge3A = arith.constant 0 : i32
        %ge3A_363 = vector.broadcast %ge3A : i32 to vector<16xi32>
        %ge3A_364 = arith.cmpi sge, %sub3A_360, %ge3A_363 : vector<16xi32>
        %and3A = arith.andi %lt3A_362, %ge3A_364 : vector<16xi1>
        %lt3A_365 = arith.constant 28 : i32
        %lt3A_366 = vector.broadcast %lt3A_365 : i32 to vector<16xi32>
        %lt3A_367 = arith.cmpi slt, %sub3A_360, %lt3A_366 : vector<16xi32>
        %and3A_368 = arith.andi %and3A, %lt3A_367 : vector<16xi1>
        %mul3A_369 = arith.constant 1024 : i32
        %mul3A_370 = vector.broadcast %mul3A_369 : i32 to vector<16xi32>
        %mul3A_371 = arith.muli %gather3A, %mul3A_370 : vector<16xi32>
        %mul3A_372 = arith.constant 28 : i32
        %mul3A_373 = vector.broadcast %mul3A_372 : i32 to vector<16xi32>
        %mul3A_374 = arith.muli %sub3A, %mul3A_373 : vector<16xi32>
        %add3A_375 = arith.addi %mul3A_371, %mul3A_374 : vector<16xi32>
        %add3A_376 = arith.addi %add3A_375, %sub3A_360 : vector<16xi32>
        %and3A_377 = arith.constant 511 : i32
        %and3A_378 = vector.broadcast %and3A_377 : i32 to vector<16xi32>
        %and3A_379 = arith.andi %get3A_354, %and3A_378 : vector<16xi32>
        %mul3A_380 = arith.constant 1024 : i32
        %mul3A_381 = vector.broadcast %mul3A_380 : i32 to vector<16xi32>
        %mul3A_382 = arith.muli %and3A_379, %mul3A_381 : vector<16xi32>
        %add3A_383 = arith.constant 784 : i32
        %add3A_384 = vector.broadcast %add3A_383 : i32 to vector<16xi32>
        %add3A_385 = arith.addi %mul3A_382, %add3A_384 : vector<16xi32>
        %and3A_386 = arith.constant 127 : i32
        %and3A_387 = vector.broadcast %and3A_386 : i32 to vector<16xi32>
        %and3A_388 = arith.andi %get3A_358, %and3A_387 : vector<16xi32>
        %add3A_389 = arith.addi %add3A_385, %and3A_388 : vector<16xi32>
        %select_n3A = arith.select %and3A_368, %add3A_376, %add3A_389 : vector<16xi1>, vector<16xi32>
        %mul3A_390 = arith.constant 16 : i32
        %mul3A_391 = arith.muli %add3A_349, %mul3A_390 : i32
        %swap3A = arith.constant 13 : i32
        %swap3A_392 = arith.index_cast %swap3A : i32 to index
        %swap3A_393 = arith.index_cast %mul3A_391 : i32 to index
        %swap3A_394 = tpu.vector_load %arg14[%swap3A_392, %swap3A_393] {strides = array<i32>} : memref<16x128xi32, #tpu.memory_space<vmem>>, vector<16xi32>,
        tpu.vector_store %arg14[%swap3A_392, %swap3A_393], %select_n3A {strides = array<i32>} : memref<16x128xi32, #tpu.memory_space<vmem>>, vector<16xi32>,
      }
      %scan3A_220 = arith.constant 8 : i32
      %dma_start3A_221 = arith.constant 13 : i32
      %dma_start3A_222 = arith.constant 0 : i32
      %dma_start3A_223 = tpu.memref_slice %arg14[%dma_start3A_221, %dma_start3A_222] : memref<16x128xi32, #tpu.memory_space<vmem>> -> memref<1x128xi32, #tpu.memory_space<vmem>>
      %dma_start3A_224 = tpu.memref_squeeze %dma_start3A_223 : memref<1x128xi32, #tpu.memory_space<vmem>> -> memref<128xi32, #tpu.memory_space<vmem>>
      %dma_start3A_225 = arith.constant 0 : i32
      %dma_start3A_226 = tpu.memref_slice %arg17[%dma_start3A_225] : memref<524288xf32, #tpu.memory_space<vmem_shared>> -> memref<524288xf32, #tpu.memory_space<vmem_shared>>
      tpu.enqueue_indirect_dma source(%arg15 : memref<128xf32, #tpu.memory_space<vmem>>) target(%dma_start3A_226 : memref<524288xf32, #tpu.memory_space<vmem_shared>>) offsets(%dma_start3A_224 : memref<128xi32, #tpu.memory_space<vmem>>) semaphore(%arg20 : memref<!tpu.dma_semaphore, #tpu.memory_space<semaphore_mem>>) {add = true}
      %scan3A_227 = arith.constant 0 : i32
      %scan3A_228 = arith.constant 8 : i32
      %scan3A_229 = arith.addi %scan3A_227, %scan3A_228 : i32
      %scan3A_230 = arith.constant 1 : i32
      scf.for %scan3A_345 = %scan3A_227 to %scan3A_229 step %scan3A_230  : i32 {
        %mul3A_346 = arith.constant 1 : i32
        %mul3A_347 = arith.muli %scan3A_345, %mul3A_346 : i32
        %add3A_348 = arith.constant 0 : i32
        %add3A_349 = arith.addi %add3A_348, %mul3A_347 : i32
        %add3A_350 = arith.constant 112 : i32
        %add3A_351 = arith.addi %add3A_350, %add3A_349 : i32
        %mul3A_352 = arith.constant 16 : i32
        %mul3A_353 = arith.muli %add3A_351, %mul3A_352 : i32
        %get3A = arith.index_cast %mul3A_353 : i32 to index
        %get3A_354 = tpu.vector_load %arg12[%get3A] {strides = array<i32>} : memref<2048xi32, #tpu.memory_space<vmem>>, vector<16xi32>,
        %mul3A_355 = arith.constant 16 : i32
        %mul3A_356 = arith.muli %add3A_351, %mul3A_355 : i32
        %get3A_357 = arith.index_cast %mul3A_356 : i32 to index
        %get3A_358 = tpu.vector_load %arg13[%get3A_357] {strides = array<i32>} : memref<2048xi32, #tpu.memory_space<vmem>>, vector<16xi32>,
        %gather3A = tpu.vector_load_idx %arg7[%get3A_354] : memref<4096xi32, #tpu.memory_space<vmem>>[vector<16xi32>], vector<16xi32>,
        %gather3A_359 = tpu.vector_load_idx %arg9[%gather3A] : memref<512xi32, #tpu.memory_space<vmem>>[vector<16xi32>], vector<16xi32>,
        %sub3A = arith.subi %get3A_354, %gather3A_359 : vector<16xi32>
        %sub3A_360 = arith.subi %get3A_358, %gather3A_359 : vector<16xi32>
        %lt3A = arith.constant 28 : i32
        %lt3A_361 = vector.broadcast %lt3A : i32 to vector<16xi32>
        %lt3A_362 = arith.cmpi slt, %sub3A, %lt3A_361 : vector<16xi32>
        %ge3A = arith.constant 0 : i32
        %ge3A_363 = vector.broadcast %ge3A : i32 to vector<16xi32>
        %ge3A_364 = arith.cmpi sge, %sub3A_360, %ge3A_363 : vector<16xi32>
        %and3A = arith.andi %lt3A_362, %ge3A_364 : vector<16xi1>
        %lt3A_365 = arith.constant 28 : i32
        %lt3A_366 = vector.broadcast %lt3A_365 : i32 to vector<16xi32>
        %lt3A_367 = arith.cmpi slt, %sub3A_360, %lt3A_366 : vector<16xi32>
        %and3A_368 = arith.andi %and3A, %lt3A_367 : vector<16xi1>
        %mul3A_369 = arith.constant 1024 : i32
        %mul3A_370 = vector.broadcast %mul3A_369 : i32 to vector<16xi32>
        %mul3A_371 = arith.muli %gather3A, %mul3A_370 : vector<16xi32>
        %mul3A_372 = arith.constant 28 : i32
        %mul3A_373 = vector.broadcast %mul3A_372 : i32 to vector<16xi32>
        %mul3A_374 = arith.muli %sub3A, %mul3A_373 : vector<16xi32>
        %add3A_375 = arith.addi %mul3A_371, %mul3A_374 : vector<16xi32>
        %add3A_376 = arith.addi %add3A_375, %sub3A_360 : vector<16xi32>
        %and3A_377 = arith.constant 511 : i32
        %and3A_378 = vector.broadcast %and3A_377 : i32 to vector<16xi32>
        %and3A_379 = arith.andi %get3A_354, %and3A_378 : vector<16xi32>
        %mul3A_380 = arith.constant 1024 : i32
        %mul3A_381 = vector.broadcast %mul3A_380 : i32 to vector<16xi32>
        %mul3A_382 = arith.muli %and3A_379, %mul3A_381 : vector<16xi32>
        %add3A_383 = arith.constant 784 : i32
        %add3A_384 = vector.broadcast %add3A_383 : i32 to vector<16xi32>
        %add3A_385 = arith.addi %mul3A_382, %add3A_384 : vector<16xi32>
        %and3A_386 = arith.constant 127 : i32
        %and3A_387 = vector.broadcast %and3A_386 : i32 to vector<16xi32>
        %and3A_388 = arith.andi %get3A_358, %and3A_387 : vector<16xi32>
        %add3A_389 = arith.addi %add3A_385, %and3A_388 : vector<16xi32>
        %select_n3A = arith.select %and3A_368, %add3A_376, %add3A_389 : vector<16xi1>, vector<16xi32>
        %mul3A_390 = arith.constant 16 : i32
        %mul3A_391 = arith.muli %add3A_349, %mul3A_390 : i32
        %swap3A = arith.constant 14 : i32
        %swap3A_392 = arith.index_cast %swap3A : i32 to index
        %swap3A_393 = arith.index_cast %mul3A_391 : i32 to index
        %swap3A_394 = tpu.vector_load %arg14[%swap3A_392, %swap3A_393] {strides = array<i32>} : memref<16x128xi32, #tpu.memory_space<vmem>>, vector<16xi32>,
        tpu.vector_store %arg14[%swap3A_392, %swap3A_393], %select_n3A {strides = array<i32>} : memref<16x128xi32, #tpu.memory_space<vmem>>, vector<16xi32>,
      }
      %scan3A_231 = arith.constant 8 : i32
      %dma_start3A_232 = arith.constant 14 : i32
      %dma_start3A_233 = arith.constant 0 : i32
      %dma_start3A_234 = tpu.memref_slice %arg14[%dma_start3A_232, %dma_start3A_233] : memref<16x128xi32, #tpu.memory_space<vmem>> -> memref<1x128xi32, #tpu.memory_space<vmem>>
      %dma_start3A_235 = tpu.memref_squeeze %dma_start3A_234 : memref<1x128xi32, #tpu.memory_space<vmem>> -> memref<128xi32, #tpu.memory_space<vmem>>
      %dma_start3A_236 = arith.constant 0 : i32
      %dma_start3A_237 = tpu.memref_slice %arg17[%dma_start3A_236] : memref<524288xf32, #tpu.memory_space<vmem_shared>> -> memref<524288xf32, #tpu.memory_space<vmem_shared>>
      tpu.enqueue_indirect_dma source(%arg15 : memref<128xf32, #tpu.memory_space<vmem>>) target(%dma_start3A_237 : memref<524288xf32, #tpu.memory_space<vmem_shared>>) offsets(%dma_start3A_235 : memref<128xi32, #tpu.memory_space<vmem>>) semaphore(%arg20 : memref<!tpu.dma_semaphore, #tpu.memory_space<semaphore_mem>>) {add = true}
      %scan3A_238 = arith.constant 0 : i32
      %scan3A_239 = arith.constant 8 : i32
      %scan3A_240 = arith.addi %scan3A_238, %scan3A_239 : i32
      %scan3A_241 = arith.constant 1 : i32
      scf.for %scan3A_345 = %scan3A_238 to %scan3A_240 step %scan3A_241  : i32 {
        %mul3A_346 = arith.constant 1 : i32
        %mul3A_347 = arith.muli %scan3A_345, %mul3A_346 : i32
        %add3A_348 = arith.constant 0 : i32
        %add3A_349 = arith.addi %add3A_348, %mul3A_347 : i32
        %add3A_350 = arith.constant 120 : i32
        %add3A_351 = arith.addi %add3A_350, %add3A_349 : i32
        %mul3A_352 = arith.constant 16 : i32
        %mul3A_353 = arith.muli %add3A_351, %mul3A_352 : i32
        %get3A = arith.index_cast %mul3A_353 : i32 to index
        %get3A_354 = tpu.vector_load %arg12[%get3A] {strides = array<i32>} : memref<2048xi32, #tpu.memory_space<vmem>>, vector<16xi32>,
        %mul3A_355 = arith.constant 16 : i32
        %mul3A_356 = arith.muli %add3A_351, %mul3A_355 : i32
        %get3A_357 = arith.index_cast %mul3A_356 : i32 to index
        %get3A_358 = tpu.vector_load %arg13[%get3A_357] {strides = array<i32>} : memref<2048xi32, #tpu.memory_space<vmem>>, vector<16xi32>,
        %gather3A = tpu.vector_load_idx %arg7[%get3A_354] : memref<4096xi32, #tpu.memory_space<vmem>>[vector<16xi32>], vector<16xi32>,
        %gather3A_359 = tpu.vector_load_idx %arg9[%gather3A] : memref<512xi32, #tpu.memory_space<vmem>>[vector<16xi32>], vector<16xi32>,
        %sub3A = arith.subi %get3A_354, %gather3A_359 : vector<16xi32>
        %sub3A_360 = arith.subi %get3A_358, %gather3A_359 : vector<16xi32>
        %lt3A = arith.constant 28 : i32
        %lt3A_361 = vector.broadcast %lt3A : i32 to vector<16xi32>
        %lt3A_362 = arith.cmpi slt, %sub3A, %lt3A_361 : vector<16xi32>
        %ge3A = arith.constant 0 : i32
        %ge3A_363 = vector.broadcast %ge3A : i32 to vector<16xi32>
        %ge3A_364 = arith.cmpi sge, %sub3A_360, %ge3A_363 : vector<16xi32>
        %and3A = arith.andi %lt3A_362, %ge3A_364 : vector<16xi1>
        %lt3A_365 = arith.constant 28 : i32
        %lt3A_366 = vector.broadcast %lt3A_365 : i32 to vector<16xi32>
        %lt3A_367 = arith.cmpi slt, %sub3A_360, %lt3A_366 : vector<16xi32>
        %and3A_368 = arith.andi %and3A, %lt3A_367 : vector<16xi1>
        %mul3A_369 = arith.constant 1024 : i32
        %mul3A_370 = vector.broadcast %mul3A_369 : i32 to vector<16xi32>
        %mul3A_371 = arith.muli %gather3A, %mul3A_370 : vector<16xi32>
        %mul3A_372 = arith.constant 28 : i32
        %mul3A_373 = vector.broadcast %mul3A_372 : i32 to vector<16xi32>
        %mul3A_374 = arith.muli %sub3A, %mul3A_373 : vector<16xi32>
        %add3A_375 = arith.addi %mul3A_371, %mul3A_374 : vector<16xi32>
        %add3A_376 = arith.addi %add3A_375, %sub3A_360 : vector<16xi32>
        %and3A_377 = arith.constant 511 : i32
        %and3A_378 = vector.broadcast %and3A_377 : i32 to vector<16xi32>
        %and3A_379 = arith.andi %get3A_354, %and3A_378 : vector<16xi32>
        %mul3A_380 = arith.constant 1024 : i32
        %mul3A_381 = vector.broadcast %mul3A_380 : i32 to vector<16xi32>
        %mul3A_382 = arith.muli %and3A_379, %mul3A_381 : vector<16xi32>
        %add3A_383 = arith.constant 784 : i32
        %add3A_384 = vector.broadcast %add3A_383 : i32 to vector<16xi32>
        %add3A_385 = arith.addi %mul3A_382, %add3A_384 : vector<16xi32>
        %and3A_386 = arith.constant 127 : i32
        %and3A_387 = vector.broadcast %and3A_386 : i32 to vector<16xi32>
        %and3A_388 = arith.andi %get3A_358, %and3A_387 : vector<16xi32>
        %add3A_389 = arith.addi %add3A_385, %and3A_388 : vector<16xi32>
        %select_n3A = arith.select %and3A_368, %add3A_376, %add3A_389 : vector<16xi1>, vector<16xi32>
        %mul3A_390 = arith.constant 16 : i32
        %mul3A_391 = arith.muli %add3A_349, %mul3A_390 : i32
        %swap3A = arith.constant 15 : i32
        %swap3A_392 = arith.index_cast %swap3A : i32 to index
        %swap3A_393 = arith.index_cast %mul3A_391 : i32 to index
        %swap3A_394 = tpu.vector_load %arg14[%swap3A_392, %swap3A_393] {strides = array<i32>} : memref<16x128xi32, #tpu.memory_space<vmem>>, vector<16xi32>,
        tpu.vector_store %arg14[%swap3A_392, %swap3A_393], %select_n3A {strides = array<i32>} : memref<16x128xi32, #tpu.memory_space<vmem>>, vector<16xi32>,
      }
      %scan3A_242 = arith.constant 8 : i32
      %dma_start3A_243 = arith.constant 15 : i32
      %dma_start3A_244 = arith.constant 0 : i32
      %dma_start3A_245 = tpu.memref_slice %arg14[%dma_start3A_243, %dma_start3A_244] : memref<16x128xi32, #tpu.memory_space<vmem>> -> memref<1x128xi32, #tpu.memory_space<vmem>>
      %dma_start3A_246 = tpu.memref_squeeze %dma_start3A_245 : memref<1x128xi32, #tpu.memory_space<vmem>> -> memref<128xi32, #tpu.memory_space<vmem>>
      %dma_start3A_247 = arith.constant 0 : i32
      %dma_start3A_248 = tpu.memref_slice %arg17[%dma_start3A_247] : memref<524288xf32, #tpu.memory_space<vmem_shared>> -> memref<524288xf32, #tpu.memory_space<vmem_shared>>
      tpu.enqueue_indirect_dma source(%arg15 : memref<128xf32, #tpu.memory_space<vmem>>) target(%dma_start3A_248 : memref<524288xf32, #tpu.memory_space<vmem_shared>>) offsets(%dma_start3A_246 : memref<128xi32, #tpu.memory_space<vmem>>) semaphore(%arg20 : memref<!tpu.dma_semaphore, #tpu.memory_space<semaphore_mem>>) {add = true}
      %dma_wait3A_249 = arith.constant 0 : i32
      %dma_wait3A_250 = arith.constant 0 : i32
      %dma_wait3A_251 = tpu.memref_slice %arg14[%dma_wait3A_249, %dma_wait3A_250] : memref<16x128xi32, #tpu.memory_space<vmem>> -> memref<1x128xi32, #tpu.memory_space<vmem>>
      %dma_wait3A_252 = tpu.memref_squeeze %dma_wait3A_251 : memref<1x128xi32, #tpu.memory_space<vmem>> -> memref<128xi32, #tpu.memory_space<vmem>>
      %dma_wait3A_253 = arith.constant 0 : i32
      %dma_wait3A_254 = tpu.memref_slice %arg17[%dma_wait3A_253] : memref<524288xf32, #tpu.memory_space<vmem_shared>> -> memref<524288xf32, #tpu.memory_space<vmem_shared>>
      tpu.wait_indirect_dma semaphore(%arg20 : memref<!tpu.dma_semaphore, #tpu.memory_space<semaphore_mem>>) src(%arg15 : memref<128xf32, #tpu.memory_space<vmem>>) dst(%dma_wait3A_254 : memref<524288xf32, #tpu.memory_space<vmem_shared>>)
      %dma_wait3A_255 = arith.constant 1 : i32
      %dma_wait3A_256 = arith.constant 0 : i32
      %dma_wait3A_257 = tpu.memref_slice %arg14[%dma_wait3A_255, %dma_wait3A_256] : memref<16x128xi32, #tpu.memory_space<vmem>> -> memref<1x128xi32, #tpu.memory_space<vmem>>
      %dma_wait3A_258 = tpu.memref_squeeze %dma_wait3A_257 : memref<1x128xi32, #tpu.memory_space<vmem>> -> memref<128xi32, #tpu.memory_space<vmem>>
      %dma_wait3A_259 = arith.constant 0 : i32
      %dma_wait3A_260 = tpu.memref_slice %arg17[%dma_wait3A_259] : memref<524288xf32, #tpu.memory_space<vmem_shared>> -> memref<524288xf32, #tpu.memory_space<vmem_shared>>
      tpu.wait_indirect_dma semaphore(%arg20 : memref<!tpu.dma_semaphore, #tpu.memory_space<semaphore_mem>>) src(%arg15 : memref<128xf32, #tpu.memory_space<vmem>>) dst(%dma_wait3A_260 : memref<524288xf32, #tpu.memory_space<vmem_shared>>)
      %dma_wait3A_261 = arith.constant 2 : i32
      %dma_wait3A_262 = arith.constant 0 : i32
      %dma_wait3A_263 = tpu.memref_slice %arg14[%dma_wait3A_261, %dma_wait3A_262] : memref<16x128xi32, #tpu.memory_space<vmem>> -> memref<1x128xi32, #tpu.memory_space<vmem>>
      %dma_wait3A_264 = tpu.memref_squeeze %dma_wait3A_263 : memref<1x128xi32, #tpu.memory_space<vmem>> -> memref<128xi32, #tpu.memory_space<vmem>>
      %dma_wait3A_265 = arith.constant 0 : i32
      %dma_wait3A_266 = tpu.memref_slice %arg17[%dma_wait3A_265] : memref<524288xf32, #tpu.memory_space<vmem_shared>> -> memref<524288xf32, #tpu.memory_space<vmem_shared>>
      tpu.wait_indirect_dma semaphore(%arg20 : memref<!tpu.dma_semaphore, #tpu.memory_space<semaphore_mem>>) src(%arg15 : memref<128xf32, #tpu.memory_space<vmem>>) dst(%dma_wait3A_266 : memref<524288xf32, #tpu.memory_space<vmem_shared>>)
      %dma_wait3A_267 = arith.constant 3 : i32
      %dma_wait3A_268 = arith.constant 0 : i32
      %dma_wait3A_269 = tpu.memref_slice %arg14[%dma_wait3A_267, %dma_wait3A_268] : memref<16x128xi32, #tpu.memory_space<vmem>> -> memref<1x128xi32, #tpu.memory_space<vmem>>
      %dma_wait3A_270 = tpu.memref_squeeze %dma_wait3A_269 : memref<1x128xi32, #tpu.memory_space<vmem>> -> memref<128xi32, #tpu.memory_space<vmem>>
      %dma_wait3A_271 = arith.constant 0 : i32
      %dma_wait3A_272 = tpu.memref_slice %arg17[%dma_wait3A_271] : memref<524288xf32, #tpu.memory_space<vmem_shared>> -> memref<524288xf32, #tpu.memory_space<vmem_shared>>
      tpu.wait_indirect_dma semaphore(%arg20 : memref<!tpu.dma_semaphore, #tpu.memory_space<semaphore_mem>>) src(%arg15 : memref<128xf32, #tpu.memory_space<vmem>>) dst(%dma_wait3A_272 : memref<524288xf32, #tpu.memory_space<vmem_shared>>)
      %dma_wait3A_273 = arith.constant 4 : i32
      %dma_wait3A_274 = arith.constant 0 : i32
      %dma_wait3A_275 = tpu.memref_slice %arg14[%dma_wait3A_273, %dma_wait3A_274] : memref<16x128xi32, #tpu.memory_space<vmem>> -> memref<1x128xi32, #tpu.memory_space<vmem>>
      %dma_wait3A_276 = tpu.memref_squeeze %dma_wait3A_275 : memref<1x128xi32, #tpu.memory_space<vmem>> -> memref<128xi32, #tpu.memory_space<vmem>>
      %dma_wait3A_277 = arith.constant 0 : i32
      %dma_wait3A_278 = tpu.memref_slice %arg17[%dma_wait3A_277] : memref<524288xf32, #tpu.memory_space<vmem_shared>> -> memref<524288xf32, #tpu.memory_space<vmem_shared>>
      tpu.wait_indirect_dma semaphore(%arg20 : memref<!tpu.dma_semaphore, #tpu.memory_space<semaphore_mem>>) src(%arg15 : memref<128xf32, #tpu.memory_space<vmem>>) dst(%dma_wait3A_278 : memref<524288xf32, #tpu.memory_space<vmem_shared>>)
      %dma_wait3A_279 = arith.constant 5 : i32
      %dma_wait3A_280 = arith.constant 0 : i32
      %dma_wait3A_281 = tpu.memref_slice %arg14[%dma_wait3A_279, %dma_wait3A_280] : memref<16x128xi32, #tpu.memory_space<vmem>> -> memref<1x128xi32, #tpu.memory_space<vmem>>
      %dma_wait3A_282 = tpu.memref_squeeze %dma_wait3A_281 : memref<1x128xi32, #tpu.memory_space<vmem>> -> memref<128xi32, #tpu.memory_space<vmem>>
      %dma_wait3A_283 = arith.constant 0 : i32
      %dma_wait3A_284 = tpu.memref_slice %arg17[%dma_wait3A_283] : memref<524288xf32, #tpu.memory_space<vmem_shared>> -> memref<524288xf32, #tpu.memory_space<vmem_shared>>
      tpu.wait_indirect_dma semaphore(%arg20 : memref<!tpu.dma_semaphore, #tpu.memory_space<semaphore_mem>>) src(%arg15 : memref<128xf32, #tpu.memory_space<vmem>>) dst(%dma_wait3A_284 : memref<524288xf32, #tpu.memory_space<vmem_shared>>)
      %dma_wait3A_285 = arith.constant 6 : i32
      %dma_wait3A_286 = arith.constant 0 : i32
      %dma_wait3A_287 = tpu.memref_slice %arg14[%dma_wait3A_285, %dma_wait3A_286] : memref<16x128xi32, #tpu.memory_space<vmem>> -> memref<1x128xi32, #tpu.memory_space<vmem>>
      %dma_wait3A_288 = tpu.memref_squeeze %dma_wait3A_287 : memref<1x128xi32, #tpu.memory_space<vmem>> -> memref<128xi32, #tpu.memory_space<vmem>>
      %dma_wait3A_289 = arith.constant 0 : i32
      %dma_wait3A_290 = tpu.memref_slice %arg17[%dma_wait3A_289] : memref<524288xf32, #tpu.memory_space<vmem_shared>> -> memref<524288xf32, #tpu.memory_space<vmem_shared>>
      tpu.wait_indirect_dma semaphore(%arg20 : memref<!tpu.dma_semaphore, #tpu.memory_space<semaphore_mem>>) src(%arg15 : memref<128xf32, #tpu.memory_space<vmem>>) dst(%dma_wait3A_290 : memref<524288xf32, #tpu.memory_space<vmem_shared>>)
      %dma_wait3A_291 = arith.constant 7 : i32
      %dma_wait3A_292 = arith.constant 0 : i32
      %dma_wait3A_293 = tpu.memref_slice %arg14[%dma_wait3A_291, %dma_wait3A_292] : memref<16x128xi32, #tpu.memory_space<vmem>> -> memref<1x128xi32, #tpu.memory_space<vmem>>
      %dma_wait3A_294 = tpu.memref_squeeze %dma_wait3A_293 : memref<1x128xi32, #tpu.memory_space<vmem>> -> memref<128xi32, #tpu.memory_space<vmem>>
      %dma_wait3A_295 = arith.constant 0 : i32
      %dma_wait3A_296 = tpu.memref_slice %arg17[%dma_wait3A_295] : memref<524288xf32, #tpu.memory_space<vmem_shared>> -> memref<524288xf32, #tpu.memory_space<vmem_shared>>
      tpu.wait_indirect_dma semaphore(%arg20 : memref<!tpu.dma_semaphore, #tpu.memory_space<semaphore_mem>>) src(%arg15 : memref<128xf32, #tpu.memory_space<vmem>>) dst(%dma_wait3A_296 : memref<524288xf32, #tpu.memory_space<vmem_shared>>)
      %dma_wait3A_297 = arith.constant 8 : i32
      %dma_wait3A_298 = arith.constant 0 : i32
      %dma_wait3A_299 = tpu.memref_slice %arg14[%dma_wait3A_297, %dma_wait3A_298] : memref<16x128xi32, #tpu.memory_space<vmem>> -> memref<1x128xi32, #tpu.memory_space<vmem>>
      %dma_wait3A_300 = tpu.memref_squeeze %dma_wait3A_299 : memref<1x128xi32, #tpu.memory_space<vmem>> -> memref<128xi32, #tpu.memory_space<vmem>>
      %dma_wait3A_301 = arith.constant 0 : i32
      %dma_wait3A_302 = tpu.memref_slice %arg17[%dma_wait3A_301] : memref<524288xf32, #tpu.memory_space<vmem_shared>> -> memref<524288xf32, #tpu.memory_space<vmem_shared>>
      tpu.wait_indirect_dma semaphore(%arg20 : memref<!tpu.dma_semaphore, #tpu.memory_space<semaphore_mem>>) src(%arg15 : memref<128xf32, #tpu.memory_space<vmem>>) dst(%dma_wait3A_302 : memref<524288xf32, #tpu.memory_space<vmem_shared>>)
      %dma_wait3A_303 = arith.constant 9 : i32
      %dma_wait3A_304 = arith.constant 0 : i32
      %dma_wait3A_305 = tpu.memref_slice %arg14[%dma_wait3A_303, %dma_wait3A_304] : memref<16x128xi32, #tpu.memory_space<vmem>> -> memref<1x128xi32, #tpu.memory_space<vmem>>
      %dma_wait3A_306 = tpu.memref_squeeze %dma_wait3A_305 : memref<1x128xi32, #tpu.memory_space<vmem>> -> memref<128xi32, #tpu.memory_space<vmem>>
      %dma_wait3A_307 = arith.constant 0 : i32
      %dma_wait3A_308 = tpu.memref_slice %arg17[%dma_wait3A_307] : memref<524288xf32, #tpu.memory_space<vmem_shared>> -> memref<524288xf32, #tpu.memory_space<vmem_shared>>
      tpu.wait_indirect_dma semaphore(%arg20 : memref<!tpu.dma_semaphore, #tpu.memory_space<semaphore_mem>>) src(%arg15 : memref<128xf32, #tpu.memory_space<vmem>>) dst(%dma_wait3A_308 : memref<524288xf32, #tpu.memory_space<vmem_shared>>)
      %dma_wait3A_309 = arith.constant 10 : i32
      %dma_wait3A_310 = arith.constant 0 : i32
      %dma_wait3A_311 = tpu.memref_slice %arg14[%dma_wait3A_309, %dma_wait3A_310] : memref<16x128xi32, #tpu.memory_space<vmem>> -> memref<1x128xi32, #tpu.memory_space<vmem>>
      %dma_wait3A_312 = tpu.memref_squeeze %dma_wait3A_311 : memref<1x128xi32, #tpu.memory_space<vmem>> -> memref<128xi32, #tpu.memory_space<vmem>>
      %dma_wait3A_313 = arith.constant 0 : i32
      %dma_wait3A_314 = tpu.memref_slice %arg17[%dma_wait3A_313] : memref<524288xf32, #tpu.memory_space<vmem_shared>> -> memref<524288xf32, #tpu.memory_space<vmem_shared>>
      tpu.wait_indirect_dma semaphore(%arg20 : memref<!tpu.dma_semaphore, #tpu.memory_space<semaphore_mem>>) src(%arg15 : memref<128xf32, #tpu.memory_space<vmem>>) dst(%dma_wait3A_314 : memref<524288xf32, #tpu.memory_space<vmem_shared>>)
      %dma_wait3A_315 = arith.constant 11 : i32
      %dma_wait3A_316 = arith.constant 0 : i32
      %dma_wait3A_317 = tpu.memref_slice %arg14[%dma_wait3A_315, %dma_wait3A_316] : memref<16x128xi32, #tpu.memory_space<vmem>> -> memref<1x128xi32, #tpu.memory_space<vmem>>
      %dma_wait3A_318 = tpu.memref_squeeze %dma_wait3A_317 : memref<1x128xi32, #tpu.memory_space<vmem>> -> memref<128xi32, #tpu.memory_space<vmem>>
      %dma_wait3A_319 = arith.constant 0 : i32
      %dma_wait3A_320 = tpu.memref_slice %arg17[%dma_wait3A_319] : memref<524288xf32, #tpu.memory_space<vmem_shared>> -> memref<524288xf32, #tpu.memory_space<vmem_shared>>
      tpu.wait_indirect_dma semaphore(%arg20 : memref<!tpu.dma_semaphore, #tpu.memory_space<semaphore_mem>>) src(%arg15 : memref<128xf32, #tpu.memory_space<vmem>>) dst(%dma_wait3A_320 : memref<524288xf32, #tpu.memory_space<vmem_shared>>)
      %dma_wait3A_321 = arith.constant 12 : i32
      %dma_wait3A_322 = arith.constant 0 : i32
      %dma_wait3A_323 = tpu.memref_slice %arg14[%dma_wait3A_321, %dma_wait3A_322] : memref<16x128xi32, #tpu.memory_space<vmem>> -> memref<1x128xi32, #tpu.memory_space<vmem>>
      %dma_wait3A_324 = tpu.memref_squeeze %dma_wait3A_323 : memref<1x128xi32, #tpu.memory_space<vmem>> -> memref<128xi32, #tpu.memory_space<vmem>>
      %dma_wait3A_325 = arith.constant 0 : i32
      %dma_wait3A_326 = tpu.memref_slice %arg17[%dma_wait3A_325] : memref<524288xf32, #tpu.memory_space<vmem_shared>> -> memref<524288xf32, #tpu.memory_space<vmem_shared>>
      tpu.wait_indirect_dma semaphore(%arg20 : memref<!tpu.dma_semaphore, #tpu.memory_space<semaphore_mem>>) src(%arg15 : memref<128xf32, #tpu.memory_space<vmem>>) dst(%dma_wait3A_326 : memref<524288xf32, #tpu.memory_space<vmem_shared>>)
      %dma_wait3A_327 = arith.constant 13 : i32
      %dma_wait3A_328 = arith.constant 0 : i32
      %dma_wait3A_329 = tpu.memref_slice %arg14[%dma_wait3A_327, %dma_wait3A_328] : memref<16x128xi32, #tpu.memory_space<vmem>> -> memref<1x128xi32, #tpu.memory_space<vmem>>
      %dma_wait3A_330 = tpu.memref_squeeze %dma_wait3A_329 : memref<1x128xi32, #tpu.memory_space<vmem>> -> memref<128xi32, #tpu.memory_space<vmem>>
      %dma_wait3A_331 = arith.constant 0 : i32
      %dma_wait3A_332 = tpu.memref_slice %arg17[%dma_wait3A_331] : memref<524288xf32, #tpu.memory_space<vmem_shared>> -> memref<524288xf32, #tpu.memory_space<vmem_shared>>
      tpu.wait_indirect_dma semaphore(%arg20 : memref<!tpu.dma_semaphore, #tpu.memory_space<semaphore_mem>>) src(%arg15 : memref<128xf32, #tpu.memory_space<vmem>>) dst(%dma_wait3A_332 : memref<524288xf32, #tpu.memory_space<vmem_shared>>)
      %dma_wait3A_333 = arith.constant 14 : i32
      %dma_wait3A_334 = arith.constant 0 : i32
      %dma_wait3A_335 = tpu.memref_slice %arg14[%dma_wait3A_333, %dma_wait3A_334] : memref<16x128xi32, #tpu.memory_space<vmem>> -> memref<1x128xi32, #tpu.memory_space<vmem>>
      %dma_wait3A_336 = tpu.memref_squeeze %dma_wait3A_335 : memref<1x128xi32, #tpu.memory_space<vmem>> -> memref<128xi32, #tpu.memory_space<vmem>>
      %dma_wait3A_337 = arith.constant 0 : i32
      %dma_wait3A_338 = tpu.memref_slice %arg17[%dma_wait3A_337] : memref<524288xf32, #tpu.memory_space<vmem_shared>> -> memref<524288xf32, #tpu.memory_space<vmem_shared>>
      tpu.wait_indirect_dma semaphore(%arg20 : memref<!tpu.dma_semaphore, #tpu.memory_space<semaphore_mem>>) src(%arg15 : memref<128xf32, #tpu.memory_space<vmem>>) dst(%dma_wait3A_338 : memref<524288xf32, #tpu.memory_space<vmem_shared>>)
      %dma_wait3A_339 = arith.constant 15 : i32
      %dma_wait3A_340 = arith.constant 0 : i32
      %dma_wait3A_341 = tpu.memref_slice %arg14[%dma_wait3A_339, %dma_wait3A_340] : memref<16x128xi32, #tpu.memory_space<vmem>> -> memref<1x128xi32, #tpu.memory_space<vmem>>
      %dma_wait3A_342 = tpu.memref_squeeze %dma_wait3A_341 : memref<1x128xi32, #tpu.memory_space<vmem>> -> memref<128xi32, #tpu.memory_space<vmem>>
      %dma_wait3A_343 = arith.constant 0 : i32
      %dma_wait3A_344 = tpu.memref_slice %arg17[%dma_wait3A_343] : memref<524288xf32, #tpu.memory_space<vmem_shared>> -> memref<524288xf32, #tpu.memory_space<vmem_shared>>
      tpu.wait_indirect_dma semaphore(%arg20 : memref<!tpu.dma_semaphore, #tpu.memory_space<semaphore_mem>>) src(%arg15 : memref<128xf32, #tpu.memory_space<vmem>>) dst(%dma_wait3A_344 : memref<524288xf32, #tpu.memory_space<vmem_shared>>)
    } else {
    }
    %barrier3A_30 = arith.constant 0 : index
    tpu.barrier barrier_id(%barrier3A_30)
    %eq3A_31 = arith.constant 0 : i32
    %eq3A_32 = arith.cmpi eq, %arg0, %eq3A_31 : i32
    %convert_element_type3A_33 = arith.extui %eq3A_32 : i1 to i32
    %cond3A_34 = arith.constant 0 : i32
    %cond3A_35 = arith.cmpi ne, %convert_element_type3A_33, %cond3A_34 : i32
    scf.if %cond3A_35 {
      %mul3A_51 = arith.constant 32768 : i32
      %mul3A_52 = arith.muli %arg1, %mul3A_51 : i32
      %mul3A_53 = arith.constant 32768 : i32
      %mul3A_54 = arith.muli %arg1, %mul3A_53 : i32
      %dma_start3A = tpu.memref_slice %arg5[%mul3A_54] : memref<524288xf32, #tpu.memory_space<hbm>> -> memref<32768xf32, #tpu.memory_space<hbm>>
      %dma_start3A_55 = tpu.memref_slice %arg17[%mul3A_52] : memref<524288xf32, #tpu.memory_space<vmem_shared>> -> memref<32768xf32, #tpu.memory_space<vmem_shared>>
      tpu.enqueue_dma source(%dma_start3A_55 : memref<32768xf32, #tpu.memory_space<vmem_shared>>) target(%dma_start3A : memref<32768xf32, #tpu.memory_space<hbm>>) target_semaphore(%arg20 : memref<!tpu.dma_semaphore, #tpu.memory_space<semaphore_mem>>)
    } else {
    }
    %eq3A_36 = arith.constant 0 : i32
    %eq3A_37 = arith.cmpi eq, %arg0, %eq3A_36 : i32
    %convert_element_type3A_38 = arith.extui %eq3A_37 : i1 to i32
    %cond3A_39 = arith.constant 0 : i32
    %cond3A_40 = arith.cmpi ne, %convert_element_type3A_38, %cond3A_39 : i32
    scf.if %cond3A_40 {
      %mul3A_51 = arith.constant 448 : i32
      %mul3A_52 = arith.muli %arg1, %mul3A_51 : i32
      %add3A_53 = arith.constant 0 : i32
      %add3A_54 = arith.addi %mul3A_52, %add3A_53 : i32
      %scan3A_55 = arith.constant 0 : i32
      %scan3A_56 = arith.constant 7 : i32
      %scan3A_57 = arith.addi %scan3A_55, %scan3A_56 : i32
      %scan3A_58 = arith.constant 1 : i32
      scf.for %scan3A_335 = %scan3A_55 to %scan3A_57 step %scan3A_58  : i32 {
        %mul3A_336 = arith.constant 1 : i32
        %mul3A_337 = arith.muli %scan3A_335, %mul3A_336 : i32
        %add3A_338 = arith.constant 0 : i32
        %add3A_339 = arith.addi %add3A_338, %mul3A_337 : i32
        %mul3A_340 = arith.constant 16 : i32
        %mul3A_341 = arith.muli %add3A_339, %mul3A_340 : i32
        %add3A_342 = arith.addi %add3A_54, %mul3A_341 : i32
        %iota3A = tpu.iota {dimensions = array<i32: 0>} : vector<16xi32>
        %add3A_343 = vector.broadcast %add3A_342 : i32 to vector<16xi32>
        %add3A_344 = arith.addi %add3A_343, %iota3A : vector<16xi32>
        %jit3A = arith.constant 28 : i32
        %div3A = vector.broadcast %jit3A : i32 to vector<16xi32>
        %div3A_345 = arith.divsi %add3A_344, %div3A : vector<16xi32>
        %sign3A = arith.constant 0 : i32
        %sign3A_346 = vector.broadcast %sign3A : i32 to vector<16xi32>
        %sign3A_347 = arith.cmpi sgt, %add3A_344, %sign3A_346 : vector<16xi32>
        %sign3A_348 = arith.extui %sign3A_347 : vector<16xi1> to vector<16xi32>
        %sign3A_349 = arith.constant 0 : i32
        %sign3A_350 = vector.broadcast %sign3A_349 : i32 to vector<16xi32>
        %sign3A_351 = arith.cmpi slt, %add3A_344, %sign3A_350 : vector<16xi32>
        %sign3A_352 = arith.extui %sign3A_351 : vector<16xi1> to vector<16xi32>
        %sign3A_353 = arith.subi %sign3A_348, %sign3A_352 : vector<16xi32>
        %sign3A_354 = arith.constant 0 : i32
        %sign3A_355 = arith.cmpi sgt, %jit3A, %sign3A_354 : i32
        %sign3A_356 = arith.extui %sign3A_355 : i1 to i32
        %sign3A_357 = arith.constant 0 : i32
        %sign3A_358 = arith.cmpi slt, %jit3A, %sign3A_357 : i32
        %sign3A_359 = arith.extui %sign3A_358 : i1 to i32
        %sign3A_360 = arith.subi %sign3A_356, %sign3A_359 : i32
        %ne3A = vector.broadcast %sign3A_360 : i32 to vector<16xi32>
        %ne3A_361 = arith.cmpi ne, %sign3A_353, %ne3A : vector<16xi32>
        %rem3A = vector.broadcast %jit3A : i32 to vector<16xi32>
        %rem3A_362 = arith.remsi %add3A_344, %rem3A : vector<16xi32>
        %ne3A_363 = arith.constant 0 : i32
        %ne3A_364 = vector.broadcast %ne3A_363 : i32 to vector<16xi32>
        %ne3A_365 = arith.cmpi ne, %rem3A_362, %ne3A_364 : vector<16xi32>
        %and3A = arith.andi %ne3A_361, %ne3A_365 : vector<16xi1>
        %sub3A = arith.constant 1 : i32
        %sub3A_366 = vector.broadcast %sub3A : i32 to vector<16xi32>
        %sub3A_367 = arith.subi %div3A_345, %sub3A_366 : vector<16xi32>
        %select_n3A = arith.select %and3A, %sub3A_367, %div3A_345 : vector<16xi1>, vector<16xi32>
        %mul3A_368 = arith.constant 28 : i32
        %mul3A_369 = vector.broadcast %mul3A_368 : i32 to vector<16xi32>
        %mul3A_370 = arith.muli %select_n3A, %mul3A_369 : vector<16xi32>
        %sub3A_371 = arith.subi %add3A_344, %mul3A_370 : vector<16xi32>
        %gather3A = tpu.vector_load_idx %arg9[%select_n3A] : memref<512xi32, #tpu.memory_space<vmem>>[vector<16xi32>], vector<16xi32>,
        %gather3A_372 = tpu.vector_load_idx %arg8[%select_n3A] : memref<512xi32, #tpu.memory_space<vmem>>[vector<16xi32>], vector<16xi32>,
        %add3A_373 = arith.addi %gather3A, %sub3A_371 : vector<16xi32>
        %and3A_374 = arith.constant 255 : i32
        %and3A_375 = vector.broadcast %and3A_374 : i32 to vector<16xi32>
        %and3A_376 = arith.andi %add3A_344, %and3A_375 : vector<16xi32>
        %add3A_377 = arith.constant 4096 : i32
        %add3A_378 = vector.broadcast %add3A_377 : i32 to vector<16xi32>
        %add3A_379 = arith.addi %add3A_378, %and3A_376 : vector<16xi32>
        %lt3A = arith.cmpi slt, %sub3A_371, %gather3A_372 : vector<16xi32>
        %select_n3A_380 = arith.select %lt3A, %add3A_373, %add3A_379 : vector<16xi1>, vector<16xi32>
        %mul3A_381 = arith.constant 16 : i32
        %mul3A_382 = arith.muli %add3A_339, %mul3A_381 : i32
        %swap3A = arith.constant 0 : i32
        %swap3A_383 = arith.index_cast %swap3A : i32 to index
        %swap3A_384 = arith.index_cast %mul3A_382 : i32 to index
        %swap3A_385 = tpu.vector_load %arg11[%swap3A_383, %swap3A_384] {strides = array<i32>} : memref<2x112xi32, #tpu.memory_space<vmem>>, vector<16xi32>,
        tpu.vector_store %arg11[%swap3A_383, %swap3A_384], %select_n3A_380 {strides = array<i32>} : memref<2x112xi32, #tpu.memory_space<vmem>>, vector<16xi32>,
      }
      %scan3A_59 = arith.constant 7 : i32
      %dma_start3A = arith.constant 0 : i32
      %dma_start3A_60 = arith.constant 0 : i32
      %dma_start3A_61 = arith.constant 0 : i32
      %dma_start3A_62 = arith.constant 0 : i32
      %dma_start3A_63 = arith.constant 0 : i32
      %dma_start3A_64 = tpu.memref_slice %arg10[%dma_start3A_60, %dma_start3A_62, %dma_start3A_63] : memref<2x112x256xf32, #tpu.memory_space<vmem>> -> memref<1x112x256xf32, #tpu.memory_space<vmem>>
      %dma_start3A_65 = tpu.memref_squeeze %dma_start3A_64 : memref<1x112x256xf32, #tpu.memory_space<vmem>> -> memref<112x256xf32, #tpu.memory_space<vmem>>
      %dma_start3A_66 = arith.constant 0 : i32
      %dma_start3A_67 = tpu.memref_slice %arg11[%dma_start3A, %dma_start3A_66] : memref<2x112xi32, #tpu.memory_space<vmem>> -> memref<1x112xi32, #tpu.memory_space<vmem>>
      %dma_start3A_68 = tpu.memref_squeeze %dma_start3A_67 : memref<1x112xi32, #tpu.memory_space<vmem>> -> memref<112xi32, #tpu.memory_space<vmem>>
      %dma_start3A_69 = arith.constant 0 : i32
      %dma_start3A_70 = arith.constant 0 : i32
      %dma_start3A_71 = tpu.memref_slice %arg2[%dma_start3A_69, %dma_start3A_70] : memref<4352x256xf32, #tpu.memory_space<hbm>> -> memref<4352x256xf32, #tpu.memory_space<hbm>>
      %dma_start3A_72 = tpu.memref_slice %arg18[%dma_start3A_61] : memref<2x!tpu.dma_semaphore, #tpu.memory_space<semaphore_mem>> -> memref<1x!tpu.dma_semaphore, #tpu.memory_space<semaphore_mem>>
      %dma_start3A_73 = tpu.memref_squeeze %dma_start3A_72 : memref<1x!tpu.dma_semaphore, #tpu.memory_space<semaphore_mem>> -> memref<!tpu.dma_semaphore, #tpu.memory_space<semaphore_mem>>
      tpu.enqueue_indirect_dma source(%dma_start3A_71 : memref<4352x256xf32, #tpu.memory_space<hbm>>) target(%dma_start3A_65 : memref<112x256xf32, #tpu.memory_space<vmem>>) offsets(%dma_start3A_68 : memref<112xi32, #tpu.memory_space<vmem>>) semaphore(%dma_start3A_73 : memref<!tpu.dma_semaphore, #tpu.memory_space<semaphore_mem>>)
      %add3A_74 = arith.constant 112 : i32
      %add3A_75 = arith.addi %mul3A_52, %add3A_74 : i32
      %scan3A_76 = arith.constant 0 : i32
      %scan3A_77 = arith.constant 7 : i32
      %scan3A_78 = arith.addi %scan3A_76, %scan3A_77 : i32
      %scan3A_79 = arith.constant 1 : i32
      scf.for %scan3A_335 = %scan3A_76 to %scan3A_78 step %scan3A_79  : i32 {
        %mul3A_336 = arith.constant 1 : i32
        %mul3A_337 = arith.muli %scan3A_335, %mul3A_336 : i32
        %add3A_338 = arith.constant 0 : i32
        %add3A_339 = arith.addi %add3A_338, %mul3A_337 : i32
        %mul3A_340 = arith.constant 16 : i32
        %mul3A_341 = arith.muli %add3A_339, %mul3A_340 : i32
        %add3A_342 = arith.addi %add3A_75, %mul3A_341 : i32
        %iota3A = tpu.iota {dimensions = array<i32: 0>} : vector<16xi32>
        %add3A_343 = vector.broadcast %add3A_342 : i32 to vector<16xi32>
        %add3A_344 = arith.addi %add3A_343, %iota3A : vector<16xi32>
        %jit3A = arith.constant 28 : i32
        %div3A = vector.broadcast %jit3A : i32 to vector<16xi32>
        %div3A_345 = arith.divsi %add3A_344, %div3A : vector<16xi32>
        %sign3A = arith.constant 0 : i32
        %sign3A_346 = vector.broadcast %sign3A : i32 to vector<16xi32>
        %sign3A_347 = arith.cmpi sgt, %add3A_344, %sign3A_346 : vector<16xi32>
        %sign3A_348 = arith.extui %sign3A_347 : vector<16xi1> to vector<16xi32>
        %sign3A_349 = arith.constant 0 : i32
        %sign3A_350 = vector.broadcast %sign3A_349 : i32 to vector<16xi32>
        %sign3A_351 = arith.cmpi slt, %add3A_344, %sign3A_350 : vector<16xi32>
        %sign3A_352 = arith.extui %sign3A_351 : vector<16xi1> to vector<16xi32>
        %sign3A_353 = arith.subi %sign3A_348, %sign3A_352 : vector<16xi32>
        %sign3A_354 = arith.constant 0 : i32
        %sign3A_355 = arith.cmpi sgt, %jit3A, %sign3A_354 : i32
        %sign3A_356 = arith.extui %sign3A_355 : i1 to i32
        %sign3A_357 = arith.constant 0 : i32
        %sign3A_358 = arith.cmpi slt, %jit3A, %sign3A_357 : i32
        %sign3A_359 = arith.extui %sign3A_358 : i1 to i32
        %sign3A_360 = arith.subi %sign3A_356, %sign3A_359 : i32
        %ne3A = vector.broadcast %sign3A_360 : i32 to vector<16xi32>
        %ne3A_361 = arith.cmpi ne, %sign3A_353, %ne3A : vector<16xi32>
        %rem3A = vector.broadcast %jit3A : i32 to vector<16xi32>
        %rem3A_362 = arith.remsi %add3A_344, %rem3A : vector<16xi32>
        %ne3A_363 = arith.constant 0 : i32
        %ne3A_364 = vector.broadcast %ne3A_363 : i32 to vector<16xi32>
        %ne3A_365 = arith.cmpi ne, %rem3A_362, %ne3A_364 : vector<16xi32>
        %and3A = arith.andi %ne3A_361, %ne3A_365 : vector<16xi1>
        %sub3A = arith.constant 1 : i32
        %sub3A_366 = vector.broadcast %sub3A : i32 to vector<16xi32>
        %sub3A_367 = arith.subi %div3A_345, %sub3A_366 : vector<16xi32>
        %select_n3A = arith.select %and3A, %sub3A_367, %div3A_345 : vector<16xi1>, vector<16xi32>
        %mul3A_368 = arith.constant 28 : i32
        %mul3A_369 = vector.broadcast %mul3A_368 : i32 to vector<16xi32>
        %mul3A_370 = arith.muli %select_n3A, %mul3A_369 : vector<16xi32>
        %sub3A_371 = arith.subi %add3A_344, %mul3A_370 : vector<16xi32>
        %gather3A = tpu.vector_load_idx %arg9[%select_n3A] : memref<512xi32, #tpu.memory_space<vmem>>[vector<16xi32>], vector<16xi32>,
        %gather3A_372 = tpu.vector_load_idx %arg8[%select_n3A] : memref<512xi32, #tpu.memory_space<vmem>>[vector<16xi32>], vector<16xi32>,
        %add3A_373 = arith.addi %gather3A, %sub3A_371 : vector<16xi32>
        %and3A_374 = arith.constant 255 : i32
        %and3A_375 = vector.broadcast %and3A_374 : i32 to vector<16xi32>
        %and3A_376 = arith.andi %add3A_344, %and3A_375 : vector<16xi32>
        %add3A_377 = arith.constant 4096 : i32
        %add3A_378 = vector.broadcast %add3A_377 : i32 to vector<16xi32>
        %add3A_379 = arith.addi %add3A_378, %and3A_376 : vector<16xi32>
        %lt3A = arith.cmpi slt, %sub3A_371, %gather3A_372 : vector<16xi32>
        %select_n3A_380 = arith.select %lt3A, %add3A_373, %add3A_379 : vector<16xi1>, vector<16xi32>
        %mul3A_381 = arith.constant 16 : i32
        %mul3A_382 = arith.muli %add3A_339, %mul3A_381 : i32
        %swap3A = arith.constant 1 : i32
        %swap3A_383 = arith.index_cast %swap3A : i32 to index
        %swap3A_384 = arith.index_cast %mul3A_382 : i32 to index
        %swap3A_385 = tpu.vector_load %arg11[%swap3A_383, %swap3A_384] {strides = array<i32>} : memref<2x112xi32, #tpu.memory_space<vmem>>, vector<16xi32>,
        tpu.vector_store %arg11[%swap3A_383, %swap3A_384], %select_n3A_380 {strides = array<i32>} : memref<2x112xi32, #tpu.memory_space<vmem>>, vector<16xi32>,
      }
      %scan3A_80 = arith.constant 7 : i32
      %dma_start3A_81 = arith.constant 1 : i32
      %dma_start3A_82 = arith.constant 1 : i32
      %dma_start3A_83 = arith.constant 1 : i32
      %dma_start3A_84 = arith.constant 0 : i32
      %dma_start3A_85 = arith.constant 0 : i32
      %dma_start3A_86 = tpu.memref_slice %arg10[%dma_start3A_82, %dma_start3A_84, %dma_start3A_85] : memref<2x112x256xf32, #tpu.memory_space<vmem>> -> memref<1x112x256xf32, #tpu.memory_space<vmem>>
      %dma_start3A_87 = tpu.memref_squeeze %dma_start3A_86 : memref<1x112x256xf32, #tpu.memory_space<vmem>> -> memref<112x256xf32, #tpu.memory_space<vmem>>
      %dma_start3A_88 = arith.constant 0 : i32
      %dma_start3A_89 = tpu.memref_slice %arg11[%dma_start3A_81, %dma_start3A_88] : memref<2x112xi32, #tpu.memory_space<vmem>> -> memref<1x112xi32, #tpu.memory_space<vmem>>
      %dma_start3A_90 = tpu.memref_squeeze %dma_start3A_89 : memref<1x112xi32, #tpu.memory_space<vmem>> -> memref<112xi32, #tpu.memory_space<vmem>>
      %dma_start3A_91 = arith.constant 0 : i32
      %dma_start3A_92 = arith.constant 0 : i32
      %dma_start3A_93 = tpu.memref_slice %arg2[%dma_start3A_91, %dma_start3A_92] : memref<4352x256xf32, #tpu.memory_space<hbm>> -> memref<4352x256xf32, #tpu.memory_space<hbm>>
      %dma_start3A_94 = tpu.memref_slice %arg18[%dma_start3A_83] : memref<2x!tpu.dma_semaphore, #tpu.memory_space<semaphore_mem>> -> memref<1x!tpu.dma_semaphore, #tpu.memory_space<semaphore_mem>>
      %dma_start3A_95 = tpu.memref_squeeze %dma_start3A_94 : memref<1x!tpu.dma_semaphore, #tpu.memory_space<semaphore_mem>> -> memref<!tpu.dma_semaphore, #tpu.memory_space<semaphore_mem>>
      tpu.enqueue_indirect_dma source(%dma_start3A_93 : memref<4352x256xf32, #tpu.memory_space<hbm>>) target(%dma_start3A_87 : memref<112x256xf32, #tpu.memory_space<vmem>>) offsets(%dma_start3A_90 : memref<112xi32, #tpu.memory_space<vmem>>) semaphore(%dma_start3A_95 : memref<!tpu.dma_semaphore, #tpu.memory_space<semaphore_mem>>)
      %dma_wait3A = arith.constant 0 : i32
      %dma_wait3A_96 = arith.constant 0 : i32
      %dma_wait3A_97 = arith.constant 0 : i32
      %dma_wait3A_98 = arith.constant 0 : i32
      %dma_wait3A_99 = arith.constant 0 : i32
      %dma_wait3A_100 = tpu.memref_slice %arg10[%dma_wait3A_96, %dma_wait3A_98, %dma_wait3A_99] : memref<2x112x256xf32, #tpu.memory_space<vmem>> -> memref<1x112x256xf32, #tpu.memory_space<vmem>>
      %dma_wait3A_101 = tpu.memref_squeeze %dma_wait3A_100 : memref<1x112x256xf32, #tpu.memory_space<vmem>> -> memref<112x256xf32, #tpu.memory_space<vmem>>
      %dma_wait3A_102 = arith.constant 0 : i32
      %dma_wait3A_103 = tpu.memref_slice %arg11[%dma_wait3A, %dma_wait3A_102] : memref<2x112xi32, #tpu.memory_space<vmem>> -> memref<1x112xi32, #tpu.memory_space<vmem>>
      %dma_wait3A_104 = tpu.memref_squeeze %dma_wait3A_103 : memref<1x112xi32, #tpu.memory_space<vmem>> -> memref<112xi32, #tpu.memory_space<vmem>>
      %dma_wait3A_105 = arith.constant 0 : i32
      %dma_wait3A_106 = arith.constant 0 : i32
      %dma_wait3A_107 = tpu.memref_slice %arg2[%dma_wait3A_105, %dma_wait3A_106] : memref<4352x256xf32, #tpu.memory_space<hbm>> -> memref<4352x256xf32, #tpu.memory_space<hbm>>
      %dma_wait3A_108 = tpu.memref_slice %arg18[%dma_wait3A_97] : memref<2x!tpu.dma_semaphore, #tpu.memory_space<semaphore_mem>> -> memref<1x!tpu.dma_semaphore, #tpu.memory_space<semaphore_mem>>
      %dma_wait3A_109 = tpu.memref_squeeze %dma_wait3A_108 : memref<1x!tpu.dma_semaphore, #tpu.memory_space<semaphore_mem>> -> memref<!tpu.dma_semaphore, #tpu.memory_space<semaphore_mem>>
      tpu.wait_indirect_dma semaphore(%dma_wait3A_109 : memref<!tpu.dma_semaphore, #tpu.memory_space<semaphore_mem>>) src(%dma_wait3A_107 : memref<4352x256xf32, #tpu.memory_space<hbm>>) dst(%dma_wait3A_101 : memref<112x256xf32, #tpu.memory_space<vmem>>)
      %add3A_110 = arith.constant 0 : i32
      %add3A_111 = arith.addi %mul3A_52, %add3A_110 : i32
      %dma_start3A_112 = arith.constant 0 : i32
      %dma_start3A_113 = arith.constant 0 : i32
      %dma_start3A_114 = arith.constant 0 : i32
      %dma_start3A_115 = arith.constant 0 : i32
      %dma_start3A_116 = tpu.memref_slice %arg10[%dma_start3A_112, %dma_start3A_114, %dma_start3A_115] : memref<2x112x256xf32, #tpu.memory_space<vmem>> -> memref<1x112x256xf32, #tpu.memory_space<vmem>>
      %dma_start3A_117 = tpu.memref_squeeze %dma_start3A_116 : memref<1x112x256xf32, #tpu.memory_space<vmem>> -> memref<112x256xf32, #tpu.memory_space<vmem>>
      %dma_start3A_118 = arith.constant 0 : i32
      %dma_start3A_119 = tpu.memref_slice %arg6[%add3A_111, %dma_start3A_118] : memref<14336x256xf32, #tpu.memory_space<hbm>> -> memref<112x256xf32, #tpu.memory_space<hbm>>
      %dma_start3A_120 = tpu.memref_slice %arg19[%dma_start3A_113] : memref<2x!tpu.dma_semaphore, #tpu.memory_space<semaphore_mem>> -> memref<1x!tpu.dma_semaphore, #tpu.memory_space<semaphore_mem>>
      %dma_start3A_121 = tpu.memref_squeeze %dma_start3A_120 : memref<1x!tpu.dma_semaphore, #tpu.memory_space<semaphore_mem>> -> memref<!tpu.dma_semaphore, #tpu.memory_space<semaphore_mem>>
      %dma_start3A_122 = arith.constant 0 : i32
      %dma_start3A_123 = tpu.memref_slice %arg6[%add3A_111, %dma_start3A_122] : memref<14336x256xf32, #tpu.memory_space<hbm>> -> memref<112x256xf32, #tpu.memory_space<hbm>>
      %dma_start3A_124 = arith.constant 0 : i32
      %dma_start3A_125 = arith.constant 0 : i32
      %dma_start3A_126 = tpu.memref_slice %arg10[%dma_start3A_112, %dma_start3A_124, %dma_start3A_125] : memref<2x112x256xf32, #tpu.memory_space<vmem>> -> memref<1x112x256xf32, #tpu.memory_space<vmem>>
      %dma_start3A_127 = tpu.memref_squeeze %dma_start3A_126 : memref<1x112x256xf32, #tpu.memory_space<vmem>> -> memref<112x256xf32, #tpu.memory_space<vmem>>
      tpu.enqueue_dma source(%dma_start3A_127 : memref<112x256xf32, #tpu.memory_space<vmem>>) target(%dma_start3A_123 : memref<112x256xf32, #tpu.memory_space<hbm>>) target_semaphore(%dma_start3A_121 : memref<!tpu.dma_semaphore, #tpu.memory_space<semaphore_mem>>)
      %add3A_128 = arith.constant 224 : i32
      %add3A_129 = arith.addi %mul3A_52, %add3A_128 : i32
      %scan3A_130 = arith.constant 0 : i32
      %scan3A_131 = arith.constant 7 : i32
      %scan3A_132 = arith.addi %scan3A_130, %scan3A_131 : i32
      %scan3A_133 = arith.constant 1 : i32
      scf.for %scan3A_335 = %scan3A_130 to %scan3A_132 step %scan3A_133  : i32 {
        %mul3A_336 = arith.constant 1 : i32
        %mul3A_337 = arith.muli %scan3A_335, %mul3A_336 : i32
        %add3A_338 = arith.constant 0 : i32
        %add3A_339 = arith.addi %add3A_338, %mul3A_337 : i32
        %mul3A_340 = arith.constant 16 : i32
        %mul3A_341 = arith.muli %add3A_339, %mul3A_340 : i32
        %add3A_342 = arith.addi %add3A_129, %mul3A_341 : i32
        %iota3A = tpu.iota {dimensions = array<i32: 0>} : vector<16xi32>
        %add3A_343 = vector.broadcast %add3A_342 : i32 to vector<16xi32>
        %add3A_344 = arith.addi %add3A_343, %iota3A : vector<16xi32>
        %jit3A = arith.constant 28 : i32
        %div3A = vector.broadcast %jit3A : i32 to vector<16xi32>
        %div3A_345 = arith.divsi %add3A_344, %div3A : vector<16xi32>
        %sign3A = arith.constant 0 : i32
        %sign3A_346 = vector.broadcast %sign3A : i32 to vector<16xi32>
        %sign3A_347 = arith.cmpi sgt, %add3A_344, %sign3A_346 : vector<16xi32>
        %sign3A_348 = arith.extui %sign3A_347 : vector<16xi1> to vector<16xi32>
        %sign3A_349 = arith.constant 0 : i32
        %sign3A_350 = vector.broadcast %sign3A_349 : i32 to vector<16xi32>
        %sign3A_351 = arith.cmpi slt, %add3A_344, %sign3A_350 : vector<16xi32>
        %sign3A_352 = arith.extui %sign3A_351 : vector<16xi1> to vector<16xi32>
        %sign3A_353 = arith.subi %sign3A_348, %sign3A_352 : vector<16xi32>
        %sign3A_354 = arith.constant 0 : i32
        %sign3A_355 = arith.cmpi sgt, %jit3A, %sign3A_354 : i32
        %sign3A_356 = arith.extui %sign3A_355 : i1 to i32
        %sign3A_357 = arith.constant 0 : i32
        %sign3A_358 = arith.cmpi slt, %jit3A, %sign3A_357 : i32
        %sign3A_359 = arith.extui %sign3A_358 : i1 to i32
        %sign3A_360 = arith.subi %sign3A_356, %sign3A_359 : i32
        %ne3A = vector.broadcast %sign3A_360 : i32 to vector<16xi32>
        %ne3A_361 = arith.cmpi ne, %sign3A_353, %ne3A : vector<16xi32>
        %rem3A = vector.broadcast %jit3A : i32 to vector<16xi32>
        %rem3A_362 = arith.remsi %add3A_344, %rem3A : vector<16xi32>
        %ne3A_363 = arith.constant 0 : i32
        %ne3A_364 = vector.broadcast %ne3A_363 : i32 to vector<16xi32>
        %ne3A_365 = arith.cmpi ne, %rem3A_362, %ne3A_364 : vector<16xi32>
        %and3A = arith.andi %ne3A_361, %ne3A_365 : vector<16xi1>
        %sub3A = arith.constant 1 : i32
        %sub3A_366 = vector.broadcast %sub3A : i32 to vector<16xi32>
        %sub3A_367 = arith.subi %div3A_345, %sub3A_366 : vector<16xi32>
        %select_n3A = arith.select %and3A, %sub3A_367, %div3A_345 : vector<16xi1>, vector<16xi32>
        %mul3A_368 = arith.constant 28 : i32
        %mul3A_369 = vector.broadcast %mul3A_368 : i32 to vector<16xi32>
        %mul3A_370 = arith.muli %select_n3A, %mul3A_369 : vector<16xi32>
        %sub3A_371 = arith.subi %add3A_344, %mul3A_370 : vector<16xi32>
        %gather3A = tpu.vector_load_idx %arg9[%select_n3A] : memref<512xi32, #tpu.memory_space<vmem>>[vector<16xi32>], vector<16xi32>,
        %gather3A_372 = tpu.vector_load_idx %arg8[%select_n3A] : memref<512xi32, #tpu.memory_space<vmem>>[vector<16xi32>], vector<16xi32>,
        %add3A_373 = arith.addi %gather3A, %sub3A_371 : vector<16xi32>
        %and3A_374 = arith.constant 255 : i32
        %and3A_375 = vector.broadcast %and3A_374 : i32 to vector<16xi32>
        %and3A_376 = arith.andi %add3A_344, %and3A_375 : vector<16xi32>
        %add3A_377 = arith.constant 4096 : i32
        %add3A_378 = vector.broadcast %add3A_377 : i32 to vector<16xi32>
        %add3A_379 = arith.addi %add3A_378, %and3A_376 : vector<16xi32>
        %lt3A = arith.cmpi slt, %sub3A_371, %gather3A_372 : vector<16xi32>
        %select_n3A_380 = arith.select %lt3A, %add3A_373, %add3A_379 : vector<16xi1>, vector<16xi32>
        %mul3A_381 = arith.constant 16 : i32
        %mul3A_382 = arith.muli %add3A_339, %mul3A_381 : i32
        %swap3A = arith.constant 0 : i32
        %swap3A_383 = arith.index_cast %swap3A : i32 to index
        %swap3A_384 = arith.index_cast %mul3A_382 : i32 to index
        %swap3A_385 = tpu.vector_load %arg11[%swap3A_383, %swap3A_384] {strides = array<i32>} : memref<2x112xi32, #tpu.memory_space<vmem>>, vector<16xi32>,
        tpu.vector_store %arg11[%swap3A_383, %swap3A_384], %select_n3A_380 {strides = array<i32>} : memref<2x112xi32, #tpu.memory_space<vmem>>, vector<16xi32>,
      }
      %scan3A_134 = arith.constant 7 : i32
      %dma_wait3A_135 = arith.constant 0 : i32
      %dma_wait3A_136 = arith.constant 0 : i32
      %dma_wait3A_137 = arith.constant 0 : i32
      %dma_wait3A_138 = arith.constant 0 : i32
      %dma_wait3A_139 = tpu.memref_slice %arg10[%dma_wait3A_135, %dma_wait3A_137, %dma_wait3A_138] : memref<2x112x256xf32, #tpu.memory_space<vmem>> -> memref<1x112x256xf32, #tpu.memory_space<vmem>>
      %dma_wait3A_140 = tpu.memref_squeeze %dma_wait3A_139 : memref<1x112x256xf32, #tpu.memory_space<vmem>> -> memref<112x256xf32, #tpu.memory_space<vmem>>
      %dma_wait3A_141 = arith.constant 0 : i32
      %dma_wait3A_142 = tpu.memref_slice %arg6[%add3A_111, %dma_wait3A_141] : memref<14336x256xf32, #tpu.memory_space<hbm>> -> memref<112x256xf32, #tpu.memory_space<hbm>>
      %dma_wait3A_143 = tpu.memref_slice %arg19[%dma_wait3A_136] : memref<2x!tpu.dma_semaphore, #tpu.memory_space<semaphore_mem>> -> memref<1x!tpu.dma_semaphore, #tpu.memory_space<semaphore_mem>>
      %dma_wait3A_144 = tpu.memref_squeeze %dma_wait3A_143 : memref<1x!tpu.dma_semaphore, #tpu.memory_space<semaphore_mem>> -> memref<!tpu.dma_semaphore, #tpu.memory_space<semaphore_mem>>
      %dma_wait3A_145 = arith.constant 0 : i32
      %dma_wait3A_146 = tpu.memref_slice %arg6[%add3A_111, %dma_wait3A_145] : memref<14336x256xf32, #tpu.memory_space<hbm>> -> memref<112x256xf32, #tpu.memory_space<hbm>>
      %dma_wait3A_147 = arith.constant 0 : i32
      %dma_wait3A_148 = arith.constant 0 : i32
      %dma_wait3A_149 = tpu.memref_slice %arg10[%dma_wait3A_135, %dma_wait3A_147, %dma_wait3A_148] : memref<2x112x256xf32, #tpu.memory_space<vmem>> -> memref<1x112x256xf32, #tpu.memory_space<vmem>>
      %dma_wait3A_150 = tpu.memref_squeeze %dma_wait3A_149 : memref<1x112x256xf32, #tpu.memory_space<vmem>> -> memref<112x256xf32, #tpu.memory_space<vmem>>
      tpu.wait_dma2 semaphore(%dma_wait3A_144 : memref<!tpu.dma_semaphore, #tpu.memory_space<semaphore_mem>>) src(%dma_wait3A_150 : memref<112x256xf32, #tpu.memory_space<vmem>>) dst(%dma_wait3A_146 : memref<112x256xf32, #tpu.memory_space<hbm>>)
      %dma_start3A_151 = arith.constant 0 : i32
      %dma_start3A_152 = arith.constant 0 : i32
      %dma_start3A_153 = arith.constant 0 : i32
      %dma_start3A_154 = arith.constant 0 : i32
      %dma_start3A_155 = arith.constant 0 : i32
      %dma_start3A_156 = tpu.memref_slice %arg10[%dma_start3A_152, %dma_start3A_154, %dma_start3A_155] : memref<2x112x256xf32, #tpu.memory_space<vmem>> -> memref<1x112x256xf32, #tpu.memory_space<vmem>>
      %dma_start3A_157 = tpu.memref_squeeze %dma_start3A_156 : memref<1x112x256xf32, #tpu.memory_space<vmem>> -> memref<112x256xf32, #tpu.memory_space<vmem>>
      %dma_start3A_158 = arith.constant 0 : i32
      %dma_start3A_159 = tpu.memref_slice %arg11[%dma_start3A_151, %dma_start3A_158] : memref<2x112xi32, #tpu.memory_space<vmem>> -> memref<1x112xi32, #tpu.memory_space<vmem>>
      %dma_start3A_160 = tpu.memref_squeeze %dma_start3A_159 : memref<1x112xi32, #tpu.memory_space<vmem>> -> memref<112xi32, #tpu.memory_space<vmem>>
      %dma_start3A_161 = arith.constant 0 : i32
      %dma_start3A_162 = arith.constant 0 : i32
      %dma_start3A_163 = tpu.memref_slice %arg2[%dma_start3A_161, %dma_start3A_162] : memref<4352x256xf32, #tpu.memory_space<hbm>> -> memref<4352x256xf32, #tpu.memory_space<hbm>>
      %dma_start3A_164 = tpu.memref_slice %arg18[%dma_start3A_153] : memref<2x!tpu.dma_semaphore, #tpu.memory_space<semaphore_mem>> -> memref<1x!tpu.dma_semaphore, #tpu.memory_space<semaphore_mem>>
      %dma_start3A_165 = tpu.memref_squeeze %dma_start3A_164 : memref<1x!tpu.dma_semaphore, #tpu.memory_space<semaphore_mem>> -> memref<!tpu.dma_semaphore, #tpu.memory_space<semaphore_mem>>
      tpu.enqueue_indirect_dma source(%dma_start3A_163 : memref<4352x256xf32, #tpu.memory_space<hbm>>) target(%dma_start3A_157 : memref<112x256xf32, #tpu.memory_space<vmem>>) offsets(%dma_start3A_160 : memref<112xi32, #tpu.memory_space<vmem>>) semaphore(%dma_start3A_165 : memref<!tpu.dma_semaphore, #tpu.memory_space<semaphore_mem>>)
      %dma_wait3A_166 = arith.constant 1 : i32
      %dma_wait3A_167 = arith.constant 1 : i32
      %dma_wait3A_168 = arith.constant 1 : i32
      %dma_wait3A_169 = arith.constant 0 : i32
      %dma_wait3A_170 = arith.constant 0 : i32
      %dma_wait3A_171 = tpu.memref_slice %arg10[%dma_wait3A_167, %dma_wait3A_169, %dma_wait3A_170] : memref<2x112x256xf32, #tpu.memory_space<vmem>> -> memref<1x112x256xf32, #tpu.memory_space<vmem>>
      %dma_wait3A_172 = tpu.memref_squeeze %dma_wait3A_171 : memref<1x112x256xf32, #tpu.memory_space<vmem>> -> memref<112x256xf32, #tpu.memory_space<vmem>>
      %dma_wait3A_173 = arith.constant 0 : i32
      %dma_wait3A_174 = tpu.memref_slice %arg11[%dma_wait3A_166, %dma_wait3A_173] : memref<2x112xi32, #tpu.memory_space<vmem>> -> memref<1x112xi32, #tpu.memory_space<vmem>>
      %dma_wait3A_175 = tpu.memref_squeeze %dma_wait3A_174 : memref<1x112xi32, #tpu.memory_space<vmem>> -> memref<112xi32, #tpu.memory_space<vmem>>
      %dma_wait3A_176 = arith.constant 0 : i32
      %dma_wait3A_177 = arith.constant 0 : i32
      %dma_wait3A_178 = tpu.memref_slice %arg2[%dma_wait3A_176, %dma_wait3A_177] : memref<4352x256xf32, #tpu.memory_space<hbm>> -> memref<4352x256xf32, #tpu.memory_space<hbm>>
      %dma_wait3A_179 = tpu.memref_slice %arg18[%dma_wait3A_168] : memref<2x!tpu.dma_semaphore, #tpu.memory_space<semaphore_mem>> -> memref<1x!tpu.dma_semaphore, #tpu.memory_space<semaphore_mem>>
      %dma_wait3A_180 = tpu.memref_squeeze %dma_wait3A_179 : memref<1x!tpu.dma_semaphore, #tpu.memory_space<semaphore_mem>> -> memref<!tpu.dma_semaphore, #tpu.memory_space<semaphore_mem>>
      tpu.wait_indirect_dma semaphore(%dma_wait3A_180 : memref<!tpu.dma_semaphore, #tpu.memory_space<semaphore_mem>>) src(%dma_wait3A_178 : memref<4352x256xf32, #tpu.memory_space<hbm>>) dst(%dma_wait3A_172 : memref<112x256xf32, #tpu.memory_space<vmem>>)
      %add3A_181 = arith.constant 112 : i32
      %add3A_182 = arith.addi %mul3A_52, %add3A_181 : i32
      %dma_start3A_183 = arith.constant 1 : i32
      %dma_start3A_184 = arith.constant 1 : i32
      %dma_start3A_185 = arith.constant 0 : i32
      %dma_start3A_186 = arith.constant 0 : i32
      %dma_start3A_187 = tpu.memref_slice %arg10[%dma_start3A_183, %dma_start3A_185, %dma_start3A_186] : memref<2x112x256xf32, #tpu.memory_space<vmem>> -> memref<1x112x256xf32, #tpu.memory_space<vmem>>
      %dma_start3A_188 = tpu.memref_squeeze %dma_start3A_187 : memref<1x112x256xf32, #tpu.memory_space<vmem>> -> memref<112x256xf32, #tpu.memory_space<vmem>>
      %dma_start3A_189 = arith.constant 0 : i32
      %dma_start3A_190 = tpu.memref_slice %arg6[%add3A_182, %dma_start3A_189] : memref<14336x256xf32, #tpu.memory_space<hbm>> -> memref<112x256xf32, #tpu.memory_space<hbm>>
      %dma_start3A_191 = tpu.memref_slice %arg19[%dma_start3A_184] : memref<2x!tpu.dma_semaphore, #tpu.memory_space<semaphore_mem>> -> memref<1x!tpu.dma_semaphore, #tpu.memory_space<semaphore_mem>>
      %dma_start3A_192 = tpu.memref_squeeze %dma_start3A_191 : memref<1x!tpu.dma_semaphore, #tpu.memory_space<semaphore_mem>> -> memref<!tpu.dma_semaphore, #tpu.memory_space<semaphore_mem>>
      %dma_start3A_193 = arith.constant 0 : i32
      %dma_start3A_194 = tpu.memref_slice %arg6[%add3A_182, %dma_start3A_193] : memref<14336x256xf32, #tpu.memory_space<hbm>> -> memref<112x256xf32, #tpu.memory_space<hbm>>
      %dma_start3A_195 = arith.constant 0 : i32
      %dma_start3A_196 = arith.constant 0 : i32
      %dma_start3A_197 = tpu.memref_slice %arg10[%dma_start3A_183, %dma_start3A_195, %dma_start3A_196] : memref<2x112x256xf32, #tpu.memory_space<vmem>> -> memref<1x112x256xf32, #tpu.memory_space<vmem>>
      %dma_start3A_198 = tpu.memref_squeeze %dma_start3A_197 : memref<1x112x256xf32, #tpu.memory_space<vmem>> -> memref<112x256xf32, #tpu.memory_space<vmem>>
      tpu.enqueue_dma source(%dma_start3A_198 : memref<112x256xf32, #tpu.memory_space<vmem>>) target(%dma_start3A_194 : memref<112x256xf32, #tpu.memory_space<hbm>>) target_semaphore(%dma_start3A_192 : memref<!tpu.dma_semaphore, #tpu.memory_space<semaphore_mem>>)
      %add3A_199 = arith.constant 336 : i32
      %add3A_200 = arith.addi %mul3A_52, %add3A_199 : i32
      %scan3A_201 = arith.constant 0 : i32
      %scan3A_202 = arith.constant 7 : i32
      %scan3A_203 = arith.addi %scan3A_201, %scan3A_202 : i32
      %scan3A_204 = arith.constant 1 : i32
      scf.for %scan3A_335 = %scan3A_201 to %scan3A_203 step %scan3A_204  : i32 {
        %mul3A_336 = arith.constant 1 : i32
        %mul3A_337 = arith.muli %scan3A_335, %mul3A_336 : i32
        %add3A_338 = arith.constant 0 : i32
        %add3A_339 = arith.addi %add3A_338, %mul3A_337 : i32
        %mul3A_340 = arith.constant 16 : i32
        %mul3A_341 = arith.muli %add3A_339, %mul3A_340 : i32
        %add3A_342 = arith.addi %add3A_200, %mul3A_341 : i32
        %iota3A = tpu.iota {dimensions = array<i32: 0>} : vector<16xi32>
        %add3A_343 = vector.broadcast %add3A_342 : i32 to vector<16xi32>
        %add3A_344 = arith.addi %add3A_343, %iota3A : vector<16xi32>
        %jit3A = arith.constant 28 : i32
        %div3A = vector.broadcast %jit3A : i32 to vector<16xi32>
        %div3A_345 = arith.divsi %add3A_344, %div3A : vector<16xi32>
        %sign3A = arith.constant 0 : i32
        %sign3A_346 = vector.broadcast %sign3A : i32 to vector<16xi32>
        %sign3A_347 = arith.cmpi sgt, %add3A_344, %sign3A_346 : vector<16xi32>
        %sign3A_348 = arith.extui %sign3A_347 : vector<16xi1> to vector<16xi32>
        %sign3A_349 = arith.constant 0 : i32
        %sign3A_350 = vector.broadcast %sign3A_349 : i32 to vector<16xi32>
        %sign3A_351 = arith.cmpi slt, %add3A_344, %sign3A_350 : vector<16xi32>
        %sign3A_352 = arith.extui %sign3A_351 : vector<16xi1> to vector<16xi32>
        %sign3A_353 = arith.subi %sign3A_348, %sign3A_352 : vector<16xi32>
        %sign3A_354 = arith.constant 0 : i32
        %sign3A_355 = arith.cmpi sgt, %jit3A, %sign3A_354 : i32
        %sign3A_356 = arith.extui %sign3A_355 : i1 to i32
        %sign3A_357 = arith.constant 0 : i32
        %sign3A_358 = arith.cmpi slt, %jit3A, %sign3A_357 : i32
        %sign3A_359 = arith.extui %sign3A_358 : i1 to i32
        %sign3A_360 = arith.subi %sign3A_356, %sign3A_359 : i32
        %ne3A = vector.broadcast %sign3A_360 : i32 to vector<16xi32>
        %ne3A_361 = arith.cmpi ne, %sign3A_353, %ne3A : vector<16xi32>
        %rem3A = vector.broadcast %jit3A : i32 to vector<16xi32>
        %rem3A_362 = arith.remsi %add3A_344, %rem3A : vector<16xi32>
        %ne3A_363 = arith.constant 0 : i32
        %ne3A_364 = vector.broadcast %ne3A_363 : i32 to vector<16xi32>
        %ne3A_365 = arith.cmpi ne, %rem3A_362, %ne3A_364 : vector<16xi32>
        %and3A = arith.andi %ne3A_361, %ne3A_365 : vector<16xi1>
        %sub3A = arith.constant 1 : i32
        %sub3A_366 = vector.broadcast %sub3A : i32 to vector<16xi32>
        %sub3A_367 = arith.subi %div3A_345, %sub3A_366 : vector<16xi32>
        %select_n3A = arith.select %and3A, %sub3A_367, %div3A_345 : vector<16xi1>, vector<16xi32>
        %mul3A_368 = arith.constant 28 : i32
        %mul3A_369 = vector.broadcast %mul3A_368 : i32 to vector<16xi32>
        %mul3A_370 = arith.muli %select_n3A, %mul3A_369 : vector<16xi32>
        %sub3A_371 = arith.subi %add3A_344, %mul3A_370 : vector<16xi32>
        %gather3A = tpu.vector_load_idx %arg9[%select_n3A] : memref<512xi32, #tpu.memory_space<vmem>>[vector<16xi32>], vector<16xi32>,
        %gather3A_372 = tpu.vector_load_idx %arg8[%select_n3A] : memref<512xi32, #tpu.memory_space<vmem>>[vector<16xi32>], vector<16xi32>,
        %add3A_373 = arith.addi %gather3A, %sub3A_371 : vector<16xi32>
        %and3A_374 = arith.constant 255 : i32
        %and3A_375 = vector.broadcast %and3A_374 : i32 to vector<16xi32>
        %and3A_376 = arith.andi %add3A_344, %and3A_375 : vector<16xi32>
        %add3A_377 = arith.constant 4096 : i32
        %add3A_378 = vector.broadcast %add3A_377 : i32 to vector<16xi32>
        %add3A_379 = arith.addi %add3A_378, %and3A_376 : vector<16xi32>
        %lt3A = arith.cmpi slt, %sub3A_371, %gather3A_372 : vector<16xi32>
        %select_n3A_380 = arith.select %lt3A, %add3A_373, %add3A_379 : vector<16xi1>, vector<16xi32>
        %mul3A_381 = arith.constant 16 : i32
        %mul3A_382 = arith.muli %add3A_339, %mul3A_381 : i32
        %swap3A = arith.constant 1 : i32
        %swap3A_383 = arith.index_cast %swap3A : i32 to index
        %swap3A_384 = arith.index_cast %mul3A_382 : i32 to index
        %swap3A_385 = tpu.vector_load %arg11[%swap3A_383, %swap3A_384] {strides = array<i32>} : memref<2x112xi32, #tpu.memory_space<vmem>>, vector<16xi32>,
        tpu.vector_store %arg11[%swap3A_383, %swap3A_384], %select_n3A_380 {strides = array<i32>} : memref<2x112xi32, #tpu.memory_space<vmem>>, vector<16xi32>,
      }
      %scan3A_205 = arith.constant 7 : i32
      %dma_wait3A_206 = arith.constant 1 : i32
      %dma_wait3A_207 = arith.constant 1 : i32
      %dma_wait3A_208 = arith.constant 0 : i32
      %dma_wait3A_209 = arith.constant 0 : i32
      %dma_wait3A_210 = tpu.memref_slice %arg10[%dma_wait3A_206, %dma_wait3A_208, %dma_wait3A_209] : memref<2x112x256xf32, #tpu.memory_space<vmem>> -> memref<1x112x256xf32, #tpu.memory_space<vmem>>
      %dma_wait3A_211 = tpu.memref_squeeze %dma_wait3A_210 : memref<1x112x256xf32, #tpu.memory_space<vmem>> -> memref<112x256xf32, #tpu.memory_space<vmem>>
      %dma_wait3A_212 = arith.constant 0 : i32
      %dma_wait3A_213 = tpu.memref_slice %arg6[%add3A_182, %dma_wait3A_212] : memref<14336x256xf32, #tpu.memory_space<hbm>> -> memref<112x256xf32, #tpu.memory_space<hbm>>
      %dma_wait3A_214 = tpu.memref_slice %arg19[%dma_wait3A_207] : memref<2x!tpu.dma_semaphore, #tpu.memory_space<semaphore_mem>> -> memref<1x!tpu.dma_semaphore, #tpu.memory_space<semaphore_mem>>
      %dma_wait3A_215 = tpu.memref_squeeze %dma_wait3A_214 : memref<1x!tpu.dma_semaphore, #tpu.memory_space<semaphore_mem>> -> memref<!tpu.dma_semaphore, #tpu.memory_space<semaphore_mem>>
      %dma_wait3A_216 = arith.constant 0 : i32
      %dma_wait3A_217 = tpu.memref_slice %arg6[%add3A_182, %dma_wait3A_216] : memref<14336x256xf32, #tpu.memory_space<hbm>> -> memref<112x256xf32, #tpu.memory_space<hbm>>
      %dma_wait3A_218 = arith.constant 0 : i32
      %dma_wait3A_219 = arith.constant 0 : i32
      %dma_wait3A_220 = tpu.memref_slice %arg10[%dma_wait3A_206, %dma_wait3A_218, %dma_wait3A_219] : memref<2x112x256xf32, #tpu.memory_space<vmem>> -> memref<1x112x256xf32, #tpu.memory_space<vmem>>
      %dma_wait3A_221 = tpu.memref_squeeze %dma_wait3A_220 : memref<1x112x256xf32, #tpu.memory_space<vmem>> -> memref<112x256xf32, #tpu.memory_space<vmem>>
      tpu.wait_dma2 semaphore(%dma_wait3A_215 : memref<!tpu.dma_semaphore, #tpu.memory_space<semaphore_mem>>) src(%dma_wait3A_221 : memref<112x256xf32, #tpu.memory_space<vmem>>) dst(%dma_wait3A_217 : memref<112x256xf32, #tpu.memory_space<hbm>>)
      %dma_start3A_222 = arith.constant 1 : i32
      %dma_start3A_223 = arith.constant 1 : i32
      %dma_start3A_224 = arith.constant 1 : i32
      %dma_start3A_225 = arith.constant 0 : i32
      %dma_start3A_226 = arith.constant 0 : i32
      %dma_start3A_227 = tpu.memref_slice %arg10[%dma_start3A_223, %dma_start3A_225, %dma_start3A_226] : memref<2x112x256xf32, #tpu.memory_space<vmem>> -> memref<1x112x256xf32, #tpu.memory_space<vmem>>
      %dma_start3A_228 = tpu.memref_squeeze %dma_start3A_227 : memref<1x112x256xf32, #tpu.memory_space<vmem>> -> memref<112x256xf32, #tpu.memory_space<vmem>>
      %dma_start3A_229 = arith.constant 0 : i32
      %dma_start3A_230 = tpu.memref_slice %arg11[%dma_start3A_222, %dma_start3A_229] : memref<2x112xi32, #tpu.memory_space<vmem>> -> memref<1x112xi32, #tpu.memory_space<vmem>>
      %dma_start3A_231 = tpu.memref_squeeze %dma_start3A_230 : memref<1x112xi32, #tpu.memory_space<vmem>> -> memref<112xi32, #tpu.memory_space<vmem>>
      %dma_start3A_232 = arith.constant 0 : i32
      %dma_start3A_233 = arith.constant 0 : i32
      %dma_start3A_234 = tpu.memref_slice %arg2[%dma_start3A_232, %dma_start3A_233] : memref<4352x256xf32, #tpu.memory_space<hbm>> -> memref<4352x256xf32, #tpu.memory_space<hbm>>
      %dma_start3A_235 = tpu.memref_slice %arg18[%dma_start3A_224] : memref<2x!tpu.dma_semaphore, #tpu.memory_space<semaphore_mem>> -> memref<1x!tpu.dma_semaphore, #tpu.memory_space<semaphore_mem>>
      %dma_start3A_236 = tpu.memref_squeeze %dma_start3A_235 : memref<1x!tpu.dma_semaphore, #tpu.memory_space<semaphore_mem>> -> memref<!tpu.dma_semaphore, #tpu.memory_space<semaphore_mem>>
      tpu.enqueue_indirect_dma source(%dma_start3A_234 : memref<4352x256xf32, #tpu.memory_space<hbm>>) target(%dma_start3A_228 : memref<112x256xf32, #tpu.memory_space<vmem>>) offsets(%dma_start3A_231 : memref<112xi32, #tpu.memory_space<vmem>>) semaphore(%dma_start3A_236 : memref<!tpu.dma_semaphore, #tpu.memory_space<semaphore_mem>>)
      %dma_wait3A_237 = arith.constant 0 : i32
      %dma_wait3A_238 = arith.constant 0 : i32
      %dma_wait3A_239 = arith.constant 0 : i32
      %dma_wait3A_240 = arith.constant 0 : i32
      %dma_wait3A_241 = arith.constant 0 : i32
      %dma_wait3A_242 = tpu.memref_slice %arg10[%dma_wait3A_238, %dma_wait3A_240, %dma_wait3A_241] : memref<2x112x256xf32, #tpu.memory_space<vmem>> -> memref<1x112x256xf32, #tpu.memory_space<vmem>>
      %dma_wait3A_243 = tpu.memref_squeeze %dma_wait3A_242 : memref<1x112x256xf32, #tpu.memory_space<vmem>> -> memref<112x256xf32, #tpu.memory_space<vmem>>
      %dma_wait3A_244 = arith.constant 0 : i32
      %dma_wait3A_245 = tpu.memref_slice %arg11[%dma_wait3A_237, %dma_wait3A_244] : memref<2x112xi32, #tpu.memory_space<vmem>> -> memref<1x112xi32, #tpu.memory_space<vmem>>
      %dma_wait3A_246 = tpu.memref_squeeze %dma_wait3A_245 : memref<1x112xi32, #tpu.memory_space<vmem>> -> memref<112xi32, #tpu.memory_space<vmem>>
      %dma_wait3A_247 = arith.constant 0 : i32
      %dma_wait3A_248 = arith.constant 0 : i32
      %dma_wait3A_249 = tpu.memref_slice %arg2[%dma_wait3A_247, %dma_wait3A_248] : memref<4352x256xf32, #tpu.memory_space<hbm>> -> memref<4352x256xf32, #tpu.memory_space<hbm>>
      %dma_wait3A_250 = tpu.memref_slice %arg18[%dma_wait3A_239] : memref<2x!tpu.dma_semaphore, #tpu.memory_space<semaphore_mem>> -> memref<1x!tpu.dma_semaphore, #tpu.memory_space<semaphore_mem>>
      %dma_wait3A_251 = tpu.memref_squeeze %dma_wait3A_250 : memref<1x!tpu.dma_semaphore, #tpu.memory_space<semaphore_mem>> -> memref<!tpu.dma_semaphore, #tpu.memory_space<semaphore_mem>>
      tpu.wait_indirect_dma semaphore(%dma_wait3A_251 : memref<!tpu.dma_semaphore, #tpu.memory_space<semaphore_mem>>) src(%dma_wait3A_249 : memref<4352x256xf32, #tpu.memory_space<hbm>>) dst(%dma_wait3A_243 : memref<112x256xf32, #tpu.memory_space<vmem>>)
      %add3A_252 = arith.constant 224 : i32
      %add3A_253 = arith.addi %mul3A_52, %add3A_252 : i32
      %dma_start3A_254 = arith.constant 0 : i32
      %dma_start3A_255 = arith.constant 0 : i32
      %dma_start3A_256 = arith.constant 0 : i32
      %dma_start3A_257 = arith.constant 0 : i32
      %dma_start3A_258 = tpu.memref_slice %arg10[%dma_start3A_254, %dma_start3A_256, %dma_start3A_257] : memref<2x112x256xf32, #tpu.memory_space<vmem>> -> memref<1x112x256xf32, #tpu.memory_space<vmem>>
      %dma_start3A_259 = tpu.memref_squeeze %dma_start3A_258 : memref<1x112x256xf32, #tpu.memory_space<vmem>> -> memref<112x256xf32, #tpu.memory_space<vmem>>
      %dma_start3A_260 = arith.constant 0 : i32
      %dma_start3A_261 = tpu.memref_slice %arg6[%add3A_253, %dma_start3A_260] : memref<14336x256xf32, #tpu.memory_space<hbm>> -> memref<112x256xf32, #tpu.memory_space<hbm>>
      %dma_start3A_262 = tpu.memref_slice %arg19[%dma_start3A_255] : memref<2x!tpu.dma_semaphore, #tpu.memory_space<semaphore_mem>> -> memref<1x!tpu.dma_semaphore, #tpu.memory_space<semaphore_mem>>
      %dma_start3A_263 = tpu.memref_squeeze %dma_start3A_262 : memref<1x!tpu.dma_semaphore, #tpu.memory_space<semaphore_mem>> -> memref<!tpu.dma_semaphore, #tpu.memory_space<semaphore_mem>>
      %dma_start3A_264 = arith.constant 0 : i32
      %dma_start3A_265 = tpu.memref_slice %arg6[%add3A_253, %dma_start3A_264] : memref<14336x256xf32, #tpu.memory_space<hbm>> -> memref<112x256xf32, #tpu.memory_space<hbm>>
      %dma_start3A_266 = arith.constant 0 : i32
      %dma_start3A_267 = arith.constant 0 : i32
      %dma_start3A_268 = tpu.memref_slice %arg10[%dma_start3A_254, %dma_start3A_266, %dma_start3A_267] : memref<2x112x256xf32, #tpu.memory_space<vmem>> -> memref<1x112x256xf32, #tpu.memory_space<vmem>>
      %dma_start3A_269 = tpu.memref_squeeze %dma_start3A_268 : memref<1x112x256xf32, #tpu.memory_space<vmem>> -> memref<112x256xf32, #tpu.memory_space<vmem>>
      tpu.enqueue_dma source(%dma_start3A_269 : memref<112x256xf32, #tpu.memory_space<vmem>>) target(%dma_start3A_265 : memref<112x256xf32, #tpu.memory_space<hbm>>) target_semaphore(%dma_start3A_263 : memref<!tpu.dma_semaphore, #tpu.memory_space<semaphore_mem>>)
      %dma_wait3A_270 = arith.constant 1 : i32
      %dma_wait3A_271 = arith.constant 1 : i32
      %dma_wait3A_272 = arith.constant 1 : i32
      %dma_wait3A_273 = arith.constant 0 : i32
      %dma_wait3A_274 = arith.constant 0 : i32
      %dma_wait3A_275 = tpu.memref_slice %arg10[%dma_wait3A_271, %dma_wait3A_273, %dma_wait3A_274] : memref<2x112x256xf32, #tpu.memory_space<vmem>> -> memref<1x112x256xf32, #tpu.memory_space<vmem>>
      %dma_wait3A_276 = tpu.memref_squeeze %dma_wait3A_275 : memref<1x112x256xf32, #tpu.memory_space<vmem>> -> memref<112x256xf32, #tpu.memory_space<vmem>>
      %dma_wait3A_277 = arith.constant 0 : i32
      %dma_wait3A_278 = tpu.memref_slice %arg11[%dma_wait3A_270, %dma_wait3A_277] : memref<2x112xi32, #tpu.memory_space<vmem>> -> memref<1x112xi32, #tpu.memory_space<vmem>>
      %dma_wait3A_279 = tpu.memref_squeeze %dma_wait3A_278 : memref<1x112xi32, #tpu.memory_space<vmem>> -> memref<112xi32, #tpu.memory_space<vmem>>
      %dma_wait3A_280 = arith.constant 0 : i32
      %dma_wait3A_281 = arith.constant 0 : i32
      %dma_wait3A_282 = tpu.memref_slice %arg2[%dma_wait3A_280, %dma_wait3A_281] : memref<4352x256xf32, #tpu.memory_space<hbm>> -> memref<4352x256xf32, #tpu.memory_space<hbm>>
      %dma_wait3A_283 = tpu.memref_slice %arg18[%dma_wait3A_272] : memref<2x!tpu.dma_semaphore, #tpu.memory_space<semaphore_mem>> -> memref<1x!tpu.dma_semaphore, #tpu.memory_space<semaphore_mem>>
      %dma_wait3A_284 = tpu.memref_squeeze %dma_wait3A_283 : memref<1x!tpu.dma_semaphore, #tpu.memory_space<semaphore_mem>> -> memref<!tpu.dma_semaphore, #tpu.memory_space<semaphore_mem>>
      tpu.wait_indirect_dma semaphore(%dma_wait3A_284 : memref<!tpu.dma_semaphore, #tpu.memory_space<semaphore_mem>>) src(%dma_wait3A_282 : memref<4352x256xf32, #tpu.memory_space<hbm>>) dst(%dma_wait3A_276 : memref<112x256xf32, #tpu.memory_space<vmem>>)
      %add3A_285 = arith.constant 336 : i32
      %add3A_286 = arith.addi %mul3A_52, %add3A_285 : i32
      %dma_start3A_287 = arith.constant 1 : i32
      %dma_start3A_288 = arith.constant 1 : i32
      %dma_start3A_289 = arith.constant 0 : i32
      %dma_start3A_290 = arith.constant 0 : i32
      %dma_start3A_291 = tpu.memref_slice %arg10[%dma_start3A_287, %dma_start3A_289, %dma_start3A_290] : memref<2x112x256xf32, #tpu.memory_space<vmem>> -> memref<1x112x256xf32, #tpu.memory_space<vmem>>
      %dma_start3A_292 = tpu.memref_squeeze %dma_start3A_291 : memref<1x112x256xf32, #tpu.memory_space<vmem>> -> memref<112x256xf32, #tpu.memory_space<vmem>>
      %dma_start3A_293 = arith.constant 0 : i32
      %dma_start3A_294 = tpu.memref_slice %arg6[%add3A_286, %dma_start3A_293] : memref<14336x256xf32, #tpu.memory_space<hbm>> -> memref<112x256xf32, #tpu.memory_space<hbm>>
      %dma_start3A_295 = tpu.memref_slice %arg19[%dma_start3A_288] : memref<2x!tpu.dma_semaphore, #tpu.memory_space<semaphore_mem>> -> memref<1x!tpu.dma_semaphore, #tpu.memory_space<semaphore_mem>>
      %dma_start3A_296 = tpu.memref_squeeze %dma_start3A_295 : memref<1x!tpu.dma_semaphore, #tpu.memory_space<semaphore_mem>> -> memref<!tpu.dma_semaphore, #tpu.memory_space<semaphore_mem>>
      %dma_start3A_297 = arith.constant 0 : i32
      %dma_start3A_298 = tpu.memref_slice %arg6[%add3A_286, %dma_start3A_297] : memref<14336x256xf32, #tpu.memory_space<hbm>> -> memref<112x256xf32, #tpu.memory_space<hbm>>
      %dma_start3A_299 = arith.constant 0 : i32
      %dma_start3A_300 = arith.constant 0 : i32
      %dma_start3A_301 = tpu.memref_slice %arg10[%dma_start3A_287, %dma_start3A_299, %dma_start3A_300] : memref<2x112x256xf32, #tpu.memory_space<vmem>> -> memref<1x112x256xf32, #tpu.memory_space<vmem>>
      %dma_start3A_302 = tpu.memref_squeeze %dma_start3A_301 : memref<1x112x256xf32, #tpu.memory_space<vmem>> -> memref<112x256xf32, #tpu.memory_space<vmem>>
      tpu.enqueue_dma source(%dma_start3A_302 : memref<112x256xf32, #tpu.memory_space<vmem>>) target(%dma_start3A_298 : memref<112x256xf32, #tpu.memory_space<hbm>>) target_semaphore(%dma_start3A_296 : memref<!tpu.dma_semaphore, #tpu.memory_space<semaphore_mem>>)
      %dma_wait3A_303 = arith.constant 0 : i32
      %dma_wait3A_304 = arith.constant 0 : i32
      %dma_wait3A_305 = arith.constant 0 : i32
      %dma_wait3A_306 = arith.constant 0 : i32
      %dma_wait3A_307 = tpu.memref_slice %arg10[%dma_wait3A_303, %dma_wait3A_305, %dma_wait3A_306] : memref<2x112x256xf32, #tpu.memory_space<vmem>> -> memref<1x112x256xf32, #tpu.memory_space<vmem>>
      %dma_wait3A_308 = tpu.memref_squeeze %dma_wait3A_307 : memref<1x112x256xf32, #tpu.memory_space<vmem>> -> memref<112x256xf32, #tpu.memory_space<vmem>>
      %dma_wait3A_309 = arith.constant 0 : i32
      %dma_wait3A_310 = tpu.memref_slice %arg6[%add3A_253, %dma_wait3A_309] : memref<14336x256xf32, #tpu.memory_space<hbm>> -> memref<112x256xf32, #tpu.memory_space<hbm>>
      %dma_wait3A_311 = tpu.memref_slice %arg19[%dma_wait3A_304] : memref<2x!tpu.dma_semaphore, #tpu.memory_space<semaphore_mem>> -> memref<1x!tpu.dma_semaphore, #tpu.memory_space<semaphore_mem>>
      %dma_wait3A_312 = tpu.memref_squeeze %dma_wait3A_311 : memref<1x!tpu.dma_semaphore, #tpu.memory_space<semaphore_mem>> -> memref<!tpu.dma_semaphore, #tpu.memory_space<semaphore_mem>>
      %dma_wait3A_313 = arith.constant 0 : i32
      %dma_wait3A_314 = tpu.memref_slice %arg6[%add3A_253, %dma_wait3A_313] : memref<14336x256xf32, #tpu.memory_space<hbm>> -> memref<112x256xf32, #tpu.memory_space<hbm>>
      %dma_wait3A_315 = arith.constant 0 : i32
      %dma_wait3A_316 = arith.constant 0 : i32
      %dma_wait3A_317 = tpu.memref_slice %arg10[%dma_wait3A_303, %dma_wait3A_315, %dma_wait3A_316] : memref<2x112x256xf32, #tpu.memory_space<vmem>> -> memref<1x112x256xf32, #tpu.memory_space<vmem>>
      %dma_wait3A_318 = tpu.memref_squeeze %dma_wait3A_317 : memref<1x112x256xf32, #tpu.memory_space<vmem>> -> memref<112x256xf32, #tpu.memory_space<vmem>>
      tpu.wait_dma2 semaphore(%dma_wait3A_312 : memref<!tpu.dma_semaphore, #tpu.memory_space<semaphore_mem>>) src(%dma_wait3A_318 : memref<112x256xf32, #tpu.memory_space<vmem>>) dst(%dma_wait3A_314 : memref<112x256xf32, #tpu.memory_space<hbm>>)
      %dma_wait3A_319 = arith.constant 1 : i32
      %dma_wait3A_320 = arith.constant 1 : i32
      %dma_wait3A_321 = arith.constant 0 : i32
      %dma_wait3A_322 = arith.constant 0 : i32
      %dma_wait3A_323 = tpu.memref_slice %arg10[%dma_wait3A_319, %dma_wait3A_321, %dma_wait3A_322] : memref<2x112x256xf32, #tpu.memory_space<vmem>> -> memref<1x112x256xf32, #tpu.memory_space<vmem>>
      %dma_wait3A_324 = tpu.memref_squeeze %dma_wait3A_323 : memref<1x112x256xf32, #tpu.memory_space<vmem>> -> memref<112x256xf32, #tpu.memory_space<vmem>>
      %dma_wait3A_325 = arith.constant 0 : i32
      %dma_wait3A_326 = tpu.memref_slice %arg6[%add3A_286, %dma_wait3A_325] : memref<14336x256xf32, #tpu.memory_space<hbm>> -> memref<112x256xf32, #tpu.memory_space<hbm>>
      %dma_wait3A_327 = tpu.memref_slice %arg19[%dma_wait3A_320] : memref<2x!tpu.dma_semaphore, #tpu.memory_space<semaphore_mem>> -> memref<1x!tpu.dma_semaphore, #tpu.memory_space<semaphore_mem>>
      %dma_wait3A_328 = tpu.memref_squeeze %dma_wait3A_327 : memref<1x!tpu.dma_semaphore, #tpu.memory_space<semaphore_mem>> -> memref<!tpu.dma_semaphore, #tpu.memory_space<semaphore_mem>>
      %dma_wait3A_329 = arith.constant 0 : i32
      %dma_wait3A_330 = tpu.memref_slice %arg6[%add3A_286, %dma_wait3A_329] : memref<14336x256xf32, #tpu.memory_space<hbm>> -> memref<112x256xf32, #tpu.memory_space<hbm>>
      %dma_wait3A_331 = arith.constant 0 : i32
      %dma_wait3A_332 = arith.constant 0 : i32
      %dma_wait3A_333 = tpu.memref_slice %arg10[%dma_wait3A_319, %dma_wait3A_331, %dma_wait3A_332] : memref<2x112x256xf32, #tpu.memory_space<vmem>> -> memref<1x112x256xf32, #tpu.memory_space<vmem>>
      %dma_wait3A_334 = tpu.memref_squeeze %dma_wait3A_333 : memref<1x112x256xf32, #tpu.memory_space<vmem>> -> memref<112x256xf32, #tpu.memory_space<vmem>>
      tpu.wait_dma2 semaphore(%dma_wait3A_328 : memref<!tpu.dma_semaphore, #tpu.memory_space<semaphore_mem>>) src(%dma_wait3A_334 : memref<112x256xf32, #tpu.memory_space<vmem>>) dst(%dma_wait3A_330 : memref<112x256xf32, #tpu.memory_space<hbm>>)
    } else {
    }
    %eq3A_41 = arith.constant 1 : i32
    %eq3A_42 = arith.cmpi eq, %arg0, %eq3A_41 : i32
    %convert_element_type3A_43 = arith.extui %eq3A_42 : i1 to i32
    %cond3A_44 = arith.constant 0 : i32
    %cond3A_45 = arith.cmpi ne, %convert_element_type3A_43, %cond3A_44 : i32
    scf.if %cond3A_45 {
      %mul3A_51 = arith.constant 448 : i32
      %mul3A_52 = arith.muli %arg1, %mul3A_51 : i32
      %add3A_53 = arith.constant 7168 : i32
      %add3A_54 = arith.addi %add3A_53, %mul3A_52 : i32
      %add3A_55 = arith.constant 0 : i32
      %add3A_56 = arith.addi %add3A_54, %add3A_55 : i32
      %scan3A_57 = arith.constant 0 : i32
      %scan3A_58 = arith.constant 7 : i32
      %scan3A_59 = arith.addi %scan3A_57, %scan3A_58 : i32
      %scan3A_60 = arith.constant 1 : i32
      scf.for %scan3A_337 = %scan3A_57 to %scan3A_59 step %scan3A_60  : i32 {
        %mul3A_338 = arith.constant 1 : i32
        %mul3A_339 = arith.muli %scan3A_337, %mul3A_338 : i32
        %add3A_340 = arith.constant 0 : i32
        %add3A_341 = arith.addi %add3A_340, %mul3A_339 : i32
        %mul3A_342 = arith.constant 16 : i32
        %mul3A_343 = arith.muli %add3A_341, %mul3A_342 : i32
        %add3A_344 = arith.addi %add3A_56, %mul3A_343 : i32
        %iota3A = tpu.iota {dimensions = array<i32: 0>} : vector<16xi32>
        %add3A_345 = vector.broadcast %add3A_344 : i32 to vector<16xi32>
        %add3A_346 = arith.addi %add3A_345, %iota3A : vector<16xi32>
        %jit3A = arith.constant 28 : i32
        %div3A = vector.broadcast %jit3A : i32 to vector<16xi32>
        %div3A_347 = arith.divsi %add3A_346, %div3A : vector<16xi32>
        %sign3A = arith.constant 0 : i32
        %sign3A_348 = vector.broadcast %sign3A : i32 to vector<16xi32>
        %sign3A_349 = arith.cmpi sgt, %add3A_346, %sign3A_348 : vector<16xi32>
        %sign3A_350 = arith.extui %sign3A_349 : vector<16xi1> to vector<16xi32>
        %sign3A_351 = arith.constant 0 : i32
        %sign3A_352 = vector.broadcast %sign3A_351 : i32 to vector<16xi32>
        %sign3A_353 = arith.cmpi slt, %add3A_346, %sign3A_352 : vector<16xi32>
        %sign3A_354 = arith.extui %sign3A_353 : vector<16xi1> to vector<16xi32>
        %sign3A_355 = arith.subi %sign3A_350, %sign3A_354 : vector<16xi32>
        %sign3A_356 = arith.constant 0 : i32
        %sign3A_357 = arith.cmpi sgt, %jit3A, %sign3A_356 : i32
        %sign3A_358 = arith.extui %sign3A_357 : i1 to i32
        %sign3A_359 = arith.constant 0 : i32
        %sign3A_360 = arith.cmpi slt, %jit3A, %sign3A_359 : i32
        %sign3A_361 = arith.extui %sign3A_360 : i1 to i32
        %sign3A_362 = arith.subi %sign3A_358, %sign3A_361 : i32
        %ne3A = vector.broadcast %sign3A_362 : i32 to vector<16xi32>
        %ne3A_363 = arith.cmpi ne, %sign3A_355, %ne3A : vector<16xi32>
        %rem3A = vector.broadcast %jit3A : i32 to vector<16xi32>
        %rem3A_364 = arith.remsi %add3A_346, %rem3A : vector<16xi32>
        %ne3A_365 = arith.constant 0 : i32
        %ne3A_366 = vector.broadcast %ne3A_365 : i32 to vector<16xi32>
        %ne3A_367 = arith.cmpi ne, %rem3A_364, %ne3A_366 : vector<16xi32>
        %and3A = arith.andi %ne3A_363, %ne3A_367 : vector<16xi1>
        %sub3A = arith.constant 1 : i32
        %sub3A_368 = vector.broadcast %sub3A : i32 to vector<16xi32>
        %sub3A_369 = arith.subi %div3A_347, %sub3A_368 : vector<16xi32>
        %select_n3A = arith.select %and3A, %sub3A_369, %div3A_347 : vector<16xi1>, vector<16xi32>
        %mul3A_370 = arith.constant 28 : i32
        %mul3A_371 = vector.broadcast %mul3A_370 : i32 to vector<16xi32>
        %mul3A_372 = arith.muli %select_n3A, %mul3A_371 : vector<16xi32>
        %sub3A_373 = arith.subi %add3A_346, %mul3A_372 : vector<16xi32>
        %gather3A = tpu.vector_load_idx %arg9[%select_n3A] : memref<512xi32, #tpu.memory_space<vmem>>[vector<16xi32>], vector<16xi32>,
        %gather3A_374 = tpu.vector_load_idx %arg8[%select_n3A] : memref<512xi32, #tpu.memory_space<vmem>>[vector<16xi32>], vector<16xi32>,
        %add3A_375 = arith.addi %gather3A, %sub3A_373 : vector<16xi32>
        %and3A_376 = arith.constant 255 : i32
        %and3A_377 = vector.broadcast %and3A_376 : i32 to vector<16xi32>
        %and3A_378 = arith.andi %add3A_346, %and3A_377 : vector<16xi32>
        %add3A_379 = arith.constant 4096 : i32
        %add3A_380 = vector.broadcast %add3A_379 : i32 to vector<16xi32>
        %add3A_381 = arith.addi %add3A_380, %and3A_378 : vector<16xi32>
        %lt3A = arith.cmpi slt, %sub3A_373, %gather3A_374 : vector<16xi32>
        %select_n3A_382 = arith.select %lt3A, %add3A_375, %add3A_381 : vector<16xi1>, vector<16xi32>
        %mul3A_383 = arith.constant 16 : i32
        %mul3A_384 = arith.muli %add3A_341, %mul3A_383 : i32
        %swap3A = arith.constant 0 : i32
        %swap3A_385 = arith.index_cast %swap3A : i32 to index
        %swap3A_386 = arith.index_cast %mul3A_384 : i32 to index
        %swap3A_387 = tpu.vector_load %arg11[%swap3A_385, %swap3A_386] {strides = array<i32>} : memref<2x112xi32, #tpu.memory_space<vmem>>, vector<16xi32>,
        tpu.vector_store %arg11[%swap3A_385, %swap3A_386], %select_n3A_382 {strides = array<i32>} : memref<2x112xi32, #tpu.memory_space<vmem>>, vector<16xi32>,
      }
      %scan3A_61 = arith.constant 7 : i32
      %dma_start3A = arith.constant 0 : i32
      %dma_start3A_62 = arith.constant 0 : i32
      %dma_start3A_63 = arith.constant 0 : i32
      %dma_start3A_64 = arith.constant 0 : i32
      %dma_start3A_65 = arith.constant 0 : i32
      %dma_start3A_66 = tpu.memref_slice %arg10[%dma_start3A_62, %dma_start3A_64, %dma_start3A_65] : memref<2x112x256xf32, #tpu.memory_space<vmem>> -> memref<1x112x256xf32, #tpu.memory_space<vmem>>
      %dma_start3A_67 = tpu.memref_squeeze %dma_start3A_66 : memref<1x112x256xf32, #tpu.memory_space<vmem>> -> memref<112x256xf32, #tpu.memory_space<vmem>>
      %dma_start3A_68 = arith.constant 0 : i32
      %dma_start3A_69 = tpu.memref_slice %arg11[%dma_start3A, %dma_start3A_68] : memref<2x112xi32, #tpu.memory_space<vmem>> -> memref<1x112xi32, #tpu.memory_space<vmem>>
      %dma_start3A_70 = tpu.memref_squeeze %dma_start3A_69 : memref<1x112xi32, #tpu.memory_space<vmem>> -> memref<112xi32, #tpu.memory_space<vmem>>
      %dma_start3A_71 = arith.constant 0 : i32
      %dma_start3A_72 = arith.constant 0 : i32
      %dma_start3A_73 = tpu.memref_slice %arg2[%dma_start3A_71, %dma_start3A_72] : memref<4352x256xf32, #tpu.memory_space<hbm>> -> memref<4352x256xf32, #tpu.memory_space<hbm>>
      %dma_start3A_74 = tpu.memref_slice %arg18[%dma_start3A_63] : memref<2x!tpu.dma_semaphore, #tpu.memory_space<semaphore_mem>> -> memref<1x!tpu.dma_semaphore, #tpu.memory_space<semaphore_mem>>
      %dma_start3A_75 = tpu.memref_squeeze %dma_start3A_74 : memref<1x!tpu.dma_semaphore, #tpu.memory_space<semaphore_mem>> -> memref<!tpu.dma_semaphore, #tpu.memory_space<semaphore_mem>>
      tpu.enqueue_indirect_dma source(%dma_start3A_73 : memref<4352x256xf32, #tpu.memory_space<hbm>>) target(%dma_start3A_67 : memref<112x256xf32, #tpu.memory_space<vmem>>) offsets(%dma_start3A_70 : memref<112xi32, #tpu.memory_space<vmem>>) semaphore(%dma_start3A_75 : memref<!tpu.dma_semaphore, #tpu.memory_space<semaphore_mem>>)
      %add3A_76 = arith.constant 112 : i32
      %add3A_77 = arith.addi %add3A_54, %add3A_76 : i32
      %scan3A_78 = arith.constant 0 : i32
      %scan3A_79 = arith.constant 7 : i32
      %scan3A_80 = arith.addi %scan3A_78, %scan3A_79 : i32
      %scan3A_81 = arith.constant 1 : i32
      scf.for %scan3A_337 = %scan3A_78 to %scan3A_80 step %scan3A_81  : i32 {
        %mul3A_338 = arith.constant 1 : i32
        %mul3A_339 = arith.muli %scan3A_337, %mul3A_338 : i32
        %add3A_340 = arith.constant 0 : i32
        %add3A_341 = arith.addi %add3A_340, %mul3A_339 : i32
        %mul3A_342 = arith.constant 16 : i32
        %mul3A_343 = arith.muli %add3A_341, %mul3A_342 : i32
        %add3A_344 = arith.addi %add3A_77, %mul3A_343 : i32
        %iota3A = tpu.iota {dimensions = array<i32: 0>} : vector<16xi32>
        %add3A_345 = vector.broadcast %add3A_344 : i32 to vector<16xi32>
        %add3A_346 = arith.addi %add3A_345, %iota3A : vector<16xi32>
        %jit3A = arith.constant 28 : i32
        %div3A = vector.broadcast %jit3A : i32 to vector<16xi32>
        %div3A_347 = arith.divsi %add3A_346, %div3A : vector<16xi32>
        %sign3A = arith.constant 0 : i32
        %sign3A_348 = vector.broadcast %sign3A : i32 to vector<16xi32>
        %sign3A_349 = arith.cmpi sgt, %add3A_346, %sign3A_348 : vector<16xi32>
        %sign3A_350 = arith.extui %sign3A_349 : vector<16xi1> to vector<16xi32>
        %sign3A_351 = arith.constant 0 : i32
        %sign3A_352 = vector.broadcast %sign3A_351 : i32 to vector<16xi32>
        %sign3A_353 = arith.cmpi slt, %add3A_346, %sign3A_352 : vector<16xi32>
        %sign3A_354 = arith.extui %sign3A_353 : vector<16xi1> to vector<16xi32>
        %sign3A_355 = arith.subi %sign3A_350, %sign3A_354 : vector<16xi32>
        %sign3A_356 = arith.constant 0 : i32
        %sign3A_357 = arith.cmpi sgt, %jit3A, %sign3A_356 : i32
        %sign3A_358 = arith.extui %sign3A_357 : i1 to i32
        %sign3A_359 = arith.constant 0 : i32
        %sign3A_360 = arith.cmpi slt, %jit3A, %sign3A_359 : i32
        %sign3A_361 = arith.extui %sign3A_360 : i1 to i32
        %sign3A_362 = arith.subi %sign3A_358, %sign3A_361 : i32
        %ne3A = vector.broadcast %sign3A_362 : i32 to vector<16xi32>
        %ne3A_363 = arith.cmpi ne, %sign3A_355, %ne3A : vector<16xi32>
        %rem3A = vector.broadcast %jit3A : i32 to vector<16xi32>
        %rem3A_364 = arith.remsi %add3A_346, %rem3A : vector<16xi32>
        %ne3A_365 = arith.constant 0 : i32
        %ne3A_366 = vector.broadcast %ne3A_365 : i32 to vector<16xi32>
        %ne3A_367 = arith.cmpi ne, %rem3A_364, %ne3A_366 : vector<16xi32>
        %and3A = arith.andi %ne3A_363, %ne3A_367 : vector<16xi1>
        %sub3A = arith.constant 1 : i32
        %sub3A_368 = vector.broadcast %sub3A : i32 to vector<16xi32>
        %sub3A_369 = arith.subi %div3A_347, %sub3A_368 : vector<16xi32>
        %select_n3A = arith.select %and3A, %sub3A_369, %div3A_347 : vector<16xi1>, vector<16xi32>
        %mul3A_370 = arith.constant 28 : i32
        %mul3A_371 = vector.broadcast %mul3A_370 : i32 to vector<16xi32>
        %mul3A_372 = arith.muli %select_n3A, %mul3A_371 : vector<16xi32>
        %sub3A_373 = arith.subi %add3A_346, %mul3A_372 : vector<16xi32>
        %gather3A = tpu.vector_load_idx %arg9[%select_n3A] : memref<512xi32, #tpu.memory_space<vmem>>[vector<16xi32>], vector<16xi32>,
        %gather3A_374 = tpu.vector_load_idx %arg8[%select_n3A] : memref<512xi32, #tpu.memory_space<vmem>>[vector<16xi32>], vector<16xi32>,
        %add3A_375 = arith.addi %gather3A, %sub3A_373 : vector<16xi32>
        %and3A_376 = arith.constant 255 : i32
        %and3A_377 = vector.broadcast %and3A_376 : i32 to vector<16xi32>
        %and3A_378 = arith.andi %add3A_346, %and3A_377 : vector<16xi32>
        %add3A_379 = arith.constant 4096 : i32
        %add3A_380 = vector.broadcast %add3A_379 : i32 to vector<16xi32>
        %add3A_381 = arith.addi %add3A_380, %and3A_378 : vector<16xi32>
        %lt3A = arith.cmpi slt, %sub3A_373, %gather3A_374 : vector<16xi32>
        %select_n3A_382 = arith.select %lt3A, %add3A_375, %add3A_381 : vector<16xi1>, vector<16xi32>
        %mul3A_383 = arith.constant 16 : i32
        %mul3A_384 = arith.muli %add3A_341, %mul3A_383 : i32
        %swap3A = arith.constant 1 : i32
        %swap3A_385 = arith.index_cast %swap3A : i32 to index
        %swap3A_386 = arith.index_cast %mul3A_384 : i32 to index
        %swap3A_387 = tpu.vector_load %arg11[%swap3A_385, %swap3A_386] {strides = array<i32>} : memref<2x112xi32, #tpu.memory_space<vmem>>, vector<16xi32>,
        tpu.vector_store %arg11[%swap3A_385, %swap3A_386], %select_n3A_382 {strides = array<i32>} : memref<2x112xi32, #tpu.memory_space<vmem>>, vector<16xi32>,
      }
      %scan3A_82 = arith.constant 7 : i32
      %dma_start3A_83 = arith.constant 1 : i32
      %dma_start3A_84 = arith.constant 1 : i32
      %dma_start3A_85 = arith.constant 1 : i32
      %dma_start3A_86 = arith.constant 0 : i32
      %dma_start3A_87 = arith.constant 0 : i32
      %dma_start3A_88 = tpu.memref_slice %arg10[%dma_start3A_84, %dma_start3A_86, %dma_start3A_87] : memref<2x112x256xf32, #tpu.memory_space<vmem>> -> memref<1x112x256xf32, #tpu.memory_space<vmem>>
      %dma_start3A_89 = tpu.memref_squeeze %dma_start3A_88 : memref<1x112x256xf32, #tpu.memory_space<vmem>> -> memref<112x256xf32, #tpu.memory_space<vmem>>
      %dma_start3A_90 = arith.constant 0 : i32
      %dma_start3A_91 = tpu.memref_slice %arg11[%dma_start3A_83, %dma_start3A_90] : memref<2x112xi32, #tpu.memory_space<vmem>> -> memref<1x112xi32, #tpu.memory_space<vmem>>
      %dma_start3A_92 = tpu.memref_squeeze %dma_start3A_91 : memref<1x112xi32, #tpu.memory_space<vmem>> -> memref<112xi32, #tpu.memory_space<vmem>>
      %dma_start3A_93 = arith.constant 0 : i32
      %dma_start3A_94 = arith.constant 0 : i32
      %dma_start3A_95 = tpu.memref_slice %arg2[%dma_start3A_93, %dma_start3A_94] : memref<4352x256xf32, #tpu.memory_space<hbm>> -> memref<4352x256xf32, #tpu.memory_space<hbm>>
      %dma_start3A_96 = tpu.memref_slice %arg18[%dma_start3A_85] : memref<2x!tpu.dma_semaphore, #tpu.memory_space<semaphore_mem>> -> memref<1x!tpu.dma_semaphore, #tpu.memory_space<semaphore_mem>>
      %dma_start3A_97 = tpu.memref_squeeze %dma_start3A_96 : memref<1x!tpu.dma_semaphore, #tpu.memory_space<semaphore_mem>> -> memref<!tpu.dma_semaphore, #tpu.memory_space<semaphore_mem>>
      tpu.enqueue_indirect_dma source(%dma_start3A_95 : memref<4352x256xf32, #tpu.memory_space<hbm>>) target(%dma_start3A_89 : memref<112x256xf32, #tpu.memory_space<vmem>>) offsets(%dma_start3A_92 : memref<112xi32, #tpu.memory_space<vmem>>) semaphore(%dma_start3A_97 : memref<!tpu.dma_semaphore, #tpu.memory_space<semaphore_mem>>)
      %dma_wait3A = arith.constant 0 : i32
      %dma_wait3A_98 = arith.constant 0 : i32
      %dma_wait3A_99 = arith.constant 0 : i32
      %dma_wait3A_100 = arith.constant 0 : i32
      %dma_wait3A_101 = arith.constant 0 : i32
      %dma_wait3A_102 = tpu.memref_slice %arg10[%dma_wait3A_98, %dma_wait3A_100, %dma_wait3A_101] : memref<2x112x256xf32, #tpu.memory_space<vmem>> -> memref<1x112x256xf32, #tpu.memory_space<vmem>>
      %dma_wait3A_103 = tpu.memref_squeeze %dma_wait3A_102 : memref<1x112x256xf32, #tpu.memory_space<vmem>> -> memref<112x256xf32, #tpu.memory_space<vmem>>
      %dma_wait3A_104 = arith.constant 0 : i32
      %dma_wait3A_105 = tpu.memref_slice %arg11[%dma_wait3A, %dma_wait3A_104] : memref<2x112xi32, #tpu.memory_space<vmem>> -> memref<1x112xi32, #tpu.memory_space<vmem>>
      %dma_wait3A_106 = tpu.memref_squeeze %dma_wait3A_105 : memref<1x112xi32, #tpu.memory_space<vmem>> -> memref<112xi32, #tpu.memory_space<vmem>>
      %dma_wait3A_107 = arith.constant 0 : i32
      %dma_wait3A_108 = arith.constant 0 : i32
      %dma_wait3A_109 = tpu.memref_slice %arg2[%dma_wait3A_107, %dma_wait3A_108] : memref<4352x256xf32, #tpu.memory_space<hbm>> -> memref<4352x256xf32, #tpu.memory_space<hbm>>
      %dma_wait3A_110 = tpu.memref_slice %arg18[%dma_wait3A_99] : memref<2x!tpu.dma_semaphore, #tpu.memory_space<semaphore_mem>> -> memref<1x!tpu.dma_semaphore, #tpu.memory_space<semaphore_mem>>
      %dma_wait3A_111 = tpu.memref_squeeze %dma_wait3A_110 : memref<1x!tpu.dma_semaphore, #tpu.memory_space<semaphore_mem>> -> memref<!tpu.dma_semaphore, #tpu.memory_space<semaphore_mem>>
      tpu.wait_indirect_dma semaphore(%dma_wait3A_111 : memref<!tpu.dma_semaphore, #tpu.memory_space<semaphore_mem>>) src(%dma_wait3A_109 : memref<4352x256xf32, #tpu.memory_space<hbm>>) dst(%dma_wait3A_103 : memref<112x256xf32, #tpu.memory_space<vmem>>)
      %add3A_112 = arith.constant 0 : i32
      %add3A_113 = arith.addi %add3A_54, %add3A_112 : i32
      %dma_start3A_114 = arith.constant 0 : i32
      %dma_start3A_115 = arith.constant 0 : i32
      %dma_start3A_116 = arith.constant 0 : i32
      %dma_start3A_117 = arith.constant 0 : i32
      %dma_start3A_118 = tpu.memref_slice %arg10[%dma_start3A_114, %dma_start3A_116, %dma_start3A_117] : memref<2x112x256xf32, #tpu.memory_space<vmem>> -> memref<1x112x256xf32, #tpu.memory_space<vmem>>
      %dma_start3A_119 = tpu.memref_squeeze %dma_start3A_118 : memref<1x112x256xf32, #tpu.memory_space<vmem>> -> memref<112x256xf32, #tpu.memory_space<vmem>>
      %dma_start3A_120 = arith.constant 0 : i32
      %dma_start3A_121 = tpu.memref_slice %arg6[%add3A_113, %dma_start3A_120] : memref<14336x256xf32, #tpu.memory_space<hbm>> -> memref<112x256xf32, #tpu.memory_space<hbm>>
      %dma_start3A_122 = tpu.memref_slice %arg19[%dma_start3A_115] : memref<2x!tpu.dma_semaphore, #tpu.memory_space<semaphore_mem>> -> memref<1x!tpu.dma_semaphore, #tpu.memory_space<semaphore_mem>>
      %dma_start3A_123 = tpu.memref_squeeze %dma_start3A_122 : memref<1x!tpu.dma_semaphore, #tpu.memory_space<semaphore_mem>> -> memref<!tpu.dma_semaphore, #tpu.memory_space<semaphore_mem>>
      %dma_start3A_124 = arith.constant 0 : i32
      %dma_start3A_125 = tpu.memref_slice %arg6[%add3A_113, %dma_start3A_124] : memref<14336x256xf32, #tpu.memory_space<hbm>> -> memref<112x256xf32, #tpu.memory_space<hbm>>
      %dma_start3A_126 = arith.constant 0 : i32
      %dma_start3A_127 = arith.constant 0 : i32
      %dma_start3A_128 = tpu.memref_slice %arg10[%dma_start3A_114, %dma_start3A_126, %dma_start3A_127] : memref<2x112x256xf32, #tpu.memory_space<vmem>> -> memref<1x112x256xf32, #tpu.memory_space<vmem>>
      %dma_start3A_129 = tpu.memref_squeeze %dma_start3A_128 : memref<1x112x256xf32, #tpu.memory_space<vmem>> -> memref<112x256xf32, #tpu.memory_space<vmem>>
      tpu.enqueue_dma source(%dma_start3A_129 : memref<112x256xf32, #tpu.memory_space<vmem>>) target(%dma_start3A_125 : memref<112x256xf32, #tpu.memory_space<hbm>>) target_semaphore(%dma_start3A_123 : memref<!tpu.dma_semaphore, #tpu.memory_space<semaphore_mem>>)
      %add3A_130 = arith.constant 224 : i32
      %add3A_131 = arith.addi %add3A_54, %add3A_130 : i32
      %scan3A_132 = arith.constant 0 : i32
      %scan3A_133 = arith.constant 7 : i32
      %scan3A_134 = arith.addi %scan3A_132, %scan3A_133 : i32
      %scan3A_135 = arith.constant 1 : i32
      scf.for %scan3A_337 = %scan3A_132 to %scan3A_134 step %scan3A_135  : i32 {
        %mul3A_338 = arith.constant 1 : i32
        %mul3A_339 = arith.muli %scan3A_337, %mul3A_338 : i32
        %add3A_340 = arith.constant 0 : i32
        %add3A_341 = arith.addi %add3A_340, %mul3A_339 : i32
        %mul3A_342 = arith.constant 16 : i32
        %mul3A_343 = arith.muli %add3A_341, %mul3A_342 : i32
        %add3A_344 = arith.addi %add3A_131, %mul3A_343 : i32
        %iota3A = tpu.iota {dimensions = array<i32: 0>} : vector<16xi32>
        %add3A_345 = vector.broadcast %add3A_344 : i32 to vector<16xi32>
        %add3A_346 = arith.addi %add3A_345, %iota3A : vector<16xi32>
        %jit3A = arith.constant 28 : i32
        %div3A = vector.broadcast %jit3A : i32 to vector<16xi32>
        %div3A_347 = arith.divsi %add3A_346, %div3A : vector<16xi32>
        %sign3A = arith.constant 0 : i32
        %sign3A_348 = vector.broadcast %sign3A : i32 to vector<16xi32>
        %sign3A_349 = arith.cmpi sgt, %add3A_346, %sign3A_348 : vector<16xi32>
        %sign3A_350 = arith.extui %sign3A_349 : vector<16xi1> to vector<16xi32>
        %sign3A_351 = arith.constant 0 : i32
        %sign3A_352 = vector.broadcast %sign3A_351 : i32 to vector<16xi32>
        %sign3A_353 = arith.cmpi slt, %add3A_346, %sign3A_352 : vector<16xi32>
        %sign3A_354 = arith.extui %sign3A_353 : vector<16xi1> to vector<16xi32>
        %sign3A_355 = arith.subi %sign3A_350, %sign3A_354 : vector<16xi32>
        %sign3A_356 = arith.constant 0 : i32
        %sign3A_357 = arith.cmpi sgt, %jit3A, %sign3A_356 : i32
        %sign3A_358 = arith.extui %sign3A_357 : i1 to i32
        %sign3A_359 = arith.constant 0 : i32
        %sign3A_360 = arith.cmpi slt, %jit3A, %sign3A_359 : i32
        %sign3A_361 = arith.extui %sign3A_360 : i1 to i32
        %sign3A_362 = arith.subi %sign3A_358, %sign3A_361 : i32
        %ne3A = vector.broadcast %sign3A_362 : i32 to vector<16xi32>
        %ne3A_363 = arith.cmpi ne, %sign3A_355, %ne3A : vector<16xi32>
        %rem3A = vector.broadcast %jit3A : i32 to vector<16xi32>
        %rem3A_364 = arith.remsi %add3A_346, %rem3A : vector<16xi32>
        %ne3A_365 = arith.constant 0 : i32
        %ne3A_366 = vector.broadcast %ne3A_365 : i32 to vector<16xi32>
        %ne3A_367 = arith.cmpi ne, %rem3A_364, %ne3A_366 : vector<16xi32>
        %and3A = arith.andi %ne3A_363, %ne3A_367 : vector<16xi1>
        %sub3A = arith.constant 1 : i32
        %sub3A_368 = vector.broadcast %sub3A : i32 to vector<16xi32>
        %sub3A_369 = arith.subi %div3A_347, %sub3A_368 : vector<16xi32>
        %select_n3A = arith.select %and3A, %sub3A_369, %div3A_347 : vector<16xi1>, vector<16xi32>
        %mul3A_370 = arith.constant 28 : i32
        %mul3A_371 = vector.broadcast %mul3A_370 : i32 to vector<16xi32>
        %mul3A_372 = arith.muli %select_n3A, %mul3A_371 : vector<16xi32>
        %sub3A_373 = arith.subi %add3A_346, %mul3A_372 : vector<16xi32>
        %gather3A = tpu.vector_load_idx %arg9[%select_n3A] : memref<512xi32, #tpu.memory_space<vmem>>[vector<16xi32>], vector<16xi32>,
        %gather3A_374 = tpu.vector_load_idx %arg8[%select_n3A] : memref<512xi32, #tpu.memory_space<vmem>>[vector<16xi32>], vector<16xi32>,
        %add3A_375 = arith.addi %gather3A, %sub3A_373 : vector<16xi32>
        %and3A_376 = arith.constant 255 : i32
        %and3A_377 = vector.broadcast %and3A_376 : i32 to vector<16xi32>
        %and3A_378 = arith.andi %add3A_346, %and3A_377 : vector<16xi32>
        %add3A_379 = arith.constant 4096 : i32
        %add3A_380 = vector.broadcast %add3A_379 : i32 to vector<16xi32>
        %add3A_381 = arith.addi %add3A_380, %and3A_378 : vector<16xi32>
        %lt3A = arith.cmpi slt, %sub3A_373, %gather3A_374 : vector<16xi32>
        %select_n3A_382 = arith.select %lt3A, %add3A_375, %add3A_381 : vector<16xi1>, vector<16xi32>
        %mul3A_383 = arith.constant 16 : i32
        %mul3A_384 = arith.muli %add3A_341, %mul3A_383 : i32
        %swap3A = arith.constant 0 : i32
        %swap3A_385 = arith.index_cast %swap3A : i32 to index
        %swap3A_386 = arith.index_cast %mul3A_384 : i32 to index
        %swap3A_387 = tpu.vector_load %arg11[%swap3A_385, %swap3A_386] {strides = array<i32>} : memref<2x112xi32, #tpu.memory_space<vmem>>, vector<16xi32>,
        tpu.vector_store %arg11[%swap3A_385, %swap3A_386], %select_n3A_382 {strides = array<i32>} : memref<2x112xi32, #tpu.memory_space<vmem>>, vector<16xi32>,
      }
      %scan3A_136 = arith.constant 7 : i32
      %dma_wait3A_137 = arith.constant 0 : i32
      %dma_wait3A_138 = arith.constant 0 : i32
      %dma_wait3A_139 = arith.constant 0 : i32
      %dma_wait3A_140 = arith.constant 0 : i32
      %dma_wait3A_141 = tpu.memref_slice %arg10[%dma_wait3A_137, %dma_wait3A_139, %dma_wait3A_140] : memref<2x112x256xf32, #tpu.memory_space<vmem>> -> memref<1x112x256xf32, #tpu.memory_space<vmem>>
      %dma_wait3A_142 = tpu.memref_squeeze %dma_wait3A_141 : memref<1x112x256xf32, #tpu.memory_space<vmem>> -> memref<112x256xf32, #tpu.memory_space<vmem>>
      %dma_wait3A_143 = arith.constant 0 : i32
      %dma_wait3A_144 = tpu.memref_slice %arg6[%add3A_113, %dma_wait3A_143] : memref<14336x256xf32, #tpu.memory_space<hbm>> -> memref<112x256xf32, #tpu.memory_space<hbm>>
      %dma_wait3A_145 = tpu.memref_slice %arg19[%dma_wait3A_138] : memref<2x!tpu.dma_semaphore, #tpu.memory_space<semaphore_mem>> -> memref<1x!tpu.dma_semaphore, #tpu.memory_space<semaphore_mem>>
      %dma_wait3A_146 = tpu.memref_squeeze %dma_wait3A_145 : memref<1x!tpu.dma_semaphore, #tpu.memory_space<semaphore_mem>> -> memref<!tpu.dma_semaphore, #tpu.memory_space<semaphore_mem>>
      %dma_wait3A_147 = arith.constant 0 : i32
      %dma_wait3A_148 = tpu.memref_slice %arg6[%add3A_113, %dma_wait3A_147] : memref<14336x256xf32, #tpu.memory_space<hbm>> -> memref<112x256xf32, #tpu.memory_space<hbm>>
      %dma_wait3A_149 = arith.constant 0 : i32
      %dma_wait3A_150 = arith.constant 0 : i32
      %dma_wait3A_151 = tpu.memref_slice %arg10[%dma_wait3A_137, %dma_wait3A_149, %dma_wait3A_150] : memref<2x112x256xf32, #tpu.memory_space<vmem>> -> memref<1x112x256xf32, #tpu.memory_space<vmem>>
      %dma_wait3A_152 = tpu.memref_squeeze %dma_wait3A_151 : memref<1x112x256xf32, #tpu.memory_space<vmem>> -> memref<112x256xf32, #tpu.memory_space<vmem>>
      tpu.wait_dma2 semaphore(%dma_wait3A_146 : memref<!tpu.dma_semaphore, #tpu.memory_space<semaphore_mem>>) src(%dma_wait3A_152 : memref<112x256xf32, #tpu.memory_space<vmem>>) dst(%dma_wait3A_148 : memref<112x256xf32, #tpu.memory_space<hbm>>)
      %dma_start3A_153 = arith.constant 0 : i32
      %dma_start3A_154 = arith.constant 0 : i32
      %dma_start3A_155 = arith.constant 0 : i32
      %dma_start3A_156 = arith.constant 0 : i32
      %dma_start3A_157 = arith.constant 0 : i32
      %dma_start3A_158 = tpu.memref_slice %arg10[%dma_start3A_154, %dma_start3A_156, %dma_start3A_157] : memref<2x112x256xf32, #tpu.memory_space<vmem>> -> memref<1x112x256xf32, #tpu.memory_space<vmem>>
      %dma_start3A_159 = tpu.memref_squeeze %dma_start3A_158 : memref<1x112x256xf32, #tpu.memory_space<vmem>> -> memref<112x256xf32, #tpu.memory_space<vmem>>
      %dma_start3A_160 = arith.constant 0 : i32
      %dma_start3A_161 = tpu.memref_slice %arg11[%dma_start3A_153, %dma_start3A_160] : memref<2x112xi32, #tpu.memory_space<vmem>> -> memref<1x112xi32, #tpu.memory_space<vmem>>
      %dma_start3A_162 = tpu.memref_squeeze %dma_start3A_161 : memref<1x112xi32, #tpu.memory_space<vmem>> -> memref<112xi32, #tpu.memory_space<vmem>>
      %dma_start3A_163 = arith.constant 0 : i32
      %dma_start3A_164 = arith.constant 0 : i32
      %dma_start3A_165 = tpu.memref_slice %arg2[%dma_start3A_163, %dma_start3A_164] : memref<4352x256xf32, #tpu.memory_space<hbm>> -> memref<4352x256xf32, #tpu.memory_space<hbm>>
      %dma_start3A_166 = tpu.memref_slice %arg18[%dma_start3A_155] : memref<2x!tpu.dma_semaphore, #tpu.memory_space<semaphore_mem>> -> memref<1x!tpu.dma_semaphore, #tpu.memory_space<semaphore_mem>>
      %dma_start3A_167 = tpu.memref_squeeze %dma_start3A_166 : memref<1x!tpu.dma_semaphore, #tpu.memory_space<semaphore_mem>> -> memref<!tpu.dma_semaphore, #tpu.memory_space<semaphore_mem>>
      tpu.enqueue_indirect_dma source(%dma_start3A_165 : memref<4352x256xf32, #tpu.memory_space<hbm>>) target(%dma_start3A_159 : memref<112x256xf32, #tpu.memory_space<vmem>>) offsets(%dma_start3A_162 : memref<112xi32, #tpu.memory_space<vmem>>) semaphore(%dma_start3A_167 : memref<!tpu.dma_semaphore, #tpu.memory_space<semaphore_mem>>)
      %dma_wait3A_168 = arith.constant 1 : i32
      %dma_wait3A_169 = arith.constant 1 : i32
      %dma_wait3A_170 = arith.constant 1 : i32
      %dma_wait3A_171 = arith.constant 0 : i32
      %dma_wait3A_172 = arith.constant 0 : i32
      %dma_wait3A_173 = tpu.memref_slice %arg10[%dma_wait3A_169, %dma_wait3A_171, %dma_wait3A_172] : memref<2x112x256xf32, #tpu.memory_space<vmem>> -> memref<1x112x256xf32, #tpu.memory_space<vmem>>
      %dma_wait3A_174 = tpu.memref_squeeze %dma_wait3A_173 : memref<1x112x256xf32, #tpu.memory_space<vmem>> -> memref<112x256xf32, #tpu.memory_space<vmem>>
      %dma_wait3A_175 = arith.constant 0 : i32
      %dma_wait3A_176 = tpu.memref_slice %arg11[%dma_wait3A_168, %dma_wait3A_175] : memref<2x112xi32, #tpu.memory_space<vmem>> -> memref<1x112xi32, #tpu.memory_space<vmem>>
      %dma_wait3A_177 = tpu.memref_squeeze %dma_wait3A_176 : memref<1x112xi32, #tpu.memory_space<vmem>> -> memref<112xi32, #tpu.memory_space<vmem>>
      %dma_wait3A_178 = arith.constant 0 : i32
      %dma_wait3A_179 = arith.constant 0 : i32
      %dma_wait3A_180 = tpu.memref_slice %arg2[%dma_wait3A_178, %dma_wait3A_179] : memref<4352x256xf32, #tpu.memory_space<hbm>> -> memref<4352x256xf32, #tpu.memory_space<hbm>>
      %dma_wait3A_181 = tpu.memref_slice %arg18[%dma_wait3A_170] : memref<2x!tpu.dma_semaphore, #tpu.memory_space<semaphore_mem>> -> memref<1x!tpu.dma_semaphore, #tpu.memory_space<semaphore_mem>>
      %dma_wait3A_182 = tpu.memref_squeeze %dma_wait3A_181 : memref<1x!tpu.dma_semaphore, #tpu.memory_space<semaphore_mem>> -> memref<!tpu.dma_semaphore, #tpu.memory_space<semaphore_mem>>
      tpu.wait_indirect_dma semaphore(%dma_wait3A_182 : memref<!tpu.dma_semaphore, #tpu.memory_space<semaphore_mem>>) src(%dma_wait3A_180 : memref<4352x256xf32, #tpu.memory_space<hbm>>) dst(%dma_wait3A_174 : memref<112x256xf32, #tpu.memory_space<vmem>>)
      %add3A_183 = arith.constant 112 : i32
      %add3A_184 = arith.addi %add3A_54, %add3A_183 : i32
      %dma_start3A_185 = arith.constant 1 : i32
      %dma_start3A_186 = arith.constant 1 : i32
      %dma_start3A_187 = arith.constant 0 : i32
      %dma_start3A_188 = arith.constant 0 : i32
      %dma_start3A_189 = tpu.memref_slice %arg10[%dma_start3A_185, %dma_start3A_187, %dma_start3A_188] : memref<2x112x256xf32, #tpu.memory_space<vmem>> -> memref<1x112x256xf32, #tpu.memory_space<vmem>>
      %dma_start3A_190 = tpu.memref_squeeze %dma_start3A_189 : memref<1x112x256xf32, #tpu.memory_space<vmem>> -> memref<112x256xf32, #tpu.memory_space<vmem>>
      %dma_start3A_191 = arith.constant 0 : i32
      %dma_start3A_192 = tpu.memref_slice %arg6[%add3A_184, %dma_start3A_191] : memref<14336x256xf32, #tpu.memory_space<hbm>> -> memref<112x256xf32, #tpu.memory_space<hbm>>
      %dma_start3A_193 = tpu.memref_slice %arg19[%dma_start3A_186] : memref<2x!tpu.dma_semaphore, #tpu.memory_space<semaphore_mem>> -> memref<1x!tpu.dma_semaphore, #tpu.memory_space<semaphore_mem>>
      %dma_start3A_194 = tpu.memref_squeeze %dma_start3A_193 : memref<1x!tpu.dma_semaphore, #tpu.memory_space<semaphore_mem>> -> memref<!tpu.dma_semaphore, #tpu.memory_space<semaphore_mem>>
      %dma_start3A_195 = arith.constant 0 : i32
      %dma_start3A_196 = tpu.memref_slice %arg6[%add3A_184, %dma_start3A_195] : memref<14336x256xf32, #tpu.memory_space<hbm>> -> memref<112x256xf32, #tpu.memory_space<hbm>>
      %dma_start3A_197 = arith.constant 0 : i32
      %dma_start3A_198 = arith.constant 0 : i32
      %dma_start3A_199 = tpu.memref_slice %arg10[%dma_start3A_185, %dma_start3A_197, %dma_start3A_198] : memref<2x112x256xf32, #tpu.memory_space<vmem>> -> memref<1x112x256xf32, #tpu.memory_space<vmem>>
      %dma_start3A_200 = tpu.memref_squeeze %dma_start3A_199 : memref<1x112x256xf32, #tpu.memory_space<vmem>> -> memref<112x256xf32, #tpu.memory_space<vmem>>
      tpu.enqueue_dma source(%dma_start3A_200 : memref<112x256xf32, #tpu.memory_space<vmem>>) target(%dma_start3A_196 : memref<112x256xf32, #tpu.memory_space<hbm>>) target_semaphore(%dma_start3A_194 : memref<!tpu.dma_semaphore, #tpu.memory_space<semaphore_mem>>)
      %add3A_201 = arith.constant 336 : i32
      %add3A_202 = arith.addi %add3A_54, %add3A_201 : i32
      %scan3A_203 = arith.constant 0 : i32
      %scan3A_204 = arith.constant 7 : i32
      %scan3A_205 = arith.addi %scan3A_203, %scan3A_204 : i32
      %scan3A_206 = arith.constant 1 : i32
      scf.for %scan3A_337 = %scan3A_203 to %scan3A_205 step %scan3A_206  : i32 {
        %mul3A_338 = arith.constant 1 : i32
        %mul3A_339 = arith.muli %scan3A_337, %mul3A_338 : i32
        %add3A_340 = arith.constant 0 : i32
        %add3A_341 = arith.addi %add3A_340, %mul3A_339 : i32
        %mul3A_342 = arith.constant 16 : i32
        %mul3A_343 = arith.muli %add3A_341, %mul3A_342 : i32
        %add3A_344 = arith.addi %add3A_202, %mul3A_343 : i32
        %iota3A = tpu.iota {dimensions = array<i32: 0>} : vector<16xi32>
        %add3A_345 = vector.broadcast %add3A_344 : i32 to vector<16xi32>
        %add3A_346 = arith.addi %add3A_345, %iota3A : vector<16xi32>
        %jit3A = arith.constant 28 : i32
        %div3A = vector.broadcast %jit3A : i32 to vector<16xi32>
        %div3A_347 = arith.divsi %add3A_346, %div3A : vector<16xi32>
        %sign3A = arith.constant 0 : i32
        %sign3A_348 = vector.broadcast %sign3A : i32 to vector<16xi32>
        %sign3A_349 = arith.cmpi sgt, %add3A_346, %sign3A_348 : vector<16xi32>
        %sign3A_350 = arith.extui %sign3A_349 : vector<16xi1> to vector<16xi32>
        %sign3A_351 = arith.constant 0 : i32
        %sign3A_352 = vector.broadcast %sign3A_351 : i32 to vector<16xi32>
        %sign3A_353 = arith.cmpi slt, %add3A_346, %sign3A_352 : vector<16xi32>
        %sign3A_354 = arith.extui %sign3A_353 : vector<16xi1> to vector<16xi32>
        %sign3A_355 = arith.subi %sign3A_350, %sign3A_354 : vector<16xi32>
        %sign3A_356 = arith.constant 0 : i32
        %sign3A_357 = arith.cmpi sgt, %jit3A, %sign3A_356 : i32
        %sign3A_358 = arith.extui %sign3A_357 : i1 to i32
        %sign3A_359 = arith.constant 0 : i32
        %sign3A_360 = arith.cmpi slt, %jit3A, %sign3A_359 : i32
        %sign3A_361 = arith.extui %sign3A_360 : i1 to i32
        %sign3A_362 = arith.subi %sign3A_358, %sign3A_361 : i32
        %ne3A = vector.broadcast %sign3A_362 : i32 to vector<16xi32>
        %ne3A_363 = arith.cmpi ne, %sign3A_355, %ne3A : vector<16xi32>
        %rem3A = vector.broadcast %jit3A : i32 to vector<16xi32>
        %rem3A_364 = arith.remsi %add3A_346, %rem3A : vector<16xi32>
        %ne3A_365 = arith.constant 0 : i32
        %ne3A_366 = vector.broadcast %ne3A_365 : i32 to vector<16xi32>
        %ne3A_367 = arith.cmpi ne, %rem3A_364, %ne3A_366 : vector<16xi32>
        %and3A = arith.andi %ne3A_363, %ne3A_367 : vector<16xi1>
        %sub3A = arith.constant 1 : i32
        %sub3A_368 = vector.broadcast %sub3A : i32 to vector<16xi32>
        %sub3A_369 = arith.subi %div3A_347, %sub3A_368 : vector<16xi32>
        %select_n3A = arith.select %and3A, %sub3A_369, %div3A_347 : vector<16xi1>, vector<16xi32>
        %mul3A_370 = arith.constant 28 : i32
        %mul3A_371 = vector.broadcast %mul3A_370 : i32 to vector<16xi32>
        %mul3A_372 = arith.muli %select_n3A, %mul3A_371 : vector<16xi32>
        %sub3A_373 = arith.subi %add3A_346, %mul3A_372 : vector<16xi32>
        %gather3A = tpu.vector_load_idx %arg9[%select_n3A] : memref<512xi32, #tpu.memory_space<vmem>>[vector<16xi32>], vector<16xi32>,
        %gather3A_374 = tpu.vector_load_idx %arg8[%select_n3A] : memref<512xi32, #tpu.memory_space<vmem>>[vector<16xi32>], vector<16xi32>,
        %add3A_375 = arith.addi %gather3A, %sub3A_373 : vector<16xi32>
        %and3A_376 = arith.constant 255 : i32
        %and3A_377 = vector.broadcast %and3A_376 : i32 to vector<16xi32>
        %and3A_378 = arith.andi %add3A_346, %and3A_377 : vector<16xi32>
        %add3A_379 = arith.constant 4096 : i32
        %add3A_380 = vector.broadcast %add3A_379 : i32 to vector<16xi32>
        %add3A_381 = arith.addi %add3A_380, %and3A_378 : vector<16xi32>
        %lt3A = arith.cmpi slt, %sub3A_373, %gather3A_374 : vector<16xi32>
        %select_n3A_382 = arith.select %lt3A, %add3A_375, %add3A_381 : vector<16xi1>, vector<16xi32>
        %mul3A_383 = arith.constant 16 : i32
        %mul3A_384 = arith.muli %add3A_341, %mul3A_383 : i32
        %swap3A = arith.constant 1 : i32
        %swap3A_385 = arith.index_cast %swap3A : i32 to index
        %swap3A_386 = arith.index_cast %mul3A_384 : i32 to index
        %swap3A_387 = tpu.vector_load %arg11[%swap3A_385, %swap3A_386] {strides = array<i32>} : memref<2x112xi32, #tpu.memory_space<vmem>>, vector<16xi32>,
        tpu.vector_store %arg11[%swap3A_385, %swap3A_386], %select_n3A_382 {strides = array<i32>} : memref<2x112xi32, #tpu.memory_space<vmem>>, vector<16xi32>,
      }
      %scan3A_207 = arith.constant 7 : i32
      %dma_wait3A_208 = arith.constant 1 : i32
      %dma_wait3A_209 = arith.constant 1 : i32
      %dma_wait3A_210 = arith.constant 0 : i32
      %dma_wait3A_211 = arith.constant 0 : i32
      %dma_wait3A_212 = tpu.memref_slice %arg10[%dma_wait3A_208, %dma_wait3A_210, %dma_wait3A_211] : memref<2x112x256xf32, #tpu.memory_space<vmem>> -> memref<1x112x256xf32, #tpu.memory_space<vmem>>
      %dma_wait3A_213 = tpu.memref_squeeze %dma_wait3A_212 : memref<1x112x256xf32, #tpu.memory_space<vmem>> -> memref<112x256xf32, #tpu.memory_space<vmem>>
      %dma_wait3A_214 = arith.constant 0 : i32
      %dma_wait3A_215 = tpu.memref_slice %arg6[%add3A_184, %dma_wait3A_214] : memref<14336x256xf32, #tpu.memory_space<hbm>> -> memref<112x256xf32, #tpu.memory_space<hbm>>
      %dma_wait3A_216 = tpu.memref_slice %arg19[%dma_wait3A_209] : memref<2x!tpu.dma_semaphore, #tpu.memory_space<semaphore_mem>> -> memref<1x!tpu.dma_semaphore, #tpu.memory_space<semaphore_mem>>
      %dma_wait3A_217 = tpu.memref_squeeze %dma_wait3A_216 : memref<1x!tpu.dma_semaphore, #tpu.memory_space<semaphore_mem>> -> memref<!tpu.dma_semaphore, #tpu.memory_space<semaphore_mem>>
      %dma_wait3A_218 = arith.constant 0 : i32
      %dma_wait3A_219 = tpu.memref_slice %arg6[%add3A_184, %dma_wait3A_218] : memref<14336x256xf32, #tpu.memory_space<hbm>> -> memref<112x256xf32, #tpu.memory_space<hbm>>
      %dma_wait3A_220 = arith.constant 0 : i32
      %dma_wait3A_221 = arith.constant 0 : i32
      %dma_wait3A_222 = tpu.memref_slice %arg10[%dma_wait3A_208, %dma_wait3A_220, %dma_wait3A_221] : memref<2x112x256xf32, #tpu.memory_space<vmem>> -> memref<1x112x256xf32, #tpu.memory_space<vmem>>
      %dma_wait3A_223 = tpu.memref_squeeze %dma_wait3A_222 : memref<1x112x256xf32, #tpu.memory_space<vmem>> -> memref<112x256xf32, #tpu.memory_space<vmem>>
      tpu.wait_dma2 semaphore(%dma_wait3A_217 : memref<!tpu.dma_semaphore, #tpu.memory_space<semaphore_mem>>) src(%dma_wait3A_223 : memref<112x256xf32, #tpu.memory_space<vmem>>) dst(%dma_wait3A_219 : memref<112x256xf32, #tpu.memory_space<hbm>>)
      %dma_start3A_224 = arith.constant 1 : i32
      %dma_start3A_225 = arith.constant 1 : i32
      %dma_start3A_226 = arith.constant 1 : i32
      %dma_start3A_227 = arith.constant 0 : i32
      %dma_start3A_228 = arith.constant 0 : i32
      %dma_start3A_229 = tpu.memref_slice %arg10[%dma_start3A_225, %dma_start3A_227, %dma_start3A_228] : memref<2x112x256xf32, #tpu.memory_space<vmem>> -> memref<1x112x256xf32, #tpu.memory_space<vmem>>
      %dma_start3A_230 = tpu.memref_squeeze %dma_start3A_229 : memref<1x112x256xf32, #tpu.memory_space<vmem>> -> memref<112x256xf32, #tpu.memory_space<vmem>>
      %dma_start3A_231 = arith.constant 0 : i32
      %dma_start3A_232 = tpu.memref_slice %arg11[%dma_start3A_224, %dma_start3A_231] : memref<2x112xi32, #tpu.memory_space<vmem>> -> memref<1x112xi32, #tpu.memory_space<vmem>>
      %dma_start3A_233 = tpu.memref_squeeze %dma_start3A_232 : memref<1x112xi32, #tpu.memory_space<vmem>> -> memref<112xi32, #tpu.memory_space<vmem>>
      %dma_start3A_234 = arith.constant 0 : i32
      %dma_start3A_235 = arith.constant 0 : i32
      %dma_start3A_236 = tpu.memref_slice %arg2[%dma_start3A_234, %dma_start3A_235] : memref<4352x256xf32, #tpu.memory_space<hbm>> -> memref<4352x256xf32, #tpu.memory_space<hbm>>
      %dma_start3A_237 = tpu.memref_slice %arg18[%dma_start3A_226] : memref<2x!tpu.dma_semaphore, #tpu.memory_space<semaphore_mem>> -> memref<1x!tpu.dma_semaphore, #tpu.memory_space<semaphore_mem>>
      %dma_start3A_238 = tpu.memref_squeeze %dma_start3A_237 : memref<1x!tpu.dma_semaphore, #tpu.memory_space<semaphore_mem>> -> memref<!tpu.dma_semaphore, #tpu.memory_space<semaphore_mem>>
      tpu.enqueue_indirect_dma source(%dma_start3A_236 : memref<4352x256xf32, #tpu.memory_space<hbm>>) target(%dma_start3A_230 : memref<112x256xf32, #tpu.memory_space<vmem>>) offsets(%dma_start3A_233 : memref<112xi32, #tpu.memory_space<vmem>>) semaphore(%dma_start3A_238 : memref<!tpu.dma_semaphore, #tpu.memory_space<semaphore_mem>>)
      %dma_wait3A_239 = arith.constant 0 : i32
      %dma_wait3A_240 = arith.constant 0 : i32
      %dma_wait3A_241 = arith.constant 0 : i32
      %dma_wait3A_242 = arith.constant 0 : i32
      %dma_wait3A_243 = arith.constant 0 : i32
      %dma_wait3A_244 = tpu.memref_slice %arg10[%dma_wait3A_240, %dma_wait3A_242, %dma_wait3A_243] : memref<2x112x256xf32, #tpu.memory_space<vmem>> -> memref<1x112x256xf32, #tpu.memory_space<vmem>>
      %dma_wait3A_245 = tpu.memref_squeeze %dma_wait3A_244 : memref<1x112x256xf32, #tpu.memory_space<vmem>> -> memref<112x256xf32, #tpu.memory_space<vmem>>
      %dma_wait3A_246 = arith.constant 0 : i32
      %dma_wait3A_247 = tpu.memref_slice %arg11[%dma_wait3A_239, %dma_wait3A_246] : memref<2x112xi32, #tpu.memory_space<vmem>> -> memref<1x112xi32, #tpu.memory_space<vmem>>
      %dma_wait3A_248 = tpu.memref_squeeze %dma_wait3A_247 : memref<1x112xi32, #tpu.memory_space<vmem>> -> memref<112xi32, #tpu.memory_space<vmem>>
      %dma_wait3A_249 = arith.constant 0 : i32
      %dma_wait3A_250 = arith.constant 0 : i32
      %dma_wait3A_251 = tpu.memref_slice %arg2[%dma_wait3A_249, %dma_wait3A_250] : memref<4352x256xf32, #tpu.memory_space<hbm>> -> memref<4352x256xf32, #tpu.memory_space<hbm>>
      %dma_wait3A_252 = tpu.memref_slice %arg18[%dma_wait3A_241] : memref<2x!tpu.dma_semaphore, #tpu.memory_space<semaphore_mem>> -> memref<1x!tpu.dma_semaphore, #tpu.memory_space<semaphore_mem>>
      %dma_wait3A_253 = tpu.memref_squeeze %dma_wait3A_252 : memref<1x!tpu.dma_semaphore, #tpu.memory_space<semaphore_mem>> -> memref<!tpu.dma_semaphore, #tpu.memory_space<semaphore_mem>>
      tpu.wait_indirect_dma semaphore(%dma_wait3A_253 : memref<!tpu.dma_semaphore, #tpu.memory_space<semaphore_mem>>) src(%dma_wait3A_251 : memref<4352x256xf32, #tpu.memory_space<hbm>>) dst(%dma_wait3A_245 : memref<112x256xf32, #tpu.memory_space<vmem>>)
      %add3A_254 = arith.constant 224 : i32
      %add3A_255 = arith.addi %add3A_54, %add3A_254 : i32
      %dma_start3A_256 = arith.constant 0 : i32
      %dma_start3A_257 = arith.constant 0 : i32
      %dma_start3A_258 = arith.constant 0 : i32
      %dma_start3A_259 = arith.constant 0 : i32
      %dma_start3A_260 = tpu.memref_slice %arg10[%dma_start3A_256, %dma_start3A_258, %dma_start3A_259] : memref<2x112x256xf32, #tpu.memory_space<vmem>> -> memref<1x112x256xf32, #tpu.memory_space<vmem>>
      %dma_start3A_261 = tpu.memref_squeeze %dma_start3A_260 : memref<1x112x256xf32, #tpu.memory_space<vmem>> -> memref<112x256xf32, #tpu.memory_space<vmem>>
      %dma_start3A_262 = arith.constant 0 : i32
      %dma_start3A_263 = tpu.memref_slice %arg6[%add3A_255, %dma_start3A_262] : memref<14336x256xf32, #tpu.memory_space<hbm>> -> memref<112x256xf32, #tpu.memory_space<hbm>>
      %dma_start3A_264 = tpu.memref_slice %arg19[%dma_start3A_257] : memref<2x!tpu.dma_semaphore, #tpu.memory_space<semaphore_mem>> -> memref<1x!tpu.dma_semaphore, #tpu.memory_space<semaphore_mem>>
      %dma_start3A_265 = tpu.memref_squeeze %dma_start3A_264 : memref<1x!tpu.dma_semaphore, #tpu.memory_space<semaphore_mem>> -> memref<!tpu.dma_semaphore, #tpu.memory_space<semaphore_mem>>
      %dma_start3A_266 = arith.constant 0 : i32
      %dma_start3A_267 = tpu.memref_slice %arg6[%add3A_255, %dma_start3A_266] : memref<14336x256xf32, #tpu.memory_space<hbm>> -> memref<112x256xf32, #tpu.memory_space<hbm>>
      %dma_start3A_268 = arith.constant 0 : i32
      %dma_start3A_269 = arith.constant 0 : i32
      %dma_start3A_270 = tpu.memref_slice %arg10[%dma_start3A_256, %dma_start3A_268, %dma_start3A_269] : memref<2x112x256xf32, #tpu.memory_space<vmem>> -> memref<1x112x256xf32, #tpu.memory_space<vmem>>
      %dma_start3A_271 = tpu.memref_squeeze %dma_start3A_270 : memref<1x112x256xf32, #tpu.memory_space<vmem>> -> memref<112x256xf32, #tpu.memory_space<vmem>>
      tpu.enqueue_dma source(%dma_start3A_271 : memref<112x256xf32, #tpu.memory_space<vmem>>) target(%dma_start3A_267 : memref<112x256xf32, #tpu.memory_space<hbm>>) target_semaphore(%dma_start3A_265 : memref<!tpu.dma_semaphore, #tpu.memory_space<semaphore_mem>>)
      %dma_wait3A_272 = arith.constant 1 : i32
      %dma_wait3A_273 = arith.constant 1 : i32
      %dma_wait3A_274 = arith.constant 1 : i32
      %dma_wait3A_275 = arith.constant 0 : i32
      %dma_wait3A_276 = arith.constant 0 : i32
      %dma_wait3A_277 = tpu.memref_slice %arg10[%dma_wait3A_273, %dma_wait3A_275, %dma_wait3A_276] : memref<2x112x256xf32, #tpu.memory_space<vmem>> -> memref<1x112x256xf32, #tpu.memory_space<vmem>>
      %dma_wait3A_278 = tpu.memref_squeeze %dma_wait3A_277 : memref<1x112x256xf32, #tpu.memory_space<vmem>> -> memref<112x256xf32, #tpu.memory_space<vmem>>
      %dma_wait3A_279 = arith.constant 0 : i32
      %dma_wait3A_280 = tpu.memref_slice %arg11[%dma_wait3A_272, %dma_wait3A_279] : memref<2x112xi32, #tpu.memory_space<vmem>> -> memref<1x112xi32, #tpu.memory_space<vmem>>
      %dma_wait3A_281 = tpu.memref_squeeze %dma_wait3A_280 : memref<1x112xi32, #tpu.memory_space<vmem>> -> memref<112xi32, #tpu.memory_space<vmem>>
      %dma_wait3A_282 = arith.constant 0 : i32
      %dma_wait3A_283 = arith.constant 0 : i32
      %dma_wait3A_284 = tpu.memref_slice %arg2[%dma_wait3A_282, %dma_wait3A_283] : memref<4352x256xf32, #tpu.memory_space<hbm>> -> memref<4352x256xf32, #tpu.memory_space<hbm>>
      %dma_wait3A_285 = tpu.memref_slice %arg18[%dma_wait3A_274] : memref<2x!tpu.dma_semaphore, #tpu.memory_space<semaphore_mem>> -> memref<1x!tpu.dma_semaphore, #tpu.memory_space<semaphore_mem>>
      %dma_wait3A_286 = tpu.memref_squeeze %dma_wait3A_285 : memref<1x!tpu.dma_semaphore, #tpu.memory_space<semaphore_mem>> -> memref<!tpu.dma_semaphore, #tpu.memory_space<semaphore_mem>>
      tpu.wait_indirect_dma semaphore(%dma_wait3A_286 : memref<!tpu.dma_semaphore, #tpu.memory_space<semaphore_mem>>) src(%dma_wait3A_284 : memref<4352x256xf32, #tpu.memory_space<hbm>>) dst(%dma_wait3A_278 : memref<112x256xf32, #tpu.memory_space<vmem>>)
      %add3A_287 = arith.constant 336 : i32
      %add3A_288 = arith.addi %add3A_54, %add3A_287 : i32
      %dma_start3A_289 = arith.constant 1 : i32
      %dma_start3A_290 = arith.constant 1 : i32
      %dma_start3A_291 = arith.constant 0 : i32
      %dma_start3A_292 = arith.constant 0 : i32
      %dma_start3A_293 = tpu.memref_slice %arg10[%dma_start3A_289, %dma_start3A_291, %dma_start3A_292] : memref<2x112x256xf32, #tpu.memory_space<vmem>> -> memref<1x112x256xf32, #tpu.memory_space<vmem>>
      %dma_start3A_294 = tpu.memref_squeeze %dma_start3A_293 : memref<1x112x256xf32, #tpu.memory_space<vmem>> -> memref<112x256xf32, #tpu.memory_space<vmem>>
      %dma_start3A_295 = arith.constant 0 : i32
      %dma_start3A_296 = tpu.memref_slice %arg6[%add3A_288, %dma_start3A_295] : memref<14336x256xf32, #tpu.memory_space<hbm>> -> memref<112x256xf32, #tpu.memory_space<hbm>>
      %dma_start3A_297 = tpu.memref_slice %arg19[%dma_start3A_290] : memref<2x!tpu.dma_semaphore, #tpu.memory_space<semaphore_mem>> -> memref<1x!tpu.dma_semaphore, #tpu.memory_space<semaphore_mem>>
      %dma_start3A_298 = tpu.memref_squeeze %dma_start3A_297 : memref<1x!tpu.dma_semaphore, #tpu.memory_space<semaphore_mem>> -> memref<!tpu.dma_semaphore, #tpu.memory_space<semaphore_mem>>
      %dma_start3A_299 = arith.constant 0 : i32
      %dma_start3A_300 = tpu.memref_slice %arg6[%add3A_288, %dma_start3A_299] : memref<14336x256xf32, #tpu.memory_space<hbm>> -> memref<112x256xf32, #tpu.memory_space<hbm>>
      %dma_start3A_301 = arith.constant 0 : i32
      %dma_start3A_302 = arith.constant 0 : i32
      %dma_start3A_303 = tpu.memref_slice %arg10[%dma_start3A_289, %dma_start3A_301, %dma_start3A_302] : memref<2x112x256xf32, #tpu.memory_space<vmem>> -> memref<1x112x256xf32, #tpu.memory_space<vmem>>
      %dma_start3A_304 = tpu.memref_squeeze %dma_start3A_303 : memref<1x112x256xf32, #tpu.memory_space<vmem>> -> memref<112x256xf32, #tpu.memory_space<vmem>>
      tpu.enqueue_dma source(%dma_start3A_304 : memref<112x256xf32, #tpu.memory_space<vmem>>) target(%dma_start3A_300 : memref<112x256xf32, #tpu.memory_space<hbm>>) target_semaphore(%dma_start3A_298 : memref<!tpu.dma_semaphore, #tpu.memory_space<semaphore_mem>>)
      %dma_wait3A_305 = arith.constant 0 : i32
      %dma_wait3A_306 = arith.constant 0 : i32
      %dma_wait3A_307 = arith.constant 0 : i32
      %dma_wait3A_308 = arith.constant 0 : i32
      %dma_wait3A_309 = tpu.memref_slice %arg10[%dma_wait3A_305, %dma_wait3A_307, %dma_wait3A_308] : memref<2x112x256xf32, #tpu.memory_space<vmem>> -> memref<1x112x256xf32, #tpu.memory_space<vmem>>
      %dma_wait3A_310 = tpu.memref_squeeze %dma_wait3A_309 : memref<1x112x256xf32, #tpu.memory_space<vmem>> -> memref<112x256xf32, #tpu.memory_space<vmem>>
      %dma_wait3A_311 = arith.constant 0 : i32
      %dma_wait3A_312 = tpu.memref_slice %arg6[%add3A_255, %dma_wait3A_311] : memref<14336x256xf32, #tpu.memory_space<hbm>> -> memref<112x256xf32, #tpu.memory_space<hbm>>
      %dma_wait3A_313 = tpu.memref_slice %arg19[%dma_wait3A_306] : memref<2x!tpu.dma_semaphore, #tpu.memory_space<semaphore_mem>> -> memref<1x!tpu.dma_semaphore, #tpu.memory_space<semaphore_mem>>
      %dma_wait3A_314 = tpu.memref_squeeze %dma_wait3A_313 : memref<1x!tpu.dma_semaphore, #tpu.memory_space<semaphore_mem>> -> memref<!tpu.dma_semaphore, #tpu.memory_space<semaphore_mem>>
      %dma_wait3A_315 = arith.constant 0 : i32
      %dma_wait3A_316 = tpu.memref_slice %arg6[%add3A_255, %dma_wait3A_315] : memref<14336x256xf32, #tpu.memory_space<hbm>> -> memref<112x256xf32, #tpu.memory_space<hbm>>
      %dma_wait3A_317 = arith.constant 0 : i32
      %dma_wait3A_318 = arith.constant 0 : i32
      %dma_wait3A_319 = tpu.memref_slice %arg10[%dma_wait3A_305, %dma_wait3A_317, %dma_wait3A_318] : memref<2x112x256xf32, #tpu.memory_space<vmem>> -> memref<1x112x256xf32, #tpu.memory_space<vmem>>
      %dma_wait3A_320 = tpu.memref_squeeze %dma_wait3A_319 : memref<1x112x256xf32, #tpu.memory_space<vmem>> -> memref<112x256xf32, #tpu.memory_space<vmem>>
      tpu.wait_dma2 semaphore(%dma_wait3A_314 : memref<!tpu.dma_semaphore, #tpu.memory_space<semaphore_mem>>) src(%dma_wait3A_320 : memref<112x256xf32, #tpu.memory_space<vmem>>) dst(%dma_wait3A_316 : memref<112x256xf32, #tpu.memory_space<hbm>>)
      %dma_wait3A_321 = arith.constant 1 : i32
      %dma_wait3A_322 = arith.constant 1 : i32
      %dma_wait3A_323 = arith.constant 0 : i32
      %dma_wait3A_324 = arith.constant 0 : i32
      %dma_wait3A_325 = tpu.memref_slice %arg10[%dma_wait3A_321, %dma_wait3A_323, %dma_wait3A_324] : memref<2x112x256xf32, #tpu.memory_space<vmem>> -> memref<1x112x256xf32, #tpu.memory_space<vmem>>
      %dma_wait3A_326 = tpu.memref_squeeze %dma_wait3A_325 : memref<1x112x256xf32, #tpu.memory_space<vmem>> -> memref<112x256xf32, #tpu.memory_space<vmem>>
      %dma_wait3A_327 = arith.constant 0 : i32
      %dma_wait3A_328 = tpu.memref_slice %arg6[%add3A_288, %dma_wait3A_327] : memref<14336x256xf32, #tpu.memory_space<hbm>> -> memref<112x256xf32, #tpu.memory_space<hbm>>
      %dma_wait3A_329 = tpu.memref_slice %arg19[%dma_wait3A_322] : memref<2x!tpu.dma_semaphore, #tpu.memory_space<semaphore_mem>> -> memref<1x!tpu.dma_semaphore, #tpu.memory_space<semaphore_mem>>
      %dma_wait3A_330 = tpu.memref_squeeze %dma_wait3A_329 : memref<1x!tpu.dma_semaphore, #tpu.memory_space<semaphore_mem>> -> memref<!tpu.dma_semaphore, #tpu.memory_space<semaphore_mem>>
      %dma_wait3A_331 = arith.constant 0 : i32
      %dma_wait3A_332 = tpu.memref_slice %arg6[%add3A_288, %dma_wait3A_331] : memref<14336x256xf32, #tpu.memory_space<hbm>> -> memref<112x256xf32, #tpu.memory_space<hbm>>
      %dma_wait3A_333 = arith.constant 0 : i32
      %dma_wait3A_334 = arith.constant 0 : i32
      %dma_wait3A_335 = tpu.memref_slice %arg10[%dma_wait3A_321, %dma_wait3A_333, %dma_wait3A_334] : memref<2x112x256xf32, #tpu.memory_space<vmem>> -> memref<1x112x256xf32, #tpu.memory_space<vmem>>
      %dma_wait3A_336 = tpu.memref_squeeze %dma_wait3A_335 : memref<1x112x256xf32, #tpu.memory_space<vmem>> -> memref<112x256xf32, #tpu.memory_space<vmem>>
      tpu.wait_dma2 semaphore(%dma_wait3A_330 : memref<!tpu.dma_semaphore, #tpu.memory_space<semaphore_mem>>) src(%dma_wait3A_336 : memref<112x256xf32, #tpu.memory_space<vmem>>) dst(%dma_wait3A_332 : memref<112x256xf32, #tpu.memory_space<hbm>>)
    } else {
    }
    %eq3A_46 = arith.constant 0 : i32
    %eq3A_47 = arith.cmpi eq, %arg0, %eq3A_46 : i32
    %convert_element_type3A_48 = arith.extui %eq3A_47 : i1 to i32
    %cond3A_49 = arith.constant 0 : i32
    %cond3A_50 = arith.cmpi ne, %convert_element_type3A_48, %cond3A_49 : i32
    scf.if %cond3A_50 {
      %mul3A_51 = arith.constant 32768 : i32
      %mul3A_52 = arith.muli %arg1, %mul3A_51 : i32
      %mul3A_53 = arith.constant 32768 : i32
      %mul3A_54 = arith.muli %arg1, %mul3A_53 : i32
      %dma_wait3A = tpu.memref_slice %arg5[%mul3A_54] : memref<524288xf32, #tpu.memory_space<hbm>> -> memref<32768xf32, #tpu.memory_space<hbm>>
      %dma_wait3A_55 = tpu.memref_slice %arg17[%mul3A_52] : memref<524288xf32, #tpu.memory_space<vmem_shared>> -> memref<32768xf32, #tpu.memory_space<vmem_shared>>
      tpu.wait_dma2 semaphore(%arg20 : memref<!tpu.dma_semaphore, #tpu.memory_space<semaphore_mem>>) src(%dma_wait3A_55 : memref<32768xf32, #tpu.memory_space<vmem_shared>>) dst(%dma_wait3A : memref<32768xf32, #tpu.memory_space<hbm>>)
    } else {
    }
    return
  }
}

module attributes {stable_mosaic.version = 14 : i64} {
  func.func @_l1_body(%arg0: i32, %arg1: memref<512x784xf32, #tpu.memory_space<vmem>>, %arg2: memref<512x7168xf32, #tpu.memory_space<vmem>>, %arg3: memref<7952x256xf32, #tpu.memory_space<vmem>>, %arg4: memref<1x256xf32, #tpu.memory_space<vmem>>, %arg5: memref<1x256xf32, #tpu.memory_space<vmem>>, %arg6: memref<1x256xf32, #tpu.memory_space<vmem>>, %arg7: memref<512x256xbf16, #tpu.memory_space<vmem>>) attributes {dimension_semantics = [#tpu.dimension_semantics<arbitrary>], iteration_bounds = array<i64: 16>, scalar_prefetch = 0 : i64, scratch_operands = 0 : i64, tpu.core_type = #tpu.core_type<tc>, window_params = [{pipeline_mode = #tpu.pipeline_mode<synchronous>, transform_indices = @transform_0, window_bounds = array<i64: 512, 784>}, {pipeline_mode = #tpu.pipeline_mode<synchronous>, transform_indices = @transform_1, window_bounds = array<i64: 512, 7168>}, {transform_indices = @transform_2, window_bounds = array<i64: 7952, 256>}, {transform_indices = @transform_3, window_bounds = array<i64: 1, 256>}, {transform_indices = @transform_4, window_bounds = array<i64: 1, 256>}, {transform_indices = @transform_5, window_bounds = array<i64: 1, 256>}, {transform_indices = @transform_6, window_bounds = array<i64: 512, 256>}]} {
    %get3A = arith.constant 0 : index
    %get3A_0 = arith.constant 0 : index
    %get3A_1 = vector.load %arg1[%get3A, %get3A_0] : memref<512x784xf32, #tpu.memory_space<vmem>>, vector<512x784xf32>
    %get3A_2 = arith.constant 0 : index
    %get3A_3 = arith.constant 0 : index
    %get3A_4 = vector.load %arg3[%get3A_2, %get3A_3] : memref<7952x256xf32, #tpu.memory_space<vmem>>, vector<784x256xf32>
    %dot_general3A = arith.constant dense<0.000000e+00> : vector<512x256xf32>
    %dot_general3A_5 = tpu.matmul %get3A_1, %get3A_4, %dot_general3A {dimension_numbers = #tpu.dot_dimension_numbers<[1], [0], [0], [1], [0, 0, 1, 1], [], []>, transpose_lhs_hint = false} : vector<512x784xf32>, vector<784x256xf32>, vector<512x256xf32> -> vector<512x256xf32>
    %get3A_6 = arith.constant 0 : index
    %get3A_7 = arith.constant 0 : index
    %get3A_8 = vector.load %arg2[%get3A_6, %get3A_7] : memref<512x7168xf32, #tpu.memory_space<vmem>>, vector<512x7168xf32>
    %get3A_9 = arith.constant 784 : index
    %get3A_10 = arith.constant 0 : index
    %get3A_11 = vector.load %arg3[%get3A_9, %get3A_10] : memref<7952x256xf32, #tpu.memory_space<vmem>>, vector<7168x256xf32>
    %dot_general3A_12 = arith.constant dense<0.000000e+00> : vector<512x256xf32>
    %dot_general3A_13 = tpu.matmul %get3A_8, %get3A_11, %dot_general3A_12 {dimension_numbers = #tpu.dot_dimension_numbers<[1], [0], [0], [1], [0, 0, 1, 1], [], []>, transpose_lhs_hint = false} : vector<512x7168xf32>, vector<7168x256xf32>, vector<512x256xf32> -> vector<512x256xf32>
    %add3A = arith.addf %dot_general3A_5, %dot_general3A_13 : vector<512x256xf32>
    %get3A_14 = arith.constant 0 : index
    %get3A_15 = arith.constant 0 : index
    %get3A_16 = vector.load %arg4[%get3A_14, %get3A_15] : memref<1x256xf32, #tpu.memory_space<vmem>>, vector<1x256xf32>
    %add3A_17 = vector.broadcast %get3A_16 : vector<1x256xf32> to vector<512x256xf32>
    %add3A_18 = arith.addf %add3A, %add3A_17 : vector<512x256xf32>
    %reduce_sum3A = arith.constant dense<0.000000e+00> : vector<256xf32>
    %reduce_sum3A_19 = vector.multi_reduction <add>, %add3A_18, %reduce_sum3A [0] : vector<512x256xf32> to vector<256xf32>
    %broadcast_in_dim3A = vector.shape_cast %reduce_sum3A_19 : vector<256xf32> to vector<1x256xf32>
    %div3A = arith.constant 5.120000e+02 : f32
    %div3A_20 = vector.broadcast %div3A : f32 to vector<1x256xf32>
    %div3A_21 = arith.divf %broadcast_in_dim3A, %div3A_20 : vector<1x256xf32>
    %sub3A = vector.broadcast %div3A_21 : vector<1x256xf32> to vector<512x256xf32>
    %sub3A_22 = arith.subf %add3A_18, %sub3A : vector<512x256xf32>
    %mul3A = arith.mulf %sub3A_22, %sub3A_22 : vector<512x256xf32>
    %reduce_sum3A_23 = arith.constant dense<0.000000e+00> : vector<256xf32>
    %reduce_sum3A_24 = vector.multi_reduction <add>, %mul3A, %reduce_sum3A_23 [0] : vector<512x256xf32> to vector<256xf32>
    %broadcast_in_dim3A_25 = vector.shape_cast %reduce_sum3A_24 : vector<256xf32> to vector<1x256xf32>
    %div3A_26 = arith.constant 5.120000e+02 : f32
    %div3A_27 = vector.broadcast %div3A_26 : f32 to vector<1x256xf32>
    %div3A_28 = arith.divf %broadcast_in_dim3A_25, %div3A_27 : vector<1x256xf32>
    %add3A_29 = arith.constant 9.99999974E-6 : f32
    %add3A_30 = vector.broadcast %add3A_29 : f32 to vector<1x256xf32>
    %add3A_31 = arith.addf %div3A_28, %add3A_30 : vector<1x256xf32>
    %rsqrt3A = math.rsqrt %add3A_31 : vector<1x256xf32>
    %mul3A_32 = vector.broadcast %rsqrt3A : vector<1x256xf32> to vector<512x256xf32>
    %mul3A_33 = arith.mulf %sub3A_22, %mul3A_32 : vector<512x256xf32>
    %get3A_34 = arith.constant 0 : index
    %get3A_35 = arith.constant 0 : index
    %get3A_36 = vector.load %arg5[%get3A_34, %get3A_35] : memref<1x256xf32, #tpu.memory_space<vmem>>, vector<1x256xf32>
    %mul3A_37 = vector.broadcast %get3A_36 : vector<1x256xf32> to vector<512x256xf32>
    %mul3A_38 = arith.mulf %mul3A_33, %mul3A_37 : vector<512x256xf32>
    %get3A_39 = arith.constant 0 : index
    %get3A_40 = arith.constant 0 : index
    %get3A_41 = vector.load %arg6[%get3A_39, %get3A_40] : memref<1x256xf32, #tpu.memory_space<vmem>>, vector<1x256xf32>
    %add3A_42 = vector.broadcast %get3A_41 : vector<1x256xf32> to vector<512x256xf32>
    %add3A_43 = arith.addf %mul3A_38, %add3A_42 : vector<512x256xf32>
    %max3A = arith.constant 0.000000e+00 : f32
    %max3A_44 = vector.broadcast %max3A : f32 to vector<512x256xf32>
    %max3A_45 = arith.maximumf %add3A_43, %max3A_44 : vector<512x256xf32>
    %convert_element_type3A = arith.truncf %max3A_45 : vector<512x256xf32> to vector<512x256xbf16>
    %swap3A = arith.constant 0 : index
    %swap3A_46 = arith.constant 0 : index
    %swap3A_47 = vector.load %arg7[%swap3A, %swap3A_46] : memref<512x256xbf16, #tpu.memory_space<vmem>>, vector<512x256xbf16>
    tpu.vector_store %arg7[%swap3A, %swap3A_46], %convert_element_type3A {strides = array<i32>} : memref<512x256xbf16, #tpu.memory_space<vmem>>, vector<512x256xbf16>,
    return
  }
  func.func @transform_0(%arg0: i32) -> (i32, i32) {
    %c0_i32 = arith.constant 0 : i32
    %c0_i32_0 = arith.constant 0 : i32
    %c0_i32_1 = arith.constant 0 : i32
    return %c0_i32, %c0_i32_0 : i32, i32
  }
  func.func @transform_1(%arg0: i32) -> (i32, i32) {
    %c0_i32 = arith.constant 0 : i32
    %c0_i32_0 = arith.constant 0 : i32
    %c0_i32_1 = arith.constant 0 : i32
    return %c0_i32, %c0_i32_0 : i32, i32
  }
  func.func @transform_2(%arg0: i32) -> (i32, i32) {
    %c0_i32 = arith.constant 0 : i32
    %c0_i32_0 = arith.constant 0 : i32
    return %c0_i32, %arg0 : i32, i32
  }
  func.func @transform_3(%arg0: i32) -> (i32, i32) {
    %c0_i32 = arith.constant 0 : i32
    %c0_i32_0 = arith.constant 0 : i32
    return %c0_i32, %arg0 : i32, i32
  }
  func.func @transform_4(%arg0: i32) -> (i32, i32) {
    %c0_i32 = arith.constant 0 : i32
    %c0_i32_0 = arith.constant 0 : i32
    return %c0_i32, %arg0 : i32, i32
  }
  func.func @transform_5(%arg0: i32) -> (i32, i32) {
    %c0_i32 = arith.constant 0 : i32
    %c0_i32_0 = arith.constant 0 : i32
    return %c0_i32, %arg0 : i32, i32
  }
  func.func @transform_6(%arg0: i32) -> (i32, i32) {
    %c0_i32 = arith.constant 0 : i32
    %c0_i32_0 = arith.constant 0 : i32
    return %c0_i32, %arg0 : i32, i32
  }
}

module attributes {stable_mosaic.version = 14 : i64} {
  func.func @_l23_body(%arg0: i32, %arg1: memref<512x4096xbf16, #tpu.memory_space<vmem>>, %arg2: memref<4096x256xf32, #tpu.memory_space<vmem>>, %arg3: memref<1x256xf32, #tpu.memory_space<vmem>>, %arg4: memref<1x256xf32, #tpu.memory_space<vmem>>, %arg5: memref<1x256xf32, #tpu.memory_space<vmem>>, %arg6: memref<512x256xbf16, #tpu.memory_space<vmem>>) attributes {dimension_semantics = [#tpu.dimension_semantics<arbitrary>], iteration_bounds = array<i64: 16>, scalar_prefetch = 0 : i64, scratch_operands = 0 : i64, tpu.core_type = #tpu.core_type<tc>, window_params = [{pipeline_mode = #tpu.pipeline_mode<synchronous>, transform_indices = @transform_0, window_bounds = array<i64: 512, 4096>}, {transform_indices = @transform_1, window_bounds = array<i64: 4096, 256>}, {transform_indices = @transform_2, window_bounds = array<i64: 1, 256>}, {transform_indices = @transform_3, window_bounds = array<i64: 1, 256>}, {transform_indices = @transform_4, window_bounds = array<i64: 1, 256>}, {transform_indices = @transform_5, window_bounds = array<i64: 512, 256>}]} {
    %get3A = arith.constant 0 : index
    %get3A_0 = arith.constant 0 : index
    %get3A_1 = vector.load %arg1[%get3A, %get3A_0] : memref<512x4096xbf16, #tpu.memory_space<vmem>>, vector<512x4096xbf16>
    %get3A_2 = arith.constant 0 : index
    %get3A_3 = arith.constant 0 : index
    %get3A_4 = vector.load %arg2[%get3A_2, %get3A_3] : memref<4096x256xf32, #tpu.memory_space<vmem>>, vector<4096x256xf32>
    %dot_general3A = arith.constant dense<0.000000e+00> : vector<512x256xf32>
    %dot_general3A_5 = tpu.matmul %get3A_1, %get3A_4, %dot_general3A {dimension_numbers = #tpu.dot_dimension_numbers<[1], [0], [0], [1], [0, 0, 1, 1], [], []>, transpose_lhs_hint = false} : vector<512x4096xbf16>, vector<4096x256xf32>, vector<512x256xf32> -> vector<512x256xf32>
    %get3A_6 = arith.constant 0 : index
    %get3A_7 = arith.constant 0 : index
    %get3A_8 = vector.load %arg3[%get3A_6, %get3A_7] : memref<1x256xf32, #tpu.memory_space<vmem>>, vector<1x256xf32>
    %add3A = vector.broadcast %get3A_8 : vector<1x256xf32> to vector<512x256xf32>
    %add3A_9 = arith.addf %dot_general3A_5, %add3A : vector<512x256xf32>
    %reduce_sum3A = arith.constant dense<0.000000e+00> : vector<256xf32>
    %reduce_sum3A_10 = vector.multi_reduction <add>, %add3A_9, %reduce_sum3A [0] : vector<512x256xf32> to vector<256xf32>
    %broadcast_in_dim3A = vector.shape_cast %reduce_sum3A_10 : vector<256xf32> to vector<1x256xf32>
    %div3A = arith.constant 5.120000e+02 : f32
    %div3A_11 = vector.broadcast %div3A : f32 to vector<1x256xf32>
    %div3A_12 = arith.divf %broadcast_in_dim3A, %div3A_11 : vector<1x256xf32>
    %sub3A = vector.broadcast %div3A_12 : vector<1x256xf32> to vector<512x256xf32>
    %sub3A_13 = arith.subf %add3A_9, %sub3A : vector<512x256xf32>
    %mul3A = arith.mulf %sub3A_13, %sub3A_13 : vector<512x256xf32>
    %reduce_sum3A_14 = arith.constant dense<0.000000e+00> : vector<256xf32>
    %reduce_sum3A_15 = vector.multi_reduction <add>, %mul3A, %reduce_sum3A_14 [0] : vector<512x256xf32> to vector<256xf32>
    %broadcast_in_dim3A_16 = vector.shape_cast %reduce_sum3A_15 : vector<256xf32> to vector<1x256xf32>
    %div3A_17 = arith.constant 5.120000e+02 : f32
    %div3A_18 = vector.broadcast %div3A_17 : f32 to vector<1x256xf32>
    %div3A_19 = arith.divf %broadcast_in_dim3A_16, %div3A_18 : vector<1x256xf32>
    %add3A_20 = arith.constant 9.99999974E-6 : f32
    %add3A_21 = vector.broadcast %add3A_20 : f32 to vector<1x256xf32>
    %add3A_22 = arith.addf %div3A_19, %add3A_21 : vector<1x256xf32>
    %rsqrt3A = math.rsqrt %add3A_22 : vector<1x256xf32>
    %mul3A_23 = vector.broadcast %rsqrt3A : vector<1x256xf32> to vector<512x256xf32>
    %mul3A_24 = arith.mulf %sub3A_13, %mul3A_23 : vector<512x256xf32>
    %get3A_25 = arith.constant 0 : index
    %get3A_26 = arith.constant 0 : index
    %get3A_27 = vector.load %arg4[%get3A_25, %get3A_26] : memref<1x256xf32, #tpu.memory_space<vmem>>, vector<1x256xf32>
    %mul3A_28 = vector.broadcast %get3A_27 : vector<1x256xf32> to vector<512x256xf32>
    %mul3A_29 = arith.mulf %mul3A_24, %mul3A_28 : vector<512x256xf32>
    %get3A_30 = arith.constant 0 : index
    %get3A_31 = arith.constant 0 : index
    %get3A_32 = vector.load %arg5[%get3A_30, %get3A_31] : memref<1x256xf32, #tpu.memory_space<vmem>>, vector<1x256xf32>
    %add3A_33 = vector.broadcast %get3A_32 : vector<1x256xf32> to vector<512x256xf32>
    %add3A_34 = arith.addf %mul3A_29, %add3A_33 : vector<512x256xf32>
    %max3A = arith.constant 0.000000e+00 : f32
    %max3A_35 = vector.broadcast %max3A : f32 to vector<512x256xf32>
    %max3A_36 = arith.maximumf %add3A_34, %max3A_35 : vector<512x256xf32>
    %convert_element_type3A = arith.truncf %max3A_36 : vector<512x256xf32> to vector<512x256xbf16>
    %swap3A = arith.constant 0 : index
    %swap3A_37 = arith.constant 0 : index
    %swap3A_38 = vector.load %arg6[%swap3A, %swap3A_37] : memref<512x256xbf16, #tpu.memory_space<vmem>>, vector<512x256xbf16>
    tpu.vector_store %arg6[%swap3A, %swap3A_37], %convert_element_type3A {strides = array<i32>} : memref<512x256xbf16, #tpu.memory_space<vmem>>, vector<512x256xbf16>,
    return
  }
  func.func @transform_0(%arg0: i32) -> (i32, i32) {
    %c0_i32 = arith.constant 0 : i32
    %c0_i32_0 = arith.constant 0 : i32
    %c0_i32_1 = arith.constant 0 : i32
    return %c0_i32, %c0_i32_0 : i32, i32
  }
  func.func @transform_1(%arg0: i32) -> (i32, i32) {
    %c0_i32 = arith.constant 0 : i32
    %c0_i32_0 = arith.constant 0 : i32
    return %c0_i32, %arg0 : i32, i32
  }
  func.func @transform_2(%arg0: i32) -> (i32, i32) {
    %c0_i32 = arith.constant 0 : i32
    %c0_i32_0 = arith.constant 0 : i32
    return %c0_i32, %arg0 : i32, i32
  }
  func.func @transform_3(%arg0: i32) -> (i32, i32) {
    %c0_i32 = arith.constant 0 : i32
    %c0_i32_0 = arith.constant 0 : i32
    return %c0_i32, %arg0 : i32, i32
  }
  func.func @transform_4(%arg0: i32) -> (i32, i32) {
    %c0_i32 = arith.constant 0 : i32
    %c0_i32_0 = arith.constant 0 : i32
    return %c0_i32, %arg0 : i32, i32
  }
  func.func @transform_5(%arg0: i32) -> (i32, i32) {
    %c0_i32 = arith.constant 0 : i32
    %c0_i32_0 = arith.constant 0 : i32
    return %c0_i32, %arg0 : i32, i32
  }
}

module attributes {stable_mosaic.version = 14 : i64} {
  func.func @_l23_body(%arg0: i32, %arg1: memref<512x4096xbf16, #tpu.memory_space<vmem>>, %arg2: memref<4096x256xf32, #tpu.memory_space<vmem>>, %arg3: memref<1x256xf32, #tpu.memory_space<vmem>>, %arg4: memref<1x256xf32, #tpu.memory_space<vmem>>, %arg5: memref<1x256xf32, #tpu.memory_space<vmem>>, %arg6: memref<512x256xf32, #tpu.memory_space<vmem>>) attributes {dimension_semantics = [#tpu.dimension_semantics<arbitrary>], iteration_bounds = array<i64: 8>, scalar_prefetch = 0 : i64, scratch_operands = 0 : i64, tpu.core_type = #tpu.core_type<tc>, window_params = [{pipeline_mode = #tpu.pipeline_mode<synchronous>, transform_indices = @transform_0, window_bounds = array<i64: 512, 4096>}, {transform_indices = @transform_1, window_bounds = array<i64: 4096, 256>}, {transform_indices = @transform_2, window_bounds = array<i64: 1, 256>}, {transform_indices = @transform_3, window_bounds = array<i64: 1, 256>}, {transform_indices = @transform_4, window_bounds = array<i64: 1, 256>}, {transform_indices = @transform_5, window_bounds = array<i64: 512, 256>}]} {
    %get3A = arith.constant 0 : index
    %get3A_0 = arith.constant 0 : index
    %get3A_1 = vector.load %arg1[%get3A, %get3A_0] : memref<512x4096xbf16, #tpu.memory_space<vmem>>, vector<512x4096xbf16>
    %get3A_2 = arith.constant 0 : index
    %get3A_3 = arith.constant 0 : index
    %get3A_4 = vector.load %arg2[%get3A_2, %get3A_3] : memref<4096x256xf32, #tpu.memory_space<vmem>>, vector<4096x256xf32>
    %dot_general3A = arith.constant dense<0.000000e+00> : vector<512x256xf32>
    %dot_general3A_5 = tpu.matmul %get3A_1, %get3A_4, %dot_general3A {dimension_numbers = #tpu.dot_dimension_numbers<[1], [0], [0], [1], [0, 0, 1, 1], [], []>, transpose_lhs_hint = false} : vector<512x4096xbf16>, vector<4096x256xf32>, vector<512x256xf32> -> vector<512x256xf32>
    %get3A_6 = arith.constant 0 : index
    %get3A_7 = arith.constant 0 : index
    %get3A_8 = vector.load %arg3[%get3A_6, %get3A_7] : memref<1x256xf32, #tpu.memory_space<vmem>>, vector<1x256xf32>
    %add3A = vector.broadcast %get3A_8 : vector<1x256xf32> to vector<512x256xf32>
    %add3A_9 = arith.addf %dot_general3A_5, %add3A : vector<512x256xf32>
    %swap3A = arith.constant 0 : index
    %swap3A_10 = arith.constant 0 : index
    %swap3A_11 = vector.load %arg6[%swap3A, %swap3A_10] : memref<512x256xf32, #tpu.memory_space<vmem>>, vector<512x256xf32>
    tpu.vector_store %arg6[%swap3A, %swap3A_10], %add3A_9 {strides = array<i32>} : memref<512x256xf32, #tpu.memory_space<vmem>>, vector<512x256xf32>,
    return
  }
  func.func @transform_0(%arg0: i32) -> (i32, i32) {
    %c0_i32 = arith.constant 0 : i32
    %c0_i32_0 = arith.constant 0 : i32
    %c0_i32_1 = arith.constant 0 : i32
    return %c0_i32, %c0_i32_0 : i32, i32
  }
  func.func @transform_1(%arg0: i32) -> (i32, i32) {
    %c0_i32 = arith.constant 0 : i32
    %c0_i32_0 = arith.constant 0 : i32
    return %c0_i32, %arg0 : i32, i32
  }
  func.func @transform_2(%arg0: i32) -> (i32, i32) {
    %c0_i32 = arith.constant 0 : i32
    %c0_i32_0 = arith.constant 0 : i32
    return %c0_i32, %arg0 : i32, i32
  }
  func.func @transform_3(%arg0: i32) -> (i32, i32) {
    %c0_i32 = arith.constant 0 : i32
    %c0_i32_0 = arith.constant 0 : i32
    return %c0_i32, %arg0 : i32, i32
  }
  func.func @transform_4(%arg0: i32) -> (i32, i32) {
    %c0_i32 = arith.constant 0 : i32
    %c0_i32_0 = arith.constant 0 : i32
    return %c0_i32, %arg0 : i32, i32
  }
  func.func @transform_5(%arg0: i32) -> (i32, i32) {
    %c0_i32 = arith.constant 0 : i32
    %c0_i32_0 = arith.constant 0 : i32
    return %c0_i32, %arg0 : i32, i32
  }
}

</mosaic_0001>

<sc_bundles>
// kernel: kernel.6.cloned.1.call-start
scs
__scs_entry_jumppad:
0x0: {  	(pc) =	sbr.rel $0x88, $3  }
0x1: {  	(tag) =	ssettag $0x0;
	lr =	simm.s32 $0x1  }
0x2: {  	[smem:$0x3F94] =	sst lr;
	_ =	strace $0xD0000000  }
0x3: {  	_ = 	snop  }
0x4: {  	_ = 	snop  }
0x5: {  	_ = 	snop  }
0x6: {  	_ = 	snop  }
0x7: {  	_ = 	snop  }
__scs_overlays_trampoline_lowered:
0x8: {  	[smem:$0x3FA3] =	sst s0  }
0x9: {  	[smem:$0x3FA4] =	sst s1  }
0xa: {  	[smem:$0x3FA5] =	sst s2  }
0xb: {  	[smem:$0x3FA6] =	sst s3  }
0xc: {  	[smem:$0x3FA7] =	sst s4  }
0xd: {  	[smem:$0x3FA8] =	sst s5  }
0xe: {  	[smem:$0x3FA9] =	sst s6  }
0xf: {  	[smem:$0x3FAA] =	sst s7  }
0x10: {  	[smem:$0x3FAB] =	sst s8  }
0x11: {  	[smem:$0x3FAC] =	sst s9;
	s0 =	simm.s32 @!p0 $0x0  }
0x12: {  	s1 =	sld [smem:$0x3F92];
	s0 =	simm.s32 @p0 $0x1  }
0x13: {  	[smem:$0x3FAD] =	sst s0;
	s0 =	simm.s32 @!p1 $0x0  }
0x14: {  	s2 =	sld [smem:$0x3F91];
	s0 =	simm.s32 @p1 $0x1  }
0x15: {  	[smem:$0x3FAE] =	sst s0;
	s0 =	simm.s32 @!p2 $0x0  }
0x16: {  	s3 =	sld [smem:$0x3FDB];
	s0 =	simm.s32 @p2 $0x1  }
0x17: {  	s4 =	simm.s32 $0x1BF5;
	[smem:$0x3FB0] =	sst s0  }
0x18: {  	s0 =	sld [smem:$0x3F93];
	_ =	swait.ge [sflag:s4], $0x0  }
0x19: {  	s7 =	sld [smem:$0x3F94]  }
0x1a: {  	s8 =	sadd.s32 $0xFFFFE003, lr  }
0x1b: {  	s9 =	sadd.s32 $0xFFFFFEF7, lr;
	s5 =	simm.s32 $0xFFFFFFFF;
	p2 =	slt.u32 s8, $0xFFFFF086  }
0x1c: {  	p1 =	slt.u32 s9, $0xF7A;
	s5 =	simm.s32 @!p2 $0x0  }
0x1d: {  	s5 =	simm.s32 @p1 $0x1;
	p0 =	seq.s32 s7, s2  }
0x1e: {  	s7 =	smul.u32 @!p0 $0xF7A, s2;
	p2 =	seq.s32 @!p0 s5, $0x0  }
0x1f: {  	s9 =	smul.u32 $0xF7A, s1;
	s8 =	simm.s32 @!p0 $0x1BF5;
	p2 =	por !p2, p0  }
0x20: {  	[sflag:s8] =	ssyncset.s32 @!p0 $0xFFFFF086;
	s6 =	sadd.s32 @!p0 s3, s7;
	s7 =	simm.s32 @!p0 $0x108  }
0x21: {  	s3 =	sadd.s32 s3, s9;
	s6 =	sadd.s32 @!p0 $0x88, s6;
	s7 =	simm.s32 @p2 $0x1082  }
0x22: {  	[simem:s7], [sflag:s8] =	dma.local @!p0 [hbm:s6], $0xF7A  }
0x23: {  	s9 =	sor.u32 $0xD0000000, s2;
	s6 =	simm.s32 $0x108;
	_ =	swait.ge @!p0 [sflag:s8], $0x0  }
0x24: {  	s3 =	sadd.s32 $0x88, s3;
	s6 =	simm.s32 @!p1 $0x1082;
	[sflag:s4] =	ssyncset.s32 $0xFFFFF086  }
0x25: {  	[simem:s6], [sflag:s4] =	dma.local [hbm:s3], $0xF7A  }
0x26: {  	[smem:$0x3F94] =	sst s1;
	(tag) =	ssettag s2;
	_ =	strace s9  }
0x27: {  	s1 =	sld [smem:$0x3FA4]  }
0x28: {  	s2 =	sld [smem:$0x3FA5]  }
0x29: {  	s4 =	sld [smem:$0x3FA7]  }
0x2a: {  	p0 =	seq.s32 s5, $0x0;
	s5 =	sld [smem:$0x3FA8]  }
0x2b: {  	s6 =	sld [smem:$0x3FA9]  }
0x2c: {  	s7 =	sld [smem:$0x3FAA]  }
0x2d: {  	s3 =	simm.s32 $0x108;
	s8 =	sld [smem:$0x3FAB]  }
0x2e: {  	s3 =	simm.s32 @!p0 $0x1082;
	s9 =	sld [smem:$0x3FAC]  }
0x2f: {  	lr =	sadd.s32 s0, s3;
	s0 =	sld [smem:$0x3FA3]  }
0x30: {  	s3 =	sld [smem:$0x3FA6]  }
0x31: {  	[smem:$0x3FAF] =	sst s10  }
0x32: {  	s10 =	sld [smem:$0x3FAD];
	_ =	sdelay $0x3  }
0x33: {  	p0 =	seq.s32 s10, $0x1;
	s10 =	sld [smem:$0x3FAF];
	_ =	sdelay $0x3  }
0x34: {  	[smem:$0x3FAF] =	sst s10  }
0x35: {  	s10 =	sld [smem:$0x3FAE];
	_ =	sdelay $0x3  }
0x36: {  	p1 =	seq.s32 s10, $0x1;
	s10 =	sld [smem:$0x3FAF];
	_ =	sdelay $0x3  }
0x37: {  	[smem:$0x3FAF] =	sst s10  }
0x38: {  	s10 =	sld [smem:$0x3FB0]  }
0x39: {  	_ = 	snop;
	(pc) =	sbr.ind lr, $3  }
0x3a: {  	_ = 	snop  }
0x3b: {  	_ = 	snop  }
0x3c: {  	p2 =	seq.s32 s10, $0x1;
	s10 =	sld [smem:$0x3FAF]  }
0x3d: {  	_ =	shalt  }
0x3e: {  	_ =	shalt  }
0x3f: {  	_ =	shalt  }
0x40: {  	_ =	shalt  }
0x41: {  	_ =	shalt  }
0x42: {  	_ =	shalt  }
0x43: {  	_ =	shalt  }
0x44: {  	_ =	shalt  }
0x45: {  	_ =	shalt  }
0x46: {  	_ =	shalt  }
0x47: {  	_ =	shalt  }
0x48: {  	_ =	shalt  }
0x49: {  	_ =	shalt  }
0x4a: {  	_ =	shalt  }
0x4b: {  	_ =	shalt  }
0x4c: {  	_ =	shalt  }
0x4d: {  	_ =	shalt  }
0x4e: {  	_ =	shalt  }
0x4f: {  	_ =	shalt  }
0x50: {  	_ =	shalt  }
0x51: {  	_ =	shalt  }
0x52: {  	_ =	shalt  }
0x53: {  	_ =	shalt  }
0x54: {  	_ =	shalt  }
0x55: {  	_ =	shalt  }
0x56: {  	_ =	shalt  }
0x57: {  	_ =	shalt  }
0x58: {  	_ =	shalt  }
0x59: {  	_ =	shalt  }
0x5a: {  	_ =	shalt  }
0x5b: {  	_ =	shalt  }
0x5c: {  	_ =	shalt  }
0x5d: {  	_ =	shalt  }
0x5e: {  	_ =	shalt  }
0x5f: {  	_ =	shalt  }
0x60: {  	_ =	shalt  }
0x61: {  	_ =	shalt  }
0x62: {  	_ =	shalt  }
0x63: {  	_ =	shalt  }
0x64: {  	_ =	shalt  }
0x65: {  	_ =	shalt  }
0x66: {  	_ =	shalt  }
0x67: {  	_ =	shalt  }
0x68: {  	_ =	shalt  }
0x69: {  	_ =	shalt  }
0x6a: {  	_ =	shalt  }
0x6b: {  	_ =	shalt  }
0x6c: {  	_ =	shalt  }
0x6d: {  	_ =	shalt  }
0x6e: {  	_ =	shalt  }
0x6f: {  	_ =	shalt  }
0x70: {  	_ =	shalt  }
0x71: {  	_ =	shalt  }
0x72: {  	_ =	shalt  }
0x73: {  	_ =	shalt  }
0x74: {  	_ =	shalt  }
0x75: {  	_ =	shalt  }
0x76: {  	_ =	shalt  }
0x77: {  	_ =	shalt  }
0x78: {  	_ =	shalt  }
0x79: {  	_ =	shalt  }
0x7a: {  	_ =	shalt  }
0x7b: {  	_ =	shalt  }
0x7c: {  	_ =	shalt  }
0x7d: {  	_ =	shalt  }
0x7e: {  	_ =	shalt  }
0x7f: {  	_ =	shalt  }
0x80: {  	_ =	shalt  }
0x81: {  	_ =	shalt  }
0x82: {  	_ =	shalt  }
0x83: {  	_ =	shalt  }
0x84: {  	_ =	shalt  }
0x85: {  	_ =	shalt  }
0x86: {  	_ =	shalt  }
0x87: {  	_ =	shalt  }
.Lfunc_end0:
.L_simem_size_0:
called_computation_lowered:
.L_overlay_start_0:
0x88: {  	s2 =	sld [smem:$0x3FD9]  }
0x89: {  	s3 =	sld [smem:$0x3FFE];
	_ =	sdelay $0x1  }
0x8a: {  	s1 =	srdreg.scid  }
0x8b: {  	s0 =	sand.u32 $0x1, s1  }
0x8c: {  	s17 =	sshll.u32 s0, $0xA;
	s2 =	sadd.s32 s3, s2  }
0x8d: {  	s2 =	sadd.s32 s2, s17  }
0x8e: {  	[smem:$0x3FBB] =	sst s2  }
0x8f: {  	_ = 	snop  }
0x90: {  	s2 =	sld [smem:$0x3FC8]  }
0x91: {  	s18 =	sld [smem:$0x3FC7]  }
0x92: {  	s4 =	sld [smem:$0x3FD0];
	(tm) =	ssettm $0x1  }
0x93: {  	s5 =	sld [smem:$0x3FFB];
	_ =	sdelay $0x3  }
0x94: {  	_ =	strace s5  }
0x95: {  	s5 =	sld [smem:$0x3FFC];
	_ =	sdelay $0x3  }
0x96: {  	_ =	strace s5  }
0x97: {  	s5 =	sld [smem:$0x3FFD];
	_ =	sdelay $0x3  }
0x98: {  	_ =	strace s5  }
0x99: {  	_ =	strace $0x8FFFFFFF  }
0x9a: {  	s19 =	sld [smem:$0x3FDB];
	_ =	sdelay $0x1  }
0x9b: {  	s6 =	simm.s32 $_scs_section_size  }
0x9c: {  	s7 =	simm.s32 $_size__tile_overlayer_lowered;
	s8 =	simm.s32 $_tile_overlayer_lowered  }
0x9d: {  	s22 =	simm.s32 $0x1BFF;
	s21 =	sshll.u32 s8, $0x1;
	s5 =	sadd.s32 s6, s19  }
0x9e: {  	s9 =	simm.s32 $0x0;
	s20 =	sshll.u32 s7, $0x1;
	s7 =	sadd.s32 s21, s5  }
0x9f: {  	[timem:s9], [sflag:s22] =	dma.local [hbm:s7], s20  }
0xa0: {  	_ =	swait.ge [sflag:s22], s20  }
0xa1: {  	s6 =	ssub.s32 $0x0, s20;
	[sflag:s22] =	ssyncset.done $0x0  }
0xa2: {  	[sflag:s22] =	ssyncadd.s32 s6;
	_ =	sdelay $0x1  }
0xa3: {  	s23 =	simm.s32 $0x1B8B  }
0xa4: {  	_ =	swait.ge [sflag:s23], $0x1  }
0xa5: {  	[sflag:s23] =	ssyncset.done $0x0  }
0xa6: {  	s25 =	simm.s32 $0x1B8E;
	s24 =	sld [smem:$0x3FFE];
	[sflag:s23] =	ssyncadd.s32 $0xFFFFFFFF  }
0xa7: {  	s26 =	simm.s32 $execute0_lowered;
	[smem:$0x3FD2] =	sst s25  }
0xa8: {  	s7 =	sshll.u32 s26, $0x1;
	_ =	strace $0x80000046;
	[dreg:$0x1] =	wrdreg $0xFFFFFFFF  }
0xa9: {  	s28 =	simm.s32 $_size_execute0_lowered;
	s5 =	sadd.s32 s5, s7;
	[dreg:$0x0] =	wrdreg $0x0  }
0xaa: {  	s7 =	sshll.u32 s28, $0x1;
	[dreg:$0x2] =	wrdreg s5  }
0xab: {  	[dreg:$0x3] =	wrdreg s7  }
0xac: {  	[dreg:$0x4] =	wrdreg $0xC0  }
0xad: {  	_ =	task [dreg:s9], $0x5FFFF  }
0xae: {  	[dreg:$0x1] =	wrdreg $0xFFFFFFFF  }
0xaf: {  	[dreg:$0x0] =	wrdreg $0x60  }
0xb0: {  	[dreg:$0x2] =	wrdreg s24  }
0xb1: {  	[dreg:$0x3] =	wrdreg s2  }
0xb2: {  	[dreg:$0x4] =	wrdreg s18  }
0xb3: {  	[dreg:$0x5] =	wrdreg s4  }
0xb4: {  	[dreg:$0x6] =	wrdreg $0x12D800  }
0xb5: {  	[dreg:$0x7] =	wrdreg $0x9  }
0xb6: {  	_ =	task.clear_ibuf [dreg:s9], $0x8FFFF;
	_ =	strace $0x90000046  }
0xb7: {  	s29 =	simm.s32 $0x9;
	_ =	strace $0x80000048  }
0xb8: {  	_ =	swait.ge [sflag:s29], $0x1  }
0xb9: {  	[sflag:s29] =	ssyncadd.s32 $0xFFFFFFFF  }
0xba: {  	_ =	strace $0x90000048  }
0xbb: {  	_ =	sfence  }
0xbc: {  	s30 =	sld [smem:$0x0];
	_ =	sdelay $0x2  }
0xbd: {  	s31 =	sshll.u32 s1, $0xD;
	s1 =	sshrl.u32 s1, $0x2  }
0xbe: {  	s3 =	sand.u32 $0x4000, s31;
	s1 =	sadd.s32 s1, s30  }
0xbf: {  	s0 =	sor.u32 s3, s0;
	s1 =	sshll.u32 s1, $0x11  }
0xc0: {  	s0 =	sor.u32 s1, s0  }
0xc1: {  	s0 =	sadd.s32 $0x8F2B, s0  }
0xc2: {  	[sflag:s0] =	ssyncadd.remote.s32 $0x1  }
0xc3: {  	_ =	sfence.sel $0xFFFF  }
0xc4: {  	[dreg:$0x0] =	wrdreg $0xFFFFFFFF;
	(pc) =	sbr.abs _section_cstart, $3  }
0xc5: {  	[dreg:$0x1] =	wrdreg $0xFFFFFFFF  }
0xc6: {  	_ =	task.clear_ibuf [dreg:s9], $0x2FFFF;
	_ =	strace $0x9FFFFFFF  }
0xc7: {  	(tm) =	ssettm $0x7FFFFFFF  }
tec
execute0_lowered:
.L_overlay_start_1:
0x0: {  	(tag) =	ssettag $0x1  }
0x1: {  	s0 =	rddreg [dreg:$0x0]  }
0x2: {  	s1 =	rddreg [dreg:$0x1]  }
0x3: {  	s2 =	srdreg.scid;
	s8 =	rddreg [dreg:$0x3]  }
0x4: {  	s16 =	stileid.u32;
	s3 =	rddreg [dreg:$0x4];
	s22 =	simm.s32 $0x0  }
0x5: {  	s31 =	simm.s32 $0x5;
	s28 =	simm.s32 $0x4;
	s29 =	simm.s32 $0x0  }
0x6: {  	s2 =	sand.u32 $0x1, s2;
	s4 =	smul.u32 $0x1C0, s16;
	s9 =	sadd.s32 $0x23600, s0  }
0x7: {  	s13 =	sshll.u32 s16, $0x9;
	s14 =	smul.u32 $0x3800, s16;
	s25 =	sshll.u32 s16, $0xC  }
0x8: {  	[smem:$0x7FF] =	sst s22;
	s19 =	sshll.u32 s16, $0xF;
	s5 =	ssub.s32 $0x2, s2  }
0x9: {  	p0 =	sne.s32 s2, $0x0;
	s6 =	sshrl.u32 s5, $0x1;
	s7 =	sadd.s32 $0x1CE0, s4  }
0xa: {  	s15 =	sadd.s32 $0x70, s4;
	s11 =	ssub.s32 s5, s6;
	s5 =	sadd.s32 $0x1C00, s4  }
0xb: {  	s26 =	sadd.s32 s9, s14;
	s6 =	sadd.s32 $0x1C70, s4;
	s10 =	sshll.u32 s5, $0x5  }
0xc: {  	s17 =	sadd.s32 $0xE0, s4;
	s23 =	sshll.u32 s6, $0x5;
	s10 =	sadd.s32 s9, s10  }
0xd: {  	s18 =	sadd.s32 $0x150, s4;
	[dreg:$0x6] =	wrdreg s10;
	s10 =	sadd.s32 s9, s23  }
0xe: {  	s12 =	sshll.u32 s7, $0x5;
	[dreg:$0x7] =	wrdreg s10;
	s10 =	sadd.s32 $0x1D50, s4  }
0xf: {  	[dreg:$0xc] =	wrdreg s26;
	s12 =	sadd.s32 s9, s12;
	s24 =	sshll.u32 s10, $0x5  }
0x10: {  	s30 =	sshll.u32 s15, $0x5;
	[dreg:$0x8] =	wrdreg s12;
	s12 =	sadd.s32 s9, s24  }
0x11: {  	[dreg:$0x9] =	wrdreg s12;
	s12 =	sadd.s32 s1, s13;
	s1 =	sadd.s32 s8, s25  }
0x12: {  	s13 =	sshll.u32 s18, $0x5;
	[dreg:$0xb] =	wrdreg s1;
	s1 =	sadd.s32 s9, s30  }
0x13: {  	s8 =	sshll.u32 s17, $0x5;
	s14 =	sadd.s32 s9, s13;
	[dreg:$0xd] =	wrdreg s1  }
0x14: {  	s2 =	simm.s32 $0x1000;
	s1 =	sadd.s32 s9, s8;
	[dreg:$0xf] =	wrdreg s14  }
0x15: {  	s20 =	smax.u32 s11, $0x1;
	s24 =	sadd.s32 s19, s3;
	[dreg:$0xe] =	wrdreg s1  }
0x16: {  	s21 =	sadd.s32 $0x2000, s24;
	_ =	strace $0x80000047;
	[dreg:$0x10] =	wrdreg s20  }
0x17: {  	s11 =	simm.s32 $0x1400;
	s25 =	sadd.s32 $0x4000, s24;
	[dreg:$0x11] =	wrdreg s21  }
.Ltmp0:
0x18: {  	s26 =	sadd.s32 $0x6000, s24;
	[dreg:$0x12] =	wrdreg s25;
	(pc) =	sbr.rel .LBB2_1-.Ltmp0, $4  }
0x19: {  	s23 =	sadd.s32 $0x1600, s0;
	s30 =	sadd.s32 $0x10, s12;
	[dreg:$0x13] =	wrdreg s26  }
0x1a: {  	s8 =	simm.s32 $0x1200;
	s9 =	simm.s32 $0x10D00;
	[dreg:$0xa] =	wrdreg s12  }
0x1b: {  	v0 =	vimm.f32 $0.0e+00;
	v1 =	vimm.f32 $1.000000000e+00;
	s14 =	simm.s32 $0x8400;
	s1 =	simm.s32 $0x80;
	[dreg:$0x14] =	wrdreg s30  }
0x1c: {  	v2 =	vimm.s32 $0x0;
	v3 =	vimm.s32 $0x1;
	v4 =	vlaneseq.u32;
	s20 =	simm.s32 $0x1;
	s21 =	simm.s32 $0x3;
	s26 =	simm.s32 $0x2  }
.LBB2_27:
0x1d: {  	v13 =	vmulhi.u32 $0x24924925, v13;
	v9 =	vmul.u32 $0xFFFFFFE4, v9;
	_ =	sdelay $0x1  }
0x1e: {  	v52 =	vand.u32 $0xFF, v8;
	v9 =	vadd.s32 v8, v9  }
0x1f: {  	v8 =	vor.u32 $0x1000, v52;
	v11 =	vadd.s32 v9, v11;
	vm1 =	vlt.s32 v9, v12  }
0x20: {  	s12 =	sshra.s32 s30, $0x2;
	v8 =	vsel vm1, v11, v8  }
0x21: {  	[tilespmem:s12+$0xF480] =	vst v8  }
0x22: {  	v8 =	vld.idx.msk [tilespmem:v13+s8+$0x0], $0xffff  }
0x23: {  	v53 =	vld.idx.msk [tilespmem:v13+s2+$0x0], $0xffff;
	_ =	sdelay $0x1  }
0x24: {  	v54 =	vmul.u32 $0xFFFFFFE4, v13;
	_ =	sdelay $0x1  }
0x25: {  	v55 =	vand.u32 $0xFF, v10;
	v11 =	vadd.s32 v10, v54  }
0x26: {  	v10 =	vor.u32 $0x1000, v55;
	v8 =	vadd.s32 v11, v8;
	vm15 =	vlt.s32 v11, v53  }
0x27: {  	s0 =	sshra.s32 s0, $0x2;
	v8 =	vsel vm15, v8, v10  }
0x28: {  	[tilespmem:s0+$0xF480] =	vst v8  }
0x29: {  	_ =	swait.ge [sflag:s28], $0x7000  }
0x2a: {  	[sflag:s28] =	ssyncset.done $0x0  }
0x2b: {  	[sflag:s28] =	ssyncadd.s32 $0xFFFF9000  }
0x2c: {  	v56 =	vld [tilespmem:$0xF480];
	_ =	sdelay $0x4  }
0x2d: {  	v57 =	vshll.u32 v56, $0x1  }
0x2e: {  	v8 =	vand.u32 $0x7, v56;
	v9 =	vand.u32 $0xFFFFFFF0, v57  }
0x2f: {  	v8 =	vor.u32 v8, v9  }
0x30: {  	v9 =	vperm.xlane v8, v5;
	_ =	sdelay $0x1  }
0x31: {  	v8 =	vperm.xlane v8, v7;
	v9 =	vadd.s32 v6, v9;
	_ =	sdelay $0x1  }
0x32: {  	v8 =	vadd.s32 v6, v8;
	_ =	sdelay $0x2  }
0x33: {  	[tilespmem:s14], [sflag:$0x2] =	stream.indirect_vreg.gather [hbm4b:s23+s22], $0x80, v9, vm0, $0xb8;
	[tilespmem:$0x1AD80] =	vst v63  }
0x34: {  	s19 =	simm.s32 $0x8C00  }
0x35: {  	[tilespmem:s19], [sflag:$0x2] =	stream.indirect_vreg.gather [hbm4b:s23+s22], $0x80, v8, vm0, $0xb8;
	[tilespmem:$0x1AD80] =	vst v63  }
0x36: {  	v8 =	vld [tilespmem:$0xF490];
	_ =	sdelay $0x4  }
0x37: {  	v58 =	vshll.u32 v8, $0x1  }
0x38: {  	v8 =	vand.u32 $0x7, v8;
	v9 =	vand.u32 $0xFFFFFFF0, v58  }
0x39: {  	v8 =	vor.u32 v8, v9  }
0x3a: {  	v9 =	vperm.xlane v8, v5;
	_ =	sdelay $0x1  }
0x3b: {  	v8 =	vperm.xlane v8, v7;
	v9 =	vadd.s32 v6, v9;
	_ =	sdelay $0x1  }
0x3c: {  	v8 =	vadd.s32 v6, v8;
	_ =	sdelay $0x1  }
0x3d: {  	s25 =	simm.s32 $0x9400  }
0x3e: {  	[tilespmem:s25], [sflag:$0x2] =	stream.indirect_vreg.gather [hbm4b:s23+s22], $0x80, v9, vm0, $0xb8;
	[tilespmem:$0x1AD80] =	vst v63  }
0x3f: {  	s30 =	simm.s32 $0x9C00  }
0x40: {  	[tilespmem:s30], [sflag:$0x2] =	stream.indirect_vreg.gather [hbm4b:s23+s22], $0x80, v8, vm0, $0xb8;
	[tilespmem:$0x1AD80] =	vst v63  }
0x41: {  	v8 =	vld [tilespmem:$0xF4A0];
	_ =	sdelay $0x4  }
0x42: {  	v59 =	vshll.u32 v8, $0x1  }
0x43: {  	v8 =	vand.u32 $0x7, v8;
	v9 =	vand.u32 $0xFFFFFFF0, v59  }
0x44: {  	v8 =	vor.u32 v8, v9  }
0x45: {  	v9 =	vperm.xlane v8, v5;
	_ =	sdelay $0x1  }
0x46: {  	v8 =	vperm.xlane v8, v7;
	v9 =	vadd.s32 v6, v9;
	_ =	sdelay $0x1  }
0x47: {  	v8 =	vadd.s32 v6, v8;
	_ =	sdelay $0x1  }
0x48: {  	s12 =	simm.s32 $0xA400  }
0x49: {  	[tilespmem:s12], [sflag:$0x2] =	stream.indirect_vreg.gather [hbm4b:s23+s22], $0x80, v9, vm0, $0xb8;
	[tilespmem:$0x1AD80] =	vst v63  }
0x4a: {  	s13 =	simm.s32 $0xAC00  }
0x4b: {  	[tilespmem:s13], [sflag:$0x2] =	stream.indirect_vreg.gather [hbm4b:s23+s22], $0x80, v8, vm0, $0xb8;
	[tilespmem:$0x1AD80] =	vst v63  }
0x4c: {  	v8 =	vld [tilespmem:$0xF4B0];
	_ =	sdelay $0x4  }
0x4d: {  	v60 =	vshll.u32 v8, $0x1  }
0x4e: {  	v8 =	vand.u32 $0x7, v8;
	v9 =	vand.u32 $0xFFFFFFF0, v60  }
0x4f: {  	v8 =	vor.u32 v8, v9  }
0x50: {  	v9 =	vperm.xlane v8, v5;
	_ =	sdelay $0x1  }
0x51: {  	v8 =	vperm.xlane v8, v7;
	v9 =	vadd.s32 v6, v9;
	_ =	sdelay $0x1  }
0x52: {  	v8 =	vadd.s32 v6, v8;
	_ =	sdelay $0x1  }
0x53: {  	s16 =	simm.s32 $0xB400  }
0x54: {  	[tilespmem:s16], [sflag:$0x2] =	stream.indirect_vreg.gather [hbm4b:s23+s22], $0x80, v9, vm0, $0xb8;
	[tilespmem:$0x1AD80] =	vst v63  }
0x55: {  	s19 =	simm.s32 $0xBC00  }
0x56: {  	[tilespmem:s19], [sflag:$0x2] =	stream.indirect_vreg.gather [hbm4b:s23+s22], $0x80, v8, vm0, $0xb8;
	[tilespmem:$0x1AD80] =	vst v63  }
0x57: {  	v8 =	vld [tilespmem:$0xF4C0];
	_ =	sdelay $0x4  }
0x58: {  	v61 =	vshll.u32 v8, $0x1  }
0x59: {  	v8 =	vand.u32 $0x7, v8;
	v9 =	vand.u32 $0xFFFFFFF0, v61  }
0x5a: {  	v8 =	vor.u32 v8, v9  }
0x5b: {  	v9 =	vperm.xlane v8, v5;
	_ =	sdelay $0x1  }
0x5c: {  	v8 =	vperm.xlane v8, v7;
	v9 =	vadd.s32 v6, v9;
	_ =	sdelay $0x1  }
0x5d: {  	v8 =	vadd.s32 v6, v8;
	_ =	sdelay $0x1  }
0x5e: {  	s25 =	simm.s32 $0xC400  }
0x5f: {  	[tilespmem:s25], [sflag:$0x2] =	stream.indirect_vreg.gather [hbm4b:s23+s22], $0x80, v9, vm0, $0xb8;
	[tilespmem:$0x1AD80] =	vst v63  }
0x60: {  	s30 =	simm.s32 $0xCC00  }
0x61: {  	[tilespmem:s30], [sflag:$0x2] =	stream.indirect_vreg.gather [hbm4b:s23+s22], $0x80, v8, vm0, $0xb8;
	[tilespmem:$0x1AD80] =	vst v63  }
0x62: {  	v8 =	vld [tilespmem:$0xF4D0];
	_ =	sdelay $0x4  }
0x63: {  	v62 =	vshll.u32 v8, $0x1  }
0x64: {  	v8 =	vand.u32 $0x7, v8;
	v9 =	vand.u32 $0xFFFFFFF0, v62  }
0x65: {  	v8 =	vor.u32 v8, v9  }
0x66: {  	v9 =	vperm.xlane v8, v5;
	_ =	sdelay $0x1  }
0x67: {  	v8 =	vperm.xlane v8, v7;
	v9 =	vadd.s32 v6, v9;
	_ =	sdelay $0x1  }
0x68: {  	v8 =	vadd.s32 v6, v8;
	_ =	sdelay $0x1  }
0x69: {  	s12 =	simm.s32 $0xD400  }
0x6a: {  	[tilespmem:s12], [sflag:$0x2] =	stream.indirect_vreg.gather [hbm4b:s23+s22], $0x80, v9, vm0, $0xb8;
	[tilespmem:$0x1AD80] =	vst v63  }
0x6b: {  	s13 =	simm.s32 $0xDC00  }
0x6c: {  	[tilespmem:s13], [sflag:$0x2] =	stream.indirect_vreg.gather [hbm4b:s23+s22], $0x80, v8, vm0, $0xb8;
	[tilespmem:$0x1AD80] =	vst v63  }
0x6d: {  	v8 =	vld [tilespmem:$0xF4E0];
	_ =	sdelay $0x4  }
0x6e: {  	v63 =	vshll.u32 v8, $0x1  }
0x6f: {  	v8 =	vand.u32 $0x7, v8;
	v9 =	vand.u32 $0xFFFFFFF0, v63  }
0x70: {  	v8 =	vor.u32 v8, v9  }
0x71: {  	v5 =	vperm.xlane v8, v5;
	_ =	sdelay $0x1  }
0x72: {  	v7 =	vperm.xlane v8, v7;
	v5 =	vadd.s32 v6, v5;
	_ =	sdelay $0x1  }
0x73: {  	v6 =	vadd.s32 v6, v7;
	_ =	sdelay $0x1  }
0x74: {  	s16 =	simm.s32 $0xE400  }
0x75: {  	[tilespmem:s16], [sflag:$0x2] =	stream.indirect_vreg.gather [hbm4b:s23+s22], $0x80, v5, vm0, $0xb8;
	[tilespmem:$0x1AD80] =	vst v63  }
0x76: {  	s19 =	simm.s32 $0xEC00  }
0x77: {  	[tilespmem:s19], [sflag:$0x2] =	stream.indirect_vreg.gather [hbm4b:s23+s22], $0x80, v6, vm0, $0xb8;
	[tilespmem:$0x1AD80] =	vst v63  }
0x78: {  	_ =	swait.ge [sflag:s20], $0x7000  }
0x79: {  	[sflag:s20] =	ssyncset.done $0x0  }
0x7a: {  	s25 =	rddreg [dreg:$0x8];
	[sflag:s20] =	ssyncadd.s32 $0xFFFF9000  }
0x7b: {  	[hbm4b:s25+s22] =	stream.linear.scatter [tilespmem:s11], [sflag:$0x3], $0x7000, $0x38;
	[tilespmem:$0x1AD80] =	vst v63  }
0x7c: {  	_ =	swait.ge [sflag:s26], $0x7000  }
0x7d: {  	[sflag:s26] =	ssyncset.done $0x0  }
0x7e: {  	s30 =	rddreg [dreg:$0x9];
	[sflag:s26] =	ssyncadd.s32 $0xFFFF9000  }
0x7f: {  	[hbm4b:s30+s22] =	stream.linear.scatter [tilespmem:s14], [sflag:$0x4], $0x7000, $0x38;
	[tilespmem:$0x1AD80] =	vst v63  }
0x80: {  	_ =	swait.ge [sflag:s21], $0x7000  }
0x81: {  	[sflag:s21] =	ssyncset.done $0x0  }
0x82: {  	[sflag:s21] =	ssyncadd.s32 $0xFFFF9000  }
0x83: {  	_ =	swait.ge [sflag:s28], $0x7000  }
0x84: {  	[sflag:s28] =	ssyncset.done $0x0  }
0x85: {  	[sflag:s28] =	ssyncadd.s32 $0xFFFF9000  }
.LBB2_28:
0x86: {  	s29 =	sadd.s32 $0x1, s29;
	s0 =	rddreg [dreg:$0x10]  }
0x87: {  	p1 =	sne.s32 s29, s0  }
.Ltmp1:
0x88: {  	_ = 	snop;
	(pc) =	sbr.rel @!p1 .LBB2_29-.Ltmp1, $1  }
0x89: {  	_ =	sdelay $0x3  }
.LBB2_1:
.Ltmp2:
0x8a: {  	(pc) =	sbr.rel @p0 .LBB2_5-.Ltmp2, $3  }
0x8b: {  	_ =	sdelay $0x1  }
0x8c: {  	s0 =	rddreg [dreg:$0x2]  }
0x8d: {  	[tilespmem:s22], [sflag:$0x5] =	stream.linear.gather [hbm4b:s0+s22], $0x1000, $0x38;
	[tilespmem:$0x1AD80] =	vst v63  }
0x8e: {  	s0 =	simm.s32 $0x40;
	s12 =	simm.s32 $0x0  }
.LBB2_3:
0x8f: {  	p1 =	sne.s32 s0, $0x7FC0;
	[tilespmem:s12+$0x10D80] =	vst v0;
	s12 =	smov.u32 s0;
	s0 =	sadd.s32 $0x40, s0  }
.Ltmp3:
0x90: {  	(pc) =	sbr.rel @p1 .LBB2_3-.Ltmp3, $2  }
0x91: {  	_ =	sdelay $0x2  }
0x92: {  	s12 =	sshra.s32 s12, $0x2  }
0x93: {  	[tilespmem:s12+$0x10D80] =	vst v0  }
0x94: {  	[tilespmem:$0x10D00] =	vst v1  }
0x95: {  	[tilespmem:$0x10D10] =	vst v1  }
0x96: {  	[tilespmem:$0x10D20] =	vst v1  }
0x97: {  	[tilespmem:$0x10D30] =	vst v1  }
0x98: {  	[tilespmem:$0x10D40] =	vst v1  }
0x99: {  	[tilespmem:$0x10D50] =	vst v1  }
0x9a: {  	[tilespmem:$0x10D60] =	vst v1  }
0x9b: {  	[tilespmem:$0x10D70] =	vst v1  }
.LBB2_5:
0x9c: {  	[tilespmem:$0x1000] =	vst v2  }
0x9d: {  	[tilespmem:$0x1010] =	vst v2  }
0x9e: {  	[tilespmem:$0x1020] =	vst v2  }
0x9f: {  	[tilespmem:$0x1030] =	vst v2  }
0xa0: {  	[tilespmem:$0x1040] =	vst v2  }
0xa1: {  	[tilespmem:$0x1050] =	vst v2  }
0xa2: {  	[tilespmem:$0x1060] =	vst v2  }
0xa3: {  	[tilespmem:$0x1070] =	vst v2  }
0xa4: {  	[tilespmem:$0x1080] =	vst v2  }
0xa5: {  	[tilespmem:$0x1090] =	vst v2  }
0xa6: {  	[tilespmem:$0x10A0] =	vst v2  }
0xa7: {  	[tilespmem:$0x10B0] =	vst v2  }
0xa8: {  	[tilespmem:$0x10C0] =	vst v2  }
0xa9: {  	[tilespmem:$0x10D0] =	vst v2  }
0xaa: {  	[tilespmem:$0x10E0] =	vst v2  }
0xab: {  	[tilespmem:$0x10F0] =	vst v2  }
0xac: {  	[tilespmem:$0x1100] =	vst v2  }
0xad: {  	[tilespmem:$0x1110] =	vst v2  }
0xae: {  	[tilespmem:$0x1120] =	vst v2  }
0xaf: {  	[tilespmem:$0x1130] =	vst v2  }
0xb0: {  	[tilespmem:$0x1140] =	vst v2  }
0xb1: {  	[tilespmem:$0x1150] =	vst v2  }
0xb2: {  	[tilespmem:$0x1160] =	vst v2  }
0xb3: {  	[tilespmem:$0x1170] =	vst v2  }
0xb4: {  	[tilespmem:$0x1180] =	vst v2  }
0xb5: {  	[tilespmem:$0x1190] =	vst v2  }
0xb6: {  	[tilespmem:$0x11A0] =	vst v2  }
0xb7: {  	[tilespmem:$0x11B0] =	vst v2  }
0xb8: {  	[tilespmem:$0x11C0] =	vst v2  }
0xb9: {  	[tilespmem:$0x11D0] =	vst v2  }
0xba: {  	[tilespmem:$0x11E0] =	vst v2  }
0xbb: {  	[tilespmem:$0x11F0] =	vst v2  }
0xbc: {  	_ =	swait.ge [sflag:s31], $0x1000  }
0xbd: {  	s13 =	simm.s32 $0x0;
	[sflag:s31] =	ssyncset.done $0x0  }
0xbe: {  	s12 =	simm.s32 $0x0;
	s0 =	simm.s32 $0x40;
	[sflag:s31] =	ssyncadd.s32 $0xFFFFF000  }
.LBB2_6:
0xbf: {  	p1 =	sne.s32 s0, $0x3FC0;
	v5 =	vld [tilespmem:s12+$0x0];
	_ =	sdelay $0x3  }
.Ltmp4:
0xc0: {  	(pc) =	sbr.rel @p1 .LBB2_6-.Ltmp4, $2  }
0xc1: {  	_ =	sdelay $0x2  }
0xc2: {  	s12 =	sshra.s32 s0, $0x2;
	s0 =	sadd.s32 $0x40, s0;
	[tilespmem:v5+s2+$0x0] =	vst.idx.add.s32.msk $0xffff, v3  }
0xc3: {  	v5 =	vld [tilespmem:s12+$0x0];
	_ =	sdelay $0x7  }
0xc4: {  	s12 =	simm.s32 $0x0;
	[tilespmem:v5+s2+$0x0] =	vst.idx.add.s32.msk $0xffff, v3  }
0xc5: {  	s0 =	simm.s32 $0x10;
	v6 =	vld [tilespmem:s12+$0x1000]  }
0xc6: {  	v5 =	vld [tilespmem:s0+$0x1000];
	_ =	sdelay $0x3  }
0xc7: {  	(xrf0) =	vadd.scan.msk.s32 $0xffff, v6  }
0xc8: {  	(xrf0) =	vadd.scan.msk.s32 $0xffff, v5;
	_ =	sdelay $0x4  }
0xc9: {  	s30 =	simm.s32 $0x20;
	v10, _, _ =	vpop (xrf0)  }
0xca: {  	v8 =	vld [tilespmem:s30+$0x1000];
	(v2sf) =	vpush v10, $0xF;
	v9, _, _ =	vpop (xrf0)  }
0xcb: {  	(v2sf) =	vpush v9, $0xF;
	_ =	sdelay $0x3  }
0xcc: {  	s16 =	simm.s32 $0x30;
	(xrf0) =	vadd.scan.msk.s32 $0xffff, v8  }
0xcd: {  	v7 =	vld [tilespmem:s16+$0x1000];
	_ =	sdelay $0x3  }
0xce: {  	s19 =	simm.s32 $0x100  }
.LBB2_8:
0xcf: {  	s25 =	sshra.s32 s19, $0x2;
	p1 =	sne.s32 s19, $0x7C0;
	s19 =	sadd.s32 $0x40, s19;
	(xrf0) =	vadd.scan.msk.s32 $0xffff, v7;
	v11, _, _ =	vpop (xrf0);
	v12 =	vsub.s32 s13, v6;
	v6 =	vmov v5;
	v5 =	vmov v8  }
.Ltmp5:
0xd0: {  	v8 =	vmovc v7;
	(v2sf) =	vpush v11, $0xF;
	v12 =	vadd.s32 v10, v12;
	v10 =	vmovc v9;
	v9 =	vmov v11;
	v7 =	vld [tilespmem:s25+$0x1000];
	(pc) =	sbr.rel @p1 .LBB2_8-.Ltmp5, $4  }
0xd1: {  	[tilespmem:s12+$0x1200] =	vst v12;
	s12 =	smov.u32 s0;
	s0 =	smov.u32 s30;
	s30 =	smov.u32 s16  }
0xd2: {  	s16 =	smov.u32 s25  }
0xd3: {  	s25 =	spop (v2sf)  }
0xd4: {  	s13 =	sadd.s32 s13, s25  }
0xd5: {  	(xrf0) =	vadd.scan.msk.s32 $0xffff, v7;
	_ =	sdelay $0x1  }
0xd6: {  	v11, _, _ =	vpop (xrf0)  }
0xd7: {  	(v2sf) =	vpush v11, $0xF;
	_ =	sdelay $0x2  }
0xd8: {  	v12, _, _ =	vpop (xrf0)  }
0xd9: {  	(v2sf) =	vpush v12, $0xF;
	_ =	sdelay $0x8  }
0xda: {  	s19 =	spop (v2sf)  }
0xdb: {  	v6 =	vsub.s32 s13, v6;
	s19 =	sadd.s32 s13, s19;
	s25 =	spop (v2sf)  }
.Ltmp6:
0xdc: {  	v6 =	vadd.s32 v10, v6;
	v5 =	vsub.s32 s19, v5;
	s13 =	sadd.s32 s19, s25;
	s25 =	spop (v2sf);
	(pc) =	sbr.rel @p0 .LBB2_19-.Ltmp6, $4  }
0xdd: {  	[tilespmem:s12+$0x1200] =	vst v6;
	v5 =	vadd.s32 v9, v5;
	v6 =	vsub.s32 s13, v8;
	s25 =	sadd.s32 s13, s25  }
0xde: {  	[tilespmem:s0+$0x1200] =	vst v5;
	v5 =	vadd.s32 v11, v6;
	v6 =	vsub.s32 s25, v7  }
0xdf: {  	[tilespmem:s30+$0x1200] =	vst v5;
	v5 =	vadd.s32 v12, v6  }
0xe0: {  	[tilespmem:s16+$0x1200] =	vst v5;
	s30 =	spop (v2sf)  }
0xe1: {  	s12 =	simm.s32 $0x10D80  }
0xe2: {  	[spmem:s24] =	stream.linear.scatter [tilespmem:s12], [sflag:$0x5], $0x2000, $0x38;
	[tilespmem:$0x1AD80] =	vst v63  }
0xe3: {  	s0 =	rddreg [dreg:$0x11]  }
0xe4: {  	[spmem:s0] =	stream.linear.scatter [tilespmem:s12], [sflag:$0x5], $0x2000, $0x38;
	[tilespmem:$0x1AD80] =	vst v63  }
0xe5: {  	s13 =	rddreg [dreg:$0x12]  }
0xe6: {  	[spmem:s13] =	stream.linear.scatter [tilespmem:s12], [sflag:$0x5], $0x2000, $0x38;
	[tilespmem:$0x1AD80] =	vst v63  }
0xe7: {  	s16 =	rddreg [dreg:$0x13]  }
0xe8: {  	[spmem:s16] =	stream.linear.scatter [tilespmem:s12], [sflag:$0x5], $0x2000, $0x38;
	[tilespmem:$0x1AD80] =	vst v63  }
0xe9: {  	_ =	swait.ge [sflag:s31], $0x2000  }
0xea: {  	[sflag:s31] =	ssyncset.done $0x0  }
0xeb: {  	[sflag:s31] =	ssyncadd.s32 $0xFFFFE000  }
0xec: {  	_ =	swait.ge [sflag:s31], $0x2000  }
0xed: {  	[sflag:s31] =	ssyncset.done $0x0  }
0xee: {  	[sflag:s31] =	ssyncadd.s32 $0xFFFFE000  }
0xef: {  	_ =	swait.ge [sflag:s31], $0x2000  }
0xf0: {  	[sflag:s31] =	ssyncset.done $0x0  }
0xf1: {  	[sflag:s31] =	ssyncadd.s32 $0xFFFFE000  }
0xf2: {  	_ =	swait.ge [sflag:s31], $0x2000  }
0xf3: {  	[sflag:s31] =	ssyncset.done $0x0  }
0xf4: {  	[sflag:s31] =	ssyncadd.s32 $0xFFFFE000  }
0xf5: {  	[bflag:$0x0] =	sbarrier.arrive $0xFFFF  }
0xf6: {  	s25 =	simm.s32 $0x100;
	s13 =	simm.s32 $0xF500;
	s19 =	rddreg [dreg:$0xa]  }
0xf7: {  	[tilespmem:s13], [sflag:$0x5] =	stream.strided.gather [hbm4b:s19+s1], $0x800, s25, s1, $0x38;
	[tilespmem:$0x1AD80] =	vst v63  }
0xf8: {  	s16 =	rddreg [dreg:$0x14];
	s19 =	simm.s32 $0xFD00  }
0xf9: {  	[tilespmem:s19], [sflag:$0x5] =	stream.strided.gather [hbm4b:s16+s1], $0x800, s25, s1, $0x38;
	[tilespmem:$0x1AD80] =	vst v63  }
0xfa: {  	_ =	swait.ge [sflag:s31], $0x800  }
0xfb: {  	[sflag:s31] =	ssyncset.done $0x0  }
0xfc: {  	[sflag:s31] =	ssyncadd.s32 $0xFFFFF800  }
0xfd: {  	_ =	swait.ge [sflag:s31], $0x800  }
0xfe: {  	[sflag:s31] =	ssyncset.done $0x0  }
0xff: {  	[sflag:s31] =	ssyncadd.s32 $0xFFFFF800  }
0x100: {  	v5 =	vld [tilespmem:$0xF500];
	_ =	sdelay $0x6  }
0x101: {  	s30 =	simm.s32 $0x0  }
0x102: {  	v6 =	vld.idx.msk [tilespmem:v5+s30+$0x0], $0xffff;
	_ =	sdelay $0x7  }
0x103: {  	v8 =	vld.idx.msk [tilespmem:v6+s8+$0x0], $0xffff  }
0x104: {  	v7 =	vld [tilespmem:$0xFD00];
	_ =	sdelay $0x2  }
0x105: {  	v9 =	vld [tilespmem:$0xF510]  }
0x106: {  	v6 =	vshll.u32 v6, $0xA;
	v10 =	vsub.s32 v5, v8  }
0x107: {  	v8 =	vsub.s32 v7, v8;
	v5 =	vshll.u32 v5, $0xA;
	v7 =	vand.u32 $0x7F, v7  }
0x108: {  	vm0 =	vlt.s32 v10, $0x1C;
	v10 =	vmul.u32 $0x1C, v10;
	v5 =	vand.u32 $0x7FC00, v5  }
0x109: {  	vm1 =	vlt.u32 v8, $0x1C;
	v6 =	vadd.s32 v6, v8;
	v5 =	vor.u32 v5, v7  }
0x10a: {  	vm0 =	vmand vm0, vm1;
	v6 =	vadd.s32 v10, v6;
	v5 =	vadd.s32 $0x310, v5  }
0x10b: {  	v5 =	vsel vm0, v6, v5  }
0x10c: {  	[tilespmem:$0x10500] =	vst v5  }
0x10d: {  	v5 =	vld.idx.msk [tilespmem:v9+s30+$0x0], $0xffff;
	_ =	sdelay $0x7  }
0x10e: {  	v7 =	vld.idx.msk [tilespmem:v5+s8+$0x0], $0xffff  }
0x10f: {  	v6 =	vld [tilespmem:$0xFD10];
	_ =	sdelay $0x2  }
0x110: {  	v8 =	vld [tilespmem:$0xF520]  }
0x111: {  	v5 =	vshll.u32 v5, $0xA;
	v10 =	vsub.s32 v9, v7  }
0x112: {  	v7 =	vsub.s32 v6, v7;
	v9 =	vshll.u32 v9, $0xA;
	v6 =	vand.u32 $0x7F, v6  }
0x113: {  	vm0 =	vlt.s32 v10, $0x1C;
	v10 =	vmul.u32 $0x1C, v10;
	v9 =	vand.u32 $0x7FC00, v9  }
0x114: {  	vm1 =	vlt.u32 v7, $0x1C;
	v5 =	vadd.s32 v5, v7;
	v6 =	vor.u32 v9, v6  }
0x115: {  	vm0 =	vmand vm0, vm1;
	v5 =	vadd.s32 v10, v5;
	v6 =	vadd.s32 $0x310, v6  }
0x116: {  	v5 =	vsel vm0, v5, v6  }
0x117: {  	[tilespmem:$0x10510] =	vst v5  }
0x118: {  	v5 =	vld.idx.msk [tilespmem:v8+s30+$0x0], $0xffff;
	_ =	sdelay $0x7  }
0x119: {  	v7 =	vld.idx.msk [tilespmem:v5+s8+$0x0], $0xffff  }
0x11a: {  	v6 =	vld [tilespmem:$0xFD20];
	_ =	sdelay $0x2  }
0x11b: {  	v9 =	vld [tilespmem:$0xF530]  }
0x11c: {  	v5 =	vshll.u32 v5, $0xA;
	v10 =	vsub.s32 v8, v7  }
0x11d: {  	v7 =	vsub.s32 v6, v7;
	v8 =	vshll.u32 v8, $0xA;
	v6 =	vand.u32 $0x7F, v6  }
0x11e: {  	vm0 =	vlt.s32 v10, $0x1C;
	v10 =	vmul.u32 $0x1C, v10;
	v8 =	vand.u32 $0x7FC00, v8  }
0x11f: {  	vm1 =	vlt.u32 v7, $0x1C;
	v5 =	vadd.s32 v5, v7;
	v6 =	vor.u32 v8, v6  }
0x120: {  	vm0 =	vmand vm0, vm1;
	v5 =	vadd.s32 v10, v5;
	v6 =	vadd.s32 $0x310, v6  }
0x121: {  	v5 =	vsel vm0, v5, v6  }
0x122: {  	[tilespmem:$0x10520] =	vst v5  }
0x123: {  	v5 =	vld.idx.msk [tilespmem:v9+s30+$0x0], $0xffff;
	_ =	sdelay $0x7  }
0x124: {  	v7 =	vld.idx.msk [tilespmem:v5+s8+$0x0], $0xffff  }
0x125: {  	v6 =	vld [tilespmem:$0xFD30];
	_ =	sdelay $0x2  }
0x126: {  	v8 =	vld [tilespmem:$0xF540]  }
0x127: {  	v5 =	vshll.u32 v5, $0xA;
	v10 =	vsub.s32 v9, v7  }
0x128: {  	v7 =	vsub.s32 v6, v7;
	v9 =	vshll.u32 v9, $0xA;
	v6 =	vand.u32 $0x7F, v6  }
0x129: {  	vm0 =	vlt.s32 v10, $0x1C;
	v10 =	vmul.u32 $0x1C, v10;
	v9 =	vand.u32 $0x7FC00, v9  }
0x12a: {  	vm1 =	vlt.u32 v7, $0x1C;
	v5 =	vadd.s32 v5, v7;
	v6 =	vor.u32 v9, v6  }
0x12b: {  	vm0 =	vmand vm0, vm1;
	v5 =	vadd.s32 v10, v5;
	v6 =	vadd.s32 $0x310, v6  }
0x12c: {  	v5 =	vsel vm0, v5, v6  }
0x12d: {  	[tilespmem:$0x10530] =	vst v5  }
0x12e: {  	v5 =	vld.idx.msk [tilespmem:v8+s30+$0x0], $0xffff;
	_ =	sdelay $0x7  }
0x12f: {  	v7 =	vld.idx.msk [tilespmem:v5+s8+$0x0], $0xffff  }
0x130: {  	v6 =	vld [tilespmem:$0xFD40];
	_ =	sdelay $0x2  }
0x131: {  	v9 =	vld [tilespmem:$0xF550]  }
0x132: {  	v5 =	vshll.u32 v5, $0xA;
	v10 =	vsub.s32 v8, v7  }
0x133: {  	v7 =	vsub.s32 v6, v7;
	v8 =	vshll.u32 v8, $0xA;
	v6 =	vand.u32 $0x7F, v6  }
0x134: {  	vm0 =	vlt.s32 v10, $0x1C;
	v10 =	vmul.u32 $0x1C, v10;
	v8 =	vand.u32 $0x7FC00, v8  }
0x135: {  	vm1 =	vlt.u32 v7, $0x1C;
	v5 =	vadd.s32 v5, v7;
	v6 =	vor.u32 v8, v6  }
0x136: {  	vm0 =	vmand vm0, vm1;
	v5 =	vadd.s32 v10, v5;
	v6 =	vadd.s32 $0x310, v6  }
0x137: {  	v5 =	vsel vm0, v5, v6  }
0x138: {  	[tilespmem:$0x10540] =	vst v5  }
0x139: {  	v5 =	vld.idx.msk [tilespmem:v9+s30+$0x0], $0xffff;
	_ =	sdelay $0x7  }
0x13a: {  	v7 =	vld.idx.msk [tilespmem:v5+s8+$0x0], $0xffff  }
0x13b: {  	v6 =	vld [tilespmem:$0xFD50];
	_ =	sdelay $0x2  }
0x13c: {  	v8 =	vld [tilespmem:$0xF560]  }
0x13d: {  	v5 =	vshll.u32 v5, $0xA;
	v10 =	vsub.s32 v9, v7  }
0x13e: {  	v7 =	vsub.s32 v6, v7;
	v9 =	vshll.u32 v9, $0xA;
	v6 =	vand.u32 $0x7F, v6  }
0x13f: {  	vm0 =	vlt.s32 v10, $0x1C;
	v10 =	vmul.u32 $0x1C, v10;
	v9 =	vand.u32 $0x7FC00, v9  }
0x140: {  	vm1 =	vlt.u32 v7, $0x1C;
	v5 =	vadd.s32 v5, v7;
	v6 =	vor.u32 v9, v6  }
0x141: {  	vm0 =	vmand vm0, vm1;
	v5 =	vadd.s32 v10, v5;
	v6 =	vadd.s32 $0x310, v6  }
0x142: {  	v5 =	vsel vm0, v5, v6  }
0x143: {  	[tilespmem:$0x10550] =	vst v5  }
0x144: {  	v5 =	vld.idx.msk [tilespmem:v8+s30+$0x0], $0xffff;
	_ =	sdelay $0x7  }
0x145: {  	v7 =	vld.idx.msk [tilespmem:v5+s8+$0x0], $0xffff  }
0x146: {  	v6 =	vld [tilespmem:$0xFD60];
	_ =	sdelay $0x2  }
0x147: {  	v9 =	vld [tilespmem:$0xF570]  }
0x148: {  	v5 =	vshll.u32 v5, $0xA;
	v10 =	vsub.s32 v8, v7  }
0x149: {  	v7 =	vsub.s32 v6, v7;
	v8 =	vshll.u32 v8, $0xA;
	v6 =	vand.u32 $0x7F, v6  }
0x14a: {  	vm0 =	vlt.s32 v10, $0x1C;
	v10 =	vmul.u32 $0x1C, v10;
	v8 =	vand.u32 $0x7FC00, v8  }
0x14b: {  	vm1 =	vlt.u32 v7, $0x1C;
	v5 =	vadd.s32 v5, v7;
	v6 =	vor.u32 v8, v6  }
0x14c: {  	vm0 =	vmand vm0, vm1;
	v5 =	vadd.s32 v10, v5;
	v6 =	vadd.s32 $0x310, v6  }
0x14d: {  	v5 =	vsel vm0, v5, v6  }
0x14e: {  	[tilespmem:$0x10560] =	vst v5  }
0x14f: {  	v5 =	vld.idx.msk [tilespmem:v9+s30+$0x0], $0xffff;
	_ =	sdelay $0x7  }
0x150: {  	v7 =	vld.idx.msk [tilespmem:v5+s8+$0x0], $0xffff  }
0x151: {  	v6 =	vld [tilespmem:$0xFD70];
	_ =	sdelay $0x3  }
0x152: {  	v5 =	vshll.u32 v5, $0xA;
	v8 =	vsub.s32 v9, v7  }
0x153: {  	v7 =	vsub.s32 v6, v7;
	v9 =	vshll.u32 v9, $0xA;
	v6 =	vand.u32 $0x7F, v6  }
0x154: {  	vm0 =	vlt.s32 v8, $0x1C;
	v8 =	vmul.u32 $0x1C, v8;
	v9 =	vand.u32 $0x7FC00, v9  }
0x155: {  	vm1 =	vlt.u32 v7, $0x1C;
	v5 =	vadd.s32 v5, v7;
	v6 =	vor.u32 v9, v6  }
0x156: {  	vm0 =	vmand vm0, vm1;
	v5 =	vadd.s32 v8, v5;
	v6 =	vadd.s32 $0x310, v6  }
0x157: {  	v5 =	vsel vm0, v5, v6  }
0x158: {  	s25 =	simm.s32 $0x10500;
	[tilespmem:$0x10570] =	vst v5  }
0x159: {  	[spmem:s3] =	stream.indirect.scatter.add.f32 [tilespmem:s9], [sflag:$0x5], $0x1, s25, s1, $0xb8;
	[tilespmem:$0x1AD80] =	vst v63  }
0x15a: {  	v5 =	vld [tilespmem:$0xF580];
	_ =	sdelay $0x7  }
0x15b: {  	v6 =	vld.idx.msk [tilespmem:v5+s30+$0x0], $0xffff;
	_ =	sdelay $0x7  }
0x15c: {  	v8 =	vld.idx.msk [tilespmem:v6+s8+$0x0], $0xffff  }
0x15d: {  	v7 =	vld [tilespmem:$0xFD80];
	_ =	sdelay $0x2  }
0x15e: {  	v9 =	vld [tilespmem:$0xF590]  }
0x15f: {  	v6 =	vshll.u32 v6, $0xA;
	v10 =	vsub.s32 v5, v8  }
0x160: {  	v8 =	vsub.s32 v7, v8;
	v5 =	vshll.u32 v5, $0xA;
	v7 =	vand.u32 $0x7F, v7  }
0x161: {  	vm0 =	vlt.s32 v10, $0x1C;
	v10 =	vmul.u32 $0x1C, v10;
	v5 =	vand.u32 $0x7FC00, v5  }
0x162: {  	vm1 =	vlt.u32 v8, $0x1C;
	v6 =	vadd.s32 v6, v8;
	v5 =	vor.u32 v5, v7  }
0x163: {  	vm0 =	vmand vm0, vm1;
	v6 =	vadd.s32 v10, v6;
	v5 =	vadd.s32 $0x310, v5  }
0x164: {  	v5 =	vsel vm0, v6, v5  }
0x165: {  	[tilespmem:$0x10580] =	vst v5  }
0x166: {  	v5 =	vld.idx.msk [tilespmem:v9+s30+$0x0], $0xffff;
	_ =	sdelay $0x7  }
0x167: {  	v7 =	vld.idx.msk [tilespmem:v5+s8+$0x0], $0xffff  }
0x168: {  	v6 =	vld [tilespmem:$0xFD90];
	_ =	sdelay $0x2  }
0x169: {  	v8 =	vld [tilespmem:$0xF5A0]  }
0x16a: {  	v5 =	vshll.u32 v5, $0xA;
	v10 =	vsub.s32 v9, v7  }
0x16b: {  	v7 =	vsub.s32 v6, v7;
	v9 =	vshll.u32 v9, $0xA;
	v6 =	vand.u32 $0x7F, v6  }
0x16c: {  	vm0 =	vlt.s32 v10, $0x1C;
	v10 =	vmul.u32 $0x1C, v10;
	v9 =	vand.u32 $0x7FC00, v9  }
0x16d: {  	vm1 =	vlt.u32 v7, $0x1C;
	v5 =	vadd.s32 v5, v7;
	v6 =	vor.u32 v9, v6  }
0x16e: {  	vm0 =	vmand vm0, vm1;
	v5 =	vadd.s32 v10, v5;
	v6 =	vadd.s32 $0x310, v6  }
0x16f: {  	v5 =	vsel vm0, v5, v6  }
0x170: {  	[tilespmem:$0x10590] =	vst v5  }
0x171: {  	v5 =	vld.idx.msk [tilespmem:v8+s30+$0x0], $0xffff;
	_ =	sdelay $0x7  }
0x172: {  	v7 =	vld.idx.msk [tilespmem:v5+s8+$0x0], $0xffff  }
0x173: {  	v6 =	vld [tilespmem:$0xFDA0];
	_ =	sdelay $0x2  }
0x174: {  	v9 =	vld [tilespmem:$0xF5B0]  }
0x175: {  	v5 =	vshll.u32 v5, $0xA;
	v10 =	vsub.s32 v8, v7  }
0x176: {  	v7 =	vsub.s32 v6, v7;
	v8 =	vshll.u32 v8, $0xA;
	v6 =	vand.u32 $0x7F, v6  }
0x177: {  	vm0 =	vlt.s32 v10, $0x1C;
	v10 =	vmul.u32 $0x1C, v10;
	v8 =	vand.u32 $0x7FC00, v8  }
0x178: {  	vm1 =	vlt.u32 v7, $0x1C;
	v5 =	vadd.s32 v5, v7;
	v6 =	vor.u32 v8, v6  }
0x179: {  	vm0 =	vmand vm0, vm1;
	v5 =	vadd.s32 v10, v5;
	v6 =	vadd.s32 $0x310, v6  }
0x17a: {  	v5 =	vsel vm0, v5, v6  }
0x17b: {  	[tilespmem:$0x105A0] =	vst v5  }
0x17c: {  	v5 =	vld.idx.msk [tilespmem:v9+s30+$0x0], $0xffff;
	_ =	sdelay $0x7  }
0x17d: {  	v7 =	vld.idx.msk [tilespmem:v5+s8+$0x0], $0xffff  }
0x17e: {  	v6 =	vld [tilespmem:$0xFDB0];
	_ =	sdelay $0x2  }
0x17f: {  	v8 =	vld [tilespmem:$0xF5C0]  }
0x180: {  	v5 =	vshll.u32 v5, $0xA;
	v10 =	vsub.s32 v9, v7  }
0x181: {  	v7 =	vsub.s32 v6, v7;
	v9 =	vshll.u32 v9, $0xA;
	v6 =	vand.u32 $0x7F, v6  }
0x182: {  	vm0 =	vlt.s32 v10, $0x1C;
	v10 =	vmul.u32 $0x1C, v10;
	v9 =	vand.u32 $0x7FC00, v9  }
0x183: {  	vm1 =	vlt.u32 v7, $0x1C;
	v5 =	vadd.s32 v5, v7;
	v6 =	vor.u32 v9, v6  }
0x184: {  	vm0 =	vmand vm0, vm1;
	v5 =	vadd.s32 v10, v5;
	v6 =	vadd.s32 $0x310, v6  }
0x185: {  	v5 =	vsel vm0, v5, v6  }
0x186: {  	[tilespmem:$0x105B0] =	vst v5  }
0x187: {  	v5 =	vld.idx.msk [tilespmem:v8+s30+$0x0], $0xffff;
	_ =	sdelay $0x7  }
0x188: {  	v7 =	vld.idx.msk [tilespmem:v5+s8+$0x0], $0xffff  }
0x189: {  	v6 =	vld [tilespmem:$0xFDC0];
	_ =	sdelay $0x2  }
0x18a: {  	v9 =	vld [tilespmem:$0xF5D0]  }
0x18b: {  	v5 =	vshll.u32 v5, $0xA;
	v10 =	vsub.s32 v8, v7  }
0x18c: {  	v7 =	vsub.s32 v6, v7;
	v8 =	vshll.u32 v8, $0xA;
	v6 =	vand.u32 $0x7F, v6  }
0x18d: {  	vm0 =	vlt.s32 v10, $0x1C;
	v10 =	vmul.u32 $0x1C, v10;
	v8 =	vand.u32 $0x7FC00, v8  }
0x18e: {  	vm1 =	vlt.u32 v7, $0x1C;
	v5 =	vadd.s32 v5, v7;
	v6 =	vor.u32 v8, v6  }
0x18f: {  	vm0 =	vmand vm0, vm1;
	v5 =	vadd.s32 v10, v5;
	v6 =	vadd.s32 $0x310, v6  }
0x190: {  	v5 =	vsel vm0, v5, v6  }
0x191: {  	[tilespmem:$0x105C0] =	vst v5  }
0x192: {  	v5 =	vld.idx.msk [tilespmem:v9+s30+$0x0], $0xffff;
	_ =	sdelay $0x7  }
0x193: {  	v7 =	vld.idx.msk [tilespmem:v5+s8+$0x0], $0xffff  }
0x194: {  	v6 =	vld [tilespmem:$0xFDD0];
	_ =	sdelay $0x2  }
0x195: {  	v8 =	vld [tilespmem:$0xF5E0]  }
0x196: {  	v5 =	vshll.u32 v5, $0xA;
	v10 =	vsub.s32 v9, v7  }
0x197: {  	v7 =	vsub.s32 v6, v7;
	v9 =	vshll.u32 v9, $0xA;
	v6 =	vand.u32 $0x7F, v6  }
0x198: {  	vm0 =	vlt.s32 v10, $0x1C;
	v10 =	vmul.u32 $0x1C, v10;
	v9 =	vand.u32 $0x7FC00, v9  }
0x199: {  	vm1 =	vlt.u32 v7, $0x1C;
	v5 =	vadd.s32 v5, v7;
	v6 =	vor.u32 v9, v6  }
0x19a: {  	vm0 =	vmand vm0, vm1;
	v5 =	vadd.s32 v10, v5;
	v6 =	vadd.s32 $0x310, v6  }
0x19b: {  	v5 =	vsel vm0, v5, v6  }
0x19c: {  	[tilespmem:$0x105D0] =	vst v5  }
0x19d: {  	v5 =	vld.idx.msk [tilespmem:v8+s30+$0x0], $0xffff;
	_ =	sdelay $0x7  }
0x19e: {  	v7 =	vld.idx.msk [tilespmem:v5+s8+$0x0], $0xffff  }
0x19f: {  	v6 =	vld [tilespmem:$0xFDE0];
	_ =	sdelay $0x2  }
0x1a0: {  	v9 =	vld [tilespmem:$0xF5F0]  }
0x1a1: {  	v5 =	vshll.u32 v5, $0xA;
	v10 =	vsub.s32 v8, v7  }
0x1a2: {  	v7 =	vsub.s32 v6, v7;
	v8 =	vshll.u32 v8, $0xA;
	v6 =	vand.u32 $0x7F, v6  }
0x1a3: {  	vm0 =	vlt.s32 v10, $0x1C;
	v10 =	vmul.u32 $0x1C, v10;
	v8 =	vand.u32 $0x7FC00, v8  }
0x1a4: {  	vm1 =	vlt.u32 v7, $0x1C;
	v5 =	vadd.s32 v5, v7;
	v6 =	vor.u32 v8, v6  }
0x1a5: {  	vm0 =	vmand vm0, vm1;
	v5 =	vadd.s32 v10, v5;
	v6 =	vadd.s32 $0x310, v6  }
0x1a6: {  	v5 =	vsel vm0, v5, v6  }
0x1a7: {  	[tilespmem:$0x105E0] =	vst v5  }
0x1a8: {  	v5 =	vld.idx.msk [tilespmem:v9+s30+$0x0], $0xffff;
	_ =	sdelay $0x7  }
0x1a9: {  	v7 =	vld.idx.msk [tilespmem:v5+s8+$0x0], $0xffff  }
0x1aa: {  	v6 =	vld [tilespmem:$0xFDF0];
	_ =	sdelay $0x3  }
0x1ab: {  	v5 =	vshll.u32 v5, $0xA;
	v8 =	vsub.s32 v9, v7  }
0x1ac: {  	v7 =	vsub.s32 v6, v7;
	v9 =	vshll.u32 v9, $0xA;
	v6 =	vand.u32 $0x7F, v6  }
0x1ad: {  	vm0 =	vlt.s32 v8, $0x1C;
	v8 =	vmul.u32 $0x1C, v8;
	v9 =	vand.u32 $0x7FC00, v9  }
0x1ae: {  	vm1 =	vlt.u32 v7, $0x1C;
	v5 =	vadd.s32 v5, v7;
	v6 =	vor.u32 v9, v6  }
0x1af: {  	vm0 =	vmand vm0, vm1;
	v5 =	vadd.s32 v8, v5;
	v6 =	vadd.s32 $0x310, v6  }
0x1b0: {  	v5 =	vsel vm0, v5, v6  }
0x1b1: {  	s12 =	simm.s32 $0x10580;
	[tilespmem:$0x105F0] =	vst v5  }
0x1b2: {  	[spmem:s3] =	stream.indirect.scatter.add.f32 [tilespmem:s9], [sflag:$0x5], $0x1, s12, s1, $0xb8;
	[tilespmem:$0x1AD80] =	vst v63  }
0x1b3: {  	v5 =	vld [tilespmem:$0xF600];
	_ =	sdelay $0x7  }
0x1b4: {  	v6 =	vld.idx.msk [tilespmem:v5+s30+$0x0], $0xffff;
	_ =	sdelay $0x7  }
0x1b5: {  	v8 =	vld.idx.msk [tilespmem:v6+s8+$0x0], $0xffff  }
0x1b6: {  	v7 =	vld [tilespmem:$0xFE00];
	_ =	sdelay $0x2  }
0x1b7: {  	v9 =	vld [tilespmem:$0xF610]  }
0x1b8: {  	v6 =	vshll.u32 v6, $0xA;
	v10 =	vsub.s32 v5, v8  }
0x1b9: {  	v8 =	vsub.s32 v7, v8;
	v5 =	vshll.u32 v5, $0xA;
	v7 =	vand.u32 $0x7F, v7  }
0x1ba: {  	vm0 =	vlt.s32 v10, $0x1C;
	v10 =	vmul.u32 $0x1C, v10;
	v5 =	vand.u32 $0x7FC00, v5  }
0x1bb: {  	vm1 =	vlt.u32 v8, $0x1C;
	v6 =	vadd.s32 v6, v8;
	v5 =	vor.u32 v5, v7  }
0x1bc: {  	vm0 =	vmand vm0, vm1;
	v6 =	vadd.s32 v10, v6;
	v5 =	vadd.s32 $0x310, v5  }
0x1bd: {  	v5 =	vsel vm0, v6, v5  }
0x1be: {  	[tilespmem:$0x10600] =	vst v5  }
0x1bf: {  	v5 =	vld.idx.msk [tilespmem:v9+s30+$0x0], $0xffff;
	_ =	sdelay $0x7  }
0x1c0: {  	v7 =	vld.idx.msk [tilespmem:v5+s8+$0x0], $0xffff  }
0x1c1: {  	v6 =	vld [tilespmem:$0xFE10];
	_ =	sdelay $0x2  }
0x1c2: {  	v8 =	vld [tilespmem:$0xF620]  }
0x1c3: {  	v5 =	vshll.u32 v5, $0xA;
	v10 =	vsub.s32 v9, v7  }
0x1c4: {  	v7 =	vsub.s32 v6, v7;
	v9 =	vshll.u32 v9, $0xA;
	v6 =	vand.u32 $0x7F, v6  }
0x1c5: {  	vm0 =	vlt.s32 v10, $0x1C;
	v10 =	vmul.u32 $0x1C, v10;
	v9 =	vand.u32 $0x7FC00, v9  }
0x1c6: {  	vm1 =	vlt.u32 v7, $0x1C;
	v5 =	vadd.s32 v5, v7;
	v6 =	vor.u32 v9, v6  }
0x1c7: {  	vm0 =	vmand vm0, vm1;
	v5 =	vadd.s32 v10, v5;
	v6 =	vadd.s32 $0x310, v6  }
0x1c8: {  	v5 =	vsel vm0, v5, v6  }
0x1c9: {  	[tilespmem:$0x10610] =	vst v5  }
0x1ca: {  	v5 =	vld.idx.msk [tilespmem:v8+s30+$0x0], $0xffff;
	_ =	sdelay $0x7  }
0x1cb: {  	v7 =	vld.idx.msk [tilespmem:v5+s8+$0x0], $0xffff  }
0x1cc: {  	v6 =	vld [tilespmem:$0xFE20];
	_ =	sdelay $0x2  }
0x1cd: {  	v9 =	vld [tilespmem:$0xF630]  }
0x1ce: {  	v5 =	vshll.u32 v5, $0xA;
	v10 =	vsub.s32 v8, v7  }
0x1cf: {  	v7 =	vsub.s32 v6, v7;
	v8 =	vshll.u32 v8, $0xA;
	v6 =	vand.u32 $0x7F, v6  }
0x1d0: {  	vm0 =	vlt.s32 v10, $0x1C;
	v10 =	vmul.u32 $0x1C, v10;
	v8 =	vand.u32 $0x7FC00, v8  }
0x1d1: {  	vm1 =	vlt.u32 v7, $0x1C;
	v5 =	vadd.s32 v5, v7;
	v6 =	vor.u32 v8, v6  }
0x1d2: {  	vm0 =	vmand vm0, vm1;
	v5 =	vadd.s32 v10, v5;
	v6 =	vadd.s32 $0x310, v6  }
0x1d3: {  	v5 =	vsel vm0, v5, v6  }
0x1d4: {  	[tilespmem:$0x10620] =	vst v5  }
0x1d5: {  	v5 =	vld.idx.msk [tilespmem:v9+s30+$0x0], $0xffff;
	_ =	sdelay $0x7  }
0x1d6: {  	v7 =	vld.idx.msk [tilespmem:v5+s8+$0x0], $0xffff  }
0x1d7: {  	v6 =	vld [tilespmem:$0xFE30];
	_ =	sdelay $0x2  }
0x1d8: {  	v8 =	vld [tilespmem:$0xF640]  }
0x1d9: {  	v5 =	vshll.u32 v5, $0xA;
	v10 =	vsub.s32 v9, v7  }
0x1da: {  	v7 =	vsub.s32 v6, v7;
	v9 =	vshll.u32 v9, $0xA;
	v6 =	vand.u32 $0x7F, v6  }
0x1db: {  	vm0 =	vlt.s32 v10, $0x1C;
	v10 =	vmul.u32 $0x1C, v10;
	v9 =	vand.u32 $0x7FC00, v9  }
0x1dc: {  	vm1 =	vlt.u32 v7, $0x1C;
	v5 =	vadd.s32 v5, v7;
	v6 =	vor.u32 v9, v6  }
0x1dd: {  	vm0 =	vmand vm0, vm1;
	v5 =	vadd.s32 v10, v5;
	v6 =	vadd.s32 $0x310, v6  }
0x1de: {  	v5 =	vsel vm0, v5, v6  }
0x1df: {  	[tilespmem:$0x10630] =	vst v5  }
0x1e0: {  	v5 =	vld.idx.msk [tilespmem:v8+s30+$0x0], $0xffff;
	_ =	sdelay $0x7  }
0x1e1: {  	v7 =	vld.idx.msk [tilespmem:v5+s8+$0x0], $0xffff  }
0x1e2: {  	v6 =	vld [tilespmem:$0xFE40];
	_ =	sdelay $0x2  }
0x1e3: {  	v9 =	vld [tilespmem:$0xF650]  }
0x1e4: {  	v5 =	vshll.u32 v5, $0xA;
	v10 =	vsub.s32 v8, v7  }
0x1e5: {  	v7 =	vsub.s32 v6, v7;
	v8 =	vshll.u32 v8, $0xA;
	v6 =	vand.u32 $0x7F, v6  }
0x1e6: {  	vm0 =	vlt.s32 v10, $0x1C;
	v10 =	vmul.u32 $0x1C, v10;
	v8 =	vand.u32 $0x7FC00, v8  }
0x1e7: {  	vm1 =	vlt.u32 v7, $0x1C;
	v5 =	vadd.s32 v5, v7;
	v6 =	vor.u32 v8, v6  }
0x1e8: {  	vm0 =	vmand vm0, vm1;
	v5 =	vadd.s32 v10, v5;
	v6 =	vadd.s32 $0x310, v6  }
0x1e9: {  	v5 =	vsel vm0, v5, v6  }
0x1ea: {  	[tilespmem:$0x10640] =	vst v5  }
0x1eb: {  	v5 =	vld.idx.msk [tilespmem:v9+s30+$0x0], $0xffff;
	_ =	sdelay $0x7  }
0x1ec: {  	v7 =	vld.idx.msk [tilespmem:v5+s8+$0x0], $0xffff  }
0x1ed: {  	v6 =	vld [tilespmem:$0xFE50];
	_ =	sdelay $0x2  }
0x1ee: {  	v8 =	vld [tilespmem:$0xF660]  }
0x1ef: {  	v5 =	vshll.u32 v5, $0xA;
	v10 =	vsub.s32 v9, v7  }
0x1f0: {  	v7 =	vsub.s32 v6, v7;
	v9 =	vshll.u32 v9, $0xA;
	v6 =	vand.u32 $0x7F, v6  }
0x1f1: {  	vm0 =	vlt.s32 v10, $0x1C;
	v10 =	vmul.u32 $0x1C, v10;
	v9 =	vand.u32 $0x7FC00, v9  }
0x1f2: {  	vm1 =	vlt.u32 v7, $0x1C;
	v5 =	vadd.s32 v5, v7;
	v6 =	vor.u32 v9, v6  }
0x1f3: {  	vm0 =	vmand vm0, vm1;
	v5 =	vadd.s32 v10, v5;
	v6 =	vadd.s32 $0x310, v6  }
0x1f4: {  	v5 =	vsel vm0, v5, v6  }
0x1f5: {  	[tilespmem:$0x10650] =	vst v5  }
0x1f6: {  	v5 =	vld.idx.msk [tilespmem:v8+s30+$0x0], $0xffff;
	_ =	sdelay $0x7  }
0x1f7: {  	v7 =	vld.idx.msk [tilespmem:v5+s8+$0x0], $0xffff  }
0x1f8: {  	v6 =	vld [tilespmem:$0xFE60];
	_ =	sdelay $0x2  }
0x1f9: {  	v9 =	vld [tilespmem:$0xF670]  }
0x1fa: {  	v5 =	vshll.u32 v5, $0xA;
	v10 =	vsub.s32 v8, v7  }
0x1fb: {  	v7 =	vsub.s32 v6, v7;
	v8 =	vshll.u32 v8, $0xA;
	v6 =	vand.u32 $0x7F, v6  }
0x1fc: {  	vm0 =	vlt.s32 v10, $0x1C;
	v10 =	vmul.u32 $0x1C, v10;
	v8 =	vand.u32 $0x7FC00, v8  }
0x1fd: {  	vm1 =	vlt.u32 v7, $0x1C;
	v5 =	vadd.s32 v5, v7;
	v6 =	vor.u32 v8, v6  }
0x1fe: {  	vm0 =	vmand vm0, vm1;
	v5 =	vadd.s32 v10, v5;
	v6 =	vadd.s32 $0x310, v6  }
0x1ff: {  	v5 =	vsel vm0, v5, v6  }
0x200: {  	[tilespmem:$0x10660] =	vst v5  }
0x201: {  	v5 =	vld.idx.msk [tilespmem:v9+s30+$0x0], $0xffff;
	_ =	sdelay $0x7  }
0x202: {  	v7 =	vld.idx.msk [tilespmem:v5+s8+$0x0], $0xffff  }
0x203: {  	v6 =	vld [tilespmem:$0xFE70];
	_ =	sdelay $0x3  }
0x204: {  	v5 =	vshll.u32 v5, $0xA;
	v8 =	vsub.s32 v9, v7  }
0x205: {  	v7 =	vsub.s32 v6, v7;
	v9 =	vshll.u32 v9, $0xA;
	v6 =	vand.u32 $0x7F, v6  }
0x206: {  	vm0 =	vlt.s32 v8, $0x1C;
	v8 =	vmul.u32 $0x1C, v8;
	v9 =	vand.u32 $0x7FC00, v9  }
0x207: {  	vm1 =	vlt.u32 v7, $0x1C;
	v5 =	vadd.s32 v5, v7;
	v6 =	vor.u32 v9, v6  }
0x208: {  	vm0 =	vmand vm0, vm1;
	v5 =	vadd.s32 v8, v5;
	v6 =	vadd.s32 $0x310, v6  }
0x209: {  	v5 =	vsel vm0, v5, v6  }
0x20a: {  	s13 =	simm.s32 $0x10600;
	[tilespmem:$0x10670] =	vst v5  }
0x20b: {  	[spmem:s3] =	stream.indirect.scatter.add.f32 [tilespmem:s9], [sflag:$0x5], $0x1, s13, s1, $0xb8;
	[tilespmem:$0x1AD80] =	vst v63  }
0x20c: {  	v5 =	vld [tilespmem:$0xF680];
	_ =	sdelay $0x7  }
0x20d: {  	v6 =	vld.idx.msk [tilespmem:v5+s30+$0x0], $0xffff;
	_ =	sdelay $0x7  }
0x20e: {  	v8 =	vld.idx.msk [tilespmem:v6+s8+$0x0], $0xffff  }
0x20f: {  	v7 =	vld [tilespmem:$0xFE80];
	_ =	sdelay $0x2  }
0x210: {  	v9 =	vld [tilespmem:$0xF690]  }
0x211: {  	v6 =	vshll.u32 v6, $0xA;
	v10 =	vsub.s32 v5, v8  }
0x212: {  	v8 =	vsub.s32 v7, v8;
	v5 =	vshll.u32 v5, $0xA;
	v7 =	vand.u32 $0x7F, v7  }
0x213: {  	vm0 =	vlt.s32 v10, $0x1C;
	v10 =	vmul.u32 $0x1C, v10;
	v5 =	vand.u32 $0x7FC00, v5  }
0x214: {  	vm1 =	vlt.u32 v8, $0x1C;
	v6 =	vadd.s32 v6, v8;
	v5 =	vor.u32 v5, v7  }
0x215: {  	vm0 =	vmand vm0, vm1;
	v6 =	vadd.s32 v10, v6;
	v5 =	vadd.s32 $0x310, v5  }
0x216: {  	v5 =	vsel vm0, v6, v5  }
0x217: {  	[tilespmem:$0x10680] =	vst v5  }
0x218: {  	v5 =	vld.idx.msk [tilespmem:v9+s30+$0x0], $0xffff;
	_ =	sdelay $0x7  }
0x219: {  	v7 =	vld.idx.msk [tilespmem:v5+s8+$0x0], $0xffff  }
0x21a: {  	v6 =	vld [tilespmem:$0xFE90];
	_ =	sdelay $0x2  }
0x21b: {  	v8 =	vld [tilespmem:$0xF6A0]  }
0x21c: {  	v5 =	vshll.u32 v5, $0xA;
	v10 =	vsub.s32 v9, v7  }
0x21d: {  	v7 =	vsub.s32 v6, v7;
	v9 =	vshll.u32 v9, $0xA;
	v6 =	vand.u32 $0x7F, v6  }
0x21e: {  	vm0 =	vlt.s32 v10, $0x1C;
	v10 =	vmul.u32 $0x1C, v10;
	v9 =	vand.u32 $0x7FC00, v9  }
0x21f: {  	vm1 =	vlt.u32 v7, $0x1C;
	v5 =	vadd.s32 v5, v7;
	v6 =	vor.u32 v9, v6  }
0x220: {  	vm0 =	vmand vm0, vm1;
	v5 =	vadd.s32 v10, v5;
	v6 =	vadd.s32 $0x310, v6  }
0x221: {  	v5 =	vsel vm0, v5, v6  }
0x222: {  	[tilespmem:$0x10690] =	vst v5  }
0x223: {  	v5 =	vld.idx.msk [tilespmem:v8+s30+$0x0], $0xffff;
	_ =	sdelay $0x7  }
0x224: {  	v7 =	vld.idx.msk [tilespmem:v5+s8+$0x0], $0xffff  }
0x225: {  	v6 =	vld [tilespmem:$0xFEA0];
	_ =	sdelay $0x2  }
0x226: {  	v9 =	vld [tilespmem:$0xF6B0]  }
0x227: {  	v5 =	vshll.u32 v5, $0xA;
	v10 =	vsub.s32 v8, v7  }
0x228: {  	v7 =	vsub.s32 v6, v7;
	v8 =	vshll.u32 v8, $0xA;
	v6 =	vand.u32 $0x7F, v6  }
0x229: {  	vm0 =	vlt.s32 v10, $0x1C;
	v10 =	vmul.u32 $0x1C, v10;
	v8 =	vand.u32 $0x7FC00, v8  }
0x22a: {  	vm1 =	vlt.u32 v7, $0x1C;
	v5 =	vadd.s32 v5, v7;
	v6 =	vor.u32 v8, v6  }
0x22b: {  	vm0 =	vmand vm0, vm1;
	v5 =	vadd.s32 v10, v5;
	v6 =	vadd.s32 $0x310, v6  }
0x22c: {  	v5 =	vsel vm0, v5, v6  }
0x22d: {  	[tilespmem:$0x106A0] =	vst v5  }
0x22e: {  	v5 =	vld.idx.msk [tilespmem:v9+s30+$0x0], $0xffff;
	_ =	sdelay $0x7  }
0x22f: {  	v7 =	vld.idx.msk [tilespmem:v5+s8+$0x0], $0xffff  }
0x230: {  	v6 =	vld [tilespmem:$0xFEB0];
	_ =	sdelay $0x2  }
0x231: {  	v8 =	vld [tilespmem:$0xF6C0]  }
0x232: {  	v5 =	vshll.u32 v5, $0xA;
	v10 =	vsub.s32 v9, v7  }
0x233: {  	v7 =	vsub.s32 v6, v7;
	v9 =	vshll.u32 v9, $0xA;
	v6 =	vand.u32 $0x7F, v6  }
0x234: {  	vm0 =	vlt.s32 v10, $0x1C;
	v10 =	vmul.u32 $0x1C, v10;
	v9 =	vand.u32 $0x7FC00, v9  }
0x235: {  	vm1 =	vlt.u32 v7, $0x1C;
	v5 =	vadd.s32 v5, v7;
	v6 =	vor.u32 v9, v6  }
0x236: {  	vm0 =	vmand vm0, vm1;
	v5 =	vadd.s32 v10, v5;
	v6 =	vadd.s32 $0x310, v6  }
0x237: {  	v5 =	vsel vm0, v5, v6  }
0x238: {  	[tilespmem:$0x106B0] =	vst v5  }
0x239: {  	v5 =	vld.idx.msk [tilespmem:v8+s30+$0x0], $0xffff;
	_ =	sdelay $0x7  }
0x23a: {  	v7 =	vld.idx.msk [tilespmem:v5+s8+$0x0], $0xffff  }
0x23b: {  	v6 =	vld [tilespmem:$0xFEC0];
	_ =	sdelay $0x2  }
0x23c: {  	v9 =	vld [tilespmem:$0xF6D0]  }
0x23d: {  	v5 =	vshll.u32 v5, $0xA;
	v10 =	vsub.s32 v8, v7  }
0x23e: {  	v7 =	vsub.s32 v6, v7;
	v8 =	vshll.u32 v8, $0xA;
	v6 =	vand.u32 $0x7F, v6  }
0x23f: {  	vm0 =	vlt.s32 v10, $0x1C;
	v10 =	vmul.u32 $0x1C, v10;
	v8 =	vand.u32 $0x7FC00, v8  }
0x240: {  	vm1 =	vlt.u32 v7, $0x1C;
	v5 =	vadd.s32 v5, v7;
	v6 =	vor.u32 v8, v6  }
0x241: {  	vm0 =	vmand vm0, vm1;
	v5 =	vadd.s32 v10, v5;
	v6 =	vadd.s32 $0x310, v6  }
0x242: {  	v5 =	vsel vm0, v5, v6  }
0x243: {  	[tilespmem:$0x106C0] =	vst v5  }
0x244: {  	v5 =	vld.idx.msk [tilespmem:v9+s30+$0x0], $0xffff;
	_ =	sdelay $0x7  }
0x245: {  	v7 =	vld.idx.msk [tilespmem:v5+s8+$0x0], $0xffff  }
0x246: {  	v6 =	vld [tilespmem:$0xFED0];
	_ =	sdelay $0x2  }
0x247: {  	v8 =	vld [tilespmem:$0xF6E0]  }
0x248: {  	v5 =	vshll.u32 v5, $0xA;
	v10 =	vsub.s32 v9, v7  }
0x249: {  	v7 =	vsub.s32 v6, v7;
	v9 =	vshll.u32 v9, $0xA;
	v6 =	vand.u32 $0x7F, v6  }
0x24a: {  	vm0 =	vlt.s32 v10, $0x1C;
	v10 =	vmul.u32 $0x1C, v10;
	v9 =	vand.u32 $0x7FC00, v9  }
0x24b: {  	vm1 =	vlt.u32 v7, $0x1C;
	v5 =	vadd.s32 v5, v7;
	v6 =	vor.u32 v9, v6  }
0x24c: {  	vm0 =	vmand vm0, vm1;
	v5 =	vadd.s32 v10, v5;
	v6 =	vadd.s32 $0x310, v6  }
0x24d: {  	v5 =	vsel vm0, v5, v6  }
0x24e: {  	[tilespmem:$0x106D0] =	vst v5  }
0x24f: {  	v5 =	vld.idx.msk [tilespmem:v8+s30+$0x0], $0xffff;
	_ =	sdelay $0x7  }
0x250: {  	v7 =	vld.idx.msk [tilespmem:v5+s8+$0x0], $0xffff  }
0x251: {  	v6 =	vld [tilespmem:$0xFEE0];
	_ =	sdelay $0x2  }
0x252: {  	v9 =	vld [tilespmem:$0xF6F0]  }
0x253: {  	v5 =	vshll.u32 v5, $0xA;
	v10 =	vsub.s32 v8, v7  }
0x254: {  	v7 =	vsub.s32 v6, v7;
	v8 =	vshll.u32 v8, $0xA;
	v6 =	vand.u32 $0x7F, v6  }
0x255: {  	vm0 =	vlt.s32 v10, $0x1C;
	v10 =	vmul.u32 $0x1C, v10;
	v8 =	vand.u32 $0x7FC00, v8  }
0x256: {  	vm1 =	vlt.u32 v7, $0x1C;
	v5 =	vadd.s32 v5, v7;
	v6 =	vor.u32 v8, v6  }
0x257: {  	vm0 =	vmand vm0, vm1;
	v5 =	vadd.s32 v10, v5;
	v6 =	vadd.s32 $0x310, v6  }
0x258: {  	v5 =	vsel vm0, v5, v6  }
0x259: {  	[tilespmem:$0x106E0] =	vst v5  }
0x25a: {  	v5 =	vld.idx.msk [tilespmem:v9+s30+$0x0], $0xffff;
	_ =	sdelay $0x7  }
0x25b: {  	v7 =	vld.idx.msk [tilespmem:v5+s8+$0x0], $0xffff  }
0x25c: {  	v6 =	vld [tilespmem:$0xFEF0];
	_ =	sdelay $0x3  }
0x25d: {  	v5 =	vshll.u32 v5, $0xA;
	v8 =	vsub.s32 v9, v7  }
0x25e: {  	v7 =	vsub.s32 v6, v7;
	v9 =	vshll.u32 v9, $0xA;
	v6 =	vand.u32 $0x7F, v6  }
0x25f: {  	vm0 =	vlt.s32 v8, $0x1C;
	v8 =	vmul.u32 $0x1C, v8;
	v9 =	vand.u32 $0x7FC00, v9  }
0x260: {  	vm1 =	vlt.u32 v7, $0x1C;
	v5 =	vadd.s32 v5, v7;
	v6 =	vor.u32 v9, v6  }
0x261: {  	vm0 =	vmand vm0, vm1;
	v5 =	vadd.s32 v8, v5;
	v6 =	vadd.s32 $0x310, v6  }
0x262: {  	v5 =	vsel vm0, v5, v6  }
0x263: {  	s16 =	simm.s32 $0x10680;
	[tilespmem:$0x106F0] =	vst v5  }
0x264: {  	[spmem:s3] =	stream.indirect.scatter.add.f32 [tilespmem:s9], [sflag:$0x5], $0x1, s16, s1, $0xb8;
	[tilespmem:$0x1AD80] =	vst v63  }
0x265: {  	v5 =	vld [tilespmem:$0xF700];
	_ =	sdelay $0x7  }
0x266: {  	v6 =	vld.idx.msk [tilespmem:v5+s30+$0x0], $0xffff;
	_ =	sdelay $0x7  }
0x267: {  	v8 =	vld.idx.msk [tilespmem:v6+s8+$0x0], $0xffff  }
0x268: {  	v7 =	vld [tilespmem:$0xFF00];
	_ =	sdelay $0x2  }
0x269: {  	v9 =	vld [tilespmem:$0xF710]  }
0x26a: {  	v6 =	vshll.u32 v6, $0xA;
	v10 =	vsub.s32 v5, v8  }
0x26b: {  	v8 =	vsub.s32 v7, v8;
	v5 =	vshll.u32 v5, $0xA;
	v7 =	vand.u32 $0x7F, v7  }
0x26c: {  	vm0 =	vlt.s32 v10, $0x1C;
	v10 =	vmul.u32 $0x1C, v10;
	v5 =	vand.u32 $0x7FC00, v5  }
0x26d: {  	vm1 =	vlt.u32 v8, $0x1C;
	v6 =	vadd.s32 v6, v8;
	v5 =	vor.u32 v5, v7  }
0x26e: {  	vm0 =	vmand vm0, vm1;
	v6 =	vadd.s32 v10, v6;
	v5 =	vadd.s32 $0x310, v5  }
0x26f: {  	v5 =	vsel vm0, v6, v5  }
0x270: {  	[tilespmem:$0x10700] =	vst v5  }
0x271: {  	v5 =	vld.idx.msk [tilespmem:v9+s30+$0x0], $0xffff;
	_ =	sdelay $0x7  }
0x272: {  	v7 =	vld.idx.msk [tilespmem:v5+s8+$0x0], $0xffff  }
0x273: {  	v6 =	vld [tilespmem:$0xFF10];
	_ =	sdelay $0x2  }
0x274: {  	v8 =	vld [tilespmem:$0xF720]  }
0x275: {  	v5 =	vshll.u32 v5, $0xA;
	v10 =	vsub.s32 v9, v7  }
0x276: {  	v7 =	vsub.s32 v6, v7;
	v9 =	vshll.u32 v9, $0xA;
	v6 =	vand.u32 $0x7F, v6  }
0x277: {  	vm0 =	vlt.s32 v10, $0x1C;
	v10 =	vmul.u32 $0x1C, v10;
	v9 =	vand.u32 $0x7FC00, v9  }
0x278: {  	vm1 =	vlt.u32 v7, $0x1C;
	v5 =	vadd.s32 v5, v7;
	v6 =	vor.u32 v9, v6  }
0x279: {  	vm0 =	vmand vm0, vm1;
	v5 =	vadd.s32 v10, v5;
	v6 =	vadd.s32 $0x310, v6  }
0x27a: {  	v5 =	vsel vm0, v5, v6  }
0x27b: {  	[tilespmem:$0x10710] =	vst v5  }
0x27c: {  	v5 =	vld.idx.msk [tilespmem:v8+s30+$0x0], $0xffff;
	_ =	sdelay $0x7  }
0x27d: {  	v7 =	vld.idx.msk [tilespmem:v5+s8+$0x0], $0xffff  }
0x27e: {  	v6 =	vld [tilespmem:$0xFF20];
	_ =	sdelay $0x2  }
0x27f: {  	v9 =	vld [tilespmem:$0xF730]  }
0x280: {  	v5 =	vshll.u32 v5, $0xA;
	v10 =	vsub.s32 v8, v7  }
0x281: {  	v7 =	vsub.s32 v6, v7;
	v8 =	vshll.u32 v8, $0xA;
	v6 =	vand.u32 $0x7F, v6  }
0x282: {  	vm0 =	vlt.s32 v10, $0x1C;
	v10 =	vmul.u32 $0x1C, v10;
	v8 =	vand.u32 $0x7FC00, v8  }
0x283: {  	vm1 =	vlt.u32 v7, $0x1C;
	v5 =	vadd.s32 v5, v7;
	v6 =	vor.u32 v8, v6  }
0x284: {  	vm0 =	vmand vm0, vm1;
	v5 =	vadd.s32 v10, v5;
	v6 =	vadd.s32 $0x310, v6  }
0x285: {  	v5 =	vsel vm0, v5, v6  }
0x286: {  	[tilespmem:$0x10720] =	vst v5  }
0x287: {  	v5 =	vld.idx.msk [tilespmem:v9+s30+$0x0], $0xffff;
	_ =	sdelay $0x7  }
0x288: {  	v7 =	vld.idx.msk [tilespmem:v5+s8+$0x0], $0xffff  }
0x289: {  	v6 =	vld [tilespmem:$0xFF30];
	_ =	sdelay $0x2  }
0x28a: {  	v8 =	vld [tilespmem:$0xF740]  }
0x28b: {  	v5 =	vshll.u32 v5, $0xA;
	v10 =	vsub.s32 v9, v7  }
0x28c: {  	v7 =	vsub.s32 v6, v7;
	v9 =	vshll.u32 v9, $0xA;
	v6 =	vand.u32 $0x7F, v6  }
0x28d: {  	vm0 =	vlt.s32 v10, $0x1C;
	v10 =	vmul.u32 $0x1C, v10;
	v9 =	vand.u32 $0x7FC00, v9  }
0x28e: {  	vm1 =	vlt.u32 v7, $0x1C;
	v5 =	vadd.s32 v5, v7;
	v6 =	vor.u32 v9, v6  }
0x28f: {  	vm0 =	vmand vm0, vm1;
	v5 =	vadd.s32 v10, v5;
	v6 =	vadd.s32 $0x310, v6  }
0x290: {  	v5 =	vsel vm0, v5, v6  }
0x291: {  	[tilespmem:$0x10730] =	vst v5  }
0x292: {  	v5 =	vld.idx.msk [tilespmem:v8+s30+$0x0], $0xffff;
	_ =	sdelay $0x7  }
0x293: {  	v7 =	vld.idx.msk [tilespmem:v5+s8+$0x0], $0xffff  }
0x294: {  	v6 =	vld [tilespmem:$0xFF40];
	_ =	sdelay $0x3  }
0x295: {  	v5 =	vshll.u32 v5, $0xA;
	v9 =	vsub.s32 v8, v7  }
0x296: {  	v7 =	vsub.s32 v6, v7;
	v8 =	vshll.u32 v8, $0xA;
	v6 =	vand.u32 $0x7F, v6  }
0x297: {  	vm0 =	vlt.s32 v9, $0x1C;
	v9 =	vmul.u32 $0x1C, v9;
	v8 =	vand.u32 $0x7FC00, v8  }
0x298: {  	vm1 =	vlt.u32 v7, $0x1C;
	v5 =	vadd.s32 v5, v7;
	v6 =	vor.u32 v8, v6  }
0x299: {  	vm0 =	vmand vm0, vm1;
	v5 =	vadd.s32 v9, v5;
	v6 =	vadd.s32 $0x310, v6  }
0x29a: {  	v5 =	vsel vm0, v5, v6  }
0x29b: {  	[tilespmem:$0x10740] =	vst v5;
	v5 =	vld [tilespmem:$0xF750];
	_ =	sdelay $0x7  }
0x29c: {  	v6 =	vld.idx.msk [tilespmem:v5+s30+$0x0], $0xffff;
	_ =	sdelay $0x6  }
0x29d: {  	v7 =	vld [tilespmem:$0xFF50]  }
0x29e: {  	v8 =	vld.idx.msk [tilespmem:v6+s8+$0x0], $0xffff;
	_ =	sdelay $0x3  }
0x29f: {  	v9 =	vld [tilespmem:$0xF760]  }
0x2a0: {  	v6 =	vshll.u32 v6, $0xA;
	v10 =	vsub.s32 v5, v8  }
0x2a1: {  	v8 =	vsub.s32 v7, v8;
	v5 =	vshll.u32 v5, $0xA;
	v7 =	vand.u32 $0x7F, v7  }
0x2a2: {  	vm0 =	vlt.s32 v10, $0x1C;
	v10 =	vmul.u32 $0x1C, v10;
	v5 =	vand.u32 $0x7FC00, v5  }
0x2a3: {  	vm1 =	vlt.u32 v8, $0x1C;
	v6 =	vadd.s32 v6, v8;
	v5 =	vor.u32 v5, v7  }
0x2a4: {  	vm0 =	vmand vm0, vm1;
	v6 =	vadd.s32 v10, v6;
	v5 =	vadd.s32 $0x310, v5  }
0x2a5: {  	v5 =	vsel vm0, v6, v5  }
0x2a6: {  	[tilespmem:$0x10750] =	vst v5  }
0x2a7: {  	v5 =	vld.idx.msk [tilespmem:v9+s30+$0x0], $0xffff;
	_ =	sdelay $0x7  }
0x2a8: {  	v7 =	vld.idx.msk [tilespmem:v5+s8+$0x0], $0xffff  }
0x2a9: {  	v6 =	vld [tilespmem:$0xFF60];
	_ =	sdelay $0x2  }
0x2aa: {  	v8 =	vld [tilespmem:$0xF770]  }
0x2ab: {  	v5 =	vshll.u32 v5, $0xA;
	v10 =	vsub.s32 v9, v7  }
0x2ac: {  	v7 =	vsub.s32 v6, v7;
	v9 =	vshll.u32 v9, $0xA;
	v6 =	vand.u32 $0x7F, v6  }
0x2ad: {  	vm0 =	vlt.s32 v10, $0x1C;
	v10 =	vmul.u32 $0x1C, v10;
	v9 =	vand.u32 $0x7FC00, v9  }
0x2ae: {  	vm1 =	vlt.u32 v7, $0x1C;
	v5 =	vadd.s32 v5, v7;
	v6 =	vor.u32 v9, v6  }
0x2af: {  	vm0 =	vmand vm0, vm1;
	v5 =	vadd.s32 v10, v5;
	v6 =	vadd.s32 $0x310, v6  }
0x2b0: {  	v5 =	vsel vm0, v5, v6  }
0x2b1: {  	[tilespmem:$0x10760] =	vst v5  }
0x2b2: {  	v5 =	vld.idx.msk [tilespmem:v8+s30+$0x0], $0xffff;
	_ =	sdelay $0x7  }
0x2b3: {  	v7 =	vld.idx.msk [tilespmem:v5+s8+$0x0], $0xffff  }
0x2b4: {  	v6 =	vld [tilespmem:$0xFF70];
	_ =	sdelay $0x3  }
0x2b5: {  	v5 =	vshll.u32 v5, $0xA;
	v9 =	vsub.s32 v8, v7  }
0x2b6: {  	v7 =	vsub.s32 v6, v7;
	v8 =	vshll.u32 v8, $0xA;
	v6 =	vand.u32 $0x7F, v6  }
0x2b7: {  	vm0 =	vlt.s32 v9, $0x1C;
	v9 =	vmul.u32 $0x1C, v9;
	v8 =	vand.u32 $0x7FC00, v8  }
0x2b8: {  	vm1 =	vlt.u32 v7, $0x1C;
	v5 =	vadd.s32 v5, v7;
	v6 =	vor.u32 v8, v6  }
0x2b9: {  	vm0 =	vmand vm0, vm1;
	v5 =	vadd.s32 v9, v5;
	v6 =	vadd.s32 $0x310, v6  }
0x2ba: {  	v5 =	vsel vm0, v5, v6  }
0x2bb: {  	s19 =	simm.s32 $0x10700;
	[tilespmem:$0x10770] =	vst v5  }
0x2bc: {  	[spmem:s3] =	stream.indirect.scatter.add.f32 [tilespmem:s9], [sflag:$0x5], $0x1, s19, s1, $0xb8;
	[tilespmem:$0x1AD80] =	vst v63  }
0x2bd: {  	v5 =	vld [tilespmem:$0xF780];
	_ =	sdelay $0x7  }
0x2be: {  	v6 =	vld.idx.msk [tilespmem:v5+s30+$0x0], $0xffff;
	_ =	sdelay $0x7  }
0x2bf: {  	v8 =	vld.idx.msk [tilespmem:v6+s8+$0x0], $0xffff  }
0x2c0: {  	v7 =	vld [tilespmem:$0xFF80];
	_ =	sdelay $0x2  }
0x2c1: {  	v9 =	vld [tilespmem:$0xF790]  }
0x2c2: {  	v6 =	vshll.u32 v6, $0xA;
	v10 =	vsub.s32 v5, v8  }
0x2c3: {  	v8 =	vsub.s32 v7, v8;
	v5 =	vshll.u32 v5, $0xA;
	v7 =	vand.u32 $0x7F, v7  }
0x2c4: {  	vm0 =	vlt.s32 v10, $0x1C;
	v10 =	vmul.u32 $0x1C, v10;
	v5 =	vand.u32 $0x7FC00, v5  }
0x2c5: {  	vm1 =	vlt.u32 v8, $0x1C;
	v6 =	vadd.s32 v6, v8;
	v5 =	vor.u32 v5, v7  }
0x2c6: {  	vm0 =	vmand vm0, vm1;
	v6 =	vadd.s32 v10, v6;
	v5 =	vadd.s32 $0x310, v5  }
0x2c7: {  	v5 =	vsel vm0, v6, v5  }
0x2c8: {  	[tilespmem:$0x10780] =	vst v5  }
0x2c9: {  	v5 =	vld.idx.msk [tilespmem:v9+s30+$0x0], $0xffff;
	_ =	sdelay $0x7  }
0x2ca: {  	v7 =	vld.idx.msk [tilespmem:v5+s8+$0x0], $0xffff  }
0x2cb: {  	v6 =	vld [tilespmem:$0xFF90];
	_ =	sdelay $0x2  }
0x2cc: {  	v8 =	vld [tilespmem:$0xF7A0]  }
0x2cd: {  	v5 =	vshll.u32 v5, $0xA;
	v10 =	vsub.s32 v9, v7  }
0x2ce: {  	v7 =	vsub.s32 v6, v7;
	v9 =	vshll.u32 v9, $0xA;
	v6 =	vand.u32 $0x7F, v6  }
0x2cf: {  	vm0 =	vlt.s32 v10, $0x1C;
	v10 =	vmul.u32 $0x1C, v10;
	v9 =	vand.u32 $0x7FC00, v9  }
0x2d0: {  	vm1 =	vlt.u32 v7, $0x1C;
	v5 =	vadd.s32 v5, v7;
	v6 =	vor.u32 v9, v6  }
0x2d1: {  	vm0 =	vmand vm0, vm1;
	v5 =	vadd.s32 v10, v5;
	v6 =	vadd.s32 $0x310, v6  }
0x2d2: {  	v5 =	vsel vm0, v5, v6  }
0x2d3: {  	[tilespmem:$0x10790] =	vst v5  }
0x2d4: {  	v5 =	vld.idx.msk [tilespmem:v8+s30+$0x0], $0xffff;
	_ =	sdelay $0x7  }
0x2d5: {  	v7 =	vld.idx.msk [tilespmem:v5+s8+$0x0], $0xffff  }
0x2d6: {  	v6 =	vld [tilespmem:$0xFFA0];
	_ =	sdelay $0x2  }
0x2d7: {  	v9 =	vld [tilespmem:$0xF7B0]  }
0x2d8: {  	v5 =	vshll.u32 v5, $0xA;
	v10 =	vsub.s32 v8, v7  }
0x2d9: {  	v7 =	vsub.s32 v6, v7;
	v8 =	vshll.u32 v8, $0xA;
	v6 =	vand.u32 $0x7F, v6  }
0x2da: {  	vm0 =	vlt.s32 v10, $0x1C;
	v10 =	vmul.u32 $0x1C, v10;
	v8 =	vand.u32 $0x7FC00, v8  }
0x2db: {  	vm1 =	vlt.u32 v7, $0x1C;
	v5 =	vadd.s32 v5, v7;
	v6 =	vor.u32 v8, v6  }
0x2dc: {  	vm0 =	vmand vm0, vm1;
	v5 =	vadd.s32 v10, v5;
	v6 =	vadd.s32 $0x310, v6  }
0x2dd: {  	v5 =	vsel vm0, v5, v6  }
0x2de: {  	[tilespmem:$0x107A0] =	vst v5  }
0x2df: {  	v5 =	vld.idx.msk [tilespmem:v9+s30+$0x0], $0xffff;
	_ =	sdelay $0x7  }
0x2e0: {  	v7 =	vld.idx.msk [tilespmem:v5+s8+$0x0], $0xffff  }
0x2e1: {  	v6 =	vld [tilespmem:$0xFFB0];
	_ =	sdelay $0x2  }
0x2e2: {  	v8 =	vld [tilespmem:$0xF7C0]  }
0x2e3: {  	v5 =	vshll.u32 v5, $0xA;
	v10 =	vsub.s32 v9, v7  }
0x2e4: {  	v7 =	vsub.s32 v6, v7;
	v9 =	vshll.u32 v9, $0xA;
	v6 =	vand.u32 $0x7F, v6  }
0x2e5: {  	vm0 =	vlt.s32 v10, $0x1C;
	v10 =	vmul.u32 $0x1C, v10;
	v9 =	vand.u32 $0x7FC00, v9  }
0x2e6: {  	vm1 =	vlt.u32 v7, $0x1C;
	v5 =	vadd.s32 v5, v7;
	v6 =	vor.u32 v9, v6  }
0x2e7: {  	vm0 =	vmand vm0, vm1;
	v5 =	vadd.s32 v10, v5;
	v6 =	vadd.s32 $0x310, v6  }
0x2e8: {  	v5 =	vsel vm0, v5, v6  }
0x2e9: {  	[tilespmem:$0x107B0] =	vst v5  }
0x2ea: {  	v5 =	vld.idx.msk [tilespmem:v8+s30+$0x0], $0xffff;
	_ =	sdelay $0x7  }
0x2eb: {  	v7 =	vld.idx.msk [tilespmem:v5+s8+$0x0], $0xffff  }
0x2ec: {  	v6 =	vld [tilespmem:$0xFFC0];
	_ =	sdelay $0x2  }
0x2ed: {  	v9 =	vld [tilespmem:$0xF7D0]  }
0x2ee: {  	v5 =	vshll.u32 v5, $0xA;
	v10 =	vsub.s32 v8, v7  }
0x2ef: {  	v7 =	vsub.s32 v6, v7;
	v8 =	vshll.u32 v8, $0xA;
	v6 =	vand.u32 $0x7F, v6  }
0x2f0: {  	vm0 =	vlt.s32 v10, $0x1C;
	v10 =	vmul.u32 $0x1C, v10;
	v8 =	vand.u32 $0x7FC00, v8  }
0x2f1: {  	vm1 =	vlt.u32 v7, $0x1C;
	v5 =	vadd.s32 v5, v7;
	v6 =	vor.u32 v8, v6  }
0x2f2: {  	vm0 =	vmand vm0, vm1;
	v5 =	vadd.s32 v10, v5;
	v6 =	vadd.s32 $0x310, v6  }
0x2f3: {  	v5 =	vsel vm0, v5, v6  }
0x2f4: {  	[tilespmem:$0x107C0] =	vst v5  }
0x2f5: {  	v5 =	vld.idx.msk [tilespmem:v9+s30+$0x0], $0xffff;
	_ =	sdelay $0x7  }
0x2f6: {  	v7 =	vld.idx.msk [tilespmem:v5+s8+$0x0], $0xffff  }
0x2f7: {  	v6 =	vld [tilespmem:$0xFFD0];
	_ =	sdelay $0x2  }
0x2f8: {  	v8 =	vld [tilespmem:$0xF7E0]  }
0x2f9: {  	v5 =	vshll.u32 v5, $0xA;
	v10 =	vsub.s32 v9, v7  }
0x2fa: {  	v7 =	vsub.s32 v6, v7;
	v9 =	vshll.u32 v9, $0xA;
	v6 =	vand.u32 $0x7F, v6  }
0x2fb: {  	vm0 =	vlt.s32 v10, $0x1C;
	v10 =	vmul.u32 $0x1C, v10;
	v9 =	vand.u32 $0x7FC00, v9  }
0x2fc: {  	vm1 =	vlt.u32 v7, $0x1C;
	v5 =	vadd.s32 v5, v7;
	v6 =	vor.u32 v9, v6  }
0x2fd: {  	vm0 =	vmand vm0, vm1;
	v5 =	vadd.s32 v10, v5;
	v6 =	vadd.s32 $0x310, v6  }
0x2fe: {  	v5 =	vsel vm0, v5, v6  }
0x2ff: {  	[tilespmem:$0x107D0] =	vst v5  }
0x300: {  	v5 =	vld.idx.msk [tilespmem:v8+s30+$0x0], $0xffff;
	_ =	sdelay $0x7  }
0x301: {  	v7 =	vld.idx.msk [tilespmem:v5+s8+$0x0], $0xffff  }
0x302: {  	v6 =	vld [tilespmem:$0xFFE0];
	_ =	sdelay $0x2  }
0x303: {  	v9 =	vld [tilespmem:$0xF7F0]  }
0x304: {  	v5 =	vshll.u32 v5, $0xA;
	v10 =	vsub.s32 v8, v7  }
0x305: {  	v7 =	vsub.s32 v6, v7;
	v8 =	vshll.u32 v8, $0xA;
	v6 =	vand.u32 $0x7F, v6  }
0x306: {  	vm0 =	vlt.s32 v10, $0x1C;
	v10 =	vmul.u32 $0x1C, v10;
	v8 =	vand.u32 $0x7FC00, v8  }
0x307: {  	vm1 =	vlt.u32 v7, $0x1C;
	v5 =	vadd.s32 v5, v7;
	v6 =	vor.u32 v8, v6  }
0x308: {  	vm0 =	vmand vm0, vm1;
	v5 =	vadd.s32 v10, v5;
	v6 =	vadd.s32 $0x310, v6  }
0x309: {  	v5 =	vsel vm0, v5, v6  }
0x30a: {  	[tilespmem:$0x107E0] =	vst v5  }
0x30b: {  	v5 =	vld.idx.msk [tilespmem:v9+s30+$0x0], $0xffff;
	_ =	sdelay $0x7  }
0x30c: {  	v7 =	vld.idx.msk [tilespmem:v5+s8+$0x0], $0xffff  }
0x30d: {  	v6 =	vld [tilespmem:$0xFFF0];
	_ =	sdelay $0x3  }
0x30e: {  	v5 =	vshll.u32 v5, $0xA;
	v8 =	vsub.s32 v9, v7  }
0x30f: {  	v7 =	vsub.s32 v6, v7;
	v9 =	vshll.u32 v9, $0xA;
	v6 =	vand.u32 $0x7F, v6  }
0x310: {  	vm0 =	vlt.s32 v8, $0x1C;
	v8 =	vmul.u32 $0x1C, v8;
	v9 =	vand.u32 $0x7FC00, v9  }
0x311: {  	vm1 =	vlt.u32 v7, $0x1C;
	v5 =	vadd.s32 v5, v7;
	v6 =	vor.u32 v9, v6  }
0x312: {  	vm0 =	vmand vm0, vm1;
	v5 =	vadd.s32 v8, v5;
	v6 =	vadd.s32 $0x310, v6  }
0x313: {  	v5 =	vsel vm0, v5, v6  }
0x314: {  	s25 =	simm.s32 $0x10780;
	[tilespmem:$0x107F0] =	vst v5  }
0x315: {  	[spmem:s3] =	stream.indirect.scatter.add.f32 [tilespmem:s9], [sflag:$0x5], $0x1, s25, s1, $0xb8;
	[tilespmem:$0x1AD80] =	vst v63  }
0x316: {  	v5 =	vld [tilespmem:$0xF800];
	_ =	sdelay $0x7  }
0x317: {  	v6 =	vld.idx.msk [tilespmem:v5+s30+$0x0], $0xffff;
	_ =	sdelay $0x7  }
0x318: {  	v8 =	vld.idx.msk [tilespmem:v6+s8+$0x0], $0xffff  }
0x319: {  	v7 =	vld [tilespmem:$0x10000];
	_ =	sdelay $0x2  }
0x31a: {  	v9 =	vld [tilespmem:$0xF810]  }
0x31b: {  	v6 =	vshll.u32 v6, $0xA;
	v10 =	vsub.s32 v5, v8  }
0x31c: {  	v8 =	vsub.s32 v7, v8;
	v5 =	vshll.u32 v5, $0xA;
	v7 =	vand.u32 $0x7F, v7  }
0x31d: {  	vm0 =	vlt.s32 v10, $0x1C;
	v10 =	vmul.u32 $0x1C, v10;
	v5 =	vand.u32 $0x7FC00, v5  }
0x31e: {  	vm1 =	vlt.u32 v8, $0x1C;
	v6 =	vadd.s32 v6, v8;
	v5 =	vor.u32 v5, v7  }
0x31f: {  	vm0 =	vmand vm0, vm1;
	v6 =	vadd.s32 v10, v6;
	v5 =	vadd.s32 $0x310, v5  }
0x320: {  	v5 =	vsel vm0, v6, v5  }
0x321: {  	[tilespmem:$0x10800] =	vst v5  }
0x322: {  	v5 =	vld.idx.msk [tilespmem:v9+s30+$0x0], $0xffff;
	_ =	sdelay $0x7  }
0x323: {  	v7 =	vld.idx.msk [tilespmem:v5+s8+$0x0], $0xffff  }
0x324: {  	v6 =	vld [tilespmem:$0x10010];
	_ =	sdelay $0x2  }
0x325: {  	v8 =	vld [tilespmem:$0xF820]  }
0x326: {  	v5 =	vshll.u32 v5, $0xA;
	v10 =	vsub.s32 v9, v7  }
0x327: {  	v7 =	vsub.s32 v6, v7;
	v9 =	vshll.u32 v9, $0xA;
	v6 =	vand.u32 $0x7F, v6  }
0x328: {  	vm0 =	vlt.s32 v10, $0x1C;
	v10 =	vmul.u32 $0x1C, v10;
	v9 =	vand.u32 $0x7FC00, v9  }
0x329: {  	vm1 =	vlt.u32 v7, $0x1C;
	v5 =	vadd.s32 v5, v7;
	v6 =	vor.u32 v9, v6  }
0x32a: {  	vm0 =	vmand vm0, vm1;
	v5 =	vadd.s32 v10, v5;
	v6 =	vadd.s32 $0x310, v6  }
0x32b: {  	v5 =	vsel vm0, v5, v6  }
0x32c: {  	[tilespmem:$0x10810] =	vst v5  }
0x32d: {  	v5 =	vld.idx.msk [tilespmem:v8+s30+$0x0], $0xffff;
	_ =	sdelay $0x7  }
0x32e: {  	v7 =	vld.idx.msk [tilespmem:v5+s8+$0x0], $0xffff  }
0x32f: {  	v6 =	vld [tilespmem:$0x10020];
	_ =	sdelay $0x2  }
0x330: {  	v9 =	vld [tilespmem:$0xF830]  }
0x331: {  	v5 =	vshll.u32 v5, $0xA;
	v10 =	vsub.s32 v8, v7  }
0x332: {  	v7 =	vsub.s32 v6, v7;
	v8 =	vshll.u32 v8, $0xA;
	v6 =	vand.u32 $0x7F, v6  }
0x333: {  	vm0 =	vlt.s32 v10, $0x1C;
	v10 =	vmul.u32 $0x1C, v10;
	v8 =	vand.u32 $0x7FC00, v8  }
0x334: {  	vm1 =	vlt.u32 v7, $0x1C;
	v5 =	vadd.s32 v5, v7;
	v6 =	vor.u32 v8, v6  }
0x335: {  	vm0 =	vmand vm0, vm1;
	v5 =	vadd.s32 v10, v5;
	v6 =	vadd.s32 $0x310, v6  }
0x336: {  	v5 =	vsel vm0, v5, v6  }
0x337: {  	[tilespmem:$0x10820] =	vst v5  }
0x338: {  	v5 =	vld.idx.msk [tilespmem:v9+s30+$0x0], $0xffff;
	_ =	sdelay $0x7  }
0x339: {  	v7 =	vld.idx.msk [tilespmem:v5+s8+$0x0], $0xffff  }
0x33a: {  	v6 =	vld [tilespmem:$0x10030];
	_ =	sdelay $0x2  }
0x33b: {  	v8 =	vld [tilespmem:$0xF840]  }
0x33c: {  	v5 =	vshll.u32 v5, $0xA;
	v10 =	vsub.s32 v9, v7  }
0x33d: {  	v7 =	vsub.s32 v6, v7;
	v9 =	vshll.u32 v9, $0xA;
	v6 =	vand.u32 $0x7F, v6  }
0x33e: {  	vm0 =	vlt.s32 v10, $0x1C;
	v10 =	vmul.u32 $0x1C, v10;
	v9 =	vand.u32 $0x7FC00, v9  }
0x33f: {  	vm1 =	vlt.u32 v7, $0x1C;
	v5 =	vadd.s32 v5, v7;
	v6 =	vor.u32 v9, v6  }
0x340: {  	vm0 =	vmand vm0, vm1;
	v5 =	vadd.s32 v10, v5;
	v6 =	vadd.s32 $0x310, v6  }
0x341: {  	v5 =	vsel vm0, v5, v6  }
0x342: {  	[tilespmem:$0x10830] =	vst v5  }
0x343: {  	v5 =	vld.idx.msk [tilespmem:v8+s30+$0x0], $0xffff;
	_ =	sdelay $0x7  }
0x344: {  	v7 =	vld.idx.msk [tilespmem:v5+s8+$0x0], $0xffff  }
0x345: {  	v6 =	vld [tilespmem:$0x10040];
	_ =	sdelay $0x2  }
0x346: {  	v9 =	vld [tilespmem:$0xF850]  }
0x347: {  	v5 =	vshll.u32 v5, $0xA;
	v10 =	vsub.s32 v8, v7  }
0x348: {  	v7 =	vsub.s32 v6, v7;
	v8 =	vshll.u32 v8, $0xA;
	v6 =	vand.u32 $0x7F, v6  }
0x349: {  	vm0 =	vlt.s32 v10, $0x1C;
	v10 =	vmul.u32 $0x1C, v10;
	v8 =	vand.u32 $0x7FC00, v8  }
0x34a: {  	vm1 =	vlt.u32 v7, $0x1C;
	v5 =	vadd.s32 v5, v7;
	v6 =	vor.u32 v8, v6  }
0x34b: {  	vm0 =	vmand vm0, vm1;
	v5 =	vadd.s32 v10, v5;
	v6 =	vadd.s32 $0x310, v6  }
0x34c: {  	v5 =	vsel vm0, v5, v6  }
0x34d: {  	[tilespmem:$0x10840] =	vst v5  }
0x34e: {  	v5 =	vld.idx.msk [tilespmem:v9+s30+$0x0], $0xffff;
	_ =	sdelay $0x7  }
0x34f: {  	v7 =	vld.idx.msk [tilespmem:v5+s8+$0x0], $0xffff  }
0x350: {  	v6 =	vld [tilespmem:$0x10050];
	_ =	sdelay $0x2  }
0x351: {  	v8 =	vld [tilespmem:$0xF860]  }
0x352: {  	v5 =	vshll.u32 v5, $0xA;
	v10 =	vsub.s32 v9, v7  }
0x353: {  	v7 =	vsub.s32 v6, v7;
	v9 =	vshll.u32 v9, $0xA;
	v6 =	vand.u32 $0x7F, v6  }
0x354: {  	vm0 =	vlt.s32 v10, $0x1C;
	v10 =	vmul.u32 $0x1C, v10;
	v9 =	vand.u32 $0x7FC00, v9  }
0x355: {  	vm1 =	vlt.u32 v7, $0x1C;
	v5 =	vadd.s32 v5, v7;
	v6 =	vor.u32 v9, v6  }
0x356: {  	vm0 =	vmand vm0, vm1;
	v5 =	vadd.s32 v10, v5;
	v6 =	vadd.s32 $0x310, v6  }
0x357: {  	v5 =	vsel vm0, v5, v6  }
0x358: {  	[tilespmem:$0x10850] =	vst v5  }
0x359: {  	v5 =	vld.idx.msk [tilespmem:v8+s30+$0x0], $0xffff;
	_ =	sdelay $0x7  }
0x35a: {  	v7 =	vld.idx.msk [tilespmem:v5+s8+$0x0], $0xffff  }
0x35b: {  	v6 =	vld [tilespmem:$0x10060];
	_ =	sdelay $0x2  }
0x35c: {  	v9 =	vld [tilespmem:$0xF870]  }
0x35d: {  	v5 =	vshll.u32 v5, $0xA;
	v10 =	vsub.s32 v8, v7  }
0x35e: {  	v7 =	vsub.s32 v6, v7;
	v8 =	vshll.u32 v8, $0xA;
	v6 =	vand.u32 $0x7F, v6  }
0x35f: {  	vm0 =	vlt.s32 v10, $0x1C;
	v10 =	vmul.u32 $0x1C, v10;
	v8 =	vand.u32 $0x7FC00, v8  }
0x360: {  	vm1 =	vlt.u32 v7, $0x1C;
	v5 =	vadd.s32 v5, v7;
	v6 =	vor.u32 v8, v6  }
0x361: {  	vm0 =	vmand vm0, vm1;
	v5 =	vadd.s32 v10, v5;
	v6 =	vadd.s32 $0x310, v6  }
0x362: {  	v5 =	vsel vm0, v5, v6  }
0x363: {  	[tilespmem:$0x10860] =	vst v5  }
0x364: {  	v5 =	vld.idx.msk [tilespmem:v9+s30+$0x0], $0xffff;
	_ =	sdelay $0x7  }
0x365: {  	v7 =	vld.idx.msk [tilespmem:v5+s8+$0x0], $0xffff  }
0x366: {  	v6 =	vld [tilespmem:$0x10070];
	_ =	sdelay $0x3  }
0x367: {  	v5 =	vshll.u32 v5, $0xA;
	v8 =	vsub.s32 v9, v7  }
0x368: {  	v7 =	vsub.s32 v6, v7;
	v9 =	vshll.u32 v9, $0xA;
	v6 =	vand.u32 $0x7F, v6  }
0x369: {  	vm0 =	vlt.s32 v8, $0x1C;
	v8 =	vmul.u32 $0x1C, v8;
	v9 =	vand.u32 $0x7FC00, v9  }
0x36a: {  	vm1 =	vlt.u32 v7, $0x1C;
	v5 =	vadd.s32 v5, v7;
	v6 =	vor.u32 v9, v6  }
0x36b: {  	vm0 =	vmand vm0, vm1;
	v5 =	vadd.s32 v8, v5;
	v6 =	vadd.s32 $0x310, v6  }
0x36c: {  	v5 =	vsel vm0, v5, v6  }
0x36d: {  	s12 =	simm.s32 $0x10800;
	[tilespmem:$0x10870] =	vst v5  }
0x36e: {  	[spmem:s3] =	stream.indirect.scatter.add.f32 [tilespmem:s9], [sflag:$0x5], $0x1, s12, s1, $0xb8;
	[tilespmem:$0x1AD80] =	vst v63  }
0x36f: {  	v5 =	vld [tilespmem:$0xF880];
	_ =	sdelay $0x7  }
0x370: {  	v6 =	vld.idx.msk [tilespmem:v5+s30+$0x0], $0xffff;
	_ =	sdelay $0x7  }
0x371: {  	v8 =	vld.idx.msk [tilespmem:v6+s8+$0x0], $0xffff  }
0x372: {  	v7 =	vld [tilespmem:$0x10080];
	_ =	sdelay $0x2  }
0x373: {  	v9 =	vld [tilespmem:$0xF890]  }
0x374: {  	v6 =	vshll.u32 v6, $0xA;
	v10 =	vsub.s32 v5, v8  }
0x375: {  	v8 =	vsub.s32 v7, v8;
	v5 =	vshll.u32 v5, $0xA;
	v7 =	vand.u32 $0x7F, v7  }
0x376: {  	vm0 =	vlt.s32 v10, $0x1C;
	v10 =	vmul.u32 $0x1C, v10;
	v5 =	vand.u32 $0x7FC00, v5  }
0x377: {  	vm1 =	vlt.u32 v8, $0x1C;
	v6 =	vadd.s32 v6, v8;
	v5 =	vor.u32 v5, v7  }
0x378: {  	vm0 =	vmand vm0, vm1;
	v6 =	vadd.s32 v10, v6;
	v5 =	vadd.s32 $0x310, v5  }
0x379: {  	v5 =	vsel vm0, v6, v5  }
0x37a: {  	[tilespmem:$0x10880] =	vst v5  }
0x37b: {  	v5 =	vld.idx.msk [tilespmem:v9+s30+$0x0], $0xffff;
	_ =	sdelay $0x7  }
0x37c: {  	v7 =	vld.idx.msk [tilespmem:v5+s8+$0x0], $0xffff  }
0x37d: {  	v6 =	vld [tilespmem:$0x10090];
	_ =	sdelay $0x2  }
0x37e: {  	v8 =	vld [tilespmem:$0xF8A0]  }
0x37f: {  	v5 =	vshll.u32 v5, $0xA;
	v10 =	vsub.s32 v9, v7  }
0x380: {  	v7 =	vsub.s32 v6, v7;
	v9 =	vshll.u32 v9, $0xA;
	v6 =	vand.u32 $0x7F, v6  }
0x381: {  	vm0 =	vlt.s32 v10, $0x1C;
	v10 =	vmul.u32 $0x1C, v10;
	v9 =	vand.u32 $0x7FC00, v9  }
0x382: {  	vm1 =	vlt.u32 v7, $0x1C;
	v5 =	vadd.s32 v5, v7;
	v6 =	vor.u32 v9, v6  }
0x383: {  	vm0 =	vmand vm0, vm1;
	v5 =	vadd.s32 v10, v5;
	v6 =	vadd.s32 $0x310, v6  }
0x384: {  	v5 =	vsel vm0, v5, v6  }
0x385: {  	[tilespmem:$0x10890] =	vst v5  }
0x386: {  	v5 =	vld.idx.msk [tilespmem:v8+s30+$0x0], $0xffff;
	_ =	sdelay $0x7  }
0x387: {  	v7 =	vld.idx.msk [tilespmem:v5+s8+$0x0], $0xffff  }
0x388: {  	v6 =	vld [tilespmem:$0x100A0];
	_ =	sdelay $0x2  }
0x389: {  	v9 =	vld [tilespmem:$0xF8B0]  }
0x38a: {  	v5 =	vshll.u32 v5, $0xA;
	v10 =	vsub.s32 v8, v7  }
0x38b: {  	v7 =	vsub.s32 v6, v7;
	v8 =	vshll.u32 v8, $0xA;
	v6 =	vand.u32 $0x7F, v6  }
0x38c: {  	vm0 =	vlt.s32 v10, $0x1C;
	v10 =	vmul.u32 $0x1C, v10;
	v8 =	vand.u32 $0x7FC00, v8  }
0x38d: {  	vm1 =	vlt.u32 v7, $0x1C;
	v5 =	vadd.s32 v5, v7;
	v6 =	vor.u32 v8, v6  }
0x38e: {  	vm0 =	vmand vm0, vm1;
	v5 =	vadd.s32 v10, v5;
	v6 =	vadd.s32 $0x310, v6  }
0x38f: {  	v5 =	vsel vm0, v5, v6  }
0x390: {  	[tilespmem:$0x108A0] =	vst v5  }
0x391: {  	v5 =	vld.idx.msk [tilespmem:v9+s30+$0x0], $0xffff;
	_ =	sdelay $0x7  }
0x392: {  	v7 =	vld.idx.msk [tilespmem:v5+s8+$0x0], $0xffff  }
0x393: {  	v6 =	vld [tilespmem:$0x100B0];
	_ =	sdelay $0x2  }
0x394: {  	v8 =	vld [tilespmem:$0xF8C0]  }
0x395: {  	v5 =	vshll.u32 v5, $0xA;
	v10 =	vsub.s32 v9, v7  }
0x396: {  	v7 =	vsub.s32 v6, v7;
	v9 =	vshll.u32 v9, $0xA;
	v6 =	vand.u32 $0x7F, v6  }
0x397: {  	vm0 =	vlt.s32 v10, $0x1C;
	v10 =	vmul.u32 $0x1C, v10;
	v9 =	vand.u32 $0x7FC00, v9  }
0x398: {  	vm1 =	vlt.u32 v7, $0x1C;
	v5 =	vadd.s32 v5, v7;
	v6 =	vor.u32 v9, v6  }
0x399: {  	vm0 =	vmand vm0, vm1;
	v5 =	vadd.s32 v10, v5;
	v6 =	vadd.s32 $0x310, v6  }
0x39a: {  	v5 =	vsel vm0, v5, v6  }
0x39b: {  	[tilespmem:$0x108B0] =	vst v5  }
0x39c: {  	v5 =	vld.idx.msk [tilespmem:v8+s30+$0x0], $0xffff;
	_ =	sdelay $0x7  }
0x39d: {  	v7 =	vld.idx.msk [tilespmem:v5+s8+$0x0], $0xffff  }
0x39e: {  	v6 =	vld [tilespmem:$0x100C0];
	_ =	sdelay $0x2  }
0x39f: {  	v9 =	vld [tilespmem:$0xF8D0]  }
0x3a0: {  	v5 =	vshll.u32 v5, $0xA;
	v10 =	vsub.s32 v8, v7  }
0x3a1: {  	v7 =	vsub.s32 v6, v7;
	v8 =	vshll.u32 v8, $0xA;
	v6 =	vand.u32 $0x7F, v6  }
0x3a2: {  	vm0 =	vlt.s32 v10, $0x1C;
	v10 =	vmul.u32 $0x1C, v10;
	v8 =	vand.u32 $0x7FC00, v8  }
0x3a3: {  	vm1 =	vlt.u32 v7, $0x1C;
	v5 =	vadd.s32 v5, v7;
	v6 =	vor.u32 v8, v6  }
0x3a4: {  	vm0 =	vmand vm0, vm1;
	v5 =	vadd.s32 v10, v5;
	v6 =	vadd.s32 $0x310, v6  }
0x3a5: {  	v5 =	vsel vm0, v5, v6  }
0x3a6: {  	[tilespmem:$0x108C0] =	vst v5  }
0x3a7: {  	v5 =	vld.idx.msk [tilespmem:v9+s30+$0x0], $0xffff;
	_ =	sdelay $0x7  }
0x3a8: {  	v7 =	vld.idx.msk [tilespmem:v5+s8+$0x0], $0xffff  }
0x3a9: {  	v6 =	vld [tilespmem:$0x100D0];
	_ =	sdelay $0x2  }
0x3aa: {  	v8 =	vld [tilespmem:$0xF8E0]  }
0x3ab: {  	v5 =	vshll.u32 v5, $0xA;
	v10 =	vsub.s32 v9, v7  }
0x3ac: {  	v7 =	vsub.s32 v6, v7;
	v9 =	vshll.u32 v9, $0xA;
	v6 =	vand.u32 $0x7F, v6  }
0x3ad: {  	vm0 =	vlt.s32 v10, $0x1C;
	v10 =	vmul.u32 $0x1C, v10;
	v9 =	vand.u32 $0x7FC00, v9  }
0x3ae: {  	vm1 =	vlt.u32 v7, $0x1C;
	v5 =	vadd.s32 v5, v7;
	v6 =	vor.u32 v9, v6  }
0x3af: {  	vm0 =	vmand vm0, vm1;
	v5 =	vadd.s32 v10, v5;
	v6 =	vadd.s32 $0x310, v6  }
0x3b0: {  	v5 =	vsel vm0, v5, v6  }
0x3b1: {  	[tilespmem:$0x108D0] =	vst v5  }
0x3b2: {  	v5 =	vld.idx.msk [tilespmem:v8+s30+$0x0], $0xffff;
	_ =	sdelay $0x7  }
0x3b3: {  	v7 =	vld.idx.msk [tilespmem:v5+s8+$0x0], $0xffff  }
0x3b4: {  	v6 =	vld [tilespmem:$0x100E0];
	_ =	sdelay $0x2  }
0x3b5: {  	v9 =	vld [tilespmem:$0xF8F0]  }
0x3b6: {  	v5 =	vshll.u32 v5, $0xA;
	v10 =	vsub.s32 v8, v7  }
0x3b7: {  	v7 =	vsub.s32 v6, v7;
	v8 =	vshll.u32 v8, $0xA;
	v6 =	vand.u32 $0x7F, v6  }
0x3b8: {  	vm0 =	vlt.s32 v10, $0x1C;
	v10 =	vmul.u32 $0x1C, v10;
	v8 =	vand.u32 $0x7FC00, v8  }
0x3b9: {  	vm1 =	vlt.u32 v7, $0x1C;
	v5 =	vadd.s32 v5, v7;
	v6 =	vor.u32 v8, v6  }
0x3ba: {  	vm0 =	vmand vm0, vm1;
	v5 =	vadd.s32 v10, v5;
	v6 =	vadd.s32 $0x310, v6  }
0x3bb: {  	v5 =	vsel vm0, v5, v6  }
0x3bc: {  	[tilespmem:$0x108E0] =	vst v5  }
0x3bd: {  	v5 =	vld.idx.msk [tilespmem:v9+s30+$0x0], $0xffff;
	_ =	sdelay $0x7  }
0x3be: {  	v7 =	vld.idx.msk [tilespmem:v5+s8+$0x0], $0xffff  }
0x3bf: {  	v6 =	vld [tilespmem:$0x100F0];
	_ =	sdelay $0x3  }
0x3c0: {  	v5 =	vshll.u32 v5, $0xA;
	v8 =	vsub.s32 v9, v7  }
0x3c1: {  	v7 =	vsub.s32 v6, v7;
	v9 =	vshll.u32 v9, $0xA;
	v6 =	vand.u32 $0x7F, v6  }
0x3c2: {  	vm0 =	vlt.s32 v8, $0x1C;
	v8 =	vmul.u32 $0x1C, v8;
	v9 =	vand.u32 $0x7FC00, v9  }
0x3c3: {  	vm1 =	vlt.u32 v7, $0x1C;
	v5 =	vadd.s32 v5, v7;
	v6 =	vor.u32 v9, v6  }
0x3c4: {  	vm0 =	vmand vm0, vm1;
	v5 =	vadd.s32 v8, v5;
	v6 =	vadd.s32 $0x310, v6  }
0x3c5: {  	v5 =	vsel vm0, v5, v6  }
0x3c6: {  	s13 =	simm.s32 $0x10880;
	[tilespmem:$0x108F0] =	vst v5  }
0x3c7: {  	[spmem:s3] =	stream.indirect.scatter.add.f32 [tilespmem:s9], [sflag:$0x5], $0x1, s13, s1, $0xb8;
	[tilespmem:$0x1AD80] =	vst v63  }
0x3c8: {  	v5 =	vld [tilespmem:$0xF900];
	_ =	sdelay $0x7  }
0x3c9: {  	v6 =	vld.idx.msk [tilespmem:v5+s30+$0x0], $0xffff;
	_ =	sdelay $0x7  }
0x3ca: {  	v8 =	vld.idx.msk [tilespmem:v6+s8+$0x0], $0xffff  }
0x3cb: {  	v7 =	vld [tilespmem:$0x10100];
	_ =	sdelay $0x2  }
0x3cc: {  	v9 =	vld [tilespmem:$0xF910]  }
0x3cd: {  	v6 =	vshll.u32 v6, $0xA;
	v10 =	vsub.s32 v5, v8  }
0x3ce: {  	v8 =	vsub.s32 v7, v8;
	v5 =	vshll.u32 v5, $0xA;
	v7 =	vand.u32 $0x7F, v7  }
0x3cf: {  	vm0 =	vlt.s32 v10, $0x1C;
	v10 =	vmul.u32 $0x1C, v10;
	v5 =	vand.u32 $0x7FC00, v5  }
0x3d0: {  	vm1 =	vlt.u32 v8, $0x1C;
	v6 =	vadd.s32 v6, v8;
	v5 =	vor.u32 v5, v7  }
0x3d1: {  	vm0 =	vmand vm0, vm1;
	v6 =	vadd.s32 v10, v6;
	v5 =	vadd.s32 $0x310, v5  }
0x3d2: {  	v5 =	vsel vm0, v6, v5  }
0x3d3: {  	[tilespmem:$0x10900] =	vst v5  }
0x3d4: {  	v5 =	vld.idx.msk [tilespmem:v9+s30+$0x0], $0xffff;
	_ =	sdelay $0x7  }
0x3d5: {  	v7 =	vld.idx.msk [tilespmem:v5+s8+$0x0], $0xffff  }
0x3d6: {  	v6 =	vld [tilespmem:$0x10110];
	_ =	sdelay $0x2  }
0x3d7: {  	v8 =	vld [tilespmem:$0xF920]  }
0x3d8: {  	v5 =	vshll.u32 v5, $0xA;
	v10 =	vsub.s32 v9, v7  }
0x3d9: {  	v7 =	vsub.s32 v6, v7;
	v9 =	vshll.u32 v9, $0xA;
	v6 =	vand.u32 $0x7F, v6  }
0x3da: {  	vm0 =	vlt.s32 v10, $0x1C;
	v10 =	vmul.u32 $0x1C, v10;
	v9 =	vand.u32 $0x7FC00, v9  }
0x3db: {  	vm1 =	vlt.u32 v7, $0x1C;
	v5 =	vadd.s32 v5, v7;
	v6 =	vor.u32 v9, v6  }
0x3dc: {  	vm0 =	vmand vm0, vm1;
	v5 =	vadd.s32 v10, v5;
	v6 =	vadd.s32 $0x310, v6  }
0x3dd: {  	v5 =	vsel vm0, v5, v6  }
0x3de: {  	[tilespmem:$0x10910] =	vst v5  }
0x3df: {  	v5 =	vld.idx.msk [tilespmem:v8+s30+$0x0], $0xffff;
	_ =	sdelay $0x7  }
0x3e0: {  	v7 =	vld.idx.msk [tilespmem:v5+s8+$0x0], $0xffff  }
0x3e1: {  	v6 =	vld [tilespmem:$0x10120];
	_ =	sdelay $0x2  }
0x3e2: {  	v9 =	vld [tilespmem:$0xF930]  }
0x3e3: {  	v5 =	vshll.u32 v5, $0xA;
	v10 =	vsub.s32 v8, v7  }
0x3e4: {  	v7 =	vsub.s32 v6, v7;
	v8 =	vshll.u32 v8, $0xA;
	v6 =	vand.u32 $0x7F, v6  }
0x3e5: {  	vm0 =	vlt.s32 v10, $0x1C;
	v10 =	vmul.u32 $0x1C, v10;
	v8 =	vand.u32 $0x7FC00, v8  }
0x3e6: {  	vm1 =	vlt.u32 v7, $0x1C;
	v5 =	vadd.s32 v5, v7;
	v6 =	vor.u32 v8, v6  }
0x3e7: {  	vm0 =	vmand vm0, vm1;
	v5 =	vadd.s32 v10, v5;
	v6 =	vadd.s32 $0x310, v6  }
0x3e8: {  	v5 =	vsel vm0, v5, v6  }
0x3e9: {  	[tilespmem:$0x10920] =	vst v5  }
0x3ea: {  	v5 =	vld.idx.msk [tilespmem:v9+s30+$0x0], $0xffff;
	_ =	sdelay $0x7  }
0x3eb: {  	v7 =	vld.idx.msk [tilespmem:v5+s8+$0x0], $0xffff  }
0x3ec: {  	v6 =	vld [tilespmem:$0x10130];
	_ =	sdelay $0x2  }
0x3ed: {  	v8 =	vld [tilespmem:$0xF940]  }
0x3ee: {  	v5 =	vshll.u32 v5, $0xA;
	v10 =	vsub.s32 v9, v7  }
0x3ef: {  	v7 =	vsub.s32 v6, v7;
	v9 =	vshll.u32 v9, $0xA;
	v6 =	vand.u32 $0x7F, v6  }
0x3f0: {  	vm0 =	vlt.s32 v10, $0x1C;
	v10 =	vmul.u32 $0x1C, v10;
	v9 =	vand.u32 $0x7FC00, v9  }
0x3f1: {  	vm1 =	vlt.u32 v7, $0x1C;
	v5 =	vadd.s32 v5, v7;
	v6 =	vor.u32 v9, v6  }
0x3f2: {  	vm0 =	vmand vm0, vm1;
	v5 =	vadd.s32 v10, v5;
	v6 =	vadd.s32 $0x310, v6  }
0x3f3: {  	v5 =	vsel vm0, v5, v6  }
0x3f4: {  	[tilespmem:$0x10930] =	vst v5  }
0x3f5: {  	v5 =	vld.idx.msk [tilespmem:v8+s30+$0x0], $0xffff;
	_ =	sdelay $0x7  }
0x3f6: {  	v7 =	vld.idx.msk [tilespmem:v5+s8+$0x0], $0xffff  }
0x3f7: {  	v6 =	vld [tilespmem:$0x10140];
	_ =	sdelay $0x2  }
0x3f8: {  	v9 =	vld [tilespmem:$0xF950]  }
0x3f9: {  	v5 =	vshll.u32 v5, $0xA;
	v10 =	vsub.s32 v8, v7  }
0x3fa: {  	v7 =	vsub.s32 v6, v7;
	v8 =	vshll.u32 v8, $0xA;
	v6 =	vand.u32 $0x7F, v6  }
0x3fb: {  	vm0 =	vlt.s32 v10, $0x1C;
	v10 =	vmul.u32 $0x1C, v10;
	v8 =	vand.u32 $0x7FC00, v8  }
0x3fc: {  	vm1 =	vlt.u32 v7, $0x1C;
	v5 =	vadd.s32 v5, v7;
	v6 =	vor.u32 v8, v6  }
0x3fd: {  	vm0 =	vmand vm0, vm1;
	v5 =	vadd.s32 v10, v5;
	v6 =	vadd.s32 $0x310, v6  }
0x3fe: {  	v5 =	vsel vm0, v5, v6  }
0x3ff: {  	[tilespmem:$0x10940] =	vst v5  }
0x400: {  	v5 =	vld.idx.msk [tilespmem:v9+s30+$0x0], $0xffff;
	_ =	sdelay $0x7  }
0x401: {  	v7 =	vld.idx.msk [tilespmem:v5+s8+$0x0], $0xffff  }
0x402: {  	v6 =	vld [tilespmem:$0x10150];
	_ =	sdelay $0x2  }
0x403: {  	v8 =	vld [tilespmem:$0xF960]  }
0x404: {  	v5 =	vshll.u32 v5, $0xA;
	v10 =	vsub.s32 v9, v7  }
0x405: {  	v7 =	vsub.s32 v6, v7;
	v9 =	vshll.u32 v9, $0xA;
	v6 =	vand.u32 $0x7F, v6  }
0x406: {  	vm0 =	vlt.s32 v10, $0x1C;
	v10 =	vmul.u32 $0x1C, v10;
	v9 =	vand.u32 $0x7FC00, v9  }
0x407: {  	vm1 =	vlt.u32 v7, $0x1C;
	v5 =	vadd.s32 v5, v7;
	v6 =	vor.u32 v9, v6  }
0x408: {  	vm0 =	vmand vm0, vm1;
	v5 =	vadd.s32 v10, v5;
	v6 =	vadd.s32 $0x310, v6  }
0x409: {  	v5 =	vsel vm0, v5, v6  }
0x40a: {  	[tilespmem:$0x10950] =	vst v5  }
0x40b: {  	v5 =	vld.idx.msk [tilespmem:v8+s30+$0x0], $0xffff;
	_ =	sdelay $0x7  }
0x40c: {  	v7 =	vld.idx.msk [tilespmem:v5+s8+$0x0], $0xffff  }
0x40d: {  	v6 =	vld [tilespmem:$0x10160];
	_ =	sdelay $0x2  }
0x40e: {  	v9 =	vld [tilespmem:$0xF970]  }
0x40f: {  	v5 =	vshll.u32 v5, $0xA;
	v10 =	vsub.s32 v8, v7  }
0x410: {  	v7 =	vsub.s32 v6, v7;
	v8 =	vshll.u32 v8, $0xA;
	v6 =	vand.u32 $0x7F, v6  }
0x411: {  	vm0 =	vlt.s32 v10, $0x1C;
	v10 =	vmul.u32 $0x1C, v10;
	v8 =	vand.u32 $0x7FC00, v8  }
0x412: {  	vm1 =	vlt.u32 v7, $0x1C;
	v5 =	vadd.s32 v5, v7;
	v6 =	vor.u32 v8, v6  }
0x413: {  	vm0 =	vmand vm0, vm1;
	v5 =	vadd.s32 v10, v5;
	v6 =	vadd.s32 $0x310, v6  }
0x414: {  	v5 =	vsel vm0, v5, v6  }
0x415: {  	[tilespmem:$0x10960] =	vst v5  }
0x416: {  	v5 =	vld.idx.msk [tilespmem:v9+s30+$0x0], $0xffff;
	_ =	sdelay $0x7  }
0x417: {  	v7 =	vld.idx.msk [tilespmem:v5+s8+$0x0], $0xffff  }
0x418: {  	v6 =	vld [tilespmem:$0x10170];
	_ =	sdelay $0x3  }
0x419: {  	v5 =	vshll.u32 v5, $0xA;
	v8 =	vsub.s32 v9, v7  }
0x41a: {  	v7 =	vsub.s32 v6, v7;
	v9 =	vshll.u32 v9, $0xA;
	v6 =	vand.u32 $0x7F, v6  }
0x41b: {  	vm0 =	vlt.s32 v8, $0x1C;
	v8 =	vmul.u32 $0x1C, v8;
	v9 =	vand.u32 $0x7FC00, v9  }
0x41c: {  	vm1 =	vlt.u32 v7, $0x1C;
	v5 =	vadd.s32 v5, v7;
	v6 =	vor.u32 v9, v6  }
0x41d: {  	vm0 =	vmand vm0, vm1;
	v5 =	vadd.s32 v8, v5;
	v6 =	vadd.s32 $0x310, v6  }
0x41e: {  	v5 =	vsel vm0, v5, v6  }
0x41f: {  	s16 =	simm.s32 $0x10900;
	[tilespmem:$0x10970] =	vst v5  }
0x420: {  	[spmem:s3] =	stream.indirect.scatter.add.f32 [tilespmem:s9], [sflag:$0x5], $0x1, s16, s1, $0xb8;
	[tilespmem:$0x1AD80] =	vst v63  }
0x421: {  	v5 =	vld [tilespmem:$0xF980];
	_ =	sdelay $0x7  }
0x422: {  	v6 =	vld.idx.msk [tilespmem:v5+s30+$0x0], $0xffff;
	_ =	sdelay $0x7  }
0x423: {  	v8 =	vld.idx.msk [tilespmem:v6+s8+$0x0], $0xffff  }
0x424: {  	v7 =	vld [tilespmem:$0x10180];
	_ =	sdelay $0x2  }
0x425: {  	v9 =	vld [tilespmem:$0xF990]  }
0x426: {  	v6 =	vshll.u32 v6, $0xA;
	v10 =	vsub.s32 v5, v8  }
0x427: {  	v8 =	vsub.s32 v7, v8;
	v5 =	vshll.u32 v5, $0xA;
	v7 =	vand.u32 $0x7F, v7  }
0x428: {  	vm0 =	vlt.s32 v10, $0x1C;
	v10 =	vmul.u32 $0x1C, v10;
	v5 =	vand.u32 $0x7FC00, v5  }
0x429: {  	vm1 =	vlt.u32 v8, $0x1C;
	v6 =	vadd.s32 v6, v8;
	v5 =	vor.u32 v5, v7  }
0x42a: {  	vm0 =	vmand vm0, vm1;
	v6 =	vadd.s32 v10, v6;
	v5 =	vadd.s32 $0x310, v5  }
0x42b: {  	v5 =	vsel vm0, v6, v5  }
0x42c: {  	[tilespmem:$0x10980] =	vst v5  }
0x42d: {  	v5 =	vld.idx.msk [tilespmem:v9+s30+$0x0], $0xffff;
	_ =	sdelay $0x7  }
0x42e: {  	v7 =	vld.idx.msk [tilespmem:v5+s8+$0x0], $0xffff  }
0x42f: {  	v6 =	vld [tilespmem:$0x10190];
	_ =	sdelay $0x2  }
0x430: {  	v8 =	vld [tilespmem:$0xF9A0]  }
0x431: {  	v5 =	vshll.u32 v5, $0xA;
	v10 =	vsub.s32 v9, v7  }
0x432: {  	v7 =	vsub.s32 v6, v7;
	v9 =	vshll.u32 v9, $0xA;
	v6 =	vand.u32 $0x7F, v6  }
0x433: {  	vm0 =	vlt.s32 v10, $0x1C;
	v10 =	vmul.u32 $0x1C, v10;
	v9 =	vand.u32 $0x7FC00, v9  }
0x434: {  	vm1 =	vlt.u32 v7, $0x1C;
	v5 =	vadd.s32 v5, v7;
	v6 =	vor.u32 v9, v6  }
0x435: {  	vm0 =	vmand vm0, vm1;
	v5 =	vadd.s32 v10, v5;
	v6 =	vadd.s32 $0x310, v6  }
0x436: {  	v5 =	vsel vm0, v5, v6  }
0x437: {  	[tilespmem:$0x10990] =	vst v5  }
0x438: {  	v5 =	vld.idx.msk [tilespmem:v8+s30+$0x0], $0xffff;
	_ =	sdelay $0x7  }
0x439: {  	v7 =	vld.idx.msk [tilespmem:v5+s8+$0x0], $0xffff  }
0x43a: {  	v6 =	vld [tilespmem:$0x101A0];
	_ =	sdelay $0x2  }
0x43b: {  	v9 =	vld [tilespmem:$0xF9B0]  }
0x43c: {  	v5 =	vshll.u32 v5, $0xA;
	v10 =	vsub.s32 v8, v7  }
0x43d: {  	v7 =	vsub.s32 v6, v7;
	v8 =	vshll.u32 v8, $0xA;
	v6 =	vand.u32 $0x7F, v6  }
0x43e: {  	vm0 =	vlt.s32 v10, $0x1C;
	v10 =	vmul.u32 $0x1C, v10;
	v8 =	vand.u32 $0x7FC00, v8  }
0x43f: {  	vm1 =	vlt.u32 v7, $0x1C;
	v5 =	vadd.s32 v5, v7;
	v6 =	vor.u32 v8, v6  }
0x440: {  	vm0 =	vmand vm0, vm1;
	v5 =	vadd.s32 v10, v5;
	v6 =	vadd.s32 $0x310, v6  }
0x441: {  	v5 =	vsel vm0, v5, v6  }
0x442: {  	[tilespmem:$0x109A0] =	vst v5  }
0x443: {  	v5 =	vld.idx.msk [tilespmem:v9+s30+$0x0], $0xffff;
	_ =	sdelay $0x7  }
0x444: {  	v7 =	vld.idx.msk [tilespmem:v5+s8+$0x0], $0xffff  }
0x445: {  	v6 =	vld [tilespmem:$0x101B0];
	_ =	sdelay $0x2  }
0x446: {  	v8 =	vld [tilespmem:$0xF9C0]  }
0x447: {  	v5 =	vshll.u32 v5, $0xA;
	v10 =	vsub.s32 v9, v7  }
0x448: {  	v7 =	vsub.s32 v6, v7;
	v9 =	vshll.u32 v9, $0xA;
	v6 =	vand.u32 $0x7F, v6  }
0x449: {  	vm0 =	vlt.s32 v10, $0x1C;
	v10 =	vmul.u32 $0x1C, v10;
	v9 =	vand.u32 $0x7FC00, v9  }
0x44a: {  	vm1 =	vlt.u32 v7, $0x1C;
	v5 =	vadd.s32 v5, v7;
	v6 =	vor.u32 v9, v6  }
0x44b: {  	vm0 =	vmand vm0, vm1;
	v5 =	vadd.s32 v10, v5;
	v6 =	vadd.s32 $0x310, v6  }
0x44c: {  	v5 =	vsel vm0, v5, v6  }
0x44d: {  	[tilespmem:$0x109B0] =	vst v5  }
0x44e: {  	v5 =	vld.idx.msk [tilespmem:v8+s30+$0x0], $0xffff;
	_ =	sdelay $0x7  }
0x44f: {  	v7 =	vld.idx.msk [tilespmem:v5+s8+$0x0], $0xffff  }
0x450: {  	v6 =	vld [tilespmem:$0x101C0];
	_ =	sdelay $0x2  }
0x451: {  	v9 =	vld [tilespmem:$0xF9D0]  }
0x452: {  	v5 =	vshll.u32 v5, $0xA;
	v10 =	vsub.s32 v8, v7  }
0x453: {  	v7 =	vsub.s32 v6, v7;
	v8 =	vshll.u32 v8, $0xA;
	v6 =	vand.u32 $0x7F, v6  }
0x454: {  	vm0 =	vlt.s32 v10, $0x1C;
	v10 =	vmul.u32 $0x1C, v10;
	v8 =	vand.u32 $0x7FC00, v8  }
0x455: {  	vm1 =	vlt.u32 v7, $0x1C;
	v5 =	vadd.s32 v5, v7;
	v6 =	vor.u32 v8, v6  }
0x456: {  	vm0 =	vmand vm0, vm1;
	v5 =	vadd.s32 v10, v5;
	v6 =	vadd.s32 $0x310, v6  }
0x457: {  	v5 =	vsel vm0, v5, v6  }
0x458: {  	[tilespmem:$0x109C0] =	vst v5  }
0x459: {  	v5 =	vld.idx.msk [tilespmem:v9+s30+$0x0], $0xffff;
	_ =	sdelay $0x7  }
0x45a: {  	v7 =	vld.idx.msk [tilespmem:v5+s8+$0x0], $0xffff  }
0x45b: {  	v6 =	vld [tilespmem:$0x101D0];
	_ =	sdelay $0x2  }
0x45c: {  	v8 =	vld [tilespmem:$0xF9E0]  }
0x45d: {  	v5 =	vshll.u32 v5, $0xA;
	v10 =	vsub.s32 v9, v7  }
0x45e: {  	v7 =	vsub.s32 v6, v7;
	v9 =	vshll.u32 v9, $0xA;
	v6 =	vand.u32 $0x7F, v6  }
0x45f: {  	vm0 =	vlt.s32 v10, $0x1C;
	v10 =	vmul.u32 $0x1C, v10;
	v9 =	vand.u32 $0x7FC00, v9  }
0x460: {  	vm1 =	vlt.u32 v7, $0x1C;
	v5 =	vadd.s32 v5, v7;
	v6 =	vor.u32 v9, v6  }
0x461: {  	vm0 =	vmand vm0, vm1;
	v5 =	vadd.s32 v10, v5;
	v6 =	vadd.s32 $0x310, v6  }
0x462: {  	v5 =	vsel vm0, v5, v6  }
0x463: {  	[tilespmem:$0x109D0] =	vst v5  }
0x464: {  	v5 =	vld.idx.msk [tilespmem:v8+s30+$0x0], $0xffff;
	_ =	sdelay $0x7  }
0x465: {  	v7 =	vld.idx.msk [tilespmem:v5+s8+$0x0], $0xffff  }
0x466: {  	v6 =	vld [tilespmem:$0x101E0];
	_ =	sdelay $0x2  }
0x467: {  	v9 =	vld [tilespmem:$0xF9F0]  }
0x468: {  	v5 =	vshll.u32 v5, $0xA;
	v10 =	vsub.s32 v8, v7  }
0x469: {  	v7 =	vsub.s32 v6, v7;
	v8 =	vshll.u32 v8, $0xA;
	v6 =	vand.u32 $0x7F, v6  }
0x46a: {  	vm0 =	vlt.s32 v10, $0x1C;
	v10 =	vmul.u32 $0x1C, v10;
	v8 =	vand.u32 $0x7FC00, v8  }
0x46b: {  	vm1 =	vlt.u32 v7, $0x1C;
	v5 =	vadd.s32 v5, v7;
	v6 =	vor.u32 v8, v6  }
0x46c: {  	vm0 =	vmand vm0, vm1;
	v5 =	vadd.s32 v10, v5;
	v6 =	vadd.s32 $0x310, v6  }
0x46d: {  	v5 =	vsel vm0, v5, v6  }
0x46e: {  	[tilespmem:$0x109E0] =	vst v5  }
0x46f: {  	v5 =	vld.idx.msk [tilespmem:v9+s30+$0x0], $0xffff;
	_ =	sdelay $0x7  }
0x470: {  	v7 =	vld.idx.msk [tilespmem:v5+s8+$0x0], $0xffff  }
0x471: {  	v6 =	vld [tilespmem:$0x101F0];
	_ =	sdelay $0x3  }
0x472: {  	v5 =	vshll.u32 v5, $0xA;
	v8 =	vsub.s32 v9, v7  }
0x473: {  	v7 =	vsub.s32 v6, v7;
	v9 =	vshll.u32 v9, $0xA;
	v6 =	vand.u32 $0x7F, v6  }
0x474: {  	vm0 =	vlt.s32 v8, $0x1C;
	v8 =	vmul.u32 $0x1C, v8;
	v9 =	vand.u32 $0x7FC00, v9  }
0x475: {  	vm1 =	vlt.u32 v7, $0x1C;
	v5 =	vadd.s32 v5, v7;
	v6 =	vor.u32 v9, v6  }
0x476: {  	vm0 =	vmand vm0, vm1;
	v5 =	vadd.s32 v8, v5;
	v6 =	vadd.s32 $0x310, v6  }
0x477: {  	v5 =	vsel vm0, v5, v6  }
0x478: {  	s19 =	simm.s32 $0x10980;
	[tilespmem:$0x109F0] =	vst v5  }
0x479: {  	[spmem:s3] =	stream.indirect.scatter.add.f32 [tilespmem:s9], [sflag:$0x5], $0x1, s19, s1, $0xb8;
	[tilespmem:$0x1AD80] =	vst v63  }
0x47a: {  	v5 =	vld [tilespmem:$0xFA00];
	_ =	sdelay $0x7  }
0x47b: {  	v6 =	vld.idx.msk [tilespmem:v5+s30+$0x0], $0xffff;
	_ =	sdelay $0x7  }
0x47c: {  	v8 =	vld.idx.msk [tilespmem:v6+s8+$0x0], $0xffff  }
0x47d: {  	v7 =	vld [tilespmem:$0x10200];
	_ =	sdelay $0x2  }
0x47e: {  	v9 =	vld [tilespmem:$0xFA10]  }
0x47f: {  	v6 =	vshll.u32 v6, $0xA;
	v10 =	vsub.s32 v5, v8  }
0x480: {  	v8 =	vsub.s32 v7, v8;
	v5 =	vshll.u32 v5, $0xA;
	v7 =	vand.u32 $0x7F, v7  }
0x481: {  	vm0 =	vlt.s32 v10, $0x1C;
	v10 =	vmul.u32 $0x1C, v10;
	v5 =	vand.u32 $0x7FC00, v5  }
0x482: {  	vm1 =	vlt.u32 v8, $0x1C;
	v6 =	vadd.s32 v6, v8;
	v5 =	vor.u32 v5, v7  }
0x483: {  	vm0 =	vmand vm0, vm1;
	v6 =	vadd.s32 v10, v6;
	v5 =	vadd.s32 $0x310, v5  }
0x484: {  	v5 =	vsel vm0, v6, v5  }
0x485: {  	[tilespmem:$0x10A00] =	vst v5  }
0x486: {  	v5 =	vld.idx.msk [tilespmem:v9+s30+$0x0], $0xffff;
	_ =	sdelay $0x7  }
0x487: {  	v7 =	vld.idx.msk [tilespmem:v5+s8+$0x0], $0xffff  }
0x488: {  	v6 =	vld [tilespmem:$0x10210];
	_ =	sdelay $0x2  }
0x489: {  	v8 =	vld [tilespmem:$0xFA20]  }
0x48a: {  	v5 =	vshll.u32 v5, $0xA;
	v10 =	vsub.s32 v9, v7  }
0x48b: {  	v7 =	vsub.s32 v6, v7;
	v9 =	vshll.u32 v9, $0xA;
	v6 =	vand.u32 $0x7F, v6  }
0x48c: {  	vm0 =	vlt.s32 v10, $0x1C;
	v10 =	vmul.u32 $0x1C, v10;
	v9 =	vand.u32 $0x7FC00, v9  }
0x48d: {  	vm1 =	vlt.u32 v7, $0x1C;
	v5 =	vadd.s32 v5, v7;
	v6 =	vor.u32 v9, v6  }
0x48e: {  	vm0 =	vmand vm0, vm1;
	v5 =	vadd.s32 v10, v5;
	v6 =	vadd.s32 $0x310, v6  }
0x48f: {  	v5 =	vsel vm0, v5, v6  }
0x490: {  	[tilespmem:$0x10A10] =	vst v5  }
0x491: {  	v5 =	vld.idx.msk [tilespmem:v8+s30+$0x0], $0xffff;
	_ =	sdelay $0x7  }
0x492: {  	v7 =	vld.idx.msk [tilespmem:v5+s8+$0x0], $0xffff  }
0x493: {  	v6 =	vld [tilespmem:$0x10220];
	_ =	sdelay $0x2  }
0x494: {  	v9 =	vld [tilespmem:$0xFA30]  }
0x495: {  	v5 =	vshll.u32 v5, $0xA;
	v10 =	vsub.s32 v8, v7  }
0x496: {  	v7 =	vsub.s32 v6, v7;
	v8 =	vshll.u32 v8, $0xA;
	v6 =	vand.u32 $0x7F, v6  }
0x497: {  	vm0 =	vlt.s32 v10, $0x1C;
	v10 =	vmul.u32 $0x1C, v10;
	v8 =	vand.u32 $0x7FC00, v8  }
0x498: {  	vm1 =	vlt.u32 v7, $0x1C;
	v5 =	vadd.s32 v5, v7;
	v6 =	vor.u32 v8, v6  }
0x499: {  	vm0 =	vmand vm0, vm1;
	v5 =	vadd.s32 v10, v5;
	v6 =	vadd.s32 $0x310, v6  }
0x49a: {  	v5 =	vsel vm0, v5, v6  }
0x49b: {  	[tilespmem:$0x10A20] =	vst v5  }
0x49c: {  	v5 =	vld.idx.msk [tilespmem:v9+s30+$0x0], $0xffff;
	_ =	sdelay $0x7  }
0x49d: {  	v7 =	vld.idx.msk [tilespmem:v5+s8+$0x0], $0xffff  }
0x49e: {  	v6 =	vld [tilespmem:$0x10230];
	_ =	sdelay $0x2  }
0x49f: {  	v8 =	vld [tilespmem:$0xFA40]  }
0x4a0: {  	v5 =	vshll.u32 v5, $0xA;
	v10 =	vsub.s32 v9, v7  }
0x4a1: {  	v7 =	vsub.s32 v6, v7;
	v9 =	vshll.u32 v9, $0xA;
	v6 =	vand.u32 $0x7F, v6  }
0x4a2: {  	vm0 =	vlt.s32 v10, $0x1C;
	v10 =	vmul.u32 $0x1C, v10;
	v9 =	vand.u32 $0x7FC00, v9  }
0x4a3: {  	vm1 =	vlt.u32 v7, $0x1C;
	v5 =	vadd.s32 v5, v7;
	v6 =	vor.u32 v9, v6  }
0x4a4: {  	vm0 =	vmand vm0, vm1;
	v5 =	vadd.s32 v10, v5;
	v6 =	vadd.s32 $0x310, v6  }
0x4a5: {  	v5 =	vsel vm0, v5, v6  }
0x4a6: {  	[tilespmem:$0x10A30] =	vst v5  }
0x4a7: {  	v5 =	vld.idx.msk [tilespmem:v8+s30+$0x0], $0xffff;
	_ =	sdelay $0x7  }
0x4a8: {  	v7 =	vld.idx.msk [tilespmem:v5+s8+$0x0], $0xffff  }
0x4a9: {  	v6 =	vld [tilespmem:$0x10240];
	_ =	sdelay $0x2  }
0x4aa: {  	v9 =	vld [tilespmem:$0xFA50]  }
0x4ab: {  	v5 =	vshll.u32 v5, $0xA;
	v10 =	vsub.s32 v8, v7  }
0x4ac: {  	v7 =	vsub.s32 v6, v7;
	v8 =	vshll.u32 v8, $0xA;
	v6 =	vand.u32 $0x7F, v6  }
0x4ad: {  	vm0 =	vlt.s32 v10, $0x1C;
	v10 =	vmul.u32 $0x1C, v10;
	v8 =	vand.u32 $0x7FC00, v8  }
0x4ae: {  	vm1 =	vlt.u32 v7, $0x1C;
	v5 =	vadd.s32 v5, v7;
	v6 =	vor.u32 v8, v6  }
0x4af: {  	vm0 =	vmand vm0, vm1;
	v5 =	vadd.s32 v10, v5;
	v6 =	vadd.s32 $0x310, v6  }
0x4b0: {  	v5 =	vsel vm0, v5, v6  }
0x4b1: {  	[tilespmem:$0x10A40] =	vst v5  }
0x4b2: {  	v5 =	vld.idx.msk [tilespmem:v9+s30+$0x0], $0xffff;
	_ =	sdelay $0x7  }
0x4b3: {  	v7 =	vld.idx.msk [tilespmem:v5+s8+$0x0], $0xffff  }
0x4b4: {  	v6 =	vld [tilespmem:$0x10250];
	_ =	sdelay $0x2  }
0x4b5: {  	v8 =	vld [tilespmem:$0xFA60]  }
0x4b6: {  	v5 =	vshll.u32 v5, $0xA;
	v10 =	vsub.s32 v9, v7  }
0x4b7: {  	v7 =	vsub.s32 v6, v7;
	v9 =	vshll.u32 v9, $0xA;
	v6 =	vand.u32 $0x7F, v6  }
0x4b8: {  	vm0 =	vlt.s32 v10, $0x1C;
	v10 =	vmul.u32 $0x1C, v10;
	v9 =	vand.u32 $0x7FC00, v9  }
0x4b9: {  	vm1 =	vlt.u32 v7, $0x1C;
	v5 =	vadd.s32 v5, v7;
	v6 =	vor.u32 v9, v6  }
0x4ba: {  	vm0 =	vmand vm0, vm1;
	v5 =	vadd.s32 v10, v5;
	v6 =	vadd.s32 $0x310, v6  }
0x4bb: {  	v5 =	vsel vm0, v5, v6  }
0x4bc: {  	[tilespmem:$0x10A50] =	vst v5  }
0x4bd: {  	v5 =	vld.idx.msk [tilespmem:v8+s30+$0x0], $0xffff;
	_ =	sdelay $0x7  }
0x4be: {  	v7 =	vld.idx.msk [tilespmem:v5+s8+$0x0], $0xffff  }
0x4bf: {  	v6 =	vld [tilespmem:$0x10260];
	_ =	sdelay $0x2  }
0x4c0: {  	v9 =	vld [tilespmem:$0xFA70]  }
0x4c1: {  	v5 =	vshll.u32 v5, $0xA;
	v10 =	vsub.s32 v8, v7  }
0x4c2: {  	v7 =	vsub.s32 v6, v7;
	v8 =	vshll.u32 v8, $0xA;
	v6 =	vand.u32 $0x7F, v6  }
0x4c3: {  	vm0 =	vlt.s32 v10, $0x1C;
	v10 =	vmul.u32 $0x1C, v10;
	v8 =	vand.u32 $0x7FC00, v8  }
0x4c4: {  	vm1 =	vlt.u32 v7, $0x1C;
	v5 =	vadd.s32 v5, v7;
	v6 =	vor.u32 v8, v6  }
0x4c5: {  	vm0 =	vmand vm0, vm1;
	v5 =	vadd.s32 v10, v5;
	v6 =	vadd.s32 $0x310, v6  }
0x4c6: {  	v5 =	vsel vm0, v5, v6  }
0x4c7: {  	[tilespmem:$0x10A60] =	vst v5  }
0x4c8: {  	v5 =	vld.idx.msk [tilespmem:v9+s30+$0x0], $0xffff;
	_ =	sdelay $0x7  }
0x4c9: {  	v7 =	vld.idx.msk [tilespmem:v5+s8+$0x0], $0xffff  }
0x4ca: {  	v6 =	vld [tilespmem:$0x10270];
	_ =	sdelay $0x3  }
0x4cb: {  	v5 =	vshll.u32 v5, $0xA;
	v8 =	vsub.s32 v9, v7  }
0x4cc: {  	v7 =	vsub.s32 v6, v7;
	v9 =	vshll.u32 v9, $0xA;
	v6 =	vand.u32 $0x7F, v6  }
0x4cd: {  	vm0 =	vlt.s32 v8, $0x1C;
	v8 =	vmul.u32 $0x1C, v8;
	v9 =	vand.u32 $0x7FC00, v9  }
0x4ce: {  	vm1 =	vlt.u32 v7, $0x1C;
	v5 =	vadd.s32 v5, v7;
	v6 =	vor.u32 v9, v6  }
0x4cf: {  	vm0 =	vmand vm0, vm1;
	v5 =	vadd.s32 v8, v5;
	v6 =	vadd.s32 $0x310, v6  }
0x4d0: {  	v5 =	vsel vm0, v5, v6  }
0x4d1: {  	s25 =	simm.s32 $0x10A00;
	[tilespmem:$0x10A70] =	vst v5  }
0x4d2: {  	[spmem:s3] =	stream.indirect.scatter.add.f32 [tilespmem:s9], [sflag:$0x5], $0x1, s25, s1, $0xb8;
	[tilespmem:$0x1AD80] =	vst v63  }
0x4d3: {  	v5 =	vld [tilespmem:$0xFA80];
	_ =	sdelay $0x7  }
0x4d4: {  	v6 =	vld.idx.msk [tilespmem:v5+s30+$0x0], $0xffff;
	_ =	sdelay $0x7  }
0x4d5: {  	v8 =	vld.idx.msk [tilespmem:v6+s8+$0x0], $0xffff  }
0x4d6: {  	v7 =	vld [tilespmem:$0x10280];
	_ =	sdelay $0x2  }
0x4d7: {  	v9 =	vld [tilespmem:$0xFA90]  }
0x4d8: {  	v6 =	vshll.u32 v6, $0xA;
	v10 =	vsub.s32 v5, v8  }
0x4d9: {  	v8 =	vsub.s32 v7, v8;
	v5 =	vshll.u32 v5, $0xA;
	v7 =	vand.u32 $0x7F, v7  }
0x4da: {  	vm0 =	vlt.s32 v10, $0x1C;
	v10 =	vmul.u32 $0x1C, v10;
	v5 =	vand.u32 $0x7FC00, v5  }
0x4db: {  	vm1 =	vlt.u32 v8, $0x1C;
	v6 =	vadd.s32 v6, v8;
	v5 =	vor.u32 v5, v7  }
0x4dc: {  	vm0 =	vmand vm0, vm1;
	v6 =	vadd.s32 v10, v6;
	v5 =	vadd.s32 $0x310, v5  }
0x4dd: {  	v5 =	vsel vm0, v6, v5  }
0x4de: {  	[tilespmem:$0x10A80] =	vst v5  }
0x4df: {  	v5 =	vld.idx.msk [tilespmem:v9+s30+$0x0], $0xffff;
	_ =	sdelay $0x7  }
0x4e0: {  	v7 =	vld.idx.msk [tilespmem:v5+s8+$0x0], $0xffff  }
0x4e1: {  	v6 =	vld [tilespmem:$0x10290];
	_ =	sdelay $0x2  }
0x4e2: {  	v8 =	vld [tilespmem:$0xFAA0]  }
0x4e3: {  	v5 =	vshll.u32 v5, $0xA;
	v10 =	vsub.s32 v9, v7  }
0x4e4: {  	v7 =	vsub.s32 v6, v7;
	v9 =	vshll.u32 v9, $0xA;
	v6 =	vand.u32 $0x7F, v6  }
0x4e5: {  	vm0 =	vlt.s32 v10, $0x1C;
	v10 =	vmul.u32 $0x1C, v10;
	v9 =	vand.u32 $0x7FC00, v9  }
0x4e6: {  	vm1 =	vlt.u32 v7, $0x1C;
	v5 =	vadd.s32 v5, v7;
	v6 =	vor.u32 v9, v6  }
0x4e7: {  	vm0 =	vmand vm0, vm1;
	v5 =	vadd.s32 v10, v5;
	v6 =	vadd.s32 $0x310, v6  }
0x4e8: {  	v5 =	vsel vm0, v5, v6  }
0x4e9: {  	[tilespmem:$0x10A90] =	vst v5  }
0x4ea: {  	v5 =	vld.idx.msk [tilespmem:v8+s30+$0x0], $0xffff;
	_ =	sdelay $0x7  }
0x4eb: {  	v7 =	vld.idx.msk [tilespmem:v5+s8+$0x0], $0xffff  }
0x4ec: {  	v6 =	vld [tilespmem:$0x102A0];
	_ =	sdelay $0x2  }
0x4ed: {  	v9 =	vld [tilespmem:$0xFAB0]  }
0x4ee: {  	v5 =	vshll.u32 v5, $0xA;
	v10 =	vsub.s32 v8, v7  }
0x4ef: {  	v7 =	vsub.s32 v6, v7;
	v8 =	vshll.u32 v8, $0xA;
	v6 =	vand.u32 $0x7F, v6  }
0x4f0: {  	vm0 =	vlt.s32 v10, $0x1C;
	v10 =	vmul.u32 $0x1C, v10;
	v8 =	vand.u32 $0x7FC00, v8  }
0x4f1: {  	vm1 =	vlt.u32 v7, $0x1C;
	v5 =	vadd.s32 v5, v7;
	v6 =	vor.u32 v8, v6  }
0x4f2: {  	vm0 =	vmand vm0, vm1;
	v5 =	vadd.s32 v10, v5;
	v6 =	vadd.s32 $0x310, v6  }
0x4f3: {  	v5 =	vsel vm0, v5, v6  }
0x4f4: {  	[tilespmem:$0x10AA0] =	vst v5  }
0x4f5: {  	v5 =	vld.idx.msk [tilespmem:v9+s30+$0x0], $0xffff;
	_ =	sdelay $0x7  }
0x4f6: {  	v7 =	vld.idx.msk [tilespmem:v5+s8+$0x0], $0xffff  }
0x4f7: {  	v6 =	vld [tilespmem:$0x102B0];
	_ =	sdelay $0x2  }
0x4f8: {  	v8 =	vld [tilespmem:$0xFAC0]  }
0x4f9: {  	v5 =	vshll.u32 v5, $0xA;
	v10 =	vsub.s32 v9, v7  }
0x4fa: {  	v7 =	vsub.s32 v6, v7;
	v9 =	vshll.u32 v9, $0xA;
	v6 =	vand.u32 $0x7F, v6  }
0x4fb: {  	vm0 =	vlt.s32 v10, $0x1C;
	v10 =	vmul.u32 $0x1C, v10;
	v9 =	vand.u32 $0x7FC00, v9  }
0x4fc: {  	vm1 =	vlt.u32 v7, $0x1C;
	v5 =	vadd.s32 v5, v7;
	v6 =	vor.u32 v9, v6  }
0x4fd: {  	vm0 =	vmand vm0, vm1;
	v5 =	vadd.s32 v10, v5;
	v6 =	vadd.s32 $0x310, v6  }
0x4fe: {  	v5 =	vsel vm0, v5, v6  }
0x4ff: {  	[tilespmem:$0x10AB0] =	vst v5  }
0x500: {  	v5 =	vld.idx.msk [tilespmem:v8+s30+$0x0], $0xffff;
	_ =	sdelay $0x7  }
0x501: {  	v7 =	vld.idx.msk [tilespmem:v5+s8+$0x0], $0xffff  }
0x502: {  	v6 =	vld [tilespmem:$0x102C0];
	_ =	sdelay $0x2  }
0x503: {  	v9 =	vld [tilespmem:$0xFAD0]  }
0x504: {  	v5 =	vshll.u32 v5, $0xA;
	v10 =	vsub.s32 v8, v7  }
0x505: {  	v7 =	vsub.s32 v6, v7;
	v8 =	vshll.u32 v8, $0xA;
	v6 =	vand.u32 $0x7F, v6  }
0x506: {  	vm0 =	vlt.s32 v10, $0x1C;
	v10 =	vmul.u32 $0x1C, v10;
	v8 =	vand.u32 $0x7FC00, v8  }
0x507: {  	vm1 =	vlt.u32 v7, $0x1C;
	v5 =	vadd.s32 v5, v7;
	v6 =	vor.u32 v8, v6  }
0x508: {  	vm0 =	vmand vm0, vm1;
	v5 =	vadd.s32 v10, v5;
	v6 =	vadd.s32 $0x310, v6  }
0x509: {  	v5 =	vsel vm0, v5, v6  }
0x50a: {  	[tilespmem:$0x10AC0] =	vst v5  }
0x50b: {  	v5 =	vld.idx.msk [tilespmem:v9+s30+$0x0], $0xffff;
	_ =	sdelay $0x7  }
0x50c: {  	v7 =	vld.idx.msk [tilespmem:v5+s8+$0x0], $0xffff  }
0x50d: {  	v6 =	vld [tilespmem:$0x102D0];
	_ =	sdelay $0x2  }
0x50e: {  	v8 =	vld [tilespmem:$0xFAE0]  }
0x50f: {  	v5 =	vshll.u32 v5, $0xA;
	v10 =	vsub.s32 v9, v7  }
0x510: {  	v7 =	vsub.s32 v6, v7;
	v9 =	vshll.u32 v9, $0xA;
	v6 =	vand.u32 $0x7F, v6  }
0x511: {  	vm0 =	vlt.s32 v10, $0x1C;
	v10 =	vmul.u32 $0x1C, v10;
	v9 =	vand.u32 $0x7FC00, v9  }
0x512: {  	vm1 =	vlt.u32 v7, $0x1C;
	v5 =	vadd.s32 v5, v7;
	v6 =	vor.u32 v9, v6  }
0x513: {  	vm0 =	vmand vm0, vm1;
	v5 =	vadd.s32 v10, v5;
	v6 =	vadd.s32 $0x310, v6  }
0x514: {  	v5 =	vsel vm0, v5, v6  }
0x515: {  	[tilespmem:$0x10AD0] =	vst v5  }
0x516: {  	v5 =	vld.idx.msk [tilespmem:v8+s30+$0x0], $0xffff;
	_ =	sdelay $0x7  }
0x517: {  	v7 =	vld.idx.msk [tilespmem:v5+s8+$0x0], $0xffff  }
0x518: {  	v6 =	vld [tilespmem:$0x102E0];
	_ =	sdelay $0x2  }
0x519: {  	v9 =	vld [tilespmem:$0xFAF0]  }
0x51a: {  	v5 =	vshll.u32 v5, $0xA;
	v10 =	vsub.s32 v8, v7  }
0x51b: {  	v7 =	vsub.s32 v6, v7;
	v8 =	vshll.u32 v8, $0xA;
	v6 =	vand.u32 $0x7F, v6  }
0x51c: {  	vm0 =	vlt.s32 v10, $0x1C;
	v10 =	vmul.u32 $0x1C, v10;
	v8 =	vand.u32 $0x7FC00, v8  }
0x51d: {  	vm1 =	vlt.u32 v7, $0x1C;
	v5 =	vadd.s32 v5, v7;
	v6 =	vor.u32 v8, v6  }
0x51e: {  	vm0 =	vmand vm0, vm1;
	v5 =	vadd.s32 v10, v5;
	v6 =	vadd.s32 $0x310, v6  }
0x51f: {  	v5 =	vsel vm0, v5, v6  }
0x520: {  	[tilespmem:$0x10AE0] =	vst v5  }
0x521: {  	v5 =	vld.idx.msk [tilespmem:v9+s30+$0x0], $0xffff;
	_ =	sdelay $0x7  }
0x522: {  	v7 =	vld.idx.msk [tilespmem:v5+s8+$0x0], $0xffff  }
0x523: {  	v6 =	vld [tilespmem:$0x102F0];
	_ =	sdelay $0x3  }
0x524: {  	v5 =	vshll.u32 v5, $0xA;
	v8 =	vsub.s32 v9, v7  }
0x525: {  	v7 =	vsub.s32 v6, v7;
	v9 =	vshll.u32 v9, $0xA;
	v6 =	vand.u32 $0x7F, v6  }
0x526: {  	vm0 =	vlt.s32 v8, $0x1C;
	v8 =	vmul.u32 $0x1C, v8;
	v9 =	vand.u32 $0x7FC00, v9  }
0x527: {  	vm1 =	vlt.u32 v7, $0x1C;
	v5 =	vadd.s32 v5, v7;
	v6 =	vor.u32 v9, v6  }
0x528: {  	vm0 =	vmand vm0, vm1;
	v5 =	vadd.s32 v8, v5;
	v6 =	vadd.s32 $0x310, v6  }
0x529: {  	v5 =	vsel vm0, v5, v6  }
0x52a: {  	s12 =	simm.s32 $0x10A80;
	[tilespmem:$0x10AF0] =	vst v5  }
0x52b: {  	[spmem:s3] =	stream.indirect.scatter.add.f32 [tilespmem:s9], [sflag:$0x5], $0x1, s12, s1, $0xb8;
	[tilespmem:$0x1AD80] =	vst v63  }
0x52c: {  	v5 =	vld [tilespmem:$0xFB00];
	_ =	sdelay $0x7  }
0x52d: {  	v6 =	vld.idx.msk [tilespmem:v5+s30+$0x0], $0xffff;
	_ =	sdelay $0x7  }
0x52e: {  	v8 =	vld.idx.msk [tilespmem:v6+s8+$0x0], $0xffff  }
0x52f: {  	v7 =	vld [tilespmem:$0x10300];
	_ =	sdelay $0x2  }
0x530: {  	v9 =	vld [tilespmem:$0xFB10]  }
0x531: {  	v6 =	vshll.u32 v6, $0xA;
	v10 =	vsub.s32 v5, v8  }
0x532: {  	v8 =	vsub.s32 v7, v8;
	v5 =	vshll.u32 v5, $0xA;
	v7 =	vand.u32 $0x7F, v7  }
0x533: {  	vm0 =	vlt.s32 v10, $0x1C;
	v10 =	vmul.u32 $0x1C, v10;
	v5 =	vand.u32 $0x7FC00, v5  }
0x534: {  	vm1 =	vlt.u32 v8, $0x1C;
	v6 =	vadd.s32 v6, v8;
	v5 =	vor.u32 v5, v7  }
0x535: {  	vm0 =	vmand vm0, vm1;
	v6 =	vadd.s32 v10, v6;
	v5 =	vadd.s32 $0x310, v5  }
0x536: {  	v5 =	vsel vm0, v6, v5  }
0x537: {  	[tilespmem:$0x10B00] =	vst v5  }
0x538: {  	v5 =	vld.idx.msk [tilespmem:v9+s30+$0x0], $0xffff;
	_ =	sdelay $0x7  }
0x539: {  	v7 =	vld.idx.msk [tilespmem:v5+s8+$0x0], $0xffff  }
0x53a: {  	v6 =	vld [tilespmem:$0x10310];
	_ =	sdelay $0x2  }
0x53b: {  	v8 =	vld [tilespmem:$0xFB20]  }
0x53c: {  	v5 =	vshll.u32 v5, $0xA;
	v10 =	vsub.s32 v9, v7  }
0x53d: {  	v7 =	vsub.s32 v6, v7;
	v9 =	vshll.u32 v9, $0xA;
	v6 =	vand.u32 $0x7F, v6  }
0x53e: {  	vm0 =	vlt.s32 v10, $0x1C;
	v10 =	vmul.u32 $0x1C, v10;
	v9 =	vand.u32 $0x7FC00, v9  }
0x53f: {  	vm1 =	vlt.u32 v7, $0x1C;
	v5 =	vadd.s32 v5, v7;
	v6 =	vor.u32 v9, v6  }
0x540: {  	vm0 =	vmand vm0, vm1;
	v5 =	vadd.s32 v10, v5;
	v6 =	vadd.s32 $0x310, v6  }
0x541: {  	v5 =	vsel vm0, v5, v6  }
0x542: {  	[tilespmem:$0x10B10] =	vst v5  }
0x543: {  	v5 =	vld.idx.msk [tilespmem:v8+s30+$0x0], $0xffff;
	_ =	sdelay $0x7  }
0x544: {  	v7 =	vld.idx.msk [tilespmem:v5+s8+$0x0], $0xffff  }
0x545: {  	v6 =	vld [tilespmem:$0x10320];
	_ =	sdelay $0x2  }
0x546: {  	v9 =	vld [tilespmem:$0xFB30]  }
0x547: {  	v5 =	vshll.u32 v5, $0xA;
	v10 =	vsub.s32 v8, v7  }
0x548: {  	v7 =	vsub.s32 v6, v7;
	v8 =	vshll.u32 v8, $0xA;
	v6 =	vand.u32 $0x7F, v6  }
0x549: {  	vm0 =	vlt.s32 v10, $0x1C;
	v10 =	vmul.u32 $0x1C, v10;
	v8 =	vand.u32 $0x7FC00, v8  }
0x54a: {  	vm1 =	vlt.u32 v7, $0x1C;
	v5 =	vadd.s32 v5, v7;
	v6 =	vor.u32 v8, v6  }
0x54b: {  	vm0 =	vmand vm0, vm1;
	v5 =	vadd.s32 v10, v5;
	v6 =	vadd.s32 $0x310, v6  }
0x54c: {  	v5 =	vsel vm0, v5, v6  }
0x54d: {  	[tilespmem:$0x10B20] =	vst v5  }
0x54e: {  	v5 =	vld.idx.msk [tilespmem:v9+s30+$0x0], $0xffff;
	_ =	sdelay $0x7  }
0x54f: {  	v7 =	vld.idx.msk [tilespmem:v5+s8+$0x0], $0xffff  }
0x550: {  	v6 =	vld [tilespmem:$0x10330];
	_ =	sdelay $0x2  }
0x551: {  	v8 =	vld [tilespmem:$0xFB40]  }
0x552: {  	v5 =	vshll.u32 v5, $0xA;
	v10 =	vsub.s32 v9, v7  }
0x553: {  	v7 =	vsub.s32 v6, v7;
	v9 =	vshll.u32 v9, $0xA;
	v6 =	vand.u32 $0x7F, v6  }
0x554: {  	vm0 =	vlt.s32 v10, $0x1C;
	v10 =	vmul.u32 $0x1C, v10;
	v9 =	vand.u32 $0x7FC00, v9  }
0x555: {  	vm1 =	vlt.u32 v7, $0x1C;
	v5 =	vadd.s32 v5, v7;
	v6 =	vor.u32 v9, v6  }
0x556: {  	vm0 =	vmand vm0, vm1;
	v5 =	vadd.s32 v10, v5;
	v6 =	vadd.s32 $0x310, v6  }
0x557: {  	v5 =	vsel vm0, v5, v6  }
0x558: {  	[tilespmem:$0x10B30] =	vst v5  }
0x559: {  	v5 =	vld.idx.msk [tilespmem:v8+s30+$0x0], $0xffff;
	_ =	sdelay $0x7  }
0x55a: {  	v7 =	vld.idx.msk [tilespmem:v5+s8+$0x0], $0xffff  }
0x55b: {  	v6 =	vld [tilespmem:$0x10340];
	_ =	sdelay $0x2  }
0x55c: {  	v9 =	vld [tilespmem:$0xFB50]  }
0x55d: {  	v5 =	vshll.u32 v5, $0xA;
	v10 =	vsub.s32 v8, v7  }
0x55e: {  	v7 =	vsub.s32 v6, v7;
	v8 =	vshll.u32 v8, $0xA;
	v6 =	vand.u32 $0x7F, v6  }
0x55f: {  	vm0 =	vlt.s32 v10, $0x1C;
	v10 =	vmul.u32 $0x1C, v10;
	v8 =	vand.u32 $0x7FC00, v8  }
0x560: {  	vm1 =	vlt.u32 v7, $0x1C;
	v5 =	vadd.s32 v5, v7;
	v6 =	vor.u32 v8, v6  }
0x561: {  	vm0 =	vmand vm0, vm1;
	v5 =	vadd.s32 v10, v5;
	v6 =	vadd.s32 $0x310, v6  }
0x562: {  	v5 =	vsel vm0, v5, v6  }
0x563: {  	[tilespmem:$0x10B40] =	vst v5  }
0x564: {  	v5 =	vld.idx.msk [tilespmem:v9+s30+$0x0], $0xffff;
	_ =	sdelay $0x7  }
0x565: {  	v7 =	vld.idx.msk [tilespmem:v5+s8+$0x0], $0xffff  }
0x566: {  	v6 =	vld [tilespmem:$0x10350];
	_ =	sdelay $0x2  }
0x567: {  	v8 =	vld [tilespmem:$0xFB60]  }
0x568: {  	v5 =	vshll.u32 v5, $0xA;
	v10 =	vsub.s32 v9, v7  }
0x569: {  	v7 =	vsub.s32 v6, v7;
	v9 =	vshll.u32 v9, $0xA;
	v6 =	vand.u32 $0x7F, v6  }
0x56a: {  	vm0 =	vlt.s32 v10, $0x1C;
	v10 =	vmul.u32 $0x1C, v10;
	v9 =	vand.u32 $0x7FC00, v9  }
0x56b: {  	vm1 =	vlt.u32 v7, $0x1C;
	v5 =	vadd.s32 v5, v7;
	v6 =	vor.u32 v9, v6  }
0x56c: {  	vm0 =	vmand vm0, vm1;
	v5 =	vadd.s32 v10, v5;
	v6 =	vadd.s32 $0x310, v6  }
0x56d: {  	v5 =	vsel vm0, v5, v6  }
0x56e: {  	[tilespmem:$0x10B50] =	vst v5  }
0x56f: {  	v5 =	vld.idx.msk [tilespmem:v8+s30+$0x0], $0xffff;
	_ =	sdelay $0x7  }
0x570: {  	v7 =	vld.idx.msk [tilespmem:v5+s8+$0x0], $0xffff  }
0x571: {  	v6 =	vld [tilespmem:$0x10360];
	_ =	sdelay $0x2  }
0x572: {  	v9 =	vld [tilespmem:$0xFB70]  }
0x573: {  	v5 =	vshll.u32 v5, $0xA;
	v10 =	vsub.s32 v8, v7  }
0x574: {  	v7 =	vsub.s32 v6, v7;
	v8 =	vshll.u32 v8, $0xA;
	v6 =	vand.u32 $0x7F, v6  }
0x575: {  	vm0 =	vlt.s32 v10, $0x1C;
	v10 =	vmul.u32 $0x1C, v10;
	v8 =	vand.u32 $0x7FC00, v8  }
0x576: {  	vm1 =	vlt.u32 v7, $0x1C;
	v5 =	vadd.s32 v5, v7;
	v6 =	vor.u32 v8, v6  }
0x577: {  	vm0 =	vmand vm0, vm1;
	v5 =	vadd.s32 v10, v5;
	v6 =	vadd.s32 $0x310, v6  }
0x578: {  	v5 =	vsel vm0, v5, v6  }
0x579: {  	[tilespmem:$0x10B60] =	vst v5  }
0x57a: {  	v5 =	vld.idx.msk [tilespmem:v9+s30+$0x0], $0xffff;
	_ =	sdelay $0x7  }
0x57b: {  	v7 =	vld.idx.msk [tilespmem:v5+s8+$0x0], $0xffff  }
0x57c: {  	v6 =	vld [tilespmem:$0x10370];
	_ =	sdelay $0x3  }
0x57d: {  	v5 =	vshll.u32 v5, $0xA;
	v8 =	vsub.s32 v9, v7  }
0x57e: {  	v7 =	vsub.s32 v6, v7;
	v9 =	vshll.u32 v9, $0xA;
	v6 =	vand.u32 $0x7F, v6  }
0x57f: {  	vm0 =	vlt.s32 v8, $0x1C;
	v8 =	vmul.u32 $0x1C, v8;
	v9 =	vand.u32 $0x7FC00, v9  }
0x580: {  	vm1 =	vlt.u32 v7, $0x1C;
	v5 =	vadd.s32 v5, v7;
	v6 =	vor.u32 v9, v6  }
0x581: {  	vm0 =	vmand vm0, vm1;
	v5 =	vadd.s32 v8, v5;
	v6 =	vadd.s32 $0x310, v6  }
0x582: {  	v5 =	vsel vm0, v5, v6  }
0x583: {  	s13 =	simm.s32 $0x10B00;
	[tilespmem:$0x10B70] =	vst v5  }
0x584: {  	[spmem:s3] =	stream.indirect.scatter.add.f32 [tilespmem:s9], [sflag:$0x5], $0x1, s13, s1, $0xb8;
	[tilespmem:$0x1AD80] =	vst v63  }
0x585: {  	v5 =	vld [tilespmem:$0xFB80];
	_ =	sdelay $0x7  }
0x586: {  	v6 =	vld.idx.msk [tilespmem:v5+s30+$0x0], $0xffff;
	_ =	sdelay $0x7  }
0x587: {  	v8 =	vld.idx.msk [tilespmem:v6+s8+$0x0], $0xffff  }
0x588: {  	v7 =	vld [tilespmem:$0x10380];
	_ =	sdelay $0x2  }
0x589: {  	v9 =	vld [tilespmem:$0xFB90]  }
0x58a: {  	v6 =	vshll.u32 v6, $0xA;
	v10 =	vsub.s32 v5, v8  }
0x58b: {  	v8 =	vsub.s32 v7, v8;
	v5 =	vshll.u32 v5, $0xA;
	v7 =	vand.u32 $0x7F, v7  }
0x58c: {  	vm0 =	vlt.s32 v10, $0x1C;
	v10 =	vmul.u32 $0x1C, v10;
	v5 =	vand.u32 $0x7FC00, v5  }
0x58d: {  	vm1 =	vlt.u32 v8, $0x1C;
	v6 =	vadd.s32 v6, v8;
	v5 =	vor.u32 v5, v7  }
0x58e: {  	vm0 =	vmand vm0, vm1;
	v6 =	vadd.s32 v10, v6;
	v5 =	vadd.s32 $0x310, v5  }
0x58f: {  	v5 =	vsel vm0, v6, v5  }
0x590: {  	[tilespmem:$0x10B80] =	vst v5  }
0x591: {  	v5 =	vld.idx.msk [tilespmem:v9+s30+$0x0], $0xffff;
	_ =	sdelay $0x7  }
0x592: {  	v7 =	vld.idx.msk [tilespmem:v5+s8+$0x0], $0xffff  }
0x593: {  	v6 =	vld [tilespmem:$0x10390];
	_ =	sdelay $0x2  }
0x594: {  	v8 =	vld [tilespmem:$0xFBA0]  }
0x595: {  	v5 =	vshll.u32 v5, $0xA;
	v10 =	vsub.s32 v9, v7  }
0x596: {  	v7 =	vsub.s32 v6, v7;
	v9 =	vshll.u32 v9, $0xA;
	v6 =	vand.u32 $0x7F, v6  }
0x597: {  	vm0 =	vlt.s32 v10, $0x1C;
	v10 =	vmul.u32 $0x1C, v10;
	v9 =	vand.u32 $0x7FC00, v9  }
0x598: {  	vm1 =	vlt.u32 v7, $0x1C;
	v5 =	vadd.s32 v5, v7;
	v6 =	vor.u32 v9, v6  }
0x599: {  	vm0 =	vmand vm0, vm1;
	v5 =	vadd.s32 v10, v5;
	v6 =	vadd.s32 $0x310, v6  }
0x59a: {  	v5 =	vsel vm0, v5, v6  }
0x59b: {  	[tilespmem:$0x10B90] =	vst v5  }
0x59c: {  	v5 =	vld.idx.msk [tilespmem:v8+s30+$0x0], $0xffff;
	_ =	sdelay $0x7  }
0x59d: {  	v7 =	vld.idx.msk [tilespmem:v5+s8+$0x0], $0xffff  }
0x59e: {  	v6 =	vld [tilespmem:$0x103A0];
	_ =	sdelay $0x2  }
0x59f: {  	v9 =	vld [tilespmem:$0xFBB0]  }
0x5a0: {  	v5 =	vshll.u32 v5, $0xA;
	v10 =	vsub.s32 v8, v7  }
0x5a1: {  	v7 =	vsub.s32 v6, v7;
	v8 =	vshll.u32 v8, $0xA;
	v6 =	vand.u32 $0x7F, v6  }
0x5a2: {  	vm0 =	vlt.s32 v10, $0x1C;
	v10 =	vmul.u32 $0x1C, v10;
	v8 =	vand.u32 $0x7FC00, v8  }
0x5a3: {  	vm1 =	vlt.u32 v7, $0x1C;
	v5 =	vadd.s32 v5, v7;
	v6 =	vor.u32 v8, v6  }
0x5a4: {  	vm0 =	vmand vm0, vm1;
	v5 =	vadd.s32 v10, v5;
	v6 =	vadd.s32 $0x310, v6  }
0x5a5: {  	v5 =	vsel vm0, v5, v6  }
0x5a6: {  	[tilespmem:$0x10BA0] =	vst v5  }
0x5a7: {  	v5 =	vld.idx.msk [tilespmem:v9+s30+$0x0], $0xffff;
	_ =	sdelay $0x7  }
0x5a8: {  	v7 =	vld.idx.msk [tilespmem:v5+s8+$0x0], $0xffff  }
0x5a9: {  	v6 =	vld [tilespmem:$0x103B0];
	_ =	sdelay $0x2  }
0x5aa: {  	v8 =	vld [tilespmem:$0xFBC0]  }
0x5ab: {  	v5 =	vshll.u32 v5, $0xA;
	v10 =	vsub.s32 v9, v7  }
0x5ac: {  	v7 =	vsub.s32 v6, v7;
	v9 =	vshll.u32 v9, $0xA;
	v6 =	vand.u32 $0x7F, v6  }
0x5ad: {  	vm0 =	vlt.s32 v10, $0x1C;
	v10 =	vmul.u32 $0x1C, v10;
	v9 =	vand.u32 $0x7FC00, v9  }
0x5ae: {  	vm1 =	vlt.u32 v7, $0x1C;
	v5 =	vadd.s32 v5, v7;
	v6 =	vor.u32 v9, v6  }
0x5af: {  	vm0 =	vmand vm0, vm1;
	v5 =	vadd.s32 v10, v5;
	v6 =	vadd.s32 $0x310, v6  }
0x5b0: {  	v5 =	vsel vm0, v5, v6  }
0x5b1: {  	[tilespmem:$0x10BB0] =	vst v5  }
0x5b2: {  	v5 =	vld.idx.msk [tilespmem:v8+s30+$0x0], $0xffff;
	_ =	sdelay $0x7  }
0x5b3: {  	v7 =	vld.idx.msk [tilespmem:v5+s8+$0x0], $0xffff  }
0x5b4: {  	v6 =	vld [tilespmem:$0x103C0];
	_ =	sdelay $0x2  }
0x5b5: {  	v9 =	vld [tilespmem:$0xFBD0]  }
0x5b6: {  	v5 =	vshll.u32 v5, $0xA;
	v10 =	vsub.s32 v8, v7  }
0x5b7: {  	v7 =	vsub.s32 v6, v7;
	v8 =	vshll.u32 v8, $0xA;
	v6 =	vand.u32 $0x7F, v6  }
0x5b8: {  	vm0 =	vlt.s32 v10, $0x1C;
	v10 =	vmul.u32 $0x1C, v10;
	v8 =	vand.u32 $0x7FC00, v8  }
0x5b9: {  	vm1 =	vlt.u32 v7, $0x1C;
	v5 =	vadd.s32 v5, v7;
	v6 =	vor.u32 v8, v6  }
0x5ba: {  	vm0 =	vmand vm0, vm1;
	v5 =	vadd.s32 v10, v5;
	v6 =	vadd.s32 $0x310, v6  }
0x5bb: {  	v5 =	vsel vm0, v5, v6  }
0x5bc: {  	[tilespmem:$0x10BC0] =	vst v5  }
0x5bd: {  	v5 =	vld.idx.msk [tilespmem:v9+s30+$0x0], $0xffff;
	_ =	sdelay $0x7  }
0x5be: {  	v7 =	vld.idx.msk [tilespmem:v5+s8+$0x0], $0xffff  }
0x5bf: {  	v6 =	vld [tilespmem:$0x103D0];
	_ =	sdelay $0x2  }
0x5c0: {  	v8 =	vld [tilespmem:$0xFBE0]  }
0x5c1: {  	v5 =	vshll.u32 v5, $0xA;
	v10 =	vsub.s32 v9, v7  }
0x5c2: {  	v7 =	vsub.s32 v6, v7;
	v9 =	vshll.u32 v9, $0xA;
	v6 =	vand.u32 $0x7F, v6  }
0x5c3: {  	vm0 =	vlt.s32 v10, $0x1C;
	v10 =	vmul.u32 $0x1C, v10;
	v9 =	vand.u32 $0x7FC00, v9  }
0x5c4: {  	vm1 =	vlt.u32 v7, $0x1C;
	v5 =	vadd.s32 v5, v7;
	v6 =	vor.u32 v9, v6  }
0x5c5: {  	vm0 =	vmand vm0, vm1;
	v5 =	vadd.s32 v10, v5;
	v6 =	vadd.s32 $0x310, v6  }
0x5c6: {  	v5 =	vsel vm0, v5, v6  }
0x5c7: {  	[tilespmem:$0x10BD0] =	vst v5  }
0x5c8: {  	v5 =	vld.idx.msk [tilespmem:v8+s30+$0x0], $0xffff;
	_ =	sdelay $0x7  }
0x5c9: {  	v7 =	vld.idx.msk [tilespmem:v5+s8+$0x0], $0xffff  }
0x5ca: {  	v6 =	vld [tilespmem:$0x103E0];
	_ =	sdelay $0x2  }
0x5cb: {  	v9 =	vld [tilespmem:$0xFBF0]  }
0x5cc: {  	v5 =	vshll.u32 v5, $0xA;
	v10 =	vsub.s32 v8, v7  }
0x5cd: {  	v7 =	vsub.s32 v6, v7;
	v8 =	vshll.u32 v8, $0xA;
	v6 =	vand.u32 $0x7F, v6  }
0x5ce: {  	vm0 =	vlt.s32 v10, $0x1C;
	v10 =	vmul.u32 $0x1C, v10;
	v8 =	vand.u32 $0x7FC00, v8  }
0x5cf: {  	vm1 =	vlt.u32 v7, $0x1C;
	v5 =	vadd.s32 v5, v7;
	v6 =	vor.u32 v8, v6  }
0x5d0: {  	vm0 =	vmand vm0, vm1;
	v5 =	vadd.s32 v10, v5;
	v6 =	vadd.s32 $0x310, v6  }
0x5d1: {  	v5 =	vsel vm0, v5, v6  }
0x5d2: {  	[tilespmem:$0x10BE0] =	vst v5  }
0x5d3: {  	v5 =	vld.idx.msk [tilespmem:v9+s30+$0x0], $0xffff;
	_ =	sdelay $0x7  }
0x5d4: {  	v7 =	vld.idx.msk [tilespmem:v5+s8+$0x0], $0xffff  }
0x5d5: {  	v6 =	vld [tilespmem:$0x103F0];
	_ =	sdelay $0x3  }
0x5d6: {  	v5 =	vshll.u32 v5, $0xA;
	v8 =	vsub.s32 v9, v7  }
0x5d7: {  	v7 =	vsub.s32 v6, v7;
	v9 =	vshll.u32 v9, $0xA;
	v6 =	vand.u32 $0x7F, v6  }
0x5d8: {  	vm0 =	vlt.s32 v8, $0x1C;
	v8 =	vmul.u32 $0x1C, v8;
	v9 =	vand.u32 $0x7FC00, v9  }
0x5d9: {  	vm1 =	vlt.u32 v7, $0x1C;
	v5 =	vadd.s32 v5, v7;
	v6 =	vor.u32 v9, v6  }
0x5da: {  	vm0 =	vmand vm0, vm1;
	v5 =	vadd.s32 v8, v5;
	v6 =	vadd.s32 $0x310, v6  }
0x5db: {  	v5 =	vsel vm0, v5, v6  }
0x5dc: {  	s16 =	simm.s32 $0x10B80;
	[tilespmem:$0x10BF0] =	vst v5  }
0x5dd: {  	[spmem:s3] =	stream.indirect.scatter.add.f32 [tilespmem:s9], [sflag:$0x5], $0x1, s16, s1, $0xb8;
	[tilespmem:$0x1AD80] =	vst v63  }
0x5de: {  	v5 =	vld [tilespmem:$0xFC00];
	_ =	sdelay $0x7  }
0x5df: {  	v6 =	vld.idx.msk [tilespmem:v5+s30+$0x0], $0xffff;
	_ =	sdelay $0x7  }
0x5e0: {  	v8 =	vld.idx.msk [tilespmem:v6+s8+$0x0], $0xffff  }
0x5e1: {  	v7 =	vld [tilespmem:$0x10400];
	_ =	sdelay $0x2  }
0x5e2: {  	v9 =	vld [tilespmem:$0xFC10]  }
0x5e3: {  	v6 =	vshll.u32 v6, $0xA;
	v10 =	vsub.s32 v5, v8  }
0x5e4: {  	v8 =	vsub.s32 v7, v8;
	v5 =	vshll.u32 v5, $0xA;
	v7 =	vand.u32 $0x7F, v7  }
0x5e5: {  	vm0 =	vlt.s32 v10, $0x1C;
	v10 =	vmul.u32 $0x1C, v10;
	v5 =	vand.u32 $0x7FC00, v5  }
0x5e6: {  	vm1 =	vlt.u32 v8, $0x1C;
	v6 =	vadd.s32 v6, v8;
	v5 =	vor.u32 v5, v7  }
0x5e7: {  	vm0 =	vmand vm0, vm1;
	v6 =	vadd.s32 v10, v6;
	v5 =	vadd.s32 $0x310, v5  }
0x5e8: {  	v5 =	vsel vm0, v6, v5  }
0x5e9: {  	[tilespmem:$0x10C00] =	vst v5  }
0x5ea: {  	v5 =	vld.idx.msk [tilespmem:v9+s30+$0x0], $0xffff;
	_ =	sdelay $0x7  }
0x5eb: {  	v7 =	vld.idx.msk [tilespmem:v5+s8+$0x0], $0xffff  }
0x5ec: {  	v6 =	vld [tilespmem:$0x10410];
	_ =	sdelay $0x2  }
0x5ed: {  	v8 =	vld [tilespmem:$0xFC20]  }
0x5ee: {  	v5 =	vshll.u32 v5, $0xA;
	v10 =	vsub.s32 v9, v7  }
0x5ef: {  	v7 =	vsub.s32 v6, v7;
	v9 =	vshll.u32 v9, $0xA;
	v6 =	vand.u32 $0x7F, v6  }
0x5f0: {  	vm0 =	vlt.s32 v10, $0x1C;
	v10 =	vmul.u32 $0x1C, v10;
	v9 =	vand.u32 $0x7FC00, v9  }
0x5f1: {  	vm1 =	vlt.u32 v7, $0x1C;
	v5 =	vadd.s32 v5, v7;
	v6 =	vor.u32 v9, v6  }
0x5f2: {  	vm0 =	vmand vm0, vm1;
	v5 =	vadd.s32 v10, v5;
	v6 =	vadd.s32 $0x310, v6  }
0x5f3: {  	v5 =	vsel vm0, v5, v6  }
0x5f4: {  	[tilespmem:$0x10C10] =	vst v5  }
0x5f5: {  	v5 =	vld.idx.msk [tilespmem:v8+s30+$0x0], $0xffff;
	_ =	sdelay $0x7  }
0x5f6: {  	v7 =	vld.idx.msk [tilespmem:v5+s8+$0x0], $0xffff  }
0x5f7: {  	v6 =	vld [tilespmem:$0x10420];
	_ =	sdelay $0x2  }
0x5f8: {  	v9 =	vld [tilespmem:$0xFC30]  }
0x5f9: {  	v5 =	vshll.u32 v5, $0xA;
	v10 =	vsub.s32 v8, v7  }
0x5fa: {  	v7 =	vsub.s32 v6, v7;
	v8 =	vshll.u32 v8, $0xA;
	v6 =	vand.u32 $0x7F, v6  }
0x5fb: {  	vm0 =	vlt.s32 v10, $0x1C;
	v10 =	vmul.u32 $0x1C, v10;
	v8 =	vand.u32 $0x7FC00, v8  }
0x5fc: {  	vm1 =	vlt.u32 v7, $0x1C;
	v5 =	vadd.s32 v5, v7;
	v6 =	vor.u32 v8, v6  }
0x5fd: {  	vm0 =	vmand vm0, vm1;
	v5 =	vadd.s32 v10, v5;
	v6 =	vadd.s32 $0x310, v6  }
0x5fe: {  	v5 =	vsel vm0, v5, v6  }
0x5ff: {  	[tilespmem:$0x10C20] =	vst v5  }
0x600: {  	v5 =	vld.idx.msk [tilespmem:v9+s30+$0x0], $0xffff;
	_ =	sdelay $0x7  }
0x601: {  	v7 =	vld.idx.msk [tilespmem:v5+s8+$0x0], $0xffff  }
0x602: {  	v6 =	vld [tilespmem:$0x10430];
	_ =	sdelay $0x2  }
0x603: {  	v8 =	vld [tilespmem:$0xFC40]  }
0x604: {  	v5 =	vshll.u32 v5, $0xA;
	v10 =	vsub.s32 v9, v7  }
0x605: {  	v7 =	vsub.s32 v6, v7;
	v9 =	vshll.u32 v9, $0xA;
	v6 =	vand.u32 $0x7F, v6  }
0x606: {  	vm0 =	vlt.s32 v10, $0x1C;
	v10 =	vmul.u32 $0x1C, v10;
	v9 =	vand.u32 $0x7FC00, v9  }
0x607: {  	vm1 =	vlt.u32 v7, $0x1C;
	v5 =	vadd.s32 v5, v7;
	v6 =	vor.u32 v9, v6  }
0x608: {  	vm0 =	vmand vm0, vm1;
	v5 =	vadd.s32 v10, v5;
	v6 =	vadd.s32 $0x310, v6  }
0x609: {  	v5 =	vsel vm0, v5, v6  }
0x60a: {  	[tilespmem:$0x10C30] =	vst v5  }
0x60b: {  	v5 =	vld.idx.msk [tilespmem:v8+s30+$0x0], $0xffff;
	_ =	sdelay $0x7  }
0x60c: {  	v7 =	vld.idx.msk [tilespmem:v5+s8+$0x0], $0xffff  }
0x60d: {  	v6 =	vld [tilespmem:$0x10440];
	_ =	sdelay $0x2  }
0x60e: {  	v9 =	vld [tilespmem:$0xFC50]  }
0x60f: {  	v5 =	vshll.u32 v5, $0xA;
	v10 =	vsub.s32 v8, v7  }
0x610: {  	v7 =	vsub.s32 v6, v7;
	v8 =	vshll.u32 v8, $0xA;
	v6 =	vand.u32 $0x7F, v6  }
0x611: {  	vm0 =	vlt.s32 v10, $0x1C;
	v10 =	vmul.u32 $0x1C, v10;
	v8 =	vand.u32 $0x7FC00, v8  }
0x612: {  	vm1 =	vlt.u32 v7, $0x1C;
	v5 =	vadd.s32 v5, v7;
	v6 =	vor.u32 v8, v6  }
0x613: {  	vm0 =	vmand vm0, vm1;
	v5 =	vadd.s32 v10, v5;
	v6 =	vadd.s32 $0x310, v6  }
0x614: {  	v5 =	vsel vm0, v5, v6  }
0x615: {  	[tilespmem:$0x10C40] =	vst v5  }
0x616: {  	v5 =	vld.idx.msk [tilespmem:v9+s30+$0x0], $0xffff;
	_ =	sdelay $0x7  }
0x617: {  	v7 =	vld.idx.msk [tilespmem:v5+s8+$0x0], $0xffff  }
0x618: {  	v6 =	vld [tilespmem:$0x10450];
	_ =	sdelay $0x2  }
0x619: {  	v8 =	vld [tilespmem:$0xFC60]  }
0x61a: {  	v5 =	vshll.u32 v5, $0xA;
	v10 =	vsub.s32 v9, v7  }
0x61b: {  	v7 =	vsub.s32 v6, v7;
	v9 =	vshll.u32 v9, $0xA;
	v6 =	vand.u32 $0x7F, v6  }
0x61c: {  	vm0 =	vlt.s32 v10, $0x1C;
	v10 =	vmul.u32 $0x1C, v10;
	v9 =	vand.u32 $0x7FC00, v9  }
0x61d: {  	vm1 =	vlt.u32 v7, $0x1C;
	v5 =	vadd.s32 v5, v7;
	v6 =	vor.u32 v9, v6  }
0x61e: {  	vm0 =	vmand vm0, vm1;
	v5 =	vadd.s32 v10, v5;
	v6 =	vadd.s32 $0x310, v6  }
0x61f: {  	v5 =	vsel vm0, v5, v6  }
0x620: {  	[tilespmem:$0x10C50] =	vst v5  }
0x621: {  	v5 =	vld.idx.msk [tilespmem:v8+s30+$0x0], $0xffff;
	_ =	sdelay $0x7  }
0x622: {  	v7 =	vld.idx.msk [tilespmem:v5+s8+$0x0], $0xffff  }
0x623: {  	v6 =	vld [tilespmem:$0x10460];
	_ =	sdelay $0x2  }
0x624: {  	v9 =	vld [tilespmem:$0xFC70]  }
0x625: {  	v5 =	vshll.u32 v5, $0xA;
	v10 =	vsub.s32 v8, v7  }
0x626: {  	v7 =	vsub.s32 v6, v7;
	v8 =	vshll.u32 v8, $0xA;
	v6 =	vand.u32 $0x7F, v6  }
0x627: {  	vm0 =	vlt.s32 v10, $0x1C;
	v10 =	vmul.u32 $0x1C, v10;
	v8 =	vand.u32 $0x7FC00, v8  }
0x628: {  	vm1 =	vlt.u32 v7, $0x1C;
	v5 =	vadd.s32 v5, v7;
	v6 =	vor.u32 v8, v6  }
0x629: {  	vm0 =	vmand vm0, vm1;
	v5 =	vadd.s32 v10, v5;
	v6 =	vadd.s32 $0x310, v6  }
0x62a: {  	v5 =	vsel vm0, v5, v6  }
0x62b: {  	[tilespmem:$0x10C60] =	vst v5  }
0x62c: {  	v5 =	vld.idx.msk [tilespmem:v9+s30+$0x0], $0xffff;
	_ =	sdelay $0x7  }
0x62d: {  	v7 =	vld.idx.msk [tilespmem:v5+s8+$0x0], $0xffff  }
0x62e: {  	v6 =	vld [tilespmem:$0x10470];
	_ =	sdelay $0x3  }
0x62f: {  	v5 =	vshll.u32 v5, $0xA;
	v8 =	vsub.s32 v9, v7  }
0x630: {  	v7 =	vsub.s32 v6, v7;
	v9 =	vshll.u32 v9, $0xA;
	v6 =	vand.u32 $0x7F, v6  }
0x631: {  	vm0 =	vlt.s32 v8, $0x1C;
	v8 =	vmul.u32 $0x1C, v8;
	v9 =	vand.u32 $0x7FC00, v9  }
0x632: {  	vm1 =	vlt.u32 v7, $0x1C;
	v5 =	vadd.s32 v5, v7;
	v6 =	vor.u32 v9, v6  }
0x633: {  	vm0 =	vmand vm0, vm1;
	v5 =	vadd.s32 v8, v5;
	v6 =	vadd.s32 $0x310, v6  }
0x634: {  	v5 =	vsel vm0, v5, v6  }
0x635: {  	s19 =	simm.s32 $0x10C00;
	[tilespmem:$0x10C70] =	vst v5  }
0x636: {  	[spmem:s3] =	stream.indirect.scatter.add.f32 [tilespmem:s9], [sflag:$0x5], $0x1, s19, s1, $0xb8;
	[tilespmem:$0x1AD80] =	vst v63  }
0x637: {  	v5 =	vld [tilespmem:$0xFC80];
	_ =	sdelay $0x7  }
0x638: {  	v6 =	vld.idx.msk [tilespmem:v5+s30+$0x0], $0xffff;
	_ =	sdelay $0x7  }
0x639: {  	v8 =	vld.idx.msk [tilespmem:v6+s8+$0x0], $0xffff  }
0x63a: {  	v7 =	vld [tilespmem:$0x10480];
	_ =	sdelay $0x2  }
0x63b: {  	v9 =	vld [tilespmem:$0xFC90]  }
0x63c: {  	v6 =	vshll.u32 v6, $0xA;
	v10 =	vsub.s32 v5, v8  }
0x63d: {  	v8 =	vsub.s32 v7, v8;
	v5 =	vshll.u32 v5, $0xA;
	v7 =	vand.u32 $0x7F, v7  }
0x63e: {  	vm0 =	vlt.s32 v10, $0x1C;
	v10 =	vmul.u32 $0x1C, v10;
	v5 =	vand.u32 $0x7FC00, v5  }
0x63f: {  	vm1 =	vlt.u32 v8, $0x1C;
	v6 =	vadd.s32 v6, v8;
	v5 =	vor.u32 v5, v7  }
0x640: {  	vm0 =	vmand vm0, vm1;
	v6 =	vadd.s32 v10, v6;
	v5 =	vadd.s32 $0x310, v5  }
0x641: {  	v5 =	vsel vm0, v6, v5  }
0x642: {  	[tilespmem:$0x10C80] =	vst v5  }
0x643: {  	v5 =	vld.idx.msk [tilespmem:v9+s30+$0x0], $0xffff;
	_ =	sdelay $0x7  }
0x644: {  	v7 =	vld.idx.msk [tilespmem:v5+s8+$0x0], $0xffff  }
0x645: {  	v6 =	vld [tilespmem:$0x10490];
	_ =	sdelay $0x2  }
0x646: {  	v8 =	vld [tilespmem:$0xFCA0]  }
0x647: {  	v5 =	vshll.u32 v5, $0xA;
	v10 =	vsub.s32 v9, v7  }
0x648: {  	v7 =	vsub.s32 v6, v7;
	v9 =	vshll.u32 v9, $0xA;
	v6 =	vand.u32 $0x7F, v6  }
0x649: {  	vm0 =	vlt.s32 v10, $0x1C;
	v10 =	vmul.u32 $0x1C, v10;
	v9 =	vand.u32 $0x7FC00, v9  }
0x64a: {  	vm1 =	vlt.u32 v7, $0x1C;
	v5 =	vadd.s32 v5, v7;
	v6 =	vor.u32 v9, v6  }
0x64b: {  	vm0 =	vmand vm0, vm1;
	v5 =	vadd.s32 v10, v5;
	v6 =	vadd.s32 $0x310, v6  }
0x64c: {  	v5 =	vsel vm0, v5, v6  }
0x64d: {  	[tilespmem:$0x10C90] =	vst v5  }
0x64e: {  	v5 =	vld.idx.msk [tilespmem:v8+s30+$0x0], $0xffff;
	_ =	sdelay $0x7  }
0x64f: {  	v7 =	vld.idx.msk [tilespmem:v5+s8+$0x0], $0xffff  }
0x650: {  	v6 =	vld [tilespmem:$0x104A0];
	_ =	sdelay $0x2  }
0x651: {  	v9 =	vld [tilespmem:$0xFCB0]  }
0x652: {  	v5 =	vshll.u32 v5, $0xA;
	v10 =	vsub.s32 v8, v7  }
0x653: {  	v7 =	vsub.s32 v6, v7;
	v8 =	vshll.u32 v8, $0xA;
	v6 =	vand.u32 $0x7F, v6  }
0x654: {  	vm0 =	vlt.s32 v10, $0x1C;
	v10 =	vmul.u32 $0x1C, v10;
	v8 =	vand.u32 $0x7FC00, v8  }
0x655: {  	vm1 =	vlt.u32 v7, $0x1C;
	v5 =	vadd.s32 v5, v7;
	v6 =	vor.u32 v8, v6  }
0x656: {  	vm0 =	vmand vm0, vm1;
	v5 =	vadd.s32 v10, v5;
	v6 =	vadd.s32 $0x310, v6  }
0x657: {  	v5 =	vsel vm0, v5, v6  }
0x658: {  	[tilespmem:$0x10CA0] =	vst v5  }
0x659: {  	v5 =	vld.idx.msk [tilespmem:v9+s30+$0x0], $0xffff;
	_ =	sdelay $0x7  }
0x65a: {  	v7 =	vld.idx.msk [tilespmem:v5+s8+$0x0], $0xffff  }
0x65b: {  	v6 =	vld [tilespmem:$0x104B0];
	_ =	sdelay $0x2  }
0x65c: {  	v8 =	vld [tilespmem:$0xFCC0]  }
0x65d: {  	v5 =	vshll.u32 v5, $0xA;
	v10 =	vsub.s32 v9, v7  }
0x65e: {  	v7 =	vsub.s32 v6, v7;
	v9 =	vshll.u32 v9, $0xA;
	v6 =	vand.u32 $0x7F, v6  }
0x65f: {  	vm0 =	vlt.s32 v10, $0x1C;
	v10 =	vmul.u32 $0x1C, v10;
	v9 =	vand.u32 $0x7FC00, v9  }
0x660: {  	vm1 =	vlt.u32 v7, $0x1C;
	v5 =	vadd.s32 v5, v7;
	v6 =	vor.u32 v9, v6  }
0x661: {  	vm0 =	vmand vm0, vm1;
	v5 =	vadd.s32 v10, v5;
	v6 =	vadd.s32 $0x310, v6  }
0x662: {  	v5 =	vsel vm0, v5, v6  }
0x663: {  	[tilespmem:$0x10CB0] =	vst v5  }
0x664: {  	v5 =	vld.idx.msk [tilespmem:v8+s30+$0x0], $0xffff;
	_ =	sdelay $0x7  }
0x665: {  	v7 =	vld.idx.msk [tilespmem:v5+s8+$0x0], $0xffff  }
0x666: {  	v6 =	vld [tilespmem:$0x104C0];
	_ =	sdelay $0x2  }
0x667: {  	v9 =	vld [tilespmem:$0xFCD0]  }
0x668: {  	v5 =	vshll.u32 v5, $0xA;
	v10 =	vsub.s32 v8, v7  }
0x669: {  	v7 =	vsub.s32 v6, v7;
	v8 =	vshll.u32 v8, $0xA;
	v6 =	vand.u32 $0x7F, v6  }
0x66a: {  	vm0 =	vlt.s32 v10, $0x1C;
	v10 =	vmul.u32 $0x1C, v10;
	v8 =	vand.u32 $0x7FC00, v8  }
0x66b: {  	vm1 =	vlt.u32 v7, $0x1C;
	v5 =	vadd.s32 v5, v7;
	v6 =	vor.u32 v8, v6  }
0x66c: {  	vm0 =	vmand vm0, vm1;
	v5 =	vadd.s32 v10, v5;
	v6 =	vadd.s32 $0x310, v6  }
0x66d: {  	v5 =	vsel vm0, v5, v6  }
0x66e: {  	[tilespmem:$0x10CC0] =	vst v5  }
0x66f: {  	v5 =	vld.idx.msk [tilespmem:v9+s30+$0x0], $0xffff;
	_ =	sdelay $0x7  }
0x670: {  	v7 =	vld.idx.msk [tilespmem:v5+s8+$0x0], $0xffff  }
0x671: {  	v6 =	vld [tilespmem:$0x104D0];
	_ =	sdelay $0x2  }
0x672: {  	v8 =	vld [tilespmem:$0xFCE0]  }
0x673: {  	v5 =	vshll.u32 v5, $0xA;
	v10 =	vsub.s32 v9, v7  }
0x674: {  	v7 =	vsub.s32 v6, v7;
	v9 =	vshll.u32 v9, $0xA;
	v6 =	vand.u32 $0x7F, v6  }
0x675: {  	vm0 =	vlt.s32 v10, $0x1C;
	v10 =	vmul.u32 $0x1C, v10;
	v9 =	vand.u32 $0x7FC00, v9  }
0x676: {  	vm1 =	vlt.u32 v7, $0x1C;
	v5 =	vadd.s32 v5, v7;
	v6 =	vor.u32 v9, v6  }
0x677: {  	vm0 =	vmand vm0, vm1;
	v5 =	vadd.s32 v10, v5;
	v6 =	vadd.s32 $0x310, v6  }
0x678: {  	v5 =	vsel vm0, v5, v6  }
0x679: {  	[tilespmem:$0x10CD0] =	vst v5  }
0x67a: {  	v5 =	vld.idx.msk [tilespmem:v8+s30+$0x0], $0xffff;
	_ =	sdelay $0x7  }
0x67b: {  	v7 =	vld.idx.msk [tilespmem:v5+s8+$0x0], $0xffff  }
0x67c: {  	v6 =	vld [tilespmem:$0x104E0];
	_ =	sdelay $0x2  }
0x67d: {  	v9 =	vld [tilespmem:$0xFCF0]  }
0x67e: {  	v5 =	vshll.u32 v5, $0xA;
	v10 =	vsub.s32 v8, v7  }
0x67f: {  	v7 =	vsub.s32 v6, v7;
	v8 =	vshll.u32 v8, $0xA;
	v6 =	vand.u32 $0x7F, v6  }
0x680: {  	vm0 =	vlt.s32 v10, $0x1C;
	v10 =	vmul.u32 $0x1C, v10;
	v8 =	vand.u32 $0x7FC00, v8  }
0x681: {  	vm1 =	vlt.u32 v7, $0x1C;
	v5 =	vadd.s32 v5, v7;
	v6 =	vor.u32 v8, v6  }
0x682: {  	vm0 =	vmand vm0, vm1;
	v5 =	vadd.s32 v10, v5;
	v6 =	vadd.s32 $0x310, v6  }
0x683: {  	v5 =	vsel vm0, v5, v6  }
0x684: {  	[tilespmem:$0x10CE0] =	vst v5  }
0x685: {  	v5 =	vld.idx.msk [tilespmem:v9+s30+$0x0], $0xffff;
	_ =	sdelay $0x7  }
0x686: {  	v7 =	vld.idx.msk [tilespmem:v5+s8+$0x0], $0xffff  }
0x687: {  	v6 =	vld [tilespmem:$0x104F0];
	_ =	sdelay $0x3  }
0x688: {  	v5 =	vshll.u32 v5, $0xA;
	v8 =	vsub.s32 v9, v7  }
0x689: {  	v7 =	vsub.s32 v6, v7;
	v9 =	vshll.u32 v9, $0xA;
	v6 =	vand.u32 $0x7F, v6  }
0x68a: {  	vm0 =	vlt.s32 v8, $0x1C;
	v8 =	vmul.u32 $0x1C, v8;
	v9 =	vand.u32 $0x7FC00, v9  }
0x68b: {  	vm1 =	vlt.u32 v7, $0x1C;
	v5 =	vadd.s32 v5, v7;
	v6 =	vor.u32 v9, v6  }
0x68c: {  	vm0 =	vmand vm0, vm1;
	v5 =	vadd.s32 v8, v5;
	v6 =	vadd.s32 $0x310, v6  }
0x68d: {  	v5 =	vsel vm0, v5, v6  }
0x68e: {  	s25 =	simm.s32 $0x10C80;
	[tilespmem:$0x10CF0] =	vst v5  }
0x68f: {  	[spmem:s3] =	stream.indirect.scatter.add.f32 [tilespmem:s9], [sflag:$0x5], $0x1, s25, s1, $0xb8;
	[tilespmem:$0x1AD80] =	vst v63  }
0x690: {  	_ =	swait.ge [sflag:s31], $0x80  }
0x691: {  	[sflag:s31] =	ssyncset.done $0x0  }
0x692: {  	[sflag:s31] =	ssyncadd.s32 $0xFFFFFF80  }
0x693: {  	_ =	swait.ge [sflag:s31], $0x80  }
0x694: {  	[sflag:s31] =	ssyncset.done $0x0  }
0x695: {  	[sflag:s31] =	ssyncadd.s32 $0xFFFFFF80  }
0x696: {  	_ =	swait.ge [sflag:s31], $0x80  }
0x697: {  	[sflag:s31] =	ssyncset.done $0x0  }
0x698: {  	[sflag:s31] =	ssyncadd.s32 $0xFFFFFF80  }
0x699: {  	_ =	swait.ge [sflag:s31], $0x80  }
0x69a: {  	[sflag:s31] =	ssyncset.done $0x0  }
0x69b: {  	[sflag:s31] =	ssyncadd.s32 $0xFFFFFF80  }
0x69c: {  	_ =	swait.ge [sflag:s31], $0x80  }
0x69d: {  	[sflag:s31] =	ssyncset.done $0x0  }
0x69e: {  	[sflag:s31] =	ssyncadd.s32 $0xFFFFFF80  }
0x69f: {  	_ =	swait.ge [sflag:s31], $0x80  }
0x6a0: {  	[sflag:s31] =	ssyncset.done $0x0  }
0x6a1: {  	[sflag:s31] =	ssyncadd.s32 $0xFFFFFF80  }
0x6a2: {  	_ =	swait.ge [sflag:s31], $0x80  }
0x6a3: {  	[sflag:s31] =	ssyncset.done $0x0  }
0x6a4: {  	[sflag:s31] =	ssyncadd.s32 $0xFFFFFF80  }
0x6a5: {  	_ =	swait.ge [sflag:s31], $0x80  }
0x6a6: {  	[sflag:s31] =	ssyncset.done $0x0  }
0x6a7: {  	[sflag:s31] =	ssyncadd.s32 $0xFFFFFF80  }
0x6a8: {  	_ =	swait.ge [sflag:s31], $0x80  }
0x6a9: {  	[sflag:s31] =	ssyncset.done $0x0  }
0x6aa: {  	[sflag:s31] =	ssyncadd.s32 $0xFFFFFF80  }
0x6ab: {  	_ =	swait.ge [sflag:s31], $0x80  }
0x6ac: {  	[sflag:s31] =	ssyncset.done $0x0  }
0x6ad: {  	[sflag:s31] =	ssyncadd.s32 $0xFFFFFF80  }
0x6ae: {  	_ =	swait.ge [sflag:s31], $0x80  }
0x6af: {  	[sflag:s31] =	ssyncset.done $0x0  }
0x6b0: {  	[sflag:s31] =	ssyncadd.s32 $0xFFFFFF80  }
0x6b1: {  	_ =	swait.ge [sflag:s31], $0x80  }
0x6b2: {  	[sflag:s31] =	ssyncset.done $0x0  }
0x6b3: {  	[sflag:s31] =	ssyncadd.s32 $0xFFFFFF80  }
0x6b4: {  	_ =	swait.ge [sflag:s31], $0x80  }
0x6b5: {  	v9 =	vor.u32 s4, v4;
	[sflag:s31] =	ssyncset.done $0x0  }
0x6b6: {  	v5 =	vshrl.u32 v9, $0x2;
	[sflag:s31] =	ssyncadd.s32 $0xFFFFFF80  }
0x6b7: {  	v6 =	vmulhi.u32 $0x24924925, v5;
	_ =	swait.ge [sflag:s31], $0x80  }
0x6b8: {  	[sflag:s31] =	ssyncset.done $0x0  }
0x6b9: {  	v5 =	vmul.u32 $0xFFFFFFE4, v6;
	[sflag:s31] =	ssyncadd.s32 $0xFFFFFF80  }
0x6ba: {  	v7 =	vmov s4;
	v8 =	vsub.s32 $0x0, v9;
	_ =	swait.ge [sflag:s31], $0x80  }
0x6bb: {  	vm0 =	veq.s32 v7, v4;
	vm1 =	vne.s32 v5, v8;
	[sflag:s31] =	ssyncset.done $0x0  }
0x6bc: {  	vm0 =	vmand vm0, vm1;
	[sflag:s31] =	ssyncadd.s32 $0xFFFFFF80  }
0x6bd: {  	s19 =	sadd.s32 $0x10, s4;
	v7 =	vsel vm0, $0xFFFFFFFF, v2;
	_ =	swait.ge [sflag:s31], $0x80  }
0x6be: {  	v5 =	vor.u32 s19, v4;
	v6 =	vadd.s32 v7, v6;
	[sflag:s31] =	ssyncset.done $0x0  }
0x6bf: {  	s12 =	stileid.u32;
	v7 =	vshrl.u32 v5, $0x2;
	[sflag:s31] =	ssyncadd.s32 $0xFFFFFF80  }
0x6c0: {  	s0 =	sshll.u32 s12, $0x6;
	v7 =	vmulhi.u32 $0x24924925, v7;
	[bflag:$0x0] =	sbarrier.arrive $0xFFFF  }
0x6c1: {  	s0 =	sor.u32 $0x1C05, s0;
	s13 =	sshrl.u32 s24, $0x3;
	s16 =	rddreg [dreg:$0xb]  }
0x6c2: {  	v8 =	vmul.u32 $0xFFFFFFE4, v7;
	[hbm:s16], [sflag:s0] =	dma.local [spmem:s13], $0x1000  }
0x6c3: {  	v11 =	vmov s19;
	v12 =	vsub.s32 $0x0, v5;
	v10 =	vld.idx.msk [tilespmem:v6+s8+$0x0], $0xffff  }
0x6c4: {  	vm0 =	veq.s32 v11, v4;
	vm1 =	vne.s32 v8, v12;
	v13 =	vld.idx.msk [tilespmem:v6+s2+$0x0], $0xffff  }
0x6c5: {  	vm0 =	vmand vm0, vm1  }
0x6c6: {  	s12 =	sadd.s32 $0x10, s19;
	v11 =	vmul.u32 $0xFFFFFFE4, v6;
	v8 =	vsel vm0, $0xFFFFFFFF, v2  }
0x6c7: {  	v7 =	vadd.s32 v8, v7;
	v6 =	vor.u32 s12, v4  }
0x6c8: {  	v63 =	vand.u32 $0xFF, v9;
	s25 =	simm.s32 $0x2400;
	v11 =	vadd.s32 v9, v11;
	v8 =	vshrl.u32 v6, $0x2  }
0x6c9: {  	s0 =	simm.s32 $0x40;
	s13 =	simm.s32 $0x80;
	s16 =	simm.s32 $0xC0;
	v9 =	vadd.s32 v11, v10;
	v10 =	vor.u32 $0x1000, v63;
	vm0 =	vlt.s32 v11, v13  }
.LBB2_11:
0x6ca: {  	p1 =	sne.s32 s16, $0x180;
	v8 =	vmulhi.u32 $0x24924925, v8;
	v9 =	vsel vm0, v9, v10;
	s19 =	sshra.s32 s30, $0x2;
	s30 =	smov.u32 s0  }
0x6cb: {  	s0 =	smov.u32 s13;
	s13 =	smov.u32 s16;
	[tilespmem:s19+$0xF400] =	vst v9  }
0x6cc: {  	v9 =	vmul.u32 $0xFFFFFFE4, v8;
	v10 =	vld.idx.msk [tilespmem:v7+s8+$0x0], $0xffff  }
0x6cd: {  	v11 =	vmov s12;
	v12 =	vsub.s32 $0x0, v6;
	v13 =	vld.idx.msk [tilespmem:v7+s2+$0x0], $0xffff  }
0x6ce: {  	vm0 =	veq.s32 v11, v4;
	vm1 =	vne.s32 v9, v12  }
.Ltmp7:
0x6cf: {  	vm0 =	vmand vm0, vm1;
	(pc) =	sbr.rel @p1 .LBB2_11-.Ltmp7, $4  }
0x6d0: {  	s12 =	sadd.s32 $0x10, s12;
	v11 =	vmul.u32 $0xFFFFFFE4, v7;
	v9 =	vsel vm0, $0xFFFFFFFF, v2  }
0x6d1: {  	v12 =	vor.u32 s12, v4;
	v7 =	vadd.s32 v9, v8  }
0x6d2: {  	v14 =	vand.u32 $0xFF, v5;
	v11 =	vadd.s32 v5, v11;
	v5 =	vmovc v6;
	v6 =	vmovc v12;
	v8 =	vshrl.u32 v12, $0x2  }
0x6d3: {  	s16 =	sadd.s32 $0x40, s16;
	v9 =	vadd.s32 v11, v10;
	v10 =	vor.u32 $0x1000, v14;
	vm0 =	vlt.s32 v11, v13  }
0x6d4: {  	_ = 	snop  }
0x6d5: {  	v8 =	vmulhi.u32 $0x24924925, v8  }
0x6d6: {  	v9 =	vsel vm0, v9, v10;
	s16 =	sshra.s32 s30, $0x2  }
0x6d7: {  	[tilespmem:s16+$0xF400] =	vst v9;
	v9 =	vmul.u32 $0xFFFFFFE4, v8  }
0x6d8: {  	v11 =	vmov s12;
	v12 =	vsub.s32 $0x0, v6;
	v10 =	vld.idx.msk [tilespmem:v7+s8+$0x0], $0xffff  }
0x6d9: {  	vm0 =	veq.s32 v11, v4;
	v13 =	vld.idx.msk [tilespmem:v7+s2+$0x0], $0xffff;
	vm1 =	vne.s32 v9, v12  }
0x6da: {  	vm0 =	vmand vm0, vm1  }
0x6db: {  	v7 =	vmul.u32 $0xFFFFFFE4, v7;
	v9 =	vsel vm0, $0xFFFFFFFF, v2  }
0x6dc: {  	v8 =	vadd.s32 v9, v8  }
0x6dd: {  	v7 =	vadd.s32 v5, v7;
	v5 =	vand.u32 $0xFF, v5  }
0x6de: {  	v5 =	vor.u32 $0x1000, v5;
	v9 =	vadd.s32 v7, v10;
	vm0 =	vlt.s32 v7, v13  }
0x6df: {  	s0 =	sshra.s32 s0, $0x2;
	v5 =	vsel vm0, v9, v5  }
0x6e0: {  	[tilespmem:s0+$0xF400] =	vst v5  }
0x6e1: {  	v5 =	vld.idx.msk [tilespmem:v8+s8+$0x0], $0xffff  }
0x6e2: {  	v7 =	vld.idx.msk [tilespmem:v8+s2+$0x0], $0xffff;
	_ =	sdelay $0x1  }
0x6e3: {  	v8 =	vmul.u32 $0xFFFFFFE4, v8;
	_ =	sdelay $0x1  }
0x6e4: {  	v8 =	vadd.s32 v6, v8;
	v6 =	vand.u32 $0xFF, v6  }
0x6e5: {  	v6 =	vor.u32 $0x1000, v6;
	v5 =	vadd.s32 v8, v5;
	vm0 =	vlt.s32 v8, v7  }
0x6e6: {  	s12 =	sshra.s32 s13, $0x2;
	v5 =	vsel vm0, v5, v6  }
0x6e7: {  	[tilespmem:s12+$0xF400] =	vst v5  }
0x6e8: {  	v5 =	vld [tilespmem:$0xF400];
	_ =	sdelay $0x4  }
0x6e9: {  	v6 =	vshll.u32 v5, $0x1  }
0x6ea: {  	v5 =	vand.u32 $0x7, v5;
	v6 =	vand.u32 $0xFFFFFFF0, v6  }
0x6eb: {  	v8 =	vor.u32 v5, v6;
	v5 =	vand.u32 $0x7, v4;
	v6 =	vshrl.u32 v4, $0x3  }
0x6ec: {  	v9 =	vperm.xlane v8, v5;
	v6 =	vmul.u32 $0x8, v6  }
0x6ed: {  	v7 =	vor.u32 $0x8, v4  }
0x6ee: {  	v8 =	vperm.xlane v8, v7;
	v9 =	vadd.s32 v6, v9;
	_ =	sdelay $0x1  }
0x6ef: {  	v8 =	vadd.s32 v6, v8;
	_ =	sdelay $0x1  }
0x6f0: {  	s30 =	simm.s32 $0x0;
	vm0 =	vmmov $0xffff  }
0x6f1: {  	[tilespmem:s11], [sflag:$0x1] =	stream.indirect_vreg.gather [hbm4b:s23+s30], $0x80, v9, vm0, $0xb8;
	[tilespmem:$0x1AD80] =	vst v63  }
0x6f2: {  	s19 =	simm.s32 $0x1C00  }
0x6f3: {  	[tilespmem:s19], [sflag:$0x1] =	stream.indirect_vreg.gather [hbm4b:s23+s30], $0x80, v8, vm0, $0xb8;
	[tilespmem:$0x1AD80] =	vst v63  }
0x6f4: {  	v8 =	vld [tilespmem:$0xF410];
	_ =	sdelay $0x4  }
0x6f5: {  	v9 =	vshll.u32 v8, $0x1  }
0x6f6: {  	v8 =	vand.u32 $0x7, v8;
	v9 =	vand.u32 $0xFFFFFFF0, v9  }
0x6f7: {  	v8 =	vor.u32 v8, v9  }
0x6f8: {  	v9 =	vperm.xlane v8, v5;
	_ =	sdelay $0x1  }
0x6f9: {  	v8 =	vperm.xlane v8, v7;
	v9 =	vadd.s32 v6, v9;
	_ =	sdelay $0x1  }
0x6fa: {  	v8 =	vadd.s32 v6, v8;
	_ =	sdelay $0x2  }
0x6fb: {  	[tilespmem:s25], [sflag:$0x1] =	stream.indirect_vreg.gather [hbm4b:s23+s30], $0x80, v9, vm0, $0xb8;
	[tilespmem:$0x1AD80] =	vst v63  }
0x6fc: {  	s13 =	simm.s32 $0x2C00  }
0x6fd: {  	[tilespmem:s13], [sflag:$0x1] =	stream.indirect_vreg.gather [hbm4b:s23+s30], $0x80, v8, vm0, $0xb8;
	[tilespmem:$0x1AD80] =	vst v63  }
0x6fe: {  	v8 =	vld [tilespmem:$0xF420];
	_ =	sdelay $0x4  }
0x6ff: {  	v9 =	vshll.u32 v8, $0x1  }
0x700: {  	v8 =	vand.u32 $0x7, v8;
	v9 =	vand.u32 $0xFFFFFFF0, v9  }
0x701: {  	v8 =	vor.u32 v8, v9  }
0x702: {  	v9 =	vperm.xlane v8, v5;
	_ =	sdelay $0x1  }
0x703: {  	v8 =	vperm.xlane v8, v7;
	v9 =	vadd.s32 v6, v9;
	_ =	sdelay $0x1  }
0x704: {  	v8 =	vadd.s32 v6, v8;
	_ =	sdelay $0x1  }
0x705: {  	s16 =	simm.s32 $0x3400  }
0x706: {  	[tilespmem:s16], [sflag:$0x1] =	stream.indirect_vreg.gather [hbm4b:s23+s30], $0x80, v9, vm0, $0xb8;
	[tilespmem:$0x1AD80] =	vst v63  }
0x707: {  	s12 =	simm.s32 $0x3C00  }
0x708: {  	[tilespmem:s12], [sflag:$0x1] =	stream.indirect_vreg.gather [hbm4b:s23+s30], $0x80, v8, vm0, $0xb8;
	[tilespmem:$0x1AD80] =	vst v63  }
0x709: {  	v8 =	vld [tilespmem:$0xF430];
	_ =	sdelay $0x4  }
0x70a: {  	v9 =	vshll.u32 v8, $0x1  }
0x70b: {  	v8 =	vand.u32 $0x7, v8;
	v9 =	vand.u32 $0xFFFFFFF0, v9  }
0x70c: {  	v8 =	vor.u32 v8, v9  }
0x70d: {  	v9 =	vperm.xlane v8, v5;
	_ =	sdelay $0x1  }
0x70e: {  	v8 =	vperm.xlane v8, v7;
	v9 =	vadd.s32 v6, v9;
	_ =	sdelay $0x1  }
0x70f: {  	v8 =	vadd.s32 v6, v8;
	_ =	sdelay $0x1  }
0x710: {  	s13 =	simm.s32 $0x4400  }
0x711: {  	[tilespmem:s13], [sflag:$0x1] =	stream.indirect_vreg.gather [hbm4b:s23+s30], $0x80, v9, vm0, $0xb8;
	[tilespmem:$0x1AD80] =	vst v63  }
0x712: {  	s16 =	simm.s32 $0x4C00  }
0x713: {  	[tilespmem:s16], [sflag:$0x1] =	stream.indirect_vreg.gather [hbm4b:s23+s30], $0x80, v8, vm0, $0xb8;
	[tilespmem:$0x1AD80] =	vst v63  }
0x714: {  	v8 =	vld [tilespmem:$0xF440];
	_ =	sdelay $0x4  }
0x715: {  	v9 =	vshll.u32 v8, $0x1  }
0x716: {  	v8 =	vand.u32 $0x7, v8;
	v9 =	vand.u32 $0xFFFFFFF0, v9  }
0x717: {  	v8 =	vor.u32 v8, v9  }
0x718: {  	v9 =	vperm.xlane v8, v5;
	_ =	sdelay $0x1  }
0x719: {  	v8 =	vperm.xlane v8, v7;
	v9 =	vadd.s32 v6, v9;
	_ =	sdelay $0x1  }
0x71a: {  	v8 =	vadd.s32 v6, v8;
	_ =	sdelay $0x1  }
0x71b: {  	s12 =	simm.s32 $0x5400  }
0x71c: {  	[tilespmem:s12], [sflag:$0x1] =	stream.indirect_vreg.gather [hbm4b:s23+s30], $0x80, v9, vm0, $0xb8;
	[tilespmem:$0x1AD80] =	vst v63  }
0x71d: {  	s13 =	simm.s32 $0x5C00  }
0x71e: {  	[tilespmem:s13], [sflag:$0x1] =	stream.indirect_vreg.gather [hbm4b:s23+s30], $0x80, v8, vm0, $0xb8;
	[tilespmem:$0x1AD80] =	vst v63  }
0x71f: {  	v8 =	vld [tilespmem:$0xF450];
	_ =	sdelay $0x4  }
0x720: {  	v9 =	vshll.u32 v8, $0x1  }
0x721: {  	v8 =	vand.u32 $0x7, v8;
	v9 =	vand.u32 $0xFFFFFFF0, v9  }
0x722: {  	v8 =	vor.u32 v8, v9  }
0x723: {  	v9 =	vperm.xlane v8, v5;
	_ =	sdelay $0x1  }
0x724: {  	v8 =	vperm.xlane v8, v7;
	v9 =	vadd.s32 v6, v9;
	_ =	sdelay $0x1  }
0x725: {  	v8 =	vadd.s32 v6, v8;
	_ =	sdelay $0x1  }
0x726: {  	s16 =	simm.s32 $0x6400  }
0x727: {  	[tilespmem:s16], [sflag:$0x1] =	stream.indirect_vreg.gather [hbm4b:s23+s30], $0x80, v9, vm0, $0xb8;
	[tilespmem:$0x1AD80] =	vst v63  }
0x728: {  	s12 =	simm.s32 $0x6C00  }
0x729: {  	[tilespmem:s12], [sflag:$0x1] =	stream.indirect_vreg.gather [hbm4b:s23+s30], $0x80, v8, vm0, $0xb8;
	[tilespmem:$0x1AD80] =	vst v63  }
0x72a: {  	v8 =	vld [tilespmem:$0xF460];
	_ =	sdelay $0x4  }
0x72b: {  	v9 =	vshll.u32 v8, $0x1  }
0x72c: {  	v8 =	vand.u32 $0x7, v8;
	v9 =	vand.u32 $0xFFFFFFF0, v9  }
0x72d: {  	v8 =	vor.u32 v8, v9  }
0x72e: {  	v9 =	vperm.xlane v8, v5;
	_ =	sdelay $0x1  }
0x72f: {  	v10 =	vadd.s32 v6, v9;
	v9 =	vperm.xlane v8, v7  }
0x730: {  	v8 =	vor.u32 s15, v4  }
0x731: {  	v11 =	vadd.s32 v6, v9;
	v9 =	vshrl.u32 v8, $0x2  }
0x732: {  	v9 =	vmulhi.u32 $0x24924925, v9;
	_ =	sdelay $0x1  }
0x733: {  	s13 =	simm.s32 $0x7400  }
0x734: {  	[tilespmem:s13], [sflag:$0x1] =	stream.indirect_vreg.gather [hbm4b:s23+s30], $0x80, v10, vm0, $0xb8;
	[tilespmem:$0x1AD80] =	vst v63  }
0x735: {  	s16 =	simm.s32 $0x7C00  }
0x736: {  	[tilespmem:s16], [sflag:$0x1] =	stream.indirect_vreg.gather [hbm4b:s23+s30], $0x80, v11, vm0, $0xb8;
	[tilespmem:$0x1AD80] =	vst v63  }
0x737: {  	s12 =	sadd.s32 $0x10, s15;
	v11 =	vld.idx.msk [tilespmem:v9+s8+$0x0], $0xffff  }
0x738: {  	v10 =	vor.u32 s12, v4;
	v12 =	vld.idx.msk [tilespmem:v9+s2+$0x0], $0xffff  }
0x739: {  	s0 =	simm.s32 $0x40;
	s13 =	simm.s32 $0x80;
	v13 =	vshrl.u32 v10, $0x2  }
.LBB2_13:
0x73a: {  	p1 =	sne.s32 s13, $0x180;
	v14 =	vmul.u32 $0xFFFFFFE4, v9;
	v9 =	vmulhi.u32 $0x24924925, v13;
	_ =	sdelay $0x1  }
0x73b: {  	v13 =	vadd.s32 v8, v14;
	v14 =	vand.u32 $0xFF, v8;
	v8 =	vmov v10  }
0x73c: {  	v10 =	vadd.s32 v13, v11;
	v11 =	vor.u32 $0x1000, v14;
	vm1 =	vlt.s32 v13, v12  }
0x73d: {  	s16 =	sshra.s32 s30, $0x2;
	s30 =	smov.u32 s0;
	s0 =	smov.u32 s13;
	v10 =	vsel vm1, v10, v11  }
.Ltmp8:
0x73e: {  	[tilespmem:s16+$0xF480] =	vst v10;
	(pc) =	sbr.rel @p1 .LBB2_13-.Ltmp8, $4  }
0x73f: {  	v11 =	vld.idx.msk [tilespmem:v9+s8+$0x0], $0xffff  }
0x740: {  	s12 =	sadd.s32 $0x10, s12;
	v12 =	vld.idx.msk [tilespmem:v9+s2+$0x0], $0xffff  }
0x741: {  	v10 =	vor.u32 s12, v4  }
0x742: {  	s13 =	sadd.s32 $0x40, s13;
	v13 =	vshrl.u32 v10, $0x2  }
0x743: {  	v13 =	vmulhi.u32 $0x24924925, v13;
	v9 =	vmul.u32 $0xFFFFFFE4, v9;
	_ =	sdelay $0x1  }
0x744: {  	v9 =	vadd.s32 v8, v9;
	v8 =	vand.u32 $0xFF, v8  }
0x745: {  	v11 =	vadd.s32 v9, v11;
	v8 =	vor.u32 $0x1000, v8;
	vm1 =	vlt.s32 v9, v12  }
0x746: {  	s12 =	sshra.s32 s30, $0x2;
	v8 =	vsel vm1, v11, v8  }
0x747: {  	[tilespmem:s12+$0xF480] =	vst v8  }
0x748: {  	v8 =	vld.idx.msk [tilespmem:v13+s8+$0x0], $0xffff  }
0x749: {  	v9 =	vld.idx.msk [tilespmem:v13+s2+$0x0], $0xffff;
	_ =	sdelay $0x1  }
0x74a: {  	v11 =	vmul.u32 $0xFFFFFFE4, v13;
	_ =	sdelay $0x1  }
0x74b: {  	v11 =	vadd.s32 v10, v11;
	v10 =	vand.u32 $0xFF, v10  }
0x74c: {  	v10 =	vor.u32 $0x1000, v10;
	v8 =	vadd.s32 v11, v8;
	vm1 =	vlt.s32 v11, v9  }
0x74d: {  	s0 =	sshra.s32 s0, $0x2;
	v8 =	vsel vm1, v8, v10  }
0x74e: {  	[tilespmem:s0+$0xF480] =	vst v8  }
0x74f: {  	v8 =	vld [tilespmem:$0xF480];
	_ =	sdelay $0x4  }
0x750: {  	v9 =	vshll.u32 v8, $0x1  }
0x751: {  	v8 =	vand.u32 $0x7, v8;
	v9 =	vand.u32 $0xFFFFFFF0, v9  }
0x752: {  	v8 =	vor.u32 v8, v9  }
0x753: {  	v9 =	vperm.xlane v8, v5;
	_ =	sdelay $0x1  }
0x754: {  	v8 =	vperm.xlane v8, v7;
	v9 =	vadd.s32 v6, v9;
	_ =	sdelay $0x1  }
0x755: {  	v8 =	vadd.s32 v6, v8;
	_ =	sdelay $0x1  }
0x756: {  	s30 =	simm.s32 $0x0  }
0x757: {  	[tilespmem:s14], [sflag:$0x2] =	stream.indirect_vreg.gather [hbm4b:s23+s30], $0x80, v9, vm0, $0xb8;
	[tilespmem:$0x1AD80] =	vst v63  }
0x758: {  	s13 =	simm.s32 $0x8C00  }
0x759: {  	[tilespmem:s13], [sflag:$0x2] =	stream.indirect_vreg.gather [hbm4b:s23+s30], $0x80, v8, vm0, $0xb8;
	[tilespmem:$0x1AD80] =	vst v63  }
0x75a: {  	v8 =	vld [tilespmem:$0xF490];
	_ =	sdelay $0x4  }
0x75b: {  	v9 =	vshll.u32 v8, $0x1  }
0x75c: {  	v8 =	vand.u32 $0x7, v8;
	v9 =	vand.u32 $0xFFFFFFF0, v9  }
0x75d: {  	v8 =	vor.u32 v8, v9  }
0x75e: {  	v9 =	vperm.xlane v8, v5;
	_ =	sdelay $0x1  }
0x75f: {  	v8 =	vperm.xlane v8, v7;
	v9 =	vadd.s32 v6, v9;
	_ =	sdelay $0x1  }
0x760: {  	v8 =	vadd.s32 v6, v8;
	_ =	sdelay $0x1  }
0x761: {  	s16 =	simm.s32 $0x9400  }
0x762: {  	[tilespmem:s16], [sflag:$0x2] =	stream.indirect_vreg.gather [hbm4b:s23+s30], $0x80, v9, vm0, $0xb8;
	[tilespmem:$0x1AD80] =	vst v63  }
0x763: {  	s12 =	simm.s32 $0x9C00  }
0x764: {  	[tilespmem:s12], [sflag:$0x2] =	stream.indirect_vreg.gather [hbm4b:s23+s30], $0x80, v8, vm0, $0xb8;
	[tilespmem:$0x1AD80] =	vst v63  }
0x765: {  	v8 =	vld [tilespmem:$0xF4A0];
	_ =	sdelay $0x4  }
0x766: {  	v9 =	vshll.u32 v8, $0x1  }
0x767: {  	v8 =	vand.u32 $0x7, v8;
	v9 =	vand.u32 $0xFFFFFFF0, v9  }
0x768: {  	v8 =	vor.u32 v8, v9  }
0x769: {  	v9 =	vperm.xlane v8, v5;
	_ =	sdelay $0x1  }
0x76a: {  	v8 =	vperm.xlane v8, v7;
	v9 =	vadd.s32 v6, v9;
	_ =	sdelay $0x1  }
0x76b: {  	v8 =	vadd.s32 v6, v8;
	_ =	sdelay $0x1  }
0x76c: {  	s13 =	simm.s32 $0xA400  }
0x76d: {  	[tilespmem:s13], [sflag:$0x2] =	stream.indirect_vreg.gather [hbm4b:s23+s30], $0x80, v9, vm0, $0xb8;
	[tilespmem:$0x1AD80] =	vst v63  }
0x76e: {  	s16 =	simm.s32 $0xAC00  }
0x76f: {  	[tilespmem:s16], [sflag:$0x2] =	stream.indirect_vreg.gather [hbm4b:s23+s30], $0x80, v8, vm0, $0xb8;
	[tilespmem:$0x1AD80] =	vst v63  }
0x770: {  	v8 =	vld [tilespmem:$0xF4B0];
	_ =	sdelay $0x4  }
0x771: {  	v9 =	vshll.u32 v8, $0x1  }
0x772: {  	v8 =	vand.u32 $0x7, v8;
	v9 =	vand.u32 $0xFFFFFFF0, v9  }
0x773: {  	v8 =	vor.u32 v8, v9  }
0x774: {  	v9 =	vperm.xlane v8, v5;
	_ =	sdelay $0x1  }
0x775: {  	v8 =	vperm.xlane v8, v7;
	v9 =	vadd.s32 v6, v9;
	_ =	sdelay $0x1  }
0x776: {  	v8 =	vadd.s32 v6, v8;
	_ =	sdelay $0x1  }
0x777: {  	s12 =	simm.s32 $0xB400  }
0x778: {  	[tilespmem:s12], [sflag:$0x2] =	stream.indirect_vreg.gather [hbm4b:s23+s30], $0x80, v9, vm0, $0xb8;
	[tilespmem:$0x1AD80] =	vst v63  }
0x779: {  	s13 =	simm.s32 $0xBC00  }
0x77a: {  	[tilespmem:s13], [sflag:$0x2] =	stream.indirect_vreg.gather [hbm4b:s23+s30], $0x80, v8, vm0, $0xb8;
	[tilespmem:$0x1AD80] =	vst v63  }
0x77b: {  	v8 =	vld [tilespmem:$0xF4C0];
	_ =	sdelay $0x4  }
0x77c: {  	v9 =	vshll.u32 v8, $0x1  }
0x77d: {  	v8 =	vand.u32 $0x7, v8;
	v9 =	vand.u32 $0xFFFFFFF0, v9  }
0x77e: {  	v8 =	vor.u32 v8, v9  }
0x77f: {  	v9 =	vperm.xlane v8, v5;
	_ =	sdelay $0x1  }
0x780: {  	v8 =	vperm.xlane v8, v7;
	v9 =	vadd.s32 v6, v9;
	_ =	sdelay $0x1  }
0x781: {  	v8 =	vadd.s32 v6, v8;
	_ =	sdelay $0x1  }
0x782: {  	s16 =	simm.s32 $0xC400  }
0x783: {  	[tilespmem:s16], [sflag:$0x2] =	stream.indirect_vreg.gather [hbm4b:s23+s30], $0x80, v9, vm0, $0xb8;
	[tilespmem:$0x1AD80] =	vst v63  }
0x784: {  	s12 =	simm.s32 $0xCC00  }
0x785: {  	[tilespmem:s12], [sflag:$0x2] =	stream.indirect_vreg.gather [hbm4b:s23+s30], $0x80, v8, vm0, $0xb8;
	[tilespmem:$0x1AD80] =	vst v63  }
0x786: {  	v8 =	vld [tilespmem:$0xF4D0];
	_ =	sdelay $0x4  }
0x787: {  	v9 =	vshll.u32 v8, $0x1  }
0x788: {  	v8 =	vand.u32 $0x7, v8;
	v9 =	vand.u32 $0xFFFFFFF0, v9  }
0x789: {  	v8 =	vor.u32 v8, v9  }
0x78a: {  	v9 =	vperm.xlane v8, v5;
	_ =	sdelay $0x1  }
0x78b: {  	v8 =	vperm.xlane v8, v7;
	v9 =	vadd.s32 v6, v9;
	_ =	sdelay $0x1  }
0x78c: {  	v8 =	vadd.s32 v6, v8;
	_ =	sdelay $0x1  }
0x78d: {  	s13 =	simm.s32 $0xD400  }
0x78e: {  	[tilespmem:s13], [sflag:$0x2] =	stream.indirect_vreg.gather [hbm4b:s23+s30], $0x80, v9, vm0, $0xb8;
	[tilespmem:$0x1AD80] =	vst v63  }
0x78f: {  	s16 =	simm.s32 $0xDC00  }
0x790: {  	[tilespmem:s16], [sflag:$0x2] =	stream.indirect_vreg.gather [hbm4b:s23+s30], $0x80, v8, vm0, $0xb8;
	[tilespmem:$0x1AD80] =	vst v63  }
0x791: {  	v8 =	vld [tilespmem:$0xF4E0];
	_ =	sdelay $0x4  }
0x792: {  	v9 =	vshll.u32 v8, $0x1  }
0x793: {  	v8 =	vand.u32 $0x7, v8;
	v9 =	vand.u32 $0xFFFFFFF0, v9  }
0x794: {  	v8 =	vor.u32 v8, v9  }
0x795: {  	v9 =	vperm.xlane v8, v5;
	_ =	sdelay $0x1  }
0x796: {  	v8 =	vperm.xlane v8, v7;
	v9 =	vadd.s32 v6, v9;
	_ =	sdelay $0x1  }
0x797: {  	v10 =	vadd.s32 v6, v8;
	_ =	sdelay $0x1  }
0x798: {  	s12 =	simm.s32 $0xE400;
	v8 =	vor.u32 s17, v4  }
0x799: {  	[tilespmem:s12], [sflag:$0x2] =	stream.indirect_vreg.gather [hbm4b:s23+s30], $0x80, v9, vm0, $0xb8;
	v9 =	vshrl.u32 v8, $0x2;
	[tilespmem:$0x1AD80] =	vst v63  }
0x79a: {  	s13 =	simm.s32 $0xEC00;
	v9 =	vmulhi.u32 $0x24924925, v9  }
0x79b: {  	[tilespmem:s13], [sflag:$0x2] =	stream.indirect_vreg.gather [hbm4b:s23+s30], $0x80, v10, vm0, $0xb8;
	[tilespmem:$0x1AD80] =	vst v63  }
0x79c: {  	_ =	swait.ge [sflag:s20], $0x7000  }
0x79d: {  	[sflag:s20] =	ssyncset.done $0x0  }
0x79e: {  	s16 =	rddreg [dreg:$0xc];
	[sflag:s20] =	ssyncadd.s32 $0xFFFF9000  }
0x79f: {  	[hbm4b:s16+s30] =	stream.linear.scatter [tilespmem:s11], [sflag:$0x3], $0x7000, $0x38;
	[tilespmem:$0x1AD80] =	vst v63  }
0x7a0: {  	s12 =	sadd.s32 $0x10, s17;
	v11 =	vld.idx.msk [tilespmem:v9+s8+$0x0], $0xffff  }
0x7a1: {  	v10 =	vor.u32 s12, v4;
	v12 =	vld.idx.msk [tilespmem:v9+s2+$0x0], $0xffff  }
0x7a2: {  	s0 =	simm.s32 $0x40;
	s13 =	simm.s32 $0x80;
	v13 =	vshrl.u32 v10, $0x2  }
.LBB2_15:
0x7a3: {  	p1 =	sne.s32 s13, $0x180;
	v14 =	vmul.u32 $0xFFFFFFE4, v9;
	v9 =	vmulhi.u32 $0x24924925, v13;
	_ =	sdelay $0x1  }
0x7a4: {  	v13 =	vadd.s32 v8, v14;
	v14 =	vand.u32 $0xFF, v8;
	v8 =	vmov v10  }
0x7a5: {  	v10 =	vadd.s32 v13, v11;
	v11 =	vor.u32 $0x1000, v14;
	vm1 =	vlt.s32 v13, v12  }
0x7a6: {  	s16 =	sshra.s32 s30, $0x2;
	s30 =	smov.u32 s0;
	s0 =	smov.u32 s13;
	v10 =	vsel vm1, v10, v11  }
.Ltmp9:
0x7a7: {  	[tilespmem:s16+$0xF400] =	vst v10;
	(pc) =	sbr.rel @p1 .LBB2_15-.Ltmp9, $4  }
0x7a8: {  	v11 =	vld.idx.msk [tilespmem:v9+s8+$0x0], $0xffff  }
0x7a9: {  	s12 =	sadd.s32 $0x10, s12;
	v12 =	vld.idx.msk [tilespmem:v9+s2+$0x0], $0xffff  }
0x7aa: {  	v10 =	vor.u32 s12, v4  }
0x7ab: {  	s13 =	sadd.s32 $0x40, s13;
	v13 =	vshrl.u32 v10, $0x2  }
0x7ac: {  	v13 =	vmulhi.u32 $0x24924925, v13;
	v9 =	vmul.u32 $0xFFFFFFE4, v9;
	_ =	sdelay $0x1  }
0x7ad: {  	v9 =	vadd.s32 v8, v9;
	v8 =	vand.u32 $0xFF, v8  }
0x7ae: {  	v11 =	vadd.s32 v9, v11;
	v8 =	vor.u32 $0x1000, v8;
	vm1 =	vlt.s32 v9, v12  }
0x7af: {  	s12 =	sshra.s32 s30, $0x2;
	v8 =	vsel vm1, v11, v8  }
0x7b0: {  	[tilespmem:s12+$0xF400] =	vst v8  }
0x7b1: {  	v8 =	vld.idx.msk [tilespmem:v13+s8+$0x0], $0xffff  }
0x7b2: {  	v9 =	vld.idx.msk [tilespmem:v13+s2+$0x0], $0xffff;
	_ =	sdelay $0x1  }
0x7b3: {  	v11 =	vmul.u32 $0xFFFFFFE4, v13;
	_ =	sdelay $0x1  }
0x7b4: {  	v11 =	vadd.s32 v10, v11;
	v10 =	vand.u32 $0xFF, v10  }
0x7b5: {  	v10 =	vor.u32 $0x1000, v10;
	v8 =	vadd.s32 v11, v8;
	vm1 =	vlt.s32 v11, v9  }
0x7b6: {  	s0 =	sshra.s32 s0, $0x2;
	v8 =	vsel vm1, v8, v10  }
0x7b7: {  	[tilespmem:s0+$0xF400] =	vst v8  }
0x7b8: {  	_ =	swait.ge [sflag:s21], $0x7000  }
0x7b9: {  	[sflag:s21] =	ssyncset.done $0x0  }
0x7ba: {  	[sflag:s21] =	ssyncadd.s32 $0xFFFF9000  }
0x7bb: {  	v8 =	vld [tilespmem:$0xF400];
	_ =	sdelay $0x4  }
0x7bc: {  	v9 =	vshll.u32 v8, $0x1  }
0x7bd: {  	v8 =	vand.u32 $0x7, v8;
	v9 =	vand.u32 $0xFFFFFFF0, v9  }
0x7be: {  	v8 =	vor.u32 v8, v9  }
0x7bf: {  	v9 =	vperm.xlane v8, v5;
	_ =	sdelay $0x1  }
0x7c0: {  	v8 =	vperm.xlane v8, v7;
	v9 =	vadd.s32 v6, v9;
	_ =	sdelay $0x1  }
0x7c1: {  	v8 =	vadd.s32 v6, v8;
	_ =	sdelay $0x1  }
0x7c2: {  	s30 =	simm.s32 $0x0  }
0x7c3: {  	[tilespmem:s11], [sflag:$0x1] =	stream.indirect_vreg.gather [hbm4b:s23+s30], $0x80, v9, vm0, $0xb8;
	[tilespmem:$0x1AD80] =	vst v63  }
0x7c4: {  	_ = 	snop  }
0x7c5: {  	[tilespmem:s19], [sflag:$0x1] =	stream.indirect_vreg.gather [hbm4b:s23+s30], $0x80, v8, vm0, $0xb8;
	[tilespmem:$0x1AD80] =	vst v63  }
0x7c6: {  	v8 =	vld [tilespmem:$0xF410];
	_ =	sdelay $0x4  }
0x7c7: {  	v9 =	vshll.u32 v8, $0x1  }
0x7c8: {  	v8 =	vand.u32 $0x7, v8;
	v9 =	vand.u32 $0xFFFFFFF0, v9  }
0x7c9: {  	v8 =	vor.u32 v8, v9  }
0x7ca: {  	v9 =	vperm.xlane v8, v5;
	_ =	sdelay $0x1  }
0x7cb: {  	v8 =	vperm.xlane v8, v7;
	v9 =	vadd.s32 v6, v9;
	_ =	sdelay $0x1  }
0x7cc: {  	v8 =	vadd.s32 v6, v8;
	_ =	sdelay $0x2  }
0x7cd: {  	[tilespmem:s25], [sflag:$0x1] =	stream.indirect_vreg.gather [hbm4b:s23+s30], $0x80, v9, vm0, $0xb8;
	[tilespmem:$0x1AD80] =	vst v63  }
0x7ce: {  	s19 =	simm.s32 $0x2C00  }
0x7cf: {  	[tilespmem:s19], [sflag:$0x1] =	stream.indirect_vreg.gather [hbm4b:s23+s30], $0x80, v8, vm0, $0xb8;
	[tilespmem:$0x1AD80] =	vst v63  }
0x7d0: {  	v8 =	vld [tilespmem:$0xF420];
	_ =	sdelay $0x4  }
0x7d1: {  	v9 =	vshll.u32 v8, $0x1  }
0x7d2: {  	v8 =	vand.u32 $0x7, v8;
	v9 =	vand.u32 $0xFFFFFFF0, v9  }
0x7d3: {  	v8 =	vor.u32 v8, v9  }
0x7d4: {  	v9 =	vperm.xlane v8, v5;
	_ =	sdelay $0x1  }
0x7d5: {  	v8 =	vperm.xlane v8, v7;
	v9 =	vadd.s32 v6, v9;
	_ =	sdelay $0x1  }
0x7d6: {  	v8 =	vadd.s32 v6, v8;
	_ =	sdelay $0x1  }
0x7d7: {  	s25 =	simm.s32 $0x3400  }
0x7d8: {  	[tilespmem:s25], [sflag:$0x1] =	stream.indirect_vreg.gather [hbm4b:s23+s30], $0x80, v9, vm0, $0xb8;
	[tilespmem:$0x1AD80] =	vst v63  }
0x7d9: {  	s12 =	simm.s32 $0x3C00  }
0x7da: {  	[tilespmem:s12], [sflag:$0x1] =	stream.indirect_vreg.gather [hbm4b:s23+s30], $0x80, v8, vm0, $0xb8;
	[tilespmem:$0x1AD80] =	vst v63  }
0x7db: {  	v8 =	vld [tilespmem:$0xF430];
	_ =	sdelay $0x4  }
0x7dc: {  	v9 =	vshll.u32 v8, $0x1  }
0x7dd: {  	v8 =	vand.u32 $0x7, v8;
	v9 =	vand.u32 $0xFFFFFFF0, v9  }
0x7de: {  	v8 =	vor.u32 v8, v9  }
0x7df: {  	v9 =	vperm.xlane v8, v5;
	_ =	sdelay $0x1  }
0x7e0: {  	v8 =	vperm.xlane v8, v7;
	v9 =	vadd.s32 v6, v9;
	_ =	sdelay $0x1  }
0x7e1: {  	v8 =	vadd.s32 v6, v8;
	_ =	sdelay $0x1  }
0x7e2: {  	s13 =	simm.s32 $0x4400  }
0x7e3: {  	[tilespmem:s13], [sflag:$0x1] =	stream.indirect_vreg.gather [hbm4b:s23+s30], $0x80, v9, vm0, $0xb8;
	[tilespmem:$0x1AD80] =	vst v63  }
0x7e4: {  	s16 =	simm.s32 $0x4C00  }
0x7e5: {  	[tilespmem:s16], [sflag:$0x1] =	stream.indirect_vreg.gather [hbm4b:s23+s30], $0x80, v8, vm0, $0xb8;
	[tilespmem:$0x1AD80] =	vst v63  }
0x7e6: {  	v8 =	vld [tilespmem:$0xF440];
	_ =	sdelay $0x4  }
0x7e7: {  	v9 =	vshll.u32 v8, $0x1  }
0x7e8: {  	v8 =	vand.u32 $0x7, v8;
	v9 =	vand.u32 $0xFFFFFFF0, v9  }
0x7e9: {  	v8 =	vor.u32 v8, v9  }
0x7ea: {  	v9 =	vperm.xlane v8, v5;
	_ =	sdelay $0x1  }
0x7eb: {  	v8 =	vperm.xlane v8, v7;
	v9 =	vadd.s32 v6, v9;
	_ =	sdelay $0x1  }
0x7ec: {  	v8 =	vadd.s32 v6, v8;
	_ =	sdelay $0x1  }
0x7ed: {  	s19 =	simm.s32 $0x5400  }
0x7ee: {  	[tilespmem:s19], [sflag:$0x1] =	stream.indirect_vreg.gather [hbm4b:s23+s30], $0x80, v9, vm0, $0xb8;
	[tilespmem:$0x1AD80] =	vst v63  }
0x7ef: {  	s25 =	simm.s32 $0x5C00  }
0x7f0: {  	[tilespmem:s25], [sflag:$0x1] =	stream.indirect_vreg.gather [hbm4b:s23+s30], $0x80, v8, vm0, $0xb8;
	[tilespmem:$0x1AD80] =	vst v63  }
0x7f1: {  	v8 =	vld [tilespmem:$0xF450];
	_ =	sdelay $0x4  }
0x7f2: {  	v9 =	vshll.u32 v8, $0x1  }
0x7f3: {  	v8 =	vand.u32 $0x7, v8;
	v9 =	vand.u32 $0xFFFFFFF0, v9  }
0x7f4: {  	v8 =	vor.u32 v8, v9  }
0x7f5: {  	v9 =	vperm.xlane v8, v5;
	_ =	sdelay $0x1  }
0x7f6: {  	v8 =	vperm.xlane v8, v7;
	v9 =	vadd.s32 v6, v9;
	_ =	sdelay $0x1  }
0x7f7: {  	v8 =	vadd.s32 v6, v8;
	_ =	sdelay $0x1  }
0x7f8: {  	s12 =	simm.s32 $0x6400  }
0x7f9: {  	[tilespmem:s12], [sflag:$0x1] =	stream.indirect_vreg.gather [hbm4b:s23+s30], $0x80, v9, vm0, $0xb8;
	[tilespmem:$0x1AD80] =	vst v63  }
0x7fa: {  	s13 =	simm.s32 $0x6C00  }
0x7fb: {  	[tilespmem:s13], [sflag:$0x1] =	stream.indirect_vreg.gather [hbm4b:s23+s30], $0x80, v8, vm0, $0xb8;
	[tilespmem:$0x1AD80] =	vst v63  }
0x7fc: {  	v8 =	vld [tilespmem:$0xF460];
	_ =	sdelay $0x4  }
0x7fd: {  	v9 =	vshll.u32 v8, $0x1  }
0x7fe: {  	v8 =	vand.u32 $0x7, v8;
	v9 =	vand.u32 $0xFFFFFFF0, v9  }
0x7ff: {  	v8 =	vor.u32 v8, v9  }
0x800: {  	v9 =	vperm.xlane v8, v5;
	_ =	sdelay $0x1  }
0x801: {  	v8 =	vperm.xlane v8, v7;
	v9 =	vadd.s32 v6, v9;
	_ =	sdelay $0x1  }
0x802: {  	v10 =	vadd.s32 v6, v8;
	_ =	sdelay $0x1  }
0x803: {  	s16 =	simm.s32 $0x7400;
	v8 =	vor.u32 s18, v4  }
0x804: {  	[tilespmem:s16], [sflag:$0x1] =	stream.indirect_vreg.gather [hbm4b:s23+s30], $0x80, v9, vm0, $0xb8;
	v9 =	vshrl.u32 v8, $0x2;
	[tilespmem:$0x1AD80] =	vst v63  }
0x805: {  	s19 =	simm.s32 $0x7C00;
	v9 =	vmulhi.u32 $0x24924925, v9  }
0x806: {  	[tilespmem:s19], [sflag:$0x1] =	stream.indirect_vreg.gather [hbm4b:s23+s30], $0x80, v10, vm0, $0xb8;
	[tilespmem:$0x1AD80] =	vst v63  }
0x807: {  	_ =	swait.ge [sflag:s26], $0x7000  }
0x808: {  	[sflag:s26] =	ssyncset.done $0x0  }
0x809: {  	s25 =	rddreg [dreg:$0xd];
	[sflag:s26] =	ssyncadd.s32 $0xFFFF9000  }
0x80a: {  	[hbm4b:s25+s30] =	stream.linear.scatter [tilespmem:s14], [sflag:$0x4], $0x7000, $0x38;
	[tilespmem:$0x1AD80] =	vst v63  }
0x80b: {  	s12 =	sadd.s32 $0x10, s18;
	v11 =	vld.idx.msk [tilespmem:v9+s8+$0x0], $0xffff  }
0x80c: {  	v10 =	vor.u32 s12, v4;
	v12 =	vld.idx.msk [tilespmem:v9+s2+$0x0], $0xffff  }
0x80d: {  	s0 =	simm.s32 $0x40;
	s13 =	simm.s32 $0x80;
	v13 =	vshrl.u32 v10, $0x2  }
.LBB2_17:
0x80e: {  	p1 =	sne.s32 s13, $0x180;
	v14 =	vmul.u32 $0xFFFFFFE4, v9;
	v9 =	vmulhi.u32 $0x24924925, v13;
	_ =	sdelay $0x1  }
0x80f: {  	v13 =	vadd.s32 v8, v14;
	v14 =	vand.u32 $0xFF, v8;
	v8 =	vmov v10  }
0x810: {  	v10 =	vadd.s32 v13, v11;
	v11 =	vor.u32 $0x1000, v14;
	vm1 =	vlt.s32 v13, v12  }
0x811: {  	s16 =	sshra.s32 s30, $0x2;
	s30 =	smov.u32 s0;
	s0 =	smov.u32 s13;
	v10 =	vsel vm1, v10, v11  }
.Ltmp10:
0x812: {  	[tilespmem:s16+$0xF480] =	vst v10;
	(pc) =	sbr.rel @p1 .LBB2_17-.Ltmp10, $4  }
0x813: {  	v11 =	vld.idx.msk [tilespmem:v9+s8+$0x0], $0xffff  }
0x814: {  	s12 =	sadd.s32 $0x10, s12;
	v12 =	vld.idx.msk [tilespmem:v9+s2+$0x0], $0xffff  }
0x815: {  	v10 =	vor.u32 s12, v4  }
0x816: {  	s13 =	sadd.s32 $0x40, s13;
	v13 =	vshrl.u32 v10, $0x2  }
0x817: {  	v13 =	vmulhi.u32 $0x24924925, v13;
	v9 =	vmul.u32 $0xFFFFFFE4, v9;
	_ =	sdelay $0x1  }
0x818: {  	v52 =	vand.u32 $0xFF, v8;
	v9 =	vadd.s32 v8, v9  }
0x819: {  	v8 =	vor.u32 $0x1000, v52;
	v11 =	vadd.s32 v9, v11;
	vm1 =	vlt.s32 v9, v12  }
0x81a: {  	s12 =	sshra.s32 s30, $0x2;
	v8 =	vsel vm1, v11, v8  }
0x81b: {  	[tilespmem:s12+$0xF480] =	vst v8  }
0x81c: {  	v8 =	vld.idx.msk [tilespmem:v13+s8+$0x0], $0xffff  }
0x81d: {  	v53 =	vld.idx.msk [tilespmem:v13+s2+$0x0], $0xffff;
	_ =	sdelay $0x1  }
0x81e: {  	v54 =	vmul.u32 $0xFFFFFFE4, v13;
	_ =	sdelay $0x1  }
0x81f: {  	v55 =	vand.u32 $0xFF, v10;
	v11 =	vadd.s32 v10, v54  }
0x820: {  	v10 =	vor.u32 $0x1000, v55;
	v8 =	vadd.s32 v11, v8;
	vm15 =	vlt.s32 v11, v53  }
0x821: {  	s0 =	sshra.s32 s0, $0x2;
	v8 =	vsel vm15, v8, v10  }
0x822: {  	[tilespmem:s0+$0xF480] =	vst v8  }
0x823: {  	_ =	swait.ge [sflag:s28], $0x7000  }
0x824: {  	[sflag:s28] =	ssyncset.done $0x0  }
0x825: {  	[sflag:s28] =	ssyncadd.s32 $0xFFFF9000  }
0x826: {  	v56 =	vld [tilespmem:$0xF480];
	_ =	sdelay $0x4  }
0x827: {  	v57 =	vshll.u32 v56, $0x1  }
0x828: {  	v8 =	vand.u32 $0x7, v56;
	v9 =	vand.u32 $0xFFFFFFF0, v57  }
0x829: {  	v8 =	vor.u32 v8, v9  }
0x82a: {  	v9 =	vperm.xlane v8, v5;
	_ =	sdelay $0x1  }
0x82b: {  	v8 =	vperm.xlane v8, v7;
	v9 =	vadd.s32 v6, v9;
	_ =	sdelay $0x1  }
0x82c: {  	v8 =	vadd.s32 v6, v8;
	_ =	sdelay $0x2  }
0x82d: {  	[tilespmem:s14], [sflag:$0x2] =	stream.indirect_vreg.gather [hbm4b:s23+s22], $0x80, v9, vm0, $0xb8;
	[tilespmem:$0x1AD80] =	vst v63  }
0x82e: {  	s19 =	simm.s32 $0x8C00  }
0x82f: {  	[tilespmem:s19], [sflag:$0x2] =	stream.indirect_vreg.gather [hbm4b:s23+s22], $0x80, v8, vm0, $0xb8;
	[tilespmem:$0x1AD80] =	vst v63  }
0x830: {  	v8 =	vld [tilespmem:$0xF490];
	_ =	sdelay $0x4  }
0x831: {  	v58 =	vshll.u32 v8, $0x1  }
0x832: {  	v8 =	vand.u32 $0x7, v8;
	v9 =	vand.u32 $0xFFFFFFF0, v58  }
0x833: {  	v8 =	vor.u32 v8, v9  }
0x834: {  	v9 =	vperm.xlane v8, v5;
	_ =	sdelay $0x1  }
0x835: {  	v8 =	vperm.xlane v8, v7;
	v9 =	vadd.s32 v6, v9;
	_ =	sdelay $0x1  }
0x836: {  	v8 =	vadd.s32 v6, v8;
	_ =	sdelay $0x1  }
0x837: {  	s25 =	simm.s32 $0x9400  }
0x838: {  	[tilespmem:s25], [sflag:$0x2] =	stream.indirect_vreg.gather [hbm4b:s23+s22], $0x80, v9, vm0, $0xb8;
	[tilespmem:$0x1AD80] =	vst v63  }
0x839: {  	s30 =	simm.s32 $0x9C00  }
0x83a: {  	[tilespmem:s30], [sflag:$0x2] =	stream.indirect_vreg.gather [hbm4b:s23+s22], $0x80, v8, vm0, $0xb8;
	[tilespmem:$0x1AD80] =	vst v63  }
0x83b: {  	v8 =	vld [tilespmem:$0xF4A0];
	_ =	sdelay $0x4  }
0x83c: {  	v59 =	vshll.u32 v8, $0x1  }
0x83d: {  	v8 =	vand.u32 $0x7, v8;
	v9 =	vand.u32 $0xFFFFFFF0, v59  }
0x83e: {  	v8 =	vor.u32 v8, v9  }
0x83f: {  	v9 =	vperm.xlane v8, v5;
	_ =	sdelay $0x1  }
0x840: {  	v8 =	vperm.xlane v8, v7;
	v9 =	vadd.s32 v6, v9;
	_ =	sdelay $0x1  }
0x841: {  	v8 =	vadd.s32 v6, v8;
	_ =	sdelay $0x1  }
0x842: {  	s12 =	simm.s32 $0xA400  }
0x843: {  	[tilespmem:s12], [sflag:$0x2] =	stream.indirect_vreg.gather [hbm4b:s23+s22], $0x80, v9, vm0, $0xb8;
	[tilespmem:$0x1AD80] =	vst v63  }
0x844: {  	s13 =	simm.s32 $0xAC00  }
0x845: {  	[tilespmem:s13], [sflag:$0x2] =	stream.indirect_vreg.gather [hbm4b:s23+s22], $0x80, v8, vm0, $0xb8;
	[tilespmem:$0x1AD80] =	vst v63  }
0x846: {  	v8 =	vld [tilespmem:$0xF4B0];
	_ =	sdelay $0x4  }
0x847: {  	v60 =	vshll.u32 v8, $0x1  }
0x848: {  	v8 =	vand.u32 $0x7, v8;
	v9 =	vand.u32 $0xFFFFFFF0, v60  }
0x849: {  	v8 =	vor.u32 v8, v9  }
0x84a: {  	v9 =	vperm.xlane v8, v5;
	_ =	sdelay $0x1  }
0x84b: {  	v8 =	vperm.xlane v8, v7;
	v9 =	vadd.s32 v6, v9;
	_ =	sdelay $0x1  }
0x84c: {  	v8 =	vadd.s32 v6, v8;
	_ =	sdelay $0x1  }
0x84d: {  	s16 =	simm.s32 $0xB400  }
0x84e: {  	[tilespmem:s16], [sflag:$0x2] =	stream.indirect_vreg.gather [hbm4b:s23+s22], $0x80, v9, vm0, $0xb8;
	[tilespmem:$0x1AD80] =	vst v63  }
0x84f: {  	s19 =	simm.s32 $0xBC00  }
0x850: {  	[tilespmem:s19], [sflag:$0x2] =	stream.indirect_vreg.gather [hbm4b:s23+s22], $0x80, v8, vm0, $0xb8;
	[tilespmem:$0x1AD80] =	vst v63  }
0x851: {  	v8 =	vld [tilespmem:$0xF4C0];
	_ =	sdelay $0x4  }
0x852: {  	v61 =	vshll.u32 v8, $0x1  }
0x853: {  	v8 =	vand.u32 $0x7, v8;
	v9 =	vand.u32 $0xFFFFFFF0, v61  }
0x854: {  	v8 =	vor.u32 v8, v9  }
0x855: {  	v9 =	vperm.xlane v8, v5;
	_ =	sdelay $0x1  }
0x856: {  	v8 =	vperm.xlane v8, v7;
	v9 =	vadd.s32 v6, v9;
	_ =	sdelay $0x1  }
0x857: {  	v8 =	vadd.s32 v6, v8;
	_ =	sdelay $0x1  }
0x858: {  	s25 =	simm.s32 $0xC400  }
0x859: {  	[tilespmem:s25], [sflag:$0x2] =	stream.indirect_vreg.gather [hbm4b:s23+s22], $0x80, v9, vm0, $0xb8;
	[tilespmem:$0x1AD80] =	vst v63  }
0x85a: {  	s30 =	simm.s32 $0xCC00  }
0x85b: {  	[tilespmem:s30], [sflag:$0x2] =	stream.indirect_vreg.gather [hbm4b:s23+s22], $0x80, v8, vm0, $0xb8;
	[tilespmem:$0x1AD80] =	vst v63  }
0x85c: {  	v8 =	vld [tilespmem:$0xF4D0];
	_ =	sdelay $0x4  }
0x85d: {  	v62 =	vshll.u32 v8, $0x1  }
0x85e: {  	v8 =	vand.u32 $0x7, v8;
	v9 =	vand.u32 $0xFFFFFFF0, v62  }
0x85f: {  	v8 =	vor.u32 v8, v9  }
0x860: {  	v9 =	vperm.xlane v8, v5;
	_ =	sdelay $0x1  }
0x861: {  	v8 =	vperm.xlane v8, v7;
	v9 =	vadd.s32 v6, v9;
	_ =	sdelay $0x1  }
0x862: {  	v8 =	vadd.s32 v6, v8;
	_ =	sdelay $0x1  }
0x863: {  	s12 =	simm.s32 $0xD400  }
0x864: {  	[tilespmem:s12], [sflag:$0x2] =	stream.indirect_vreg.gather [hbm4b:s23+s22], $0x80, v9, vm0, $0xb8;
	[tilespmem:$0x1AD80] =	vst v63  }
0x865: {  	s13 =	simm.s32 $0xDC00  }
0x866: {  	[tilespmem:s13], [sflag:$0x2] =	stream.indirect_vreg.gather [hbm4b:s23+s22], $0x80, v8, vm0, $0xb8;
	[tilespmem:$0x1AD80] =	vst v63  }
0x867: {  	v8 =	vld [tilespmem:$0xF4E0];
	_ =	sdelay $0x4  }
0x868: {  	v63 =	vshll.u32 v8, $0x1  }
0x869: {  	v8 =	vand.u32 $0x7, v8;
	v9 =	vand.u32 $0xFFFFFFF0, v63  }
0x86a: {  	v8 =	vor.u32 v8, v9  }
0x86b: {  	v5 =	vperm.xlane v8, v5;
	_ =	sdelay $0x1  }
0x86c: {  	v7 =	vperm.xlane v8, v7;
	v5 =	vadd.s32 v6, v5;
	_ =	sdelay $0x1  }
0x86d: {  	v6 =	vadd.s32 v6, v7;
	_ =	sdelay $0x1  }
0x86e: {  	s16 =	simm.s32 $0xE400  }
0x86f: {  	[tilespmem:s16], [sflag:$0x2] =	stream.indirect_vreg.gather [hbm4b:s23+s22], $0x80, v5, vm0, $0xb8;
	[tilespmem:$0x1AD80] =	vst v63  }
0x870: {  	s19 =	simm.s32 $0xEC00  }
0x871: {  	[tilespmem:s19], [sflag:$0x2] =	stream.indirect_vreg.gather [hbm4b:s23+s22], $0x80, v6, vm0, $0xb8;
	[tilespmem:$0x1AD80] =	vst v63  }
0x872: {  	_ =	swait.ge [sflag:s20], $0x7000  }
0x873: {  	[sflag:s20] =	ssyncset.done $0x0  }
0x874: {  	s25 =	rddreg [dreg:$0xe];
	[sflag:s20] =	ssyncadd.s32 $0xFFFF9000  }
0x875: {  	[hbm4b:s25+s22] =	stream.linear.scatter [tilespmem:s11], [sflag:$0x3], $0x7000, $0x38;
	[tilespmem:$0x1AD80] =	vst v63  }
0x876: {  	_ =	swait.ge [sflag:s26], $0x7000  }
0x877: {  	[sflag:s26] =	ssyncset.done $0x0  }
0x878: {  	s30 =	rddreg [dreg:$0xf];
	[sflag:s26] =	ssyncadd.s32 $0xFFFF9000  }
0x879: {  	[hbm4b:s30+s22] =	stream.linear.scatter [tilespmem:s14], [sflag:$0x4], $0x7000, $0x38;
	[tilespmem:$0x1AD80] =	vst v63  }
0x87a: {  	_ =	swait.ge [sflag:s21], $0x7000  }
0x87b: {  	[sflag:s21] =	ssyncset.done $0x0  }
0x87c: {  	[sflag:s21] =	ssyncadd.s32 $0xFFFF9000  }
0x87d: {  	_ =	swait.ge [sflag:s28], $0x7000  }
.Ltmp11:
0x87e: {  	[sflag:s28] =	ssyncset.done $0x0;
	(pc) =	sbr.rel .LBB2_28-.Ltmp11, $4  }
0x87f: {  	[sflag:s28] =	ssyncadd.s32 $0xFFFF9000  }
0x880: {  	_ =	swait.ge [sflag:s31], $0x1000  }
0x881: {  	[sflag:s31] =	ssyncset.done $0x0  }
0x882: {  	[sflag:s31] =	ssyncadd.s32 $0xFFFFF000  }
.LBB2_19:
0x883: {  	v5 =	vor.u32 s5, v4  }
0x884: {  	v6 =	vshrl.u32 v5, $0x2  }
0x885: {  	v6 =	vmulhi.u32 $0x24924925, v6;
	_ =	sdelay $0x3  }
0x886: {  	[bflag:$0x0] =	sbarrier.arrive $0xFFFF  }
0x887: {  	[bflag:$0x0] =	sbarrier.arrive $0xFFFF  }
0x888: {  	s13 =	sadd.s32 $0x10, s5;
	v8 =	vld.idx.msk [tilespmem:v6+s8+$0x0], $0xffff  }
0x889: {  	s12 =	simm.s32 $0x0;
	v7 =	vor.u32 s13, v4;
	v9 =	vld.idx.msk [tilespmem:v6+s2+$0x0], $0xffff  }
0x88a: {  	s25 =	simm.s32 $0x2400;
	s0 =	simm.s32 $0x40;
	s16 =	simm.s32 $0x80;
	v10 =	vshrl.u32 v7, $0x2  }
.LBB2_20:
0x88b: {  	p1 =	sne.s32 s16, $0x180;
	v11 =	vmul.u32 $0xFFFFFFE4, v6;
	v6 =	vmulhi.u32 $0x24924925, v10;
	_ =	sdelay $0x1  }
0x88c: {  	v10 =	vadd.s32 v5, v11;
	v11 =	vand.u32 $0xFF, v5;
	v5 =	vmov v7  }
0x88d: {  	v7 =	vadd.s32 v10, v8;
	v8 =	vor.u32 $0x1000, v11;
	vm0 =	vlt.s32 v10, v9  }
0x88e: {  	s19 =	sshra.s32 s12, $0x2;
	s12 =	smov.u32 s0;
	s0 =	smov.u32 s16;
	v7 =	vsel vm0, v7, v8  }
.Ltmp12:
0x88f: {  	[tilespmem:s19+$0xF400] =	vst v7;
	(pc) =	sbr.rel @p1 .LBB2_20-.Ltmp12, $4  }
0x890: {  	v8 =	vld.idx.msk [tilespmem:v6+s8+$0x0], $0xffff  }
0x891: {  	s13 =	sadd.s32 $0x10, s13;
	v9 =	vld.idx.msk [tilespmem:v6+s2+$0x0], $0xffff  }
0x892: {  	v7 =	vor.u32 s13, v4  }
0x893: {  	s16 =	sadd.s32 $0x40, s16;
	v10 =	vshrl.u32 v7, $0x2  }
0x894: {  	v10 =	vmulhi.u32 $0x24924925, v10;
	v6 =	vmul.u32 $0xFFFFFFE4, v6;
	_ =	sdelay $0x1  }
0x895: {  	v6 =	vadd.s32 v5, v6;
	v5 =	vand.u32 $0xFF, v5  }
0x896: {  	v8 =	vadd.s32 v6, v8;
	v5 =	vor.u32 $0x1000, v5;
	vm0 =	vlt.s32 v6, v9  }
0x897: {  	s12 =	sshra.s32 s12, $0x2;
	v5 =	vsel vm0, v8, v5  }
0x898: {  	[tilespmem:s12+$0xF400] =	vst v5  }
0x899: {  	v5 =	vld.idx.msk [tilespmem:v10+s8+$0x0], $0xffff  }
0x89a: {  	v6 =	vld.idx.msk [tilespmem:v10+s2+$0x0], $0xffff;
	_ =	sdelay $0x1  }
0x89b: {  	v8 =	vmul.u32 $0xFFFFFFE4, v10;
	_ =	sdelay $0x1  }
0x89c: {  	v8 =	vadd.s32 v7, v8;
	v7 =	vand.u32 $0xFF, v7  }
0x89d: {  	v7 =	vor.u32 $0x1000, v7;
	v5 =	vadd.s32 v8, v5;
	vm0 =	vlt.s32 v8, v6  }
0x89e: {  	s0 =	sshra.s32 s0, $0x2;
	v5 =	vsel vm0, v5, v7  }
0x89f: {  	[tilespmem:s0+$0xF400] =	vst v5  }
0x8a0: {  	v5 =	vld [tilespmem:$0xF400];
	_ =	sdelay $0x4  }
0x8a1: {  	v6 =	vshll.u32 v5, $0x1  }
0x8a2: {  	v5 =	vand.u32 $0x7, v5;
	v6 =	vand.u32 $0xFFFFFFF0, v6  }
0x8a3: {  	v8 =	vor.u32 v5, v6;
	v5 =	vand.u32 $0x7, v4;
	v6 =	vshrl.u32 v4, $0x3  }
0x8a4: {  	v9 =	vperm.xlane v8, v5;
	v6 =	vmul.u32 $0x8, v6  }
0x8a5: {  	v7 =	vor.u32 $0x8, v4  }
0x8a6: {  	v8 =	vperm.xlane v8, v7;
	v9 =	vadd.s32 v6, v9;
	_ =	sdelay $0x1  }
0x8a7: {  	v8 =	vadd.s32 v6, v8;
	_ =	sdelay $0x1  }
0x8a8: {  	s30 =	simm.s32 $0x0;
	vm0 =	vmmov $0xffff  }
0x8a9: {  	[tilespmem:s11], [sflag:$0x1] =	stream.indirect_vreg.gather [hbm4b:s23+s30], $0x80, v9, vm0, $0xb8;
	[tilespmem:$0x1AD80] =	vst v63  }
0x8aa: {  	s19 =	simm.s32 $0x1C00  }
0x8ab: {  	[tilespmem:s19], [sflag:$0x1] =	stream.indirect_vreg.gather [hbm4b:s23+s30], $0x80, v8, vm0, $0xb8;
	[tilespmem:$0x1AD80] =	vst v63  }
0x8ac: {  	v8 =	vld [tilespmem:$0xF410];
	_ =	sdelay $0x4  }
0x8ad: {  	v9 =	vshll.u32 v8, $0x1  }
0x8ae: {  	v8 =	vand.u32 $0x7, v8;
	v9 =	vand.u32 $0xFFFFFFF0, v9  }
0x8af: {  	v8 =	vor.u32 v8, v9  }
0x8b0: {  	v9 =	vperm.xlane v8, v5;
	_ =	sdelay $0x1  }
0x8b1: {  	v8 =	vperm.xlane v8, v7;
	v9 =	vadd.s32 v6, v9;
	_ =	sdelay $0x1  }
0x8b2: {  	v8 =	vadd.s32 v6, v8;
	_ =	sdelay $0x2  }
0x8b3: {  	[tilespmem:s25], [sflag:$0x1] =	stream.indirect_vreg.gather [hbm4b:s23+s30], $0x80, v9, vm0, $0xb8;
	[tilespmem:$0x1AD80] =	vst v63  }
0x8b4: {  	s13 =	simm.s32 $0x2C00  }
0x8b5: {  	[tilespmem:s13], [sflag:$0x1] =	stream.indirect_vreg.gather [hbm4b:s23+s30], $0x80, v8, vm0, $0xb8;
	[tilespmem:$0x1AD80] =	vst v63  }
0x8b6: {  	v8 =	vld [tilespmem:$0xF420];
	_ =	sdelay $0x4  }
0x8b7: {  	v9 =	vshll.u32 v8, $0x1  }
0x8b8: {  	v8 =	vand.u32 $0x7, v8;
	v9 =	vand.u32 $0xFFFFFFF0, v9  }
0x8b9: {  	v8 =	vor.u32 v8, v9  }
0x8ba: {  	v9 =	vperm.xlane v8, v5;
	_ =	sdelay $0x1  }
0x8bb: {  	v8 =	vperm.xlane v8, v7;
	v9 =	vadd.s32 v6, v9;
	_ =	sdelay $0x1  }
0x8bc: {  	v8 =	vadd.s32 v6, v8;
	_ =	sdelay $0x1  }
0x8bd: {  	s16 =	simm.s32 $0x3400  }
0x8be: {  	[tilespmem:s16], [sflag:$0x1] =	stream.indirect_vreg.gather [hbm4b:s23+s30], $0x80, v9, vm0, $0xb8;
	[tilespmem:$0x1AD80] =	vst v63  }
0x8bf: {  	s12 =	simm.s32 $0x3C00  }
0x8c0: {  	[tilespmem:s12], [sflag:$0x1] =	stream.indirect_vreg.gather [hbm4b:s23+s30], $0x80, v8, vm0, $0xb8;
	[tilespmem:$0x1AD80] =	vst v63  }
0x8c1: {  	v8 =	vld [tilespmem:$0xF430];
	_ =	sdelay $0x4  }
0x8c2: {  	v9 =	vshll.u32 v8, $0x1  }
0x8c3: {  	v8 =	vand.u32 $0x7, v8;
	v9 =	vand.u32 $0xFFFFFFF0, v9  }
0x8c4: {  	v8 =	vor.u32 v8, v9  }
0x8c5: {  	v9 =	vperm.xlane v8, v5;
	_ =	sdelay $0x1  }
0x8c6: {  	v8 =	vperm.xlane v8, v7;
	v9 =	vadd.s32 v6, v9;
	_ =	sdelay $0x1  }
0x8c7: {  	v8 =	vadd.s32 v6, v8;
	_ =	sdelay $0x1  }
0x8c8: {  	s13 =	simm.s32 $0x4400  }
0x8c9: {  	[tilespmem:s13], [sflag:$0x1] =	stream.indirect_vreg.gather [hbm4b:s23+s30], $0x80, v9, vm0, $0xb8;
	[tilespmem:$0x1AD80] =	vst v63  }
0x8ca: {  	s16 =	simm.s32 $0x4C00  }
0x8cb: {  	[tilespmem:s16], [sflag:$0x1] =	stream.indirect_vreg.gather [hbm4b:s23+s30], $0x80, v8, vm0, $0xb8;
	[tilespmem:$0x1AD80] =	vst v63  }
0x8cc: {  	v8 =	vld [tilespmem:$0xF440];
	_ =	sdelay $0x4  }
0x8cd: {  	v9 =	vshll.u32 v8, $0x1  }
0x8ce: {  	v8 =	vand.u32 $0x7, v8;
	v9 =	vand.u32 $0xFFFFFFF0, v9  }
0x8cf: {  	v8 =	vor.u32 v8, v9  }
0x8d0: {  	v9 =	vperm.xlane v8, v5;
	_ =	sdelay $0x1  }
0x8d1: {  	v8 =	vperm.xlane v8, v7;
	v9 =	vadd.s32 v6, v9;
	_ =	sdelay $0x1  }
0x8d2: {  	v8 =	vadd.s32 v6, v8;
	_ =	sdelay $0x1  }
0x8d3: {  	s12 =	simm.s32 $0x5400  }
0x8d4: {  	[tilespmem:s12], [sflag:$0x1] =	stream.indirect_vreg.gather [hbm4b:s23+s30], $0x80, v9, vm0, $0xb8;
	[tilespmem:$0x1AD80] =	vst v63  }
0x8d5: {  	s13 =	simm.s32 $0x5C00  }
0x8d6: {  	[tilespmem:s13], [sflag:$0x1] =	stream.indirect_vreg.gather [hbm4b:s23+s30], $0x80, v8, vm0, $0xb8;
	[tilespmem:$0x1AD80] =	vst v63  }
0x8d7: {  	v8 =	vld [tilespmem:$0xF450];
	_ =	sdelay $0x4  }
0x8d8: {  	v9 =	vshll.u32 v8, $0x1  }
0x8d9: {  	v8 =	vand.u32 $0x7, v8;
	v9 =	vand.u32 $0xFFFFFFF0, v9  }
0x8da: {  	v8 =	vor.u32 v8, v9  }
0x8db: {  	v9 =	vperm.xlane v8, v5;
	_ =	sdelay $0x1  }
0x8dc: {  	v8 =	vperm.xlane v8, v7;
	v9 =	vadd.s32 v6, v9;
	_ =	sdelay $0x1  }
0x8dd: {  	v8 =	vadd.s32 v6, v8;
	_ =	sdelay $0x1  }
0x8de: {  	s16 =	simm.s32 $0x6400  }
0x8df: {  	[tilespmem:s16], [sflag:$0x1] =	stream.indirect_vreg.gather [hbm4b:s23+s30], $0x80, v9, vm0, $0xb8;
	[tilespmem:$0x1AD80] =	vst v63  }
0x8e0: {  	s12 =	simm.s32 $0x6C00  }
0x8e1: {  	[tilespmem:s12], [sflag:$0x1] =	stream.indirect_vreg.gather [hbm4b:s23+s30], $0x80, v8, vm0, $0xb8;
	[tilespmem:$0x1AD80] =	vst v63  }
0x8e2: {  	v8 =	vld [tilespmem:$0xF460];
	_ =	sdelay $0x4  }
0x8e3: {  	v9 =	vshll.u32 v8, $0x1  }
0x8e4: {  	v8 =	vand.u32 $0x7, v8;
	v9 =	vand.u32 $0xFFFFFFF0, v9  }
0x8e5: {  	v8 =	vor.u32 v8, v9  }
0x8e6: {  	v9 =	vperm.xlane v8, v5;
	_ =	sdelay $0x1  }
0x8e7: {  	v10 =	vadd.s32 v6, v9;
	v9 =	vperm.xlane v8, v7  }
0x8e8: {  	v8 =	vor.u32 s6, v4  }
0x8e9: {  	v11 =	vadd.s32 v6, v9;
	v9 =	vshrl.u32 v8, $0x2  }
0x8ea: {  	v9 =	vmulhi.u32 $0x24924925, v9;
	_ =	sdelay $0x1  }
0x8eb: {  	s13 =	simm.s32 $0x7400  }
0x8ec: {  	[tilespmem:s13], [sflag:$0x1] =	stream.indirect_vreg.gather [hbm4b:s23+s30], $0x80, v10, vm0, $0xb8;
	[tilespmem:$0x1AD80] =	vst v63  }
0x8ed: {  	s16 =	simm.s32 $0x7C00  }
0x8ee: {  	[tilespmem:s16], [sflag:$0x1] =	stream.indirect_vreg.gather [hbm4b:s23+s30], $0x80, v11, vm0, $0xb8;
	[tilespmem:$0x1AD80] =	vst v63  }
0x8ef: {  	s12 =	sadd.s32 $0x10, s6;
	v11 =	vld.idx.msk [tilespmem:v9+s8+$0x0], $0xffff  }
0x8f0: {  	v10 =	vor.u32 s12, v4;
	v12 =	vld.idx.msk [tilespmem:v9+s2+$0x0], $0xffff  }
0x8f1: {  	s0 =	simm.s32 $0x40;
	s13 =	simm.s32 $0x80;
	v13 =	vshrl.u32 v10, $0x2  }
.LBB2_22:
0x8f2: {  	p1 =	sne.s32 s13, $0x180;
	v14 =	vmul.u32 $0xFFFFFFE4, v9;
	v9 =	vmulhi.u32 $0x24924925, v13;
	_ =	sdelay $0x1  }
0x8f3: {  	v13 =	vadd.s32 v8, v14;
	v14 =	vand.u32 $0xFF, v8;
	v8 =	vmov v10  }
0x8f4: {  	v10 =	vadd.s32 v13, v11;
	v11 =	vor.u32 $0x1000, v14;
	vm1 =	vlt.s32 v13, v12  }
0x8f5: {  	s16 =	sshra.s32 s30, $0x2;
	s30 =	smov.u32 s0;
	s0 =	smov.u32 s13;
	v10 =	vsel vm1, v10, v11  }
.Ltmp13:
0x8f6: {  	[tilespmem:s16+$0xF480] =	vst v10;
	(pc) =	sbr.rel @p1 .LBB2_22-.Ltmp13, $4  }
0x8f7: {  	v11 =	vld.idx.msk [tilespmem:v9+s8+$0x0], $0xffff  }
0x8f8: {  	s12 =	sadd.s32 $0x10, s12;
	v12 =	vld.idx.msk [tilespmem:v9+s2+$0x0], $0xffff  }
0x8f9: {  	v10 =	vor.u32 s12, v4  }
0x8fa: {  	s13 =	sadd.s32 $0x40, s13;
	v13 =	vshrl.u32 v10, $0x2  }
0x8fb: {  	v13 =	vmulhi.u32 $0x24924925, v13;
	v9 =	vmul.u32 $0xFFFFFFE4, v9;
	_ =	sdelay $0x1  }
0x8fc: {  	v9 =	vadd.s32 v8, v9;
	v8 =	vand.u32 $0xFF, v8  }
0x8fd: {  	v11 =	vadd.s32 v9, v11;
	v8 =	vor.u32 $0x1000, v8;
	vm1 =	vlt.s32 v9, v12  }
0x8fe: {  	s12 =	sshra.s32 s30, $0x2;
	v8 =	vsel vm1, v11, v8  }
0x8ff: {  	[tilespmem:s12+$0xF480] =	vst v8  }
0x900: {  	v8 =	vld.idx.msk [tilespmem:v13+s8+$0x0], $0xffff  }
0x901: {  	v9 =	vld.idx.msk [tilespmem:v13+s2+$0x0], $0xffff;
	_ =	sdelay $0x1  }
0x902: {  	v11 =	vmul.u32 $0xFFFFFFE4, v13;
	_ =	sdelay $0x1  }
0x903: {  	v11 =	vadd.s32 v10, v11;
	v10 =	vand.u32 $0xFF, v10  }
0x904: {  	v10 =	vor.u32 $0x1000, v10;
	v8 =	vadd.s32 v11, v8;
	vm1 =	vlt.s32 v11, v9  }
0x905: {  	s0 =	sshra.s32 s0, $0x2;
	v8 =	vsel vm1, v8, v10  }
0x906: {  	[tilespmem:s0+$0xF480] =	vst v8  }
0x907: {  	v8 =	vld [tilespmem:$0xF480];
	_ =	sdelay $0x4  }
0x908: {  	v9 =	vshll.u32 v8, $0x1  }
0x909: {  	v8 =	vand.u32 $0x7, v8;
	v9 =	vand.u32 $0xFFFFFFF0, v9  }
0x90a: {  	v8 =	vor.u32 v8, v9  }
0x90b: {  	v9 =	vperm.xlane v8, v5;
	_ =	sdelay $0x1  }
0x90c: {  	v8 =	vperm.xlane v8, v7;
	v9 =	vadd.s32 v6, v9;
	_ =	sdelay $0x1  }
0x90d: {  	v8 =	vadd.s32 v6, v8;
	_ =	sdelay $0x1  }
0x90e: {  	s30 =	simm.s32 $0x0  }
0x90f: {  	[tilespmem:s14], [sflag:$0x2] =	stream.indirect_vreg.gather [hbm4b:s23+s30], $0x80, v9, vm0, $0xb8;
	[tilespmem:$0x1AD80] =	vst v63  }
0x910: {  	s13 =	simm.s32 $0x8C00  }
0x911: {  	[tilespmem:s13], [sflag:$0x2] =	stream.indirect_vreg.gather [hbm4b:s23+s30], $0x80, v8, vm0, $0xb8;
	[tilespmem:$0x1AD80] =	vst v63  }
0x912: {  	v8 =	vld [tilespmem:$0xF490];
	_ =	sdelay $0x4  }
0x913: {  	v9 =	vshll.u32 v8, $0x1  }
0x914: {  	v8 =	vand.u32 $0x7, v8;
	v9 =	vand.u32 $0xFFFFFFF0, v9  }
0x915: {  	v8 =	vor.u32 v8, v9  }
0x916: {  	v9 =	vperm.xlane v8, v5;
	_ =	sdelay $0x1  }
0x917: {  	v8 =	vperm.xlane v8, v7;
	v9 =	vadd.s32 v6, v9;
	_ =	sdelay $0x1  }
0x918: {  	v8 =	vadd.s32 v6, v8;
	_ =	sdelay $0x1  }
0x919: {  	s16 =	simm.s32 $0x9400  }
0x91a: {  	[tilespmem:s16], [sflag:$0x2] =	stream.indirect_vreg.gather [hbm4b:s23+s30], $0x80, v9, vm0, $0xb8;
	[tilespmem:$0x1AD80] =	vst v63  }
0x91b: {  	s12 =	simm.s32 $0x9C00  }
0x91c: {  	[tilespmem:s12], [sflag:$0x2] =	stream.indirect_vreg.gather [hbm4b:s23+s30], $0x80, v8, vm0, $0xb8;
	[tilespmem:$0x1AD80] =	vst v63  }
0x91d: {  	v8 =	vld [tilespmem:$0xF4A0];
	_ =	sdelay $0x4  }
0x91e: {  	v9 =	vshll.u32 v8, $0x1  }
0x91f: {  	v8 =	vand.u32 $0x7, v8;
	v9 =	vand.u32 $0xFFFFFFF0, v9  }
0x920: {  	v8 =	vor.u32 v8, v9  }
0x921: {  	v9 =	vperm.xlane v8, v5;
	_ =	sdelay $0x1  }
0x922: {  	v8 =	vperm.xlane v8, v7;
	v9 =	vadd.s32 v6, v9;
	_ =	sdelay $0x1  }
0x923: {  	v8 =	vadd.s32 v6, v8;
	_ =	sdelay $0x1  }
0x924: {  	s13 =	simm.s32 $0xA400  }
0x925: {  	[tilespmem:s13], [sflag:$0x2] =	stream.indirect_vreg.gather [hbm4b:s23+s30], $0x80, v9, vm0, $0xb8;
	[tilespmem:$0x1AD80] =	vst v63  }
0x926: {  	s16 =	simm.s32 $0xAC00  }
0x927: {  	[tilespmem:s16], [sflag:$0x2] =	stream.indirect_vreg.gather [hbm4b:s23+s30], $0x80, v8, vm0, $0xb8;
	[tilespmem:$0x1AD80] =	vst v63  }
0x928: {  	v8 =	vld [tilespmem:$0xF4B0];
	_ =	sdelay $0x4  }
0x929: {  	v9 =	vshll.u32 v8, $0x1  }
0x92a: {  	v8 =	vand.u32 $0x7, v8;
	v9 =	vand.u32 $0xFFFFFFF0, v9  }
0x92b: {  	v8 =	vor.u32 v8, v9  }
0x92c: {  	v9 =	vperm.xlane v8, v5;
	_ =	sdelay $0x1  }
0x92d: {  	v8 =	vperm.xlane v8, v7;
	v9 =	vadd.s32 v6, v9;
	_ =	sdelay $0x1  }
0x92e: {  	v8 =	vadd.s32 v6, v8;
	_ =	sdelay $0x1  }
0x92f: {  	s12 =	simm.s32 $0xB400  }
0x930: {  	[tilespmem:s12], [sflag:$0x2] =	stream.indirect_vreg.gather [hbm4b:s23+s30], $0x80, v9, vm0, $0xb8;
	[tilespmem:$0x1AD80] =	vst v63  }
0x931: {  	s13 =	simm.s32 $0xBC00  }
0x932: {  	[tilespmem:s13], [sflag:$0x2] =	stream.indirect_vreg.gather [hbm4b:s23+s30], $0x80, v8, vm0, $0xb8;
	[tilespmem:$0x1AD80] =	vst v63  }
0x933: {  	v8 =	vld [tilespmem:$0xF4C0];
	_ =	sdelay $0x4  }
0x934: {  	v9 =	vshll.u32 v8, $0x1  }
0x935: {  	v8 =	vand.u32 $0x7, v8;
	v9 =	vand.u32 $0xFFFFFFF0, v9  }
0x936: {  	v8 =	vor.u32 v8, v9  }
0x937: {  	v9 =	vperm.xlane v8, v5;
	_ =	sdelay $0x1  }
0x938: {  	v8 =	vperm.xlane v8, v7;
	v9 =	vadd.s32 v6, v9;
	_ =	sdelay $0x1  }
0x939: {  	v8 =	vadd.s32 v6, v8;
	_ =	sdelay $0x1  }
0x93a: {  	s16 =	simm.s32 $0xC400  }
0x93b: {  	[tilespmem:s16], [sflag:$0x2] =	stream.indirect_vreg.gather [hbm4b:s23+s30], $0x80, v9, vm0, $0xb8;
	[tilespmem:$0x1AD80] =	vst v63  }
0x93c: {  	s12 =	simm.s32 $0xCC00  }
0x93d: {  	[tilespmem:s12], [sflag:$0x2] =	stream.indirect_vreg.gather [hbm4b:s23+s30], $0x80, v8, vm0, $0xb8;
	[tilespmem:$0x1AD80] =	vst v63  }
0x93e: {  	v8 =	vld [tilespmem:$0xF4D0];
	_ =	sdelay $0x4  }
0x93f: {  	v9 =	vshll.u32 v8, $0x1  }
0x940: {  	v8 =	vand.u32 $0x7, v8;
	v9 =	vand.u32 $0xFFFFFFF0, v9  }
0x941: {  	v8 =	vor.u32 v8, v9  }
0x942: {  	v9 =	vperm.xlane v8, v5;
	_ =	sdelay $0x1  }
0x943: {  	v8 =	vperm.xlane v8, v7;
	v9 =	vadd.s32 v6, v9;
	_ =	sdelay $0x1  }
0x944: {  	v8 =	vadd.s32 v6, v8;
	_ =	sdelay $0x1  }
0x945: {  	s13 =	simm.s32 $0xD400  }
0x946: {  	[tilespmem:s13], [sflag:$0x2] =	stream.indirect_vreg.gather [hbm4b:s23+s30], $0x80, v9, vm0, $0xb8;
	[tilespmem:$0x1AD80] =	vst v63  }
0x947: {  	s16 =	simm.s32 $0xDC00  }
0x948: {  	[tilespmem:s16], [sflag:$0x2] =	stream.indirect_vreg.gather [hbm4b:s23+s30], $0x80, v8, vm0, $0xb8;
	[tilespmem:$0x1AD80] =	vst v63  }
0x949: {  	v8 =	vld [tilespmem:$0xF4E0];
	_ =	sdelay $0x4  }
0x94a: {  	v9 =	vshll.u32 v8, $0x1  }
0x94b: {  	v8 =	vand.u32 $0x7, v8;
	v9 =	vand.u32 $0xFFFFFFF0, v9  }
0x94c: {  	v8 =	vor.u32 v8, v9  }
0x94d: {  	v9 =	vperm.xlane v8, v5;
	_ =	sdelay $0x1  }
0x94e: {  	v8 =	vperm.xlane v8, v7;
	v9 =	vadd.s32 v6, v9;
	_ =	sdelay $0x1  }
0x94f: {  	v10 =	vadd.s32 v6, v8;
	_ =	sdelay $0x1  }
0x950: {  	s12 =	simm.s32 $0xE400;
	v8 =	vor.u32 s7, v4  }
0x951: {  	[tilespmem:s12], [sflag:$0x2] =	stream.indirect_vreg.gather [hbm4b:s23+s30], $0x80, v9, vm0, $0xb8;
	v9 =	vshrl.u32 v8, $0x2;
	[tilespmem:$0x1AD80] =	vst v63  }
0x952: {  	s13 =	simm.s32 $0xEC00;
	v9 =	vmulhi.u32 $0x24924925, v9  }
0x953: {  	[tilespmem:s13], [sflag:$0x2] =	stream.indirect_vreg.gather [hbm4b:s23+s30], $0x80, v10, vm0, $0xb8;
	[tilespmem:$0x1AD80] =	vst v63  }
0x954: {  	_ =	swait.ge [sflag:s20], $0x7000  }
0x955: {  	[sflag:s20] =	ssyncset.done $0x0  }
0x956: {  	s16 =	rddreg [dreg:$0x6];
	[sflag:s20] =	ssyncadd.s32 $0xFFFF9000  }
0x957: {  	[hbm4b:s16+s30] =	stream.linear.scatter [tilespmem:s11], [sflag:$0x3], $0x7000, $0x38;
	[tilespmem:$0x1AD80] =	vst v63  }
0x958: {  	s12 =	sadd.s32 $0x10, s7;
	v11 =	vld.idx.msk [tilespmem:v9+s8+$0x0], $0xffff  }
0x959: {  	v10 =	vor.u32 s12, v4;
	v12 =	vld.idx.msk [tilespmem:v9+s2+$0x0], $0xffff  }
0x95a: {  	s0 =	simm.s32 $0x40;
	s13 =	simm.s32 $0x80;
	v13 =	vshrl.u32 v10, $0x2  }
.LBB2_24:
0x95b: {  	p1 =	sne.s32 s13, $0x180;
	v14 =	vmul.u32 $0xFFFFFFE4, v9;
	v9 =	vmulhi.u32 $0x24924925, v13;
	_ =	sdelay $0x1  }
0x95c: {  	v13 =	vadd.s32 v8, v14;
	v14 =	vand.u32 $0xFF, v8;
	v8 =	vmov v10  }
0x95d: {  	v10 =	vadd.s32 v13, v11;
	v11 =	vor.u32 $0x1000, v14;
	vm1 =	vlt.s32 v13, v12  }
0x95e: {  	s16 =	sshra.s32 s30, $0x2;
	s30 =	smov.u32 s0;
	s0 =	smov.u32 s13;
	v10 =	vsel vm1, v10, v11  }
.Ltmp14:
0x95f: {  	[tilespmem:s16+$0xF400] =	vst v10;
	(pc) =	sbr.rel @p1 .LBB2_24-.Ltmp14, $4  }
0x960: {  	v11 =	vld.idx.msk [tilespmem:v9+s8+$0x0], $0xffff  }
0x961: {  	s12 =	sadd.s32 $0x10, s12;
	v12 =	vld.idx.msk [tilespmem:v9+s2+$0x0], $0xffff  }
0x962: {  	v10 =	vor.u32 s12, v4  }
0x963: {  	s13 =	sadd.s32 $0x40, s13;
	v13 =	vshrl.u32 v10, $0x2  }
0x964: {  	v13 =	vmulhi.u32 $0x24924925, v13;
	v9 =	vmul.u32 $0xFFFFFFE4, v9;
	_ =	sdelay $0x1  }
0x965: {  	v9 =	vadd.s32 v8, v9;
	v8 =	vand.u32 $0xFF, v8  }
0x966: {  	v11 =	vadd.s32 v9, v11;
	v8 =	vor.u32 $0x1000, v8;
	vm1 =	vlt.s32 v9, v12  }
0x967: {  	s12 =	sshra.s32 s30, $0x2;
	v8 =	vsel vm1, v11, v8  }
0x968: {  	[tilespmem:s12+$0xF400] =	vst v8  }
0x969: {  	v8 =	vld.idx.msk [tilespmem:v13+s8+$0x0], $0xffff  }
0x96a: {  	v9 =	vld.idx.msk [tilespmem:v13+s2+$0x0], $0xffff;
	_ =	sdelay $0x1  }
0x96b: {  	v11 =	vmul.u32 $0xFFFFFFE4, v13;
	_ =	sdelay $0x1  }
0x96c: {  	v11 =	vadd.s32 v10, v11;
	v10 =	vand.u32 $0xFF, v10  }
0x96d: {  	v10 =	vor.u32 $0x1000, v10;
	v8 =	vadd.s32 v11, v8;
	vm1 =	vlt.s32 v11, v9  }
0x96e: {  	s0 =	sshra.s32 s0, $0x2;
	v8 =	vsel vm1, v8, v10  }
0x96f: {  	[tilespmem:s0+$0xF400] =	vst v8  }
0x970: {  	_ =	swait.ge [sflag:s21], $0x7000  }
0x971: {  	[sflag:s21] =	ssyncset.done $0x0  }
0x972: {  	[sflag:s21] =	ssyncadd.s32 $0xFFFF9000  }
0x973: {  	v8 =	vld [tilespmem:$0xF400];
	_ =	sdelay $0x4  }
0x974: {  	v9 =	vshll.u32 v8, $0x1  }
0x975: {  	v8 =	vand.u32 $0x7, v8;
	v9 =	vand.u32 $0xFFFFFFF0, v9  }
0x976: {  	v8 =	vor.u32 v8, v9  }
0x977: {  	v9 =	vperm.xlane v8, v5;
	_ =	sdelay $0x1  }
0x978: {  	v8 =	vperm.xlane v8, v7;
	v9 =	vadd.s32 v6, v9;
	_ =	sdelay $0x1  }
0x979: {  	v8 =	vadd.s32 v6, v8;
	_ =	sdelay $0x1  }
0x97a: {  	s30 =	simm.s32 $0x0  }
0x97b: {  	[tilespmem:s11], [sflag:$0x1] =	stream.indirect_vreg.gather [hbm4b:s23+s30], $0x80, v9, vm0, $0xb8;
	[tilespmem:$0x1AD80] =	vst v63  }
0x97c: {  	_ = 	snop  }
0x97d: {  	[tilespmem:s19], [sflag:$0x1] =	stream.indirect_vreg.gather [hbm4b:s23+s30], $0x80, v8, vm0, $0xb8;
	[tilespmem:$0x1AD80] =	vst v63  }
0x97e: {  	v8 =	vld [tilespmem:$0xF410];
	_ =	sdelay $0x4  }
0x97f: {  	v9 =	vshll.u32 v8, $0x1  }
0x980: {  	v8 =	vand.u32 $0x7, v8;
	v9 =	vand.u32 $0xFFFFFFF0, v9  }
0x981: {  	v8 =	vor.u32 v8, v9  }
0x982: {  	v9 =	vperm.xlane v8, v5;
	_ =	sdelay $0x1  }
0x983: {  	v8 =	vperm.xlane v8, v7;
	v9 =	vadd.s32 v6, v9;
	_ =	sdelay $0x1  }
0x984: {  	v8 =	vadd.s32 v6, v8;
	_ =	sdelay $0x2  }
0x985: {  	[tilespmem:s25], [sflag:$0x1] =	stream.indirect_vreg.gather [hbm4b:s23+s30], $0x80, v9, vm0, $0xb8;
	[tilespmem:$0x1AD80] =	vst v63  }
0x986: {  	s19 =	simm.s32 $0x2C00  }
0x987: {  	[tilespmem:s19], [sflag:$0x1] =	stream.indirect_vreg.gather [hbm4b:s23+s30], $0x80, v8, vm0, $0xb8;
	[tilespmem:$0x1AD80] =	vst v63  }
0x988: {  	v8 =	vld [tilespmem:$0xF420];
	_ =	sdelay $0x4  }
0x989: {  	v9 =	vshll.u32 v8, $0x1  }
0x98a: {  	v8 =	vand.u32 $0x7, v8;
	v9 =	vand.u32 $0xFFFFFFF0, v9  }
0x98b: {  	v8 =	vor.u32 v8, v9  }
0x98c: {  	v9 =	vperm.xlane v8, v5;
	_ =	sdelay $0x1  }
0x98d: {  	v8 =	vperm.xlane v8, v7;
	v9 =	vadd.s32 v6, v9;
	_ =	sdelay $0x1  }
0x98e: {  	v8 =	vadd.s32 v6, v8;
	_ =	sdelay $0x1  }
0x98f: {  	s25 =	simm.s32 $0x3400  }
0x990: {  	[tilespmem:s25], [sflag:$0x1] =	stream.indirect_vreg.gather [hbm4b:s23+s30], $0x80, v9, vm0, $0xb8;
	[tilespmem:$0x1AD80] =	vst v63  }
0x991: {  	s12 =	simm.s32 $0x3C00  }
0x992: {  	[tilespmem:s12], [sflag:$0x1] =	stream.indirect_vreg.gather [hbm4b:s23+s30], $0x80, v8, vm0, $0xb8;
	[tilespmem:$0x1AD80] =	vst v63  }
0x993: {  	v8 =	vld [tilespmem:$0xF430];
	_ =	sdelay $0x4  }
0x994: {  	v9 =	vshll.u32 v8, $0x1  }
0x995: {  	v8 =	vand.u32 $0x7, v8;
	v9 =	vand.u32 $0xFFFFFFF0, v9  }
0x996: {  	v8 =	vor.u32 v8, v9  }
0x997: {  	v9 =	vperm.xlane v8, v5;
	_ =	sdelay $0x1  }
0x998: {  	v8 =	vperm.xlane v8, v7;
	v9 =	vadd.s32 v6, v9;
	_ =	sdelay $0x1  }
0x999: {  	v8 =	vadd.s32 v6, v8;
	_ =	sdelay $0x1  }
0x99a: {  	s13 =	simm.s32 $0x4400  }
0x99b: {  	[tilespmem:s13], [sflag:$0x1] =	stream.indirect_vreg.gather [hbm4b:s23+s30], $0x80, v9, vm0, $0xb8;
	[tilespmem:$0x1AD80] =	vst v63  }
0x99c: {  	s16 =	simm.s32 $0x4C00  }
0x99d: {  	[tilespmem:s16], [sflag:$0x1] =	stream.indirect_vreg.gather [hbm4b:s23+s30], $0x80, v8, vm0, $0xb8;
	[tilespmem:$0x1AD80] =	vst v63  }
0x99e: {  	v8 =	vld [tilespmem:$0xF440];
	_ =	sdelay $0x4  }
0x99f: {  	v9 =	vshll.u32 v8, $0x1  }
0x9a0: {  	v8 =	vand.u32 $0x7, v8;
	v9 =	vand.u32 $0xFFFFFFF0, v9  }
0x9a1: {  	v8 =	vor.u32 v8, v9  }
0x9a2: {  	v9 =	vperm.xlane v8, v5;
	_ =	sdelay $0x1  }
0x9a3: {  	v8 =	vperm.xlane v8, v7;
	v9 =	vadd.s32 v6, v9;
	_ =	sdelay $0x1  }
0x9a4: {  	v8 =	vadd.s32 v6, v8;
	_ =	sdelay $0x1  }
0x9a5: {  	s19 =	simm.s32 $0x5400  }
0x9a6: {  	[tilespmem:s19], [sflag:$0x1] =	stream.indirect_vreg.gather [hbm4b:s23+s30], $0x80, v9, vm0, $0xb8;
	[tilespmem:$0x1AD80] =	vst v63  }
0x9a7: {  	s25 =	simm.s32 $0x5C00  }
0x9a8: {  	[tilespmem:s25], [sflag:$0x1] =	stream.indirect_vreg.gather [hbm4b:s23+s30], $0x80, v8, vm0, $0xb8;
	[tilespmem:$0x1AD80] =	vst v63  }
0x9a9: {  	v8 =	vld [tilespmem:$0xF450];
	_ =	sdelay $0x4  }
0x9aa: {  	v9 =	vshll.u32 v8, $0x1  }
0x9ab: {  	v8 =	vand.u32 $0x7, v8;
	v9 =	vand.u32 $0xFFFFFFF0, v9  }
0x9ac: {  	v8 =	vor.u32 v8, v9  }
0x9ad: {  	v9 =	vperm.xlane v8, v5;
	_ =	sdelay $0x1  }
0x9ae: {  	v8 =	vperm.xlane v8, v7;
	v9 =	vadd.s32 v6, v9;
	_ =	sdelay $0x1  }
0x9af: {  	v8 =	vadd.s32 v6, v8;
	_ =	sdelay $0x1  }
0x9b0: {  	s12 =	simm.s32 $0x6400  }
0x9b1: {  	[tilespmem:s12], [sflag:$0x1] =	stream.indirect_vreg.gather [hbm4b:s23+s30], $0x80, v9, vm0, $0xb8;
	[tilespmem:$0x1AD80] =	vst v63  }
0x9b2: {  	s13 =	simm.s32 $0x6C00  }
0x9b3: {  	[tilespmem:s13], [sflag:$0x1] =	stream.indirect_vreg.gather [hbm4b:s23+s30], $0x80, v8, vm0, $0xb8;
	[tilespmem:$0x1AD80] =	vst v63  }
0x9b4: {  	v8 =	vld [tilespmem:$0xF460];
	_ =	sdelay $0x4  }
0x9b5: {  	v9 =	vshll.u32 v8, $0x1  }
0x9b6: {  	v8 =	vand.u32 $0x7, v8;
	v9 =	vand.u32 $0xFFFFFFF0, v9  }
0x9b7: {  	v8 =	vor.u32 v8, v9  }
0x9b8: {  	v9 =	vperm.xlane v8, v5;
	_ =	sdelay $0x1  }
0x9b9: {  	v8 =	vperm.xlane v8, v7;
	v9 =	vadd.s32 v6, v9;
	_ =	sdelay $0x1  }
0x9ba: {  	v10 =	vadd.s32 v6, v8;
	_ =	sdelay $0x1  }
0x9bb: {  	s16 =	simm.s32 $0x7400;
	v8 =	vor.u32 s10, v4  }
0x9bc: {  	[tilespmem:s16], [sflag:$0x1] =	stream.indirect_vreg.gather [hbm4b:s23+s30], $0x80, v9, vm0, $0xb8;
	v9 =	vshrl.u32 v8, $0x2;
	[tilespmem:$0x1AD80] =	vst v63  }
0x9bd: {  	s19 =	simm.s32 $0x7C00;
	v9 =	vmulhi.u32 $0x24924925, v9  }
0x9be: {  	[tilespmem:s19], [sflag:$0x1] =	stream.indirect_vreg.gather [hbm4b:s23+s30], $0x80, v10, vm0, $0xb8;
	[tilespmem:$0x1AD80] =	vst v63  }
0x9bf: {  	_ =	swait.ge [sflag:s26], $0x7000  }
0x9c0: {  	[sflag:s26] =	ssyncset.done $0x0  }
0x9c1: {  	s25 =	rddreg [dreg:$0x7];
	[sflag:s26] =	ssyncadd.s32 $0xFFFF9000  }
0x9c2: {  	[hbm4b:s25+s30] =	stream.linear.scatter [tilespmem:s14], [sflag:$0x4], $0x7000, $0x38;
	[tilespmem:$0x1AD80] =	vst v63  }
0x9c3: {  	s12 =	sadd.s32 $0x10, s10;
	v11 =	vld.idx.msk [tilespmem:v9+s8+$0x0], $0xffff  }
0x9c4: {  	v10 =	vor.u32 s12, v4;
	v12 =	vld.idx.msk [tilespmem:v9+s2+$0x0], $0xffff  }
0x9c5: {  	s0 =	simm.s32 $0x40;
	s13 =	simm.s32 $0x80;
	v13 =	vshrl.u32 v10, $0x2  }
.LBB2_26:
0x9c6: {  	p1 =	sne.s32 s13, $0x180;
	v14 =	vmul.u32 $0xFFFFFFE4, v9;
	v9 =	vmulhi.u32 $0x24924925, v13;
	_ =	sdelay $0x1  }
0x9c7: {  	v13 =	vadd.s32 v8, v14;
	v14 =	vand.u32 $0xFF, v8;
	v8 =	vmov v10  }
0x9c8: {  	v10 =	vadd.s32 v13, v11;
	v11 =	vor.u32 $0x1000, v14;
	vm1 =	vlt.s32 v13, v12  }
0x9c9: {  	s16 =	sshra.s32 s30, $0x2;
	s30 =	smov.u32 s0;
	s0 =	smov.u32 s13;
	v10 =	vsel vm1, v10, v11  }
.Ltmp15:
0x9ca: {  	[tilespmem:s16+$0xF480] =	vst v10;
	(pc) =	sbr.rel @p1 .LBB2_26-.Ltmp15, $4  }
0x9cb: {  	v11 =	vld.idx.msk [tilespmem:v9+s8+$0x0], $0xffff  }
0x9cc: {  	s12 =	sadd.s32 $0x10, s12;
	v12 =	vld.idx.msk [tilespmem:v9+s2+$0x0], $0xffff  }
0x9cd: {  	v10 =	vor.u32 s12, v4  }
0x9ce: {  	s13 =	sadd.s32 $0x40, s13;
	v13 =	vshrl.u32 v10, $0x2  }
.Ltmp16:
0x9cf: {  	_ = 	snop;
	(pc) =	sbr.rel .LBB2_27-.Ltmp16, $1  }
0x9d0: {  	_ =	sdelay $0x3  }
.LBB2_29:
0x9d1: {  	_ =	sfence.sel $0x180000  }
0x9d2: {  	[bflag:$0x0] =	sbarrier.arrive $0xFFFF  }
0x9d3: {  	_ =	strace $0x90000047  }
0x9d4: {  	s0 =	stileid.u32;
	[bflag:$0x2] =	sbarrier.arrive $0xFFFF  }
0x9d5: {  	p0 =	sne.s32 s0, $0x0;
	s0 =	rddreg [dreg:$0x5]  }
0x9d6: {  	s0 =	sadd.s32 @!p0 $0x100000, s0  }
0x9d7: {  	[sflag:s0] =	ssyncadd.tile.s32 @!p0 $0x1;
	_ =	shalt  }
.Lfunc_end2:
_tile_overlayer_lowered:
.L_overlay_start_2:
0x9d8: {  	(tag) =	ssettag $0x2  }
0x9d9: {  	s0 =	rddreg [dreg:$0x0];
	s2 =	stileid.u32  }
0x9da: {  	s1 =	rddreg [dreg:$0x1];
	p0 =	sne.s32 s2, $0x0  }
0x9db: {  	s3 =	rddreg [dreg:$0x2];
	[bflag:$0x3] =	sbarrier.arrive $0xFFFF;
	s2 =	simm.s32 @!p0 $0x1C06  }
0x9dc: {  	[timem:s3], [sflag:s2] =	dma.local @!p0 [hbm:s0], s1  }
0x9dd: {  	s0 =	simm.s32 @!p0 $0x6  }
0x9de: {  	_ =	swait.ge @!p0 [sflag:s0], s1  }
0x9df: {  	s1 =	ssub.s32 @!p0 $0x0, s1;
	[sflag:s0] =	ssyncset.done @!p0 $0x0  }
0x9e0: {  	[sflag:s0] =	ssyncadd.s32 @!p0 s1  }
0x9e1: {  	[bflag:$0x3] =	sbarrier.arrive $0xFFFF  }
0x9e2: {  	_ =	shalt  }

</sc_bundles>
